<compile_context>
chip_gen: v7x
topology: tpu7x:2x2x1
jax: 0.10.2.dev20260603
libtpu: 0.0.44.dev20260713+nightly
codegen_flags: <defaults>
</compile_context>

<pallas_src>
import functools

import jax
import jax.numpy as jnp
from jax import lax
from jax.experimental import pallas as pl
from jax.experimental.pallas import tpu as pltpu
from jax.experimental.pallas import tpu_sc as plsc

NC = 2
NS = 16
NW = NC * NS
L = 16
D = 64
BB = 128


def _fused_lookup(pid_t, mid_t, wpad, morph_flat, *, batch, seq):
    mesh = plsc.VectorSubcoreMesh(core_axis_name="c", subcore_axis_name="s")
    n_morph = morph_flat.shape[0]

    @functools.partial(
        pl.kernel,
        out_type=jax.ShapeDtypeStruct((seq, D, batch), jnp.float32),
        mesh=mesh,
        compiler_params=pltpu.CompilerParams(
            use_tc_tiling_on_sc=True, needs_layout_passes=False),
        scratch_types=[
            pltpu.VMEM((n_morph,), jnp.float32),
            pltpu.VMEM((BB,), jnp.int32),
            pltpu.VMEM((BB,), jnp.int32),
            pltpu.VMEM((BB,), jnp.int32),
            pltpu.VMEM((BB,), jnp.int32),
            pltpu.VMEM((BB, 2 * D), jnp.float32),
            pltpu.VMEM((BB, 2 * D), jnp.float32),
            pltpu.VMEM((D, BB), jnp.float32),
            pltpu.VMEM((D, BB), jnp.float32),
            pltpu.SemaphoreType.DMA,
            pltpu.SemaphoreType.DMA,
            pltpu.SemaphoreType.DMA,
            pltpu.SemaphoreType.DMA,
            pltpu.SemaphoreType.DMA,
            pltpu.SemaphoreType.DMA,
        ],
    )
    def body(pid_hbm, mid_hbm, wpad_hbm, morph_hbm, out_hbm,
             morph_v, idxw_a, idxm_a, idxw_b, idxm_b,
             roww_a, roww_b, obuf_a, obuf_b,
             semi_a, semi_b, semg_a, semg_b, semo_a, semo_b):
        wid = lax.axis_index("s") * NC + lax.axis_index("c")
        b0 = wid * BB

        pltpu.sync_copy(morph_hbm, morph_v)

        def idx_copies(g, idxw, idxm, semi):
            lo = g * batch + b0
            ci = pltpu.make_async_copy(pid_hbm.at[pl.ds(lo, BB)], idxw, semi)
            cj = pltpu.make_async_copy(mid_hbm.at[pl.ds(lo, BB)], idxm, semi)
            return ci, cj

        def gather_copy(roww, idxw, semg):
            return pltpu.make_async_copy(wpad_hbm.at[idxw], roww, semg)

        def out_copy(g, obuf, semo):
            return pltpu.make_async_copy(
                obuf, out_hbm.at[g, :, pl.ds(b0, BB)], semo)

        iot = jnp.arange(L, dtype=jnp.int32)

        def compute(roww, idxm, obuf):
            rots = [(iot + c) & (L - 1) for c in range(L)]

            def lg_loop(lg, carry):
                rid = iot + lg * L
                mrow = plsc.load_gather(idxm, [rid])
                m64 = mrow * D
                for ob in range(D // L):
                    for c in range(L):
                        od = rots[c] + ob * L
                        a = plsc.load_gather(roww, [rid, od])
                        b = plsc.load_gather(morph_v, [m64 + od])
                        plsc.store_scatter(obuf, [od, rid], (a + b) * 0.5)
                return carry

            lax.fori_loop(0, BB // L, lg_loop, 0, unroll=False)

        def step(g, cur, oth):
            idxw, idxm, roww, obuf, semi, semg, semo = cur
            o_idxw, o_idxm, o_roww, o_obuf, o_semi, o_semg, o_semo = oth

            gather_copy(roww, idxw, semg).wait()

            @pl.when(g + 1 < seq)
            def _():
                ci, cj = idx_copies(g + 1, o_idxw, o_idxm, o_semi)
                ci.wait()
                cj.wait()

                @pl.when(g >= 1)
                def _():
                    out_copy(g - 1, o_obuf, o_semo).wait()

                gather_copy(o_roww, o_idxw, o_semg).start()

            compute(roww, idxm, obuf)

            @pl.when(g + 2 < seq)
            def _():
                ci, cj = idx_copies(g + 2, idxw, idxm, semi)
                ci.start()
                cj.start()

            out_copy(g, obuf, semo).start()

        buf_a = (idxw_a, idxm_a, roww_a, obuf_a, semi_a, semg_a, semo_a)
        buf_b = (idxw_b, idxm_b, roww_b, obuf_b, semi_b, semg_b, semo_b)

        ci, cj = idx_copies(0, idxw_a, idxm_a, semi_a)
        ci.start()
        cj.start()
        ci, cj = idx_copies(1, idxw_b, idxm_b, semi_b)
        ci.start()
        cj.start()
        ci, cj = idx_copies(0, idxw_a, idxm_a, semi_a)
        ci.wait()
        cj.wait()
        gather_copy(roww_a, idxw_a, semg_a).start()

        def super_step(t, carry):
            step(2 * t, buf_a, buf_b)
            step(2 * t + 1, buf_b, buf_a)
            return carry

        lax.fori_loop(0, seq // 2, super_step, 0, unroll=False)
        out_copy(seq - 2, obuf_a, semo_a).wait()
        out_copy(seq - 1, obuf_b, semo_b).wait()

    return body(pid_t, mid_t, wpad, morph_flat)


def kernel(phrase_ids, morph_ids, word_table, morph_table):
    batch, seq = phrase_ids.shape
    pid_t = phrase_ids.T.reshape(-1)
    mid_t = morph_ids.T.reshape(-1)
    wpad = jnp.pad(word_table, ((0, 0), (0, 2 * D - word_table.shape[1])))
    morph_flat = morph_table.reshape(-1)
    out_t = _fused_lookup(pid_t, mid_t, wpad, morph_flat,
                          batch=batch, seq=seq)
    return out_t.transpose(2, 0, 1)

# --- scband reference (transcript-rebuilt; emitter-appended) ---
"""Pipeline reference for scband-numberbatch-embedding-model-38646115730121 (READ-ONLY COPY).

The authoritative reference and input builder live on the scoring server;
editing this copy changes nothing except your own understanding.
"""

import jax, jax.numpy as jnp
import numpy as np

WORD_VOCAB = 1000000
MORPH_VOCAB = 1000
EMB_DIM = 64
BATCH = 4096
SEQ = 200

def setup_inputs(seed: int = 0) -> dict:
    key = jax.random.key(seed)
    k1, k2, k3, k4 = jax.random.split(key, 4)
    phrase_ids = jax.random.randint(k1, (BATCH, SEQ), 0, WORD_VOCAB, dtype=jnp.int64 if jax.config.jax_enable_x64 else jnp.int32).astype(jnp.int32)
    morph_ids = jax.random.randint(k2, (BATCH, SEQ), 0, MORPH_VOCAB, dtype=jnp.int32)
    word_table = jax.random.normal(k3, (WORD_VOCAB, EMB_DIM), dtype=jnp.float32) * 0.02
    morph_table = jax.random.normal(k4, (MORPH_VOCAB, EMB_DIM), dtype=jnp.float32) * 0.02
    return {"phrase_ids": phrase_ids, "morph_ids": morph_ids, "word_table": word_table, "morph_table": morph_table}

def reference(phrase_ids, morph_ids, word_table, morph_table):
    # phrase_emb = self._word_emb(input_seq[0])  -> embedding lookup
    phrase_emb = jnp.take(word_table, phrase_ids, axis=0)
    # morph_emb = self._morph_emb(input_seq[1])  -> embedding lookup
    morph_emb = jnp.take(morph_table, morph_ids, axis=0)
    # torch.stack([phrase_emb, morph_emb]).mean(dim=0)
    out = jnp.stack([phrase_emb, morph_emb]).mean(axis=0)
    return out

if __name__ == "__main__":
    import jax
    _d = setup_inputs()
    print(jax.jit(kernel)(*tuple(_d.values())))

</pallas_src>

<mosaic_0001>
#map = affine_map<(d0, d1) -> (0)>
#map1 = affine_map<(d0, d1) -> (0, 0)>
#map2 = affine_map<(d0, d1) -> (0, 0, 0)>
module attributes {stable_mosaic.version = 14 : i64} {
  func.func @body(%arg0: i32, %arg1: i32, %arg2: memref<819200xi32, #tpu.memory_space<hbm>>, %arg3: memref<819200xi32, #tpu.memory_space<hbm>>, %arg4: memref<1000000x128xf32, #tpu.memory_space<hbm>>, %arg5: memref<64000xf32, #tpu.memory_space<hbm>>, %arg6: memref<200x64x4096xf32, #tpu.memory_space<hbm>>, %arg7: memref<64000xf32, #tpu.memory_space<vmem>>, %arg8: memref<128xi32, #tpu.memory_space<vmem>>, %arg9: memref<128xi32, #tpu.memory_space<vmem>>, %arg10: memref<128xi32, #tpu.memory_space<vmem>>, %arg11: memref<128xi32, #tpu.memory_space<vmem>>, %arg12: memref<128x128xf32, #tpu.memory_space<vmem>>, %arg13: memref<128x128xf32, #tpu.memory_space<vmem>>, %arg14: memref<64x128xf32, #tpu.memory_space<vmem>>, %arg15: memref<64x128xf32, #tpu.memory_space<vmem>>, %arg16: memref<!tpu.dma_semaphore, #tpu.memory_space<semaphore_mem>>, %arg17: memref<!tpu.dma_semaphore, #tpu.memory_space<semaphore_mem>>, %arg18: memref<!tpu.dma_semaphore, #tpu.memory_space<semaphore_mem>>, %arg19: memref<!tpu.dma_semaphore, #tpu.memory_space<semaphore_mem>>, %arg20: memref<!tpu.dma_semaphore, #tpu.memory_space<semaphore_mem>>, %arg21: memref<!tpu.dma_semaphore, #tpu.memory_space<semaphore_mem>>) attributes {dimension_semantics = [#tpu.dimension_semantics<core_parallel>, #tpu.dimension_semantics<subcore_parallel>], iteration_bounds = array<i64: 2, 16>, scalar_prefetch = 0 : i64, scratch_operands = 15 : i64, tpu.core_type = #tpu.core_type<sc_vector_subcore>, window_params = [{transform_indices = #map}, {transform_indices = #map}, {transform_indices = #map1}, {transform_indices = #map}, {transform_indices = #map2}]} {
    %mul3A = arith.constant 2 : i32
    %mul3A_0 = arith.muli %arg1, %mul3A : i32
    %add3A = arith.addi %mul3A_0, %arg0 : i32
    %mul3A_1 = arith.constant 128 : i32
    %mul3A_2 = arith.muli %add3A, %mul3A_1 : i32
    "tpu.region"() ({
      %run_scoped3A = tpu.sem_alloc : memref<!tpu.dma_semaphore, #tpu.memory_space<semaphore_mem>>
      tpu.enqueue_dma source(%arg5 : memref<64000xf32, #tpu.memory_space<hbm>>) target(%arg7 : memref<64000xf32, #tpu.memory_space<vmem>>) target_semaphore(%run_scoped3A : memref<!tpu.dma_semaphore, #tpu.memory_space<semaphore_mem>>)
      tpu.wait_dma2 semaphore(%run_scoped3A : memref<!tpu.dma_semaphore, #tpu.memory_space<semaphore_mem>>) src(%arg5 : memref<64000xf32, #tpu.memory_space<hbm>>) dst(%arg7 : memref<64000xf32, #tpu.memory_space<vmem>>)
      tpu.yield
    }) : () -> ()
    %iota3A = tpu.iota {dimensions = array<i32: 0>} : vector<16xi32>
    %add3A_3 = arith.constant 0 : i32
    %add3A_4 = arith.addi %add3A_3, %mul3A_2 : i32
    %dma_start3A = tpu.memref_slice %arg2[%add3A_4] : memref<819200xi32, #tpu.memory_space<hbm>> -> memref<128xi32, #tpu.memory_space<hbm>>
    %dma_start3A_5 = tpu.memref_slice %arg2[%add3A_4] : memref<819200xi32, #tpu.memory_space<hbm>> -> memref<128xi32, #tpu.memory_space<hbm>>
    tpu.enqueue_dma source(%dma_start3A_5 : memref<128xi32, #tpu.memory_space<hbm>>) target(%arg8 : memref<128xi32, #tpu.memory_space<vmem>>) target_semaphore(%arg16 : memref<!tpu.dma_semaphore, #tpu.memory_space<semaphore_mem>>)
    %dma_start3A_6 = tpu.memref_slice %arg3[%add3A_4] : memref<819200xi32, #tpu.memory_space<hbm>> -> memref<128xi32, #tpu.memory_space<hbm>>
    %dma_start3A_7 = tpu.memref_slice %arg3[%add3A_4] : memref<819200xi32, #tpu.memory_space<hbm>> -> memref<128xi32, #tpu.memory_space<hbm>>
    tpu.enqueue_dma source(%dma_start3A_7 : memref<128xi32, #tpu.memory_space<hbm>>) target(%arg9 : memref<128xi32, #tpu.memory_space<vmem>>) target_semaphore(%arg16 : memref<!tpu.dma_semaphore, #tpu.memory_space<semaphore_mem>>)
    %add3A_8 = arith.constant 4096 : i32
    %add3A_9 = arith.addi %add3A_8, %mul3A_2 : i32
    %dma_start3A_10 = tpu.memref_slice %arg2[%add3A_9] : memref<819200xi32, #tpu.memory_space<hbm>> -> memref<128xi32, #tpu.memory_space<hbm>>
    %dma_start3A_11 = tpu.memref_slice %arg2[%add3A_9] : memref<819200xi32, #tpu.memory_space<hbm>> -> memref<128xi32, #tpu.memory_space<hbm>>
    tpu.enqueue_dma source(%dma_start3A_11 : memref<128xi32, #tpu.memory_space<hbm>>) target(%arg10 : memref<128xi32, #tpu.memory_space<vmem>>) target_semaphore(%arg17 : memref<!tpu.dma_semaphore, #tpu.memory_space<semaphore_mem>>)
    %dma_start3A_12 = tpu.memref_slice %arg3[%add3A_9] : memref<819200xi32, #tpu.memory_space<hbm>> -> memref<128xi32, #tpu.memory_space<hbm>>
    %dma_start3A_13 = tpu.memref_slice %arg3[%add3A_9] : memref<819200xi32, #tpu.memory_space<hbm>> -> memref<128xi32, #tpu.memory_space<hbm>>
    tpu.enqueue_dma source(%dma_start3A_13 : memref<128xi32, #tpu.memory_space<hbm>>) target(%arg11 : memref<128xi32, #tpu.memory_space<vmem>>) target_semaphore(%arg17 : memref<!tpu.dma_semaphore, #tpu.memory_space<semaphore_mem>>)
    %add3A_14 = arith.constant 0 : i32
    %add3A_15 = arith.addi %add3A_14, %mul3A_2 : i32
    %dma_wait3A = tpu.memref_slice %arg2[%add3A_15] : memref<819200xi32, #tpu.memory_space<hbm>> -> memref<128xi32, #tpu.memory_space<hbm>>
    %dma_wait3A_16 = tpu.memref_slice %arg2[%add3A_15] : memref<819200xi32, #tpu.memory_space<hbm>> -> memref<128xi32, #tpu.memory_space<hbm>>
    tpu.wait_dma2 semaphore(%arg16 : memref<!tpu.dma_semaphore, #tpu.memory_space<semaphore_mem>>) src(%dma_wait3A_16 : memref<128xi32, #tpu.memory_space<hbm>>) dst(%arg8 : memref<128xi32, #tpu.memory_space<vmem>>)
    %dma_wait3A_17 = tpu.memref_slice %arg3[%add3A_15] : memref<819200xi32, #tpu.memory_space<hbm>> -> memref<128xi32, #tpu.memory_space<hbm>>
    %dma_wait3A_18 = tpu.memref_slice %arg3[%add3A_15] : memref<819200xi32, #tpu.memory_space<hbm>> -> memref<128xi32, #tpu.memory_space<hbm>>
    tpu.wait_dma2 semaphore(%arg16 : memref<!tpu.dma_semaphore, #tpu.memory_space<semaphore_mem>>) src(%dma_wait3A_18 : memref<128xi32, #tpu.memory_space<hbm>>) dst(%arg9 : memref<128xi32, #tpu.memory_space<vmem>>)
    %dma_start3A_19 = arith.constant 0 : i32
    %dma_start3A_20 = arith.constant 0 : i32
    %dma_start3A_21 = tpu.memref_slice %arg4[%dma_start3A_19, %dma_start3A_20] : memref<1000000x128xf32, #tpu.memory_space<hbm>> -> memref<1000000x128xf32, #tpu.memory_space<hbm>>
    tpu.enqueue_indirect_dma source(%dma_start3A_21 : memref<1000000x128xf32, #tpu.memory_space<hbm>>) target(%arg12 : memref<128x128xf32, #tpu.memory_space<vmem>>) offsets(%arg8 : memref<128xi32, #tpu.memory_space<vmem>>) semaphore(%arg18 : memref<!tpu.dma_semaphore, #tpu.memory_space<semaphore_mem>>)
    %scan3A = arith.constant 0 : i32
    %scan3A_22 = arith.constant 0 : i32
    %scan3A_23 = arith.constant 100 : i32
    %scan3A_24 = arith.addi %scan3A_22, %scan3A_23 : i32
    %scan3A_25 = arith.constant 1 : i32
    scf.for %scan3A_41 = %scan3A_22 to %scan3A_24 step %scan3A_25  : i32 {
      %mul3A_42 = arith.constant 2 : i32
      %mul3A_43 = arith.muli %mul3A_42, %scan3A_41 : i32
      %dma_wait3A_44 = arith.constant 0 : i32
      %dma_wait3A_45 = arith.constant 0 : i32
      %dma_wait3A_46 = tpu.memref_slice %arg4[%dma_wait3A_44, %dma_wait3A_45] : memref<1000000x128xf32, #tpu.memory_space<hbm>> -> memref<1000000x128xf32, #tpu.memory_space<hbm>>
      tpu.wait_indirect_dma semaphore(%arg18 : memref<!tpu.dma_semaphore, #tpu.memory_space<semaphore_mem>>) src(%dma_wait3A_46 : memref<1000000x128xf32, #tpu.memory_space<hbm>>) dst(%arg12 : memref<128x128xf32, #tpu.memory_space<vmem>>)
      %add3A_47 = arith.constant 1 : i32
      %add3A_48 = arith.addi %mul3A_43, %add3A_47 : i32
      %lt3A = arith.constant 200 : i32
      %lt3A_49 = arith.cmpi slt, %add3A_48, %lt3A : i32
      %convert_element_type3A = arith.extui %lt3A_49 : i1 to i32
      %cond3A = arith.constant 0 : i32
      %cond3A_50 = arith.cmpi ne, %convert_element_type3A, %cond3A : i32
      scf.if %cond3A_50 {
        %add3A_294 = arith.constant 1 : i32
        %add3A_295 = arith.addi %mul3A_43, %add3A_294 : i32
        %mul3A_296 = arith.constant 4096 : i32
        %mul3A_297 = arith.muli %add3A_295, %mul3A_296 : i32
        %add3A_298 = arith.addi %mul3A_297, %mul3A_2 : i32
        %dma_wait3A_299 = tpu.memref_slice %arg2[%add3A_298] : memref<819200xi32, #tpu.memory_space<hbm>> -> memref<128xi32, #tpu.memory_space<hbm>>
        %dma_wait3A_300 = tpu.memref_slice %arg2[%add3A_298] : memref<819200xi32, #tpu.memory_space<hbm>> -> memref<128xi32, #tpu.memory_space<hbm>>
        tpu.wait_dma2 semaphore(%arg17 : memref<!tpu.dma_semaphore, #tpu.memory_space<semaphore_mem>>) src(%dma_wait3A_300 : memref<128xi32, #tpu.memory_space<hbm>>) dst(%arg10 : memref<128xi32, #tpu.memory_space<vmem>>)
        %dma_wait3A_301 = tpu.memref_slice %arg3[%add3A_298] : memref<819200xi32, #tpu.memory_space<hbm>> -> memref<128xi32, #tpu.memory_space<hbm>>
        %dma_wait3A_302 = tpu.memref_slice %arg3[%add3A_298] : memref<819200xi32, #tpu.memory_space<hbm>> -> memref<128xi32, #tpu.memory_space<hbm>>
        tpu.wait_dma2 semaphore(%arg17 : memref<!tpu.dma_semaphore, #tpu.memory_space<semaphore_mem>>) src(%dma_wait3A_302 : memref<128xi32, #tpu.memory_space<hbm>>) dst(%arg11 : memref<128xi32, #tpu.memory_space<vmem>>)
        %ge3A = arith.constant 1 : i32
        %ge3A_303 = arith.cmpi sge, %mul3A_43, %ge3A : i32
        %convert_element_type3A_304 = arith.extui %ge3A_303 : i1 to i32
        %cond3A_305 = arith.constant 0 : i32
        %cond3A_306 = arith.cmpi ne, %convert_element_type3A_304, %cond3A_305 : i32
        scf.if %cond3A_306 {
          %sub3A = arith.constant 1 : i32
          %sub3A_310 = arith.subi %mul3A_43, %sub3A : i32
          %dma_wait3A_311 = arith.constant 0 : i32
          %dma_wait3A_312 = tpu.memref_slice %arg6[%sub3A_310, %dma_wait3A_311, %mul3A_2] : memref<200x64x4096xf32, #tpu.memory_space<hbm>> -> memref<1x64x128xf32, #tpu.memory_space<hbm>>
          %dma_wait3A_313 = tpu.memref_squeeze %dma_wait3A_312 : memref<1x64x128xf32, #tpu.memory_space<hbm>> -> memref<64x128xf32, #tpu.memory_space<hbm>>
          %dma_wait3A_314 = arith.constant 0 : i32
          %dma_wait3A_315 = tpu.memref_slice %arg6[%sub3A_310, %dma_wait3A_314, %mul3A_2] : memref<200x64x4096xf32, #tpu.memory_space<hbm>> -> memref<1x64x128xf32, #tpu.memory_space<hbm>>
          %dma_wait3A_316 = tpu.memref_squeeze %dma_wait3A_315 : memref<1x64x128xf32, #tpu.memory_space<hbm>> -> memref<64x128xf32, #tpu.memory_space<hbm>>
          tpu.wait_dma2 semaphore(%arg21 : memref<!tpu.dma_semaphore, #tpu.memory_space<semaphore_mem>>) src(%arg15 : memref<64x128xf32, #tpu.memory_space<vmem>>) dst(%dma_wait3A_316 : memref<64x128xf32, #tpu.memory_space<hbm>>)
        } else {
        }
        %dma_start3A_307 = arith.constant 0 : i32
        %dma_start3A_308 = arith.constant 0 : i32
        %dma_start3A_309 = tpu.memref_slice %arg4[%dma_start3A_307, %dma_start3A_308] : memref<1000000x128xf32, #tpu.memory_space<hbm>> -> memref<1000000x128xf32, #tpu.memory_space<hbm>>
        tpu.enqueue_indirect_dma source(%dma_start3A_309 : memref<1000000x128xf32, #tpu.memory_space<hbm>>) target(%arg13 : memref<128x128xf32, #tpu.memory_space<vmem>>) offsets(%arg10 : memref<128xi32, #tpu.memory_space<vmem>>) semaphore(%arg19 : memref<!tpu.dma_semaphore, #tpu.memory_space<semaphore_mem>>)
      } else {
      }
      %add3A_51 = arith.constant 0 : i32
      %add3A_52 = vector.broadcast %add3A_51 : i32 to vector<16xi32>
      %add3A_53 = arith.addi %iota3A, %add3A_52 : vector<16xi32>
      %and3A = arith.constant 15 : i32
      %and3A_54 = vector.broadcast %and3A : i32 to vector<16xi32>
      %and3A_55 = arith.andi %add3A_53, %and3A_54 : vector<16xi32>
      %add3A_56 = arith.constant 1 : i32
      %add3A_57 = vector.broadcast %add3A_56 : i32 to vector<16xi32>
      %add3A_58 = arith.addi %iota3A, %add3A_57 : vector<16xi32>
      %and3A_59 = arith.constant 15 : i32
      %and3A_60 = vector.broadcast %and3A_59 : i32 to vector<16xi32>
      %and3A_61 = arith.andi %add3A_58, %and3A_60 : vector<16xi32>
      %add3A_62 = arith.constant 2 : i32
      %add3A_63 = vector.broadcast %add3A_62 : i32 to vector<16xi32>
      %add3A_64 = arith.addi %iota3A, %add3A_63 : vector<16xi32>
      %and3A_65 = arith.constant 15 : i32
      %and3A_66 = vector.broadcast %and3A_65 : i32 to vector<16xi32>
      %and3A_67 = arith.andi %add3A_64, %and3A_66 : vector<16xi32>
      %add3A_68 = arith.constant 3 : i32
      %add3A_69 = vector.broadcast %add3A_68 : i32 to vector<16xi32>
      %add3A_70 = arith.addi %iota3A, %add3A_69 : vector<16xi32>
      %and3A_71 = arith.constant 15 : i32
      %and3A_72 = vector.broadcast %and3A_71 : i32 to vector<16xi32>
      %and3A_73 = arith.andi %add3A_70, %and3A_72 : vector<16xi32>
      %add3A_74 = arith.constant 4 : i32
      %add3A_75 = vector.broadcast %add3A_74 : i32 to vector<16xi32>
      %add3A_76 = arith.addi %iota3A, %add3A_75 : vector<16xi32>
      %and3A_77 = arith.constant 15 : i32
      %and3A_78 = vector.broadcast %and3A_77 : i32 to vector<16xi32>
      %and3A_79 = arith.andi %add3A_76, %and3A_78 : vector<16xi32>
      %add3A_80 = arith.constant 5 : i32
      %add3A_81 = vector.broadcast %add3A_80 : i32 to vector<16xi32>
      %add3A_82 = arith.addi %iota3A, %add3A_81 : vector<16xi32>
      %and3A_83 = arith.constant 15 : i32
      %and3A_84 = vector.broadcast %and3A_83 : i32 to vector<16xi32>
      %and3A_85 = arith.andi %add3A_82, %and3A_84 : vector<16xi32>
      %add3A_86 = arith.constant 6 : i32
      %add3A_87 = vector.broadcast %add3A_86 : i32 to vector<16xi32>
      %add3A_88 = arith.addi %iota3A, %add3A_87 : vector<16xi32>
      %and3A_89 = arith.constant 15 : i32
      %and3A_90 = vector.broadcast %and3A_89 : i32 to vector<16xi32>
      %and3A_91 = arith.andi %add3A_88, %and3A_90 : vector<16xi32>
      %add3A_92 = arith.constant 7 : i32
      %add3A_93 = vector.broadcast %add3A_92 : i32 to vector<16xi32>
      %add3A_94 = arith.addi %iota3A, %add3A_93 : vector<16xi32>
      %and3A_95 = arith.constant 15 : i32
      %and3A_96 = vector.broadcast %and3A_95 : i32 to vector<16xi32>
      %and3A_97 = arith.andi %add3A_94, %and3A_96 : vector<16xi32>
      %add3A_98 = arith.constant 8 : i32
      %add3A_99 = vector.broadcast %add3A_98 : i32 to vector<16xi32>
      %add3A_100 = arith.addi %iota3A, %add3A_99 : vector<16xi32>
      %and3A_101 = arith.constant 15 : i32
      %and3A_102 = vector.broadcast %and3A_101 : i32 to vector<16xi32>
      %and3A_103 = arith.andi %add3A_100, %and3A_102 : vector<16xi32>
      %add3A_104 = arith.constant 9 : i32
      %add3A_105 = vector.broadcast %add3A_104 : i32 to vector<16xi32>
      %add3A_106 = arith.addi %iota3A, %add3A_105 : vector<16xi32>
      %and3A_107 = arith.constant 15 : i32
      %and3A_108 = vector.broadcast %and3A_107 : i32 to vector<16xi32>
      %and3A_109 = arith.andi %add3A_106, %and3A_108 : vector<16xi32>
      %add3A_110 = arith.constant 10 : i32
      %add3A_111 = vector.broadcast %add3A_110 : i32 to vector<16xi32>
      %add3A_112 = arith.addi %iota3A, %add3A_111 : vector<16xi32>
      %and3A_113 = arith.constant 15 : i32
      %and3A_114 = vector.broadcast %and3A_113 : i32 to vector<16xi32>
      %and3A_115 = arith.andi %add3A_112, %and3A_114 : vector<16xi32>
      %add3A_116 = arith.constant 11 : i32
      %add3A_117 = vector.broadcast %add3A_116 : i32 to vector<16xi32>
      %add3A_118 = arith.addi %iota3A, %add3A_117 : vector<16xi32>
      %and3A_119 = arith.constant 15 : i32
      %and3A_120 = vector.broadcast %and3A_119 : i32 to vector<16xi32>
      %and3A_121 = arith.andi %add3A_118, %and3A_120 : vector<16xi32>
      %add3A_122 = arith.constant 12 : i32
      %add3A_123 = vector.broadcast %add3A_122 : i32 to vector<16xi32>
      %add3A_124 = arith.addi %iota3A, %add3A_123 : vector<16xi32>
      %and3A_125 = arith.constant 15 : i32
      %and3A_126 = vector.broadcast %and3A_125 : i32 to vector<16xi32>
      %and3A_127 = arith.andi %add3A_124, %and3A_126 : vector<16xi32>
      %add3A_128 = arith.constant 13 : i32
      %add3A_129 = vector.broadcast %add3A_128 : i32 to vector<16xi32>
      %add3A_130 = arith.addi %iota3A, %add3A_129 : vector<16xi32>
      %and3A_131 = arith.constant 15 : i32
      %and3A_132 = vector.broadcast %and3A_131 : i32 to vector<16xi32>
      %and3A_133 = arith.andi %add3A_130, %and3A_132 : vector<16xi32>
      %add3A_134 = arith.constant 14 : i32
      %add3A_135 = vector.broadcast %add3A_134 : i32 to vector<16xi32>
      %add3A_136 = arith.addi %iota3A, %add3A_135 : vector<16xi32>
      %and3A_137 = arith.constant 15 : i32
      %and3A_138 = vector.broadcast %and3A_137 : i32 to vector<16xi32>
      %and3A_139 = arith.andi %add3A_136, %and3A_138 : vector<16xi32>
      %add3A_140 = arith.constant 15 : i32
      %add3A_141 = vector.broadcast %add3A_140 : i32 to vector<16xi32>
      %add3A_142 = arith.addi %iota3A, %add3A_141 : vector<16xi32>
      %and3A_143 = arith.constant 15 : i32
      %and3A_144 = vector.broadcast %and3A_143 : i32 to vector<16xi32>
      %and3A_145 = arith.andi %add3A_142, %and3A_144 : vector<16xi32>
      %scan3A_146 = arith.constant 0 : i32
      %scan3A_147 = arith.constant 0 : i32
      %scan3A_148 = arith.constant 8 : i32
      %scan3A_149 = arith.addi %scan3A_147, %scan3A_148 : i32
      %scan3A_150 = arith.constant 1 : i32
      scf.for %scan3A_294 = %scan3A_147 to %scan3A_149 step %scan3A_150  : i32 {
        %mul3A_295 = arith.constant 16 : i32
        %mul3A_296 = arith.muli %scan3A_294, %mul3A_295 : i32
        %add3A_297 = vector.broadcast %mul3A_296 : i32 to vector<16xi32>
        %add3A_298 = arith.addi %iota3A, %add3A_297 : vector<16xi32>
        %gather3A = tpu.vector_load_idx %arg9[%add3A_298] : memref<128xi32, #tpu.memory_space<vmem>>[vector<16xi32>], vector<16xi32>,
        %mul3A_299 = arith.constant 64 : i32
        %mul3A_300 = vector.broadcast %mul3A_299 : i32 to vector<16xi32>
        %mul3A_301 = arith.muli %gather3A, %mul3A_300 : vector<16xi32>
        %add3A_302 = arith.constant 0 : i32
        %add3A_303 = vector.broadcast %add3A_302 : i32 to vector<16xi32>
        %add3A_304 = arith.addi %and3A_55, %add3A_303 : vector<16xi32>
        %gather3A_305 = tpu.vector_load_idx %arg12[%add3A_298, %add3A_304] : memref<128x128xf32, #tpu.memory_space<vmem>>[vector<16xi32>, vector<16xi32>], vector<16xf32>,
        %add3A_306 = arith.addi %mul3A_301, %add3A_304 : vector<16xi32>
        %gather3A_307 = tpu.vector_load_idx %arg7[%add3A_306] : memref<64000xf32, #tpu.memory_space<vmem>>[vector<16xi32>], vector<16xf32>,
        %add3A_308 = arith.addf %gather3A_305, %gather3A_307 : vector<16xf32>
        %mul3A_309 = arith.constant 5.000000e-01 : f32
        %mul3A_310 = vector.broadcast %mul3A_309 : f32 to vector<16xf32>
        %mul3A_311 = arith.mulf %add3A_308, %mul3A_310 : vector<16xf32>
        tpu.vector_store_idx %arg14[%add3A_304, %add3A_298], %mul3A_311 : memref<64x128xf32, #tpu.memory_space<vmem>>[vector<16xi32>, vector<16xi32>], vector<16xf32>,
        %add3A_312 = arith.constant 0 : i32
        %add3A_313 = vector.broadcast %add3A_312 : i32 to vector<16xi32>
        %add3A_314 = arith.addi %and3A_61, %add3A_313 : vector<16xi32>
        %gather3A_315 = tpu.vector_load_idx %arg12[%add3A_298, %add3A_314] : memref<128x128xf32, #tpu.memory_space<vmem>>[vector<16xi32>, vector<16xi32>], vector<16xf32>,
        %add3A_316 = arith.addi %mul3A_301, %add3A_314 : vector<16xi32>
        %gather3A_317 = tpu.vector_load_idx %arg7[%add3A_316] : memref<64000xf32, #tpu.memory_space<vmem>>[vector<16xi32>], vector<16xf32>,
        %add3A_318 = arith.addf %gather3A_315, %gather3A_317 : vector<16xf32>
        %mul3A_319 = arith.constant 5.000000e-01 : f32
        %mul3A_320 = vector.broadcast %mul3A_319 : f32 to vector<16xf32>
        %mul3A_321 = arith.mulf %add3A_318, %mul3A_320 : vector<16xf32>
        tpu.vector_store_idx %arg14[%add3A_314, %add3A_298], %mul3A_321 : memref<64x128xf32, #tpu.memory_space<vmem>>[vector<16xi32>, vector<16xi32>], vector<16xf32>,
        %add3A_322 = arith.constant 0 : i32
        %add3A_323 = vector.broadcast %add3A_322 : i32 to vector<16xi32>
        %add3A_324 = arith.addi %and3A_67, %add3A_323 : vector<16xi32>
        %gather3A_325 = tpu.vector_load_idx %arg12[%add3A_298, %add3A_324] : memref<128x128xf32, #tpu.memory_space<vmem>>[vector<16xi32>, vector<16xi32>], vector<16xf32>,
        %add3A_326 = arith.addi %mul3A_301, %add3A_324 : vector<16xi32>
        %gather3A_327 = tpu.vector_load_idx %arg7[%add3A_326] : memref<64000xf32, #tpu.memory_space<vmem>>[vector<16xi32>], vector<16xf32>,
        %add3A_328 = arith.addf %gather3A_325, %gather3A_327 : vector<16xf32>
        %mul3A_329 = arith.constant 5.000000e-01 : f32
        %mul3A_330 = vector.broadcast %mul3A_329 : f32 to vector<16xf32>
        %mul3A_331 = arith.mulf %add3A_328, %mul3A_330 : vector<16xf32>
        tpu.vector_store_idx %arg14[%add3A_324, %add3A_298], %mul3A_331 : memref<64x128xf32, #tpu.memory_space<vmem>>[vector<16xi32>, vector<16xi32>], vector<16xf32>,
        %add3A_332 = arith.constant 0 : i32
        %add3A_333 = vector.broadcast %add3A_332 : i32 to vector<16xi32>
        %add3A_334 = arith.addi %and3A_73, %add3A_333 : vector<16xi32>
        %gather3A_335 = tpu.vector_load_idx %arg12[%add3A_298, %add3A_334] : memref<128x128xf32, #tpu.memory_space<vmem>>[vector<16xi32>, vector<16xi32>], vector<16xf32>,
        %add3A_336 = arith.addi %mul3A_301, %add3A_334 : vector<16xi32>
        %gather3A_337 = tpu.vector_load_idx %arg7[%add3A_336] : memref<64000xf32, #tpu.memory_space<vmem>>[vector<16xi32>], vector<16xf32>,
        %add3A_338 = arith.addf %gather3A_335, %gather3A_337 : vector<16xf32>
        %mul3A_339 = arith.constant 5.000000e-01 : f32
        %mul3A_340 = vector.broadcast %mul3A_339 : f32 to vector<16xf32>
        %mul3A_341 = arith.mulf %add3A_338, %mul3A_340 : vector<16xf32>
        tpu.vector_store_idx %arg14[%add3A_334, %add3A_298], %mul3A_341 : memref<64x128xf32, #tpu.memory_space<vmem>>[vector<16xi32>, vector<16xi32>], vector<16xf32>,
        %add3A_342 = arith.constant 0 : i32
        %add3A_343 = vector.broadcast %add3A_342 : i32 to vector<16xi32>
        %add3A_344 = arith.addi %and3A_79, %add3A_343 : vector<16xi32>
        %gather3A_345 = tpu.vector_load_idx %arg12[%add3A_298, %add3A_344] : memref<128x128xf32, #tpu.memory_space<vmem>>[vector<16xi32>, vector<16xi32>], vector<16xf32>,
        %add3A_346 = arith.addi %mul3A_301, %add3A_344 : vector<16xi32>
        %gather3A_347 = tpu.vector_load_idx %arg7[%add3A_346] : memref<64000xf32, #tpu.memory_space<vmem>>[vector<16xi32>], vector<16xf32>,
        %add3A_348 = arith.addf %gather3A_345, %gather3A_347 : vector<16xf32>
        %mul3A_349 = arith.constant 5.000000e-01 : f32
        %mul3A_350 = vector.broadcast %mul3A_349 : f32 to vector<16xf32>
        %mul3A_351 = arith.mulf %add3A_348, %mul3A_350 : vector<16xf32>
        tpu.vector_store_idx %arg14[%add3A_344, %add3A_298], %mul3A_351 : memref<64x128xf32, #tpu.memory_space<vmem>>[vector<16xi32>, vector<16xi32>], vector<16xf32>,
        %add3A_352 = arith.constant 0 : i32
        %add3A_353 = vector.broadcast %add3A_352 : i32 to vector<16xi32>
        %add3A_354 = arith.addi %and3A_85, %add3A_353 : vector<16xi32>
        %gather3A_355 = tpu.vector_load_idx %arg12[%add3A_298, %add3A_354] : memref<128x128xf32, #tpu.memory_space<vmem>>[vector<16xi32>, vector<16xi32>], vector<16xf32>,
        %add3A_356 = arith.addi %mul3A_301, %add3A_354 : vector<16xi32>
        %gather3A_357 = tpu.vector_load_idx %arg7[%add3A_356] : memref<64000xf32, #tpu.memory_space<vmem>>[vector<16xi32>], vector<16xf32>,
        %add3A_358 = arith.addf %gather3A_355, %gather3A_357 : vector<16xf32>
        %mul3A_359 = arith.constant 5.000000e-01 : f32
        %mul3A_360 = vector.broadcast %mul3A_359 : f32 to vector<16xf32>
        %mul3A_361 = arith.mulf %add3A_358, %mul3A_360 : vector<16xf32>
        tpu.vector_store_idx %arg14[%add3A_354, %add3A_298], %mul3A_361 : memref<64x128xf32, #tpu.memory_space<vmem>>[vector<16xi32>, vector<16xi32>], vector<16xf32>,
        %add3A_362 = arith.constant 0 : i32
        %add3A_363 = vector.broadcast %add3A_362 : i32 to vector<16xi32>
        %add3A_364 = arith.addi %and3A_91, %add3A_363 : vector<16xi32>
        %gather3A_365 = tpu.vector_load_idx %arg12[%add3A_298, %add3A_364] : memref<128x128xf32, #tpu.memory_space<vmem>>[vector<16xi32>, vector<16xi32>], vector<16xf32>,
        %add3A_366 = arith.addi %mul3A_301, %add3A_364 : vector<16xi32>
        %gather3A_367 = tpu.vector_load_idx %arg7[%add3A_366] : memref<64000xf32, #tpu.memory_space<vmem>>[vector<16xi32>], vector<16xf32>,
        %add3A_368 = arith.addf %gather3A_365, %gather3A_367 : vector<16xf32>
        %mul3A_369 = arith.constant 5.000000e-01 : f32
        %mul3A_370 = vector.broadcast %mul3A_369 : f32 to vector<16xf32>
        %mul3A_371 = arith.mulf %add3A_368, %mul3A_370 : vector<16xf32>
        tpu.vector_store_idx %arg14[%add3A_364, %add3A_298], %mul3A_371 : memref<64x128xf32, #tpu.memory_space<vmem>>[vector<16xi32>, vector<16xi32>], vector<16xf32>,
        %add3A_372 = arith.constant 0 : i32
        %add3A_373 = vector.broadcast %add3A_372 : i32 to vector<16xi32>
        %add3A_374 = arith.addi %and3A_97, %add3A_373 : vector<16xi32>
        %gather3A_375 = tpu.vector_load_idx %arg12[%add3A_298, %add3A_374] : memref<128x128xf32, #tpu.memory_space<vmem>>[vector<16xi32>, vector<16xi32>], vector<16xf32>,
        %add3A_376 = arith.addi %mul3A_301, %add3A_374 : vector<16xi32>
        %gather3A_377 = tpu.vector_load_idx %arg7[%add3A_376] : memref<64000xf32, #tpu.memory_space<vmem>>[vector<16xi32>], vector<16xf32>,
        %add3A_378 = arith.addf %gather3A_375, %gather3A_377 : vector<16xf32>
        %mul3A_379 = arith.constant 5.000000e-01 : f32
        %mul3A_380 = vector.broadcast %mul3A_379 : f32 to vector<16xf32>
        %mul3A_381 = arith.mulf %add3A_378, %mul3A_380 : vector<16xf32>
        tpu.vector_store_idx %arg14[%add3A_374, %add3A_298], %mul3A_381 : memref<64x128xf32, #tpu.memory_space<vmem>>[vector<16xi32>, vector<16xi32>], vector<16xf32>,
        %add3A_382 = arith.constant 0 : i32
        %add3A_383 = vector.broadcast %add3A_382 : i32 to vector<16xi32>
        %add3A_384 = arith.addi %and3A_103, %add3A_383 : vector<16xi32>
        %gather3A_385 = tpu.vector_load_idx %arg12[%add3A_298, %add3A_384] : memref<128x128xf32, #tpu.memory_space<vmem>>[vector<16xi32>, vector<16xi32>], vector<16xf32>,
        %add3A_386 = arith.addi %mul3A_301, %add3A_384 : vector<16xi32>
        %gather3A_387 = tpu.vector_load_idx %arg7[%add3A_386] : memref<64000xf32, #tpu.memory_space<vmem>>[vector<16xi32>], vector<16xf32>,
        %add3A_388 = arith.addf %gather3A_385, %gather3A_387 : vector<16xf32>
        %mul3A_389 = arith.constant 5.000000e-01 : f32
        %mul3A_390 = vector.broadcast %mul3A_389 : f32 to vector<16xf32>
        %mul3A_391 = arith.mulf %add3A_388, %mul3A_390 : vector<16xf32>
        tpu.vector_store_idx %arg14[%add3A_384, %add3A_298], %mul3A_391 : memref<64x128xf32, #tpu.memory_space<vmem>>[vector<16xi32>, vector<16xi32>], vector<16xf32>,
        %add3A_392 = arith.constant 0 : i32
        %add3A_393 = vector.broadcast %add3A_392 : i32 to vector<16xi32>
        %add3A_394 = arith.addi %and3A_109, %add3A_393 : vector<16xi32>
        %gather3A_395 = tpu.vector_load_idx %arg12[%add3A_298, %add3A_394] : memref<128x128xf32, #tpu.memory_space<vmem>>[vector<16xi32>, vector<16xi32>], vector<16xf32>,
        %add3A_396 = arith.addi %mul3A_301, %add3A_394 : vector<16xi32>
        %gather3A_397 = tpu.vector_load_idx %arg7[%add3A_396] : memref<64000xf32, #tpu.memory_space<vmem>>[vector<16xi32>], vector<16xf32>,
        %add3A_398 = arith.addf %gather3A_395, %gather3A_397 : vector<16xf32>
        %mul3A_399 = arith.constant 5.000000e-01 : f32
        %mul3A_400 = vector.broadcast %mul3A_399 : f32 to vector<16xf32>
        %mul3A_401 = arith.mulf %add3A_398, %mul3A_400 : vector<16xf32>
        tpu.vector_store_idx %arg14[%add3A_394, %add3A_298], %mul3A_401 : memref<64x128xf32, #tpu.memory_space<vmem>>[vector<16xi32>, vector<16xi32>], vector<16xf32>,
        %add3A_402 = arith.constant 0 : i32
        %add3A_403 = vector.broadcast %add3A_402 : i32 to vector<16xi32>
        %add3A_404 = arith.addi %and3A_115, %add3A_403 : vector<16xi32>
        %gather3A_405 = tpu.vector_load_idx %arg12[%add3A_298, %add3A_404] : memref<128x128xf32, #tpu.memory_space<vmem>>[vector<16xi32>, vector<16xi32>], vector<16xf32>,
        %add3A_406 = arith.addi %mul3A_301, %add3A_404 : vector<16xi32>
        %gather3A_407 = tpu.vector_load_idx %arg7[%add3A_406] : memref<64000xf32, #tpu.memory_space<vmem>>[vector<16xi32>], vector<16xf32>,
        %add3A_408 = arith.addf %gather3A_405, %gather3A_407 : vector<16xf32>
        %mul3A_409 = arith.constant 5.000000e-01 : f32
        %mul3A_410 = vector.broadcast %mul3A_409 : f32 to vector<16xf32>
        %mul3A_411 = arith.mulf %add3A_408, %mul3A_410 : vector<16xf32>
        tpu.vector_store_idx %arg14[%add3A_404, %add3A_298], %mul3A_411 : memref<64x128xf32, #tpu.memory_space<vmem>>[vector<16xi32>, vector<16xi32>], vector<16xf32>,
        %add3A_412 = arith.constant 0 : i32
        %add3A_413 = vector.broadcast %add3A_412 : i32 to vector<16xi32>
        %add3A_414 = arith.addi %and3A_121, %add3A_413 : vector<16xi32>
        %gather3A_415 = tpu.vector_load_idx %arg12[%add3A_298, %add3A_414] : memref<128x128xf32, #tpu.memory_space<vmem>>[vector<16xi32>, vector<16xi32>], vector<16xf32>,
        %add3A_416 = arith.addi %mul3A_301, %add3A_414 : vector<16xi32>
        %gather3A_417 = tpu.vector_load_idx %arg7[%add3A_416] : memref<64000xf32, #tpu.memory_space<vmem>>[vector<16xi32>], vector<16xf32>,
        %add3A_418 = arith.addf %gather3A_415, %gather3A_417 : vector<16xf32>
        %mul3A_419 = arith.constant 5.000000e-01 : f32
        %mul3A_420 = vector.broadcast %mul3A_419 : f32 to vector<16xf32>
        %mul3A_421 = arith.mulf %add3A_418, %mul3A_420 : vector<16xf32>
        tpu.vector_store_idx %arg14[%add3A_414, %add3A_298], %mul3A_421 : memref<64x128xf32, #tpu.memory_space<vmem>>[vector<16xi32>, vector<16xi32>], vector<16xf32>,
        %add3A_422 = arith.constant 0 : i32
        %add3A_423 = vector.broadcast %add3A_422 : i32 to vector<16xi32>
        %add3A_424 = arith.addi %and3A_127, %add3A_423 : vector<16xi32>
        %gather3A_425 = tpu.vector_load_idx %arg12[%add3A_298, %add3A_424] : memref<128x128xf32, #tpu.memory_space<vmem>>[vector<16xi32>, vector<16xi32>], vector<16xf32>,
        %add3A_426 = arith.addi %mul3A_301, %add3A_424 : vector<16xi32>
        %gather3A_427 = tpu.vector_load_idx %arg7[%add3A_426] : memref<64000xf32, #tpu.memory_space<vmem>>[vector<16xi32>], vector<16xf32>,
        %add3A_428 = arith.addf %gather3A_425, %gather3A_427 : vector<16xf32>
        %mul3A_429 = arith.constant 5.000000e-01 : f32
        %mul3A_430 = vector.broadcast %mul3A_429 : f32 to vector<16xf32>
        %mul3A_431 = arith.mulf %add3A_428, %mul3A_430 : vector<16xf32>
        tpu.vector_store_idx %arg14[%add3A_424, %add3A_298], %mul3A_431 : memref<64x128xf32, #tpu.memory_space<vmem>>[vector<16xi32>, vector<16xi32>], vector<16xf32>,
        %add3A_432 = arith.constant 0 : i32
        %add3A_433 = vector.broadcast %add3A_432 : i32 to vector<16xi32>
        %add3A_434 = arith.addi %and3A_133, %add3A_433 : vector<16xi32>
        %gather3A_435 = tpu.vector_load_idx %arg12[%add3A_298, %add3A_434] : memref<128x128xf32, #tpu.memory_space<vmem>>[vector<16xi32>, vector<16xi32>], vector<16xf32>,
        %add3A_436 = arith.addi %mul3A_301, %add3A_434 : vector<16xi32>
        %gather3A_437 = tpu.vector_load_idx %arg7[%add3A_436] : memref<64000xf32, #tpu.memory_space<vmem>>[vector<16xi32>], vector<16xf32>,
        %add3A_438 = arith.addf %gather3A_435, %gather3A_437 : vector<16xf32>
        %mul3A_439 = arith.constant 5.000000e-01 : f32
        %mul3A_440 = vector.broadcast %mul3A_439 : f32 to vector<16xf32>
        %mul3A_441 = arith.mulf %add3A_438, %mul3A_440 : vector<16xf32>
        tpu.vector_store_idx %arg14[%add3A_434, %add3A_298], %mul3A_441 : memref<64x128xf32, #tpu.memory_space<vmem>>[vector<16xi32>, vector<16xi32>], vector<16xf32>,
        %add3A_442 = arith.constant 0 : i32
        %add3A_443 = vector.broadcast %add3A_442 : i32 to vector<16xi32>
        %add3A_444 = arith.addi %and3A_139, %add3A_443 : vector<16xi32>
        %gather3A_445 = tpu.vector_load_idx %arg12[%add3A_298, %add3A_444] : memref<128x128xf32, #tpu.memory_space<vmem>>[vector<16xi32>, vector<16xi32>], vector<16xf32>,
        %add3A_446 = arith.addi %mul3A_301, %add3A_444 : vector<16xi32>
        %gather3A_447 = tpu.vector_load_idx %arg7[%add3A_446] : memref<64000xf32, #tpu.memory_space<vmem>>[vector<16xi32>], vector<16xf32>,
        %add3A_448 = arith.addf %gather3A_445, %gather3A_447 : vector<16xf32>
        %mul3A_449 = arith.constant 5.000000e-01 : f32
        %mul3A_450 = vector.broadcast %mul3A_449 : f32 to vector<16xf32>
        %mul3A_451 = arith.mulf %add3A_448, %mul3A_450 : vector<16xf32>
        tpu.vector_store_idx %arg14[%add3A_444, %add3A_298], %mul3A_451 : memref<64x128xf32, #tpu.memory_space<vmem>>[vector<16xi32>, vector<16xi32>], vector<16xf32>,
        %add3A_452 = arith.constant 0 : i32
        %add3A_453 = vector.broadcast %add3A_452 : i32 to vector<16xi32>
        %add3A_454 = arith.addi %and3A_145, %add3A_453 : vector<16xi32>
        %gather3A_455 = tpu.vector_load_idx %arg12[%add3A_298, %add3A_454] : memref<128x128xf32, #tpu.memory_space<vmem>>[vector<16xi32>, vector<16xi32>], vector<16xf32>,
        %add3A_456 = arith.addi %mul3A_301, %add3A_454 : vector<16xi32>
        %gather3A_457 = tpu.vector_load_idx %arg7[%add3A_456] : memref<64000xf32, #tpu.memory_space<vmem>>[vector<16xi32>], vector<16xf32>,
        %add3A_458 = arith.addf %gather3A_455, %gather3A_457 : vector<16xf32>
        %mul3A_459 = arith.constant 5.000000e-01 : f32
        %mul3A_460 = vector.broadcast %mul3A_459 : f32 to vector<16xf32>
        %mul3A_461 = arith.mulf %add3A_458, %mul3A_460 : vector<16xf32>
        tpu.vector_store_idx %arg14[%add3A_454, %add3A_298], %mul3A_461 : memref<64x128xf32, #tpu.memory_space<vmem>>[vector<16xi32>, vector<16xi32>], vector<16xf32>,
        %add3A_462 = arith.constant 16 : i32
        %add3A_463 = vector.broadcast %add3A_462 : i32 to vector<16xi32>
        %add3A_464 = arith.addi %and3A_55, %add3A_463 : vector<16xi32>
        %gather3A_465 = tpu.vector_load_idx %arg12[%add3A_298, %add3A_464] : memref<128x128xf32, #tpu.memory_space<vmem>>[vector<16xi32>, vector<16xi32>], vector<16xf32>,
        %add3A_466 = arith.addi %mul3A_301, %add3A_464 : vector<16xi32>
        %gather3A_467 = tpu.vector_load_idx %arg7[%add3A_466] : memref<64000xf32, #tpu.memory_space<vmem>>[vector<16xi32>], vector<16xf32>,
        %add3A_468 = arith.addf %gather3A_465, %gather3A_467 : vector<16xf32>
        %mul3A_469 = arith.constant 5.000000e-01 : f32
        %mul3A_470 = vector.broadcast %mul3A_469 : f32 to vector<16xf32>
        %mul3A_471 = arith.mulf %add3A_468, %mul3A_470 : vector<16xf32>
        tpu.vector_store_idx %arg14[%add3A_464, %add3A_298], %mul3A_471 : memref<64x128xf32, #tpu.memory_space<vmem>>[vector<16xi32>, vector<16xi32>], vector<16xf32>,
        %add3A_472 = arith.constant 16 : i32
        %add3A_473 = vector.broadcast %add3A_472 : i32 to vector<16xi32>
        %add3A_474 = arith.addi %and3A_61, %add3A_473 : vector<16xi32>
        %gather3A_475 = tpu.vector_load_idx %arg12[%add3A_298, %add3A_474] : memref<128x128xf32, #tpu.memory_space<vmem>>[vector<16xi32>, vector<16xi32>], vector<16xf32>,
        %add3A_476 = arith.addi %mul3A_301, %add3A_474 : vector<16xi32>
        %gather3A_477 = tpu.vector_load_idx %arg7[%add3A_476] : memref<64000xf32, #tpu.memory_space<vmem>>[vector<16xi32>], vector<16xf32>,
        %add3A_478 = arith.addf %gather3A_475, %gather3A_477 : vector<16xf32>
        %mul3A_479 = arith.constant 5.000000e-01 : f32
        %mul3A_480 = vector.broadcast %mul3A_479 : f32 to vector<16xf32>
        %mul3A_481 = arith.mulf %add3A_478, %mul3A_480 : vector<16xf32>
        tpu.vector_store_idx %arg14[%add3A_474, %add3A_298], %mul3A_481 : memref<64x128xf32, #tpu.memory_space<vmem>>[vector<16xi32>, vector<16xi32>], vector<16xf32>,
        %add3A_482 = arith.constant 16 : i32
        %add3A_483 = vector.broadcast %add3A_482 : i32 to vector<16xi32>
        %add3A_484 = arith.addi %and3A_67, %add3A_483 : vector<16xi32>
        %gather3A_485 = tpu.vector_load_idx %arg12[%add3A_298, %add3A_484] : memref<128x128xf32, #tpu.memory_space<vmem>>[vector<16xi32>, vector<16xi32>], vector<16xf32>,
        %add3A_486 = arith.addi %mul3A_301, %add3A_484 : vector<16xi32>
        %gather3A_487 = tpu.vector_load_idx %arg7[%add3A_486] : memref<64000xf32, #tpu.memory_space<vmem>>[vector<16xi32>], vector<16xf32>,
        %add3A_488 = arith.addf %gather3A_485, %gather3A_487 : vector<16xf32>
        %mul3A_489 = arith.constant 5.000000e-01 : f32
        %mul3A_490 = vector.broadcast %mul3A_489 : f32 to vector<16xf32>
        %mul3A_491 = arith.mulf %add3A_488, %mul3A_490 : vector<16xf32>
        tpu.vector_store_idx %arg14[%add3A_484, %add3A_298], %mul3A_491 : memref<64x128xf32, #tpu.memory_space<vmem>>[vector<16xi32>, vector<16xi32>], vector<16xf32>,
        %add3A_492 = arith.constant 16 : i32
        %add3A_493 = vector.broadcast %add3A_492 : i32 to vector<16xi32>
        %add3A_494 = arith.addi %and3A_73, %add3A_493 : vector<16xi32>
        %gather3A_495 = tpu.vector_load_idx %arg12[%add3A_298, %add3A_494] : memref<128x128xf32, #tpu.memory_space<vmem>>[vector<16xi32>, vector<16xi32>], vector<16xf32>,
        %add3A_496 = arith.addi %mul3A_301, %add3A_494 : vector<16xi32>
        %gather3A_497 = tpu.vector_load_idx %arg7[%add3A_496] : memref<64000xf32, #tpu.memory_space<vmem>>[vector<16xi32>], vector<16xf32>,
        %add3A_498 = arith.addf %gather3A_495, %gather3A_497 : vector<16xf32>
        %mul3A_499 = arith.constant 5.000000e-01 : f32
        %mul3A_500 = vector.broadcast %mul3A_499 : f32 to vector<16xf32>
        %mul3A_501 = arith.mulf %add3A_498, %mul3A_500 : vector<16xf32>
        tpu.vector_store_idx %arg14[%add3A_494, %add3A_298], %mul3A_501 : memref<64x128xf32, #tpu.memory_space<vmem>>[vector<16xi32>, vector<16xi32>], vector<16xf32>,
        %add3A_502 = arith.constant 16 : i32
        %add3A_503 = vector.broadcast %add3A_502 : i32 to vector<16xi32>
        %add3A_504 = arith.addi %and3A_79, %add3A_503 : vector<16xi32>
        %gather3A_505 = tpu.vector_load_idx %arg12[%add3A_298, %add3A_504] : memref<128x128xf32, #tpu.memory_space<vmem>>[vector<16xi32>, vector<16xi32>], vector<16xf32>,
        %add3A_506 = arith.addi %mul3A_301, %add3A_504 : vector<16xi32>
        %gather3A_507 = tpu.vector_load_idx %arg7[%add3A_506] : memref<64000xf32, #tpu.memory_space<vmem>>[vector<16xi32>], vector<16xf32>,
        %add3A_508 = arith.addf %gather3A_505, %gather3A_507 : vector<16xf32>
        %mul3A_509 = arith.constant 5.000000e-01 : f32
        %mul3A_510 = vector.broadcast %mul3A_509 : f32 to vector<16xf32>
        %mul3A_511 = arith.mulf %add3A_508, %mul3A_510 : vector<16xf32>
        tpu.vector_store_idx %arg14[%add3A_504, %add3A_298], %mul3A_511 : memref<64x128xf32, #tpu.memory_space<vmem>>[vector<16xi32>, vector<16xi32>], vector<16xf32>,
        %add3A_512 = arith.constant 16 : i32
        %add3A_513 = vector.broadcast %add3A_512 : i32 to vector<16xi32>
        %add3A_514 = arith.addi %and3A_85, %add3A_513 : vector<16xi32>
        %gather3A_515 = tpu.vector_load_idx %arg12[%add3A_298, %add3A_514] : memref<128x128xf32, #tpu.memory_space<vmem>>[vector<16xi32>, vector<16xi32>], vector<16xf32>,
        %add3A_516 = arith.addi %mul3A_301, %add3A_514 : vector<16xi32>
        %gather3A_517 = tpu.vector_load_idx %arg7[%add3A_516] : memref<64000xf32, #tpu.memory_space<vmem>>[vector<16xi32>], vector<16xf32>,
        %add3A_518 = arith.addf %gather3A_515, %gather3A_517 : vector<16xf32>
        %mul3A_519 = arith.constant 5.000000e-01 : f32
        %mul3A_520 = vector.broadcast %mul3A_519 : f32 to vector<16xf32>
        %mul3A_521 = arith.mulf %add3A_518, %mul3A_520 : vector<16xf32>
        tpu.vector_store_idx %arg14[%add3A_514, %add3A_298], %mul3A_521 : memref<64x128xf32, #tpu.memory_space<vmem>>[vector<16xi32>, vector<16xi32>], vector<16xf32>,
        %add3A_522 = arith.constant 16 : i32
        %add3A_523 = vector.broadcast %add3A_522 : i32 to vector<16xi32>
        %add3A_524 = arith.addi %and3A_91, %add3A_523 : vector<16xi32>
        %gather3A_525 = tpu.vector_load_idx %arg12[%add3A_298, %add3A_524] : memref<128x128xf32, #tpu.memory_space<vmem>>[vector<16xi32>, vector<16xi32>], vector<16xf32>,
        %add3A_526 = arith.addi %mul3A_301, %add3A_524 : vector<16xi32>
        %gather3A_527 = tpu.vector_load_idx %arg7[%add3A_526] : memref<64000xf32, #tpu.memory_space<vmem>>[vector<16xi32>], vector<16xf32>,
        %add3A_528 = arith.addf %gather3A_525, %gather3A_527 : vector<16xf32>
        %mul3A_529 = arith.constant 5.000000e-01 : f32
        %mul3A_530 = vector.broadcast %mul3A_529 : f32 to vector<16xf32>
        %mul3A_531 = arith.mulf %add3A_528, %mul3A_530 : vector<16xf32>
        tpu.vector_store_idx %arg14[%add3A_524, %add3A_298], %mul3A_531 : memref<64x128xf32, #tpu.memory_space<vmem>>[vector<16xi32>, vector<16xi32>], vector<16xf32>,
        %add3A_532 = arith.constant 16 : i32
        %add3A_533 = vector.broadcast %add3A_532 : i32 to vector<16xi32>
        %add3A_534 = arith.addi %and3A_97, %add3A_533 : vector<16xi32>
        %gather3A_535 = tpu.vector_load_idx %arg12[%add3A_298, %add3A_534] : memref<128x128xf32, #tpu.memory_space<vmem>>[vector<16xi32>, vector<16xi32>], vector<16xf32>,
        %add3A_536 = arith.addi %mul3A_301, %add3A_534 : vector<16xi32>
        %gather3A_537 = tpu.vector_load_idx %arg7[%add3A_536] : memref<64000xf32, #tpu.memory_space<vmem>>[vector<16xi32>], vector<16xf32>,
        %add3A_538 = arith.addf %gather3A_535, %gather3A_537 : vector<16xf32>
        %mul3A_539 = arith.constant 5.000000e-01 : f32
        %mul3A_540 = vector.broadcast %mul3A_539 : f32 to vector<16xf32>
        %mul3A_541 = arith.mulf %add3A_538, %mul3A_540 : vector<16xf32>
        tpu.vector_store_idx %arg14[%add3A_534, %add3A_298], %mul3A_541 : memref<64x128xf32, #tpu.memory_space<vmem>>[vector<16xi32>, vector<16xi32>], vector<16xf32>,
        %add3A_542 = arith.constant 16 : i32
        %add3A_543 = vector.broadcast %add3A_542 : i32 to vector<16xi32>
        %add3A_544 = arith.addi %and3A_103, %add3A_543 : vector<16xi32>
        %gather3A_545 = tpu.vector_load_idx %arg12[%add3A_298, %add3A_544] : memref<128x128xf32, #tpu.memory_space<vmem>>[vector<16xi32>, vector<16xi32>], vector<16xf32>,
        %add3A_546 = arith.addi %mul3A_301, %add3A_544 : vector<16xi32>
        %gather3A_547 = tpu.vector_load_idx %arg7[%add3A_546] : memref<64000xf32, #tpu.memory_space<vmem>>[vector<16xi32>], vector<16xf32>,
        %add3A_548 = arith.addf %gather3A_545, %gather3A_547 : vector<16xf32>
        %mul3A_549 = arith.constant 5.000000e-01 : f32
        %mul3A_550 = vector.broadcast %mul3A_549 : f32 to vector<16xf32>
        %mul3A_551 = arith.mulf %add3A_548, %mul3A_550 : vector<16xf32>
        tpu.vector_store_idx %arg14[%add3A_544, %add3A_298], %mul3A_551 : memref<64x128xf32, #tpu.memory_space<vmem>>[vector<16xi32>, vector<16xi32>], vector<16xf32>,
        %add3A_552 = arith.constant 16 : i32
        %add3A_553 = vector.broadcast %add3A_552 : i32 to vector<16xi32>
        %add3A_554 = arith.addi %and3A_109, %add3A_553 : vector<16xi32>
        %gather3A_555 = tpu.vector_load_idx %arg12[%add3A_298, %add3A_554] : memref<128x128xf32, #tpu.memory_space<vmem>>[vector<16xi32>, vector<16xi32>], vector<16xf32>,
        %add3A_556 = arith.addi %mul3A_301, %add3A_554 : vector<16xi32>
        %gather3A_557 = tpu.vector_load_idx %arg7[%add3A_556] : memref<64000xf32, #tpu.memory_space<vmem>>[vector<16xi32>], vector<16xf32>,
        %add3A_558 = arith.addf %gather3A_555, %gather3A_557 : vector<16xf32>
        %mul3A_559 = arith.constant 5.000000e-01 : f32
        %mul3A_560 = vector.broadcast %mul3A_559 : f32 to vector<16xf32>
        %mul3A_561 = arith.mulf %add3A_558, %mul3A_560 : vector<16xf32>
        tpu.vector_store_idx %arg14[%add3A_554, %add3A_298], %mul3A_561 : memref<64x128xf32, #tpu.memory_space<vmem>>[vector<16xi32>, vector<16xi32>], vector<16xf32>,
        %add3A_562 = arith.constant 16 : i32
        %add3A_563 = vector.broadcast %add3A_562 : i32 to vector<16xi32>
        %add3A_564 = arith.addi %and3A_115, %add3A_563 : vector<16xi32>
        %gather3A_565 = tpu.vector_load_idx %arg12[%add3A_298, %add3A_564] : memref<128x128xf32, #tpu.memory_space<vmem>>[vector<16xi32>, vector<16xi32>], vector<16xf32>,
        %add3A_566 = arith.addi %mul3A_301, %add3A_564 : vector<16xi32>
        %gather3A_567 = tpu.vector_load_idx %arg7[%add3A_566] : memref<64000xf32, #tpu.memory_space<vmem>>[vector<16xi32>], vector<16xf32>,
        %add3A_568 = arith.addf %gather3A_565, %gather3A_567 : vector<16xf32>
        %mul3A_569 = arith.constant 5.000000e-01 : f32
        %mul3A_570 = vector.broadcast %mul3A_569 : f32 to vector<16xf32>
        %mul3A_571 = arith.mulf %add3A_568, %mul3A_570 : vector<16xf32>
        tpu.vector_store_idx %arg14[%add3A_564, %add3A_298], %mul3A_571 : memref<64x128xf32, #tpu.memory_space<vmem>>[vector<16xi32>, vector<16xi32>], vector<16xf32>,
        %add3A_572 = arith.constant 16 : i32
        %add3A_573 = vector.broadcast %add3A_572 : i32 to vector<16xi32>
        %add3A_574 = arith.addi %and3A_121, %add3A_573 : vector<16xi32>
        %gather3A_575 = tpu.vector_load_idx %arg12[%add3A_298, %add3A_574] : memref<128x128xf32, #tpu.memory_space<vmem>>[vector<16xi32>, vector<16xi32>], vector<16xf32>,
        %add3A_576 = arith.addi %mul3A_301, %add3A_574 : vector<16xi32>
        %gather3A_577 = tpu.vector_load_idx %arg7[%add3A_576] : memref<64000xf32, #tpu.memory_space<vmem>>[vector<16xi32>], vector<16xf32>,
        %add3A_578 = arith.addf %gather3A_575, %gather3A_577 : vector<16xf32>
        %mul3A_579 = arith.constant 5.000000e-01 : f32
        %mul3A_580 = vector.broadcast %mul3A_579 : f32 to vector<16xf32>
        %mul3A_581 = arith.mulf %add3A_578, %mul3A_580 : vector<16xf32>
        tpu.vector_store_idx %arg14[%add3A_574, %add3A_298], %mul3A_581 : memref<64x128xf32, #tpu.memory_space<vmem>>[vector<16xi32>, vector<16xi32>], vector<16xf32>,
        %add3A_582 = arith.constant 16 : i32
        %add3A_583 = vector.broadcast %add3A_582 : i32 to vector<16xi32>
        %add3A_584 = arith.addi %and3A_127, %add3A_583 : vector<16xi32>
        %gather3A_585 = tpu.vector_load_idx %arg12[%add3A_298, %add3A_584] : memref<128x128xf32, #tpu.memory_space<vmem>>[vector<16xi32>, vector<16xi32>], vector<16xf32>,
        %add3A_586 = arith.addi %mul3A_301, %add3A_584 : vector<16xi32>
        %gather3A_587 = tpu.vector_load_idx %arg7[%add3A_586] : memref<64000xf32, #tpu.memory_space<vmem>>[vector<16xi32>], vector<16xf32>,
        %add3A_588 = arith.addf %gather3A_585, %gather3A_587 : vector<16xf32>
        %mul3A_589 = arith.constant 5.000000e-01 : f32
        %mul3A_590 = vector.broadcast %mul3A_589 : f32 to vector<16xf32>
        %mul3A_591 = arith.mulf %add3A_588, %mul3A_590 : vector<16xf32>
        tpu.vector_store_idx %arg14[%add3A_584, %add3A_298], %mul3A_591 : memref<64x128xf32, #tpu.memory_space<vmem>>[vector<16xi32>, vector<16xi32>], vector<16xf32>,
        %add3A_592 = arith.constant 16 : i32
        %add3A_593 = vector.broadcast %add3A_592 : i32 to vector<16xi32>
        %add3A_594 = arith.addi %and3A_133, %add3A_593 : vector<16xi32>
        %gather3A_595 = tpu.vector_load_idx %arg12[%add3A_298, %add3A_594] : memref<128x128xf32, #tpu.memory_space<vmem>>[vector<16xi32>, vector<16xi32>], vector<16xf32>,
        %add3A_596 = arith.addi %mul3A_301, %add3A_594 : vector<16xi32>
        %gather3A_597 = tpu.vector_load_idx %arg7[%add3A_596] : memref<64000xf32, #tpu.memory_space<vmem>>[vector<16xi32>], vector<16xf32>,
        %add3A_598 = arith.addf %gather3A_595, %gather3A_597 : vector<16xf32>
        %mul3A_599 = arith.constant 5.000000e-01 : f32
        %mul3A_600 = vector.broadcast %mul3A_599 : f32 to vector<16xf32>
        %mul3A_601 = arith.mulf %add3A_598, %mul3A_600 : vector<16xf32>
        tpu.vector_store_idx %arg14[%add3A_594, %add3A_298], %mul3A_601 : memref<64x128xf32, #tpu.memory_space<vmem>>[vector<16xi32>, vector<16xi32>], vector<16xf32>,
        %add3A_602 = arith.constant 16 : i32
        %add3A_603 = vector.broadcast %add3A_602 : i32 to vector<16xi32>
        %add3A_604 = arith.addi %and3A_139, %add3A_603 : vector<16xi32>
        %gather3A_605 = tpu.vector_load_idx %arg12[%add3A_298, %add3A_604] : memref<128x128xf32, #tpu.memory_space<vmem>>[vector<16xi32>, vector<16xi32>], vector<16xf32>,
        %add3A_606 = arith.addi %mul3A_301, %add3A_604 : vector<16xi32>
        %gather3A_607 = tpu.vector_load_idx %arg7[%add3A_606] : memref<64000xf32, #tpu.memory_space<vmem>>[vector<16xi32>], vector<16xf32>,
        %add3A_608 = arith.addf %gather3A_605, %gather3A_607 : vector<16xf32>
        %mul3A_609 = arith.constant 5.000000e-01 : f32
        %mul3A_610 = vector.broadcast %mul3A_609 : f32 to vector<16xf32>
        %mul3A_611 = arith.mulf %add3A_608, %mul3A_610 : vector<16xf32>
        tpu.vector_store_idx %arg14[%add3A_604, %add3A_298], %mul3A_611 : memref<64x128xf32, #tpu.memory_space<vmem>>[vector<16xi32>, vector<16xi32>], vector<16xf32>,
        %add3A_612 = arith.constant 16 : i32
        %add3A_613 = vector.broadcast %add3A_612 : i32 to vector<16xi32>
        %add3A_614 = arith.addi %and3A_145, %add3A_613 : vector<16xi32>
        %gather3A_615 = tpu.vector_load_idx %arg12[%add3A_298, %add3A_614] : memref<128x128xf32, #tpu.memory_space<vmem>>[vector<16xi32>, vector<16xi32>], vector<16xf32>,
        %add3A_616 = arith.addi %mul3A_301, %add3A_614 : vector<16xi32>
        %gather3A_617 = tpu.vector_load_idx %arg7[%add3A_616] : memref<64000xf32, #tpu.memory_space<vmem>>[vector<16xi32>], vector<16xf32>,
        %add3A_618 = arith.addf %gather3A_615, %gather3A_617 : vector<16xf32>
        %mul3A_619 = arith.constant 5.000000e-01 : f32
        %mul3A_620 = vector.broadcast %mul3A_619 : f32 to vector<16xf32>
        %mul3A_621 = arith.mulf %add3A_618, %mul3A_620 : vector<16xf32>
        tpu.vector_store_idx %arg14[%add3A_614, %add3A_298], %mul3A_621 : memref<64x128xf32, #tpu.memory_space<vmem>>[vector<16xi32>, vector<16xi32>], vector<16xf32>,
        %add3A_622 = arith.constant 32 : i32
        %add3A_623 = vector.broadcast %add3A_622 : i32 to vector<16xi32>
        %add3A_624 = arith.addi %and3A_55, %add3A_623 : vector<16xi32>
        %gather3A_625 = tpu.vector_load_idx %arg12[%add3A_298, %add3A_624] : memref<128x128xf32, #tpu.memory_space<vmem>>[vector<16xi32>, vector<16xi32>], vector<16xf32>,
        %add3A_626 = arith.addi %mul3A_301, %add3A_624 : vector<16xi32>
        %gather3A_627 = tpu.vector_load_idx %arg7[%add3A_626] : memref<64000xf32, #tpu.memory_space<vmem>>[vector<16xi32>], vector<16xf32>,
        %add3A_628 = arith.addf %gather3A_625, %gather3A_627 : vector<16xf32>
        %mul3A_629 = arith.constant 5.000000e-01 : f32
        %mul3A_630 = vector.broadcast %mul3A_629 : f32 to vector<16xf32>
        %mul3A_631 = arith.mulf %add3A_628, %mul3A_630 : vector<16xf32>
        tpu.vector_store_idx %arg14[%add3A_624, %add3A_298], %mul3A_631 : memref<64x128xf32, #tpu.memory_space<vmem>>[vector<16xi32>, vector<16xi32>], vector<16xf32>,
        %add3A_632 = arith.constant 32 : i32
        %add3A_633 = vector.broadcast %add3A_632 : i32 to vector<16xi32>
        %add3A_634 = arith.addi %and3A_61, %add3A_633 : vector<16xi32>
        %gather3A_635 = tpu.vector_load_idx %arg12[%add3A_298, %add3A_634] : memref<128x128xf32, #tpu.memory_space<vmem>>[vector<16xi32>, vector<16xi32>], vector<16xf32>,
        %add3A_636 = arith.addi %mul3A_301, %add3A_634 : vector<16xi32>
        %gather3A_637 = tpu.vector_load_idx %arg7[%add3A_636] : memref<64000xf32, #tpu.memory_space<vmem>>[vector<16xi32>], vector<16xf32>,
        %add3A_638 = arith.addf %gather3A_635, %gather3A_637 : vector<16xf32>
        %mul3A_639 = arith.constant 5.000000e-01 : f32
        %mul3A_640 = vector.broadcast %mul3A_639 : f32 to vector<16xf32>
        %mul3A_641 = arith.mulf %add3A_638, %mul3A_640 : vector<16xf32>
        tpu.vector_store_idx %arg14[%add3A_634, %add3A_298], %mul3A_641 : memref<64x128xf32, #tpu.memory_space<vmem>>[vector<16xi32>, vector<16xi32>], vector<16xf32>,
        %add3A_642 = arith.constant 32 : i32
        %add3A_643 = vector.broadcast %add3A_642 : i32 to vector<16xi32>
        %add3A_644 = arith.addi %and3A_67, %add3A_643 : vector<16xi32>
        %gather3A_645 = tpu.vector_load_idx %arg12[%add3A_298, %add3A_644] : memref<128x128xf32, #tpu.memory_space<vmem>>[vector<16xi32>, vector<16xi32>], vector<16xf32>,
        %add3A_646 = arith.addi %mul3A_301, %add3A_644 : vector<16xi32>
        %gather3A_647 = tpu.vector_load_idx %arg7[%add3A_646] : memref<64000xf32, #tpu.memory_space<vmem>>[vector<16xi32>], vector<16xf32>,
        %add3A_648 = arith.addf %gather3A_645, %gather3A_647 : vector<16xf32>
        %mul3A_649 = arith.constant 5.000000e-01 : f32
        %mul3A_650 = vector.broadcast %mul3A_649 : f32 to vector<16xf32>
        %mul3A_651 = arith.mulf %add3A_648, %mul3A_650 : vector<16xf32>
        tpu.vector_store_idx %arg14[%add3A_644, %add3A_298], %mul3A_651 : memref<64x128xf32, #tpu.memory_space<vmem>>[vector<16xi32>, vector<16xi32>], vector<16xf32>,
        %add3A_652 = arith.constant 32 : i32
        %add3A_653 = vector.broadcast %add3A_652 : i32 to vector<16xi32>
        %add3A_654 = arith.addi %and3A_73, %add3A_653 : vector<16xi32>
        %gather3A_655 = tpu.vector_load_idx %arg12[%add3A_298, %add3A_654] : memref<128x128xf32, #tpu.memory_space<vmem>>[vector<16xi32>, vector<16xi32>], vector<16xf32>,
        %add3A_656 = arith.addi %mul3A_301, %add3A_654 : vector<16xi32>
        %gather3A_657 = tpu.vector_load_idx %arg7[%add3A_656] : memref<64000xf32, #tpu.memory_space<vmem>>[vector<16xi32>], vector<16xf32>,
        %add3A_658 = arith.addf %gather3A_655, %gather3A_657 : vector<16xf32>
        %mul3A_659 = arith.constant 5.000000e-01 : f32
        %mul3A_660 = vector.broadcast %mul3A_659 : f32 to vector<16xf32>
        %mul3A_661 = arith.mulf %add3A_658, %mul3A_660 : vector<16xf32>
        tpu.vector_store_idx %arg14[%add3A_654, %add3A_298], %mul3A_661 : memref<64x128xf32, #tpu.memory_space<vmem>>[vector<16xi32>, vector<16xi32>], vector<16xf32>,
        %add3A_662 = arith.constant 32 : i32
        %add3A_663 = vector.broadcast %add3A_662 : i32 to vector<16xi32>
        %add3A_664 = arith.addi %and3A_79, %add3A_663 : vector<16xi32>
        %gather3A_665 = tpu.vector_load_idx %arg12[%add3A_298, %add3A_664] : memref<128x128xf32, #tpu.memory_space<vmem>>[vector<16xi32>, vector<16xi32>], vector<16xf32>,
        %add3A_666 = arith.addi %mul3A_301, %add3A_664 : vector<16xi32>
        %gather3A_667 = tpu.vector_load_idx %arg7[%add3A_666] : memref<64000xf32, #tpu.memory_space<vmem>>[vector<16xi32>], vector<16xf32>,
        %add3A_668 = arith.addf %gather3A_665, %gather3A_667 : vector<16xf32>
        %mul3A_669 = arith.constant 5.000000e-01 : f32
        %mul3A_670 = vector.broadcast %mul3A_669 : f32 to vector<16xf32>
        %mul3A_671 = arith.mulf %add3A_668, %mul3A_670 : vector<16xf32>
        tpu.vector_store_idx %arg14[%add3A_664, %add3A_298], %mul3A_671 : memref<64x128xf32, #tpu.memory_space<vmem>>[vector<16xi32>, vector<16xi32>], vector<16xf32>,
        %add3A_672 = arith.constant 32 : i32
        %add3A_673 = vector.broadcast %add3A_672 : i32 to vector<16xi32>
        %add3A_674 = arith.addi %and3A_85, %add3A_673 : vector<16xi32>
        %gather3A_675 = tpu.vector_load_idx %arg12[%add3A_298, %add3A_674] : memref<128x128xf32, #tpu.memory_space<vmem>>[vector<16xi32>, vector<16xi32>], vector<16xf32>,
        %add3A_676 = arith.addi %mul3A_301, %add3A_674 : vector<16xi32>
        %gather3A_677 = tpu.vector_load_idx %arg7[%add3A_676] : memref<64000xf32, #tpu.memory_space<vmem>>[vector<16xi32>], vector<16xf32>,
        %add3A_678 = arith.addf %gather3A_675, %gather3A_677 : vector<16xf32>
        %mul3A_679 = arith.constant 5.000000e-01 : f32
        %mul3A_680 = vector.broadcast %mul3A_679 : f32 to vector<16xf32>
        %mul3A_681 = arith.mulf %add3A_678, %mul3A_680 : vector<16xf32>
        tpu.vector_store_idx %arg14[%add3A_674, %add3A_298], %mul3A_681 : memref<64x128xf32, #tpu.memory_space<vmem>>[vector<16xi32>, vector<16xi32>], vector<16xf32>,
        %add3A_682 = arith.constant 32 : i32
        %add3A_683 = vector.broadcast %add3A_682 : i32 to vector<16xi32>
        %add3A_684 = arith.addi %and3A_91, %add3A_683 : vector<16xi32>
        %gather3A_685 = tpu.vector_load_idx %arg12[%add3A_298, %add3A_684] : memref<128x128xf32, #tpu.memory_space<vmem>>[vector<16xi32>, vector<16xi32>], vector<16xf32>,
        %add3A_686 = arith.addi %mul3A_301, %add3A_684 : vector<16xi32>
        %gather3A_687 = tpu.vector_load_idx %arg7[%add3A_686] : memref<64000xf32, #tpu.memory_space<vmem>>[vector<16xi32>], vector<16xf32>,
        %add3A_688 = arith.addf %gather3A_685, %gather3A_687 : vector<16xf32>
        %mul3A_689 = arith.constant 5.000000e-01 : f32
        %mul3A_690 = vector.broadcast %mul3A_689 : f32 to vector<16xf32>
        %mul3A_691 = arith.mulf %add3A_688, %mul3A_690 : vector<16xf32>
        tpu.vector_store_idx %arg14[%add3A_684, %add3A_298], %mul3A_691 : memref<64x128xf32, #tpu.memory_space<vmem>>[vector<16xi32>, vector<16xi32>], vector<16xf32>,
        %add3A_692 = arith.constant 32 : i32
        %add3A_693 = vector.broadcast %add3A_692 : i32 to vector<16xi32>
        %add3A_694 = arith.addi %and3A_97, %add3A_693 : vector<16xi32>
        %gather3A_695 = tpu.vector_load_idx %arg12[%add3A_298, %add3A_694] : memref<128x128xf32, #tpu.memory_space<vmem>>[vector<16xi32>, vector<16xi32>], vector<16xf32>,
        %add3A_696 = arith.addi %mul3A_301, %add3A_694 : vector<16xi32>
        %gather3A_697 = tpu.vector_load_idx %arg7[%add3A_696] : memref<64000xf32, #tpu.memory_space<vmem>>[vector<16xi32>], vector<16xf32>,
        %add3A_698 = arith.addf %gather3A_695, %gather3A_697 : vector<16xf32>
        %mul3A_699 = arith.constant 5.000000e-01 : f32
        %mul3A_700 = vector.broadcast %mul3A_699 : f32 to vector<16xf32>
        %mul3A_701 = arith.mulf %add3A_698, %mul3A_700 : vector<16xf32>
        tpu.vector_store_idx %arg14[%add3A_694, %add3A_298], %mul3A_701 : memref<64x128xf32, #tpu.memory_space<vmem>>[vector<16xi32>, vector<16xi32>], vector<16xf32>,
        %add3A_702 = arith.constant 32 : i32
        %add3A_703 = vector.broadcast %add3A_702 : i32 to vector<16xi32>
        %add3A_704 = arith.addi %and3A_103, %add3A_703 : vector<16xi32>
        %gather3A_705 = tpu.vector_load_idx %arg12[%add3A_298, %add3A_704] : memref<128x128xf32, #tpu.memory_space<vmem>>[vector<16xi32>, vector<16xi32>], vector<16xf32>,
        %add3A_706 = arith.addi %mul3A_301, %add3A_704 : vector<16xi32>
        %gather3A_707 = tpu.vector_load_idx %arg7[%add3A_706] : memref<64000xf32, #tpu.memory_space<vmem>>[vector<16xi32>], vector<16xf32>,
        %add3A_708 = arith.addf %gather3A_705, %gather3A_707 : vector<16xf32>
        %mul3A_709 = arith.constant 5.000000e-01 : f32
        %mul3A_710 = vector.broadcast %mul3A_709 : f32 to vector<16xf32>
        %mul3A_711 = arith.mulf %add3A_708, %mul3A_710 : vector<16xf32>
        tpu.vector_store_idx %arg14[%add3A_704, %add3A_298], %mul3A_711 : memref<64x128xf32, #tpu.memory_space<vmem>>[vector<16xi32>, vector<16xi32>], vector<16xf32>,
        %add3A_712 = arith.constant 32 : i32
        %add3A_713 = vector.broadcast %add3A_712 : i32 to vector<16xi32>
        %add3A_714 = arith.addi %and3A_109, %add3A_713 : vector<16xi32>
        %gather3A_715 = tpu.vector_load_idx %arg12[%add3A_298, %add3A_714] : memref<128x128xf32, #tpu.memory_space<vmem>>[vector<16xi32>, vector<16xi32>], vector<16xf32>,
        %add3A_716 = arith.addi %mul3A_301, %add3A_714 : vector<16xi32>
        %gather3A_717 = tpu.vector_load_idx %arg7[%add3A_716] : memref<64000xf32, #tpu.memory_space<vmem>>[vector<16xi32>], vector<16xf32>,
        %add3A_718 = arith.addf %gather3A_715, %gather3A_717 : vector<16xf32>
        %mul3A_719 = arith.constant 5.000000e-01 : f32
        %mul3A_720 = vector.broadcast %mul3A_719 : f32 to vector<16xf32>
        %mul3A_721 = arith.mulf %add3A_718, %mul3A_720 : vector<16xf32>
        tpu.vector_store_idx %arg14[%add3A_714, %add3A_298], %mul3A_721 : memref<64x128xf32, #tpu.memory_space<vmem>>[vector<16xi32>, vector<16xi32>], vector<16xf32>,
        %add3A_722 = arith.constant 32 : i32
        %add3A_723 = vector.broadcast %add3A_722 : i32 to vector<16xi32>
        %add3A_724 = arith.addi %and3A_115, %add3A_723 : vector<16xi32>
        %gather3A_725 = tpu.vector_load_idx %arg12[%add3A_298, %add3A_724] : memref<128x128xf32, #tpu.memory_space<vmem>>[vector<16xi32>, vector<16xi32>], vector<16xf32>,
        %add3A_726 = arith.addi %mul3A_301, %add3A_724 : vector<16xi32>
        %gather3A_727 = tpu.vector_load_idx %arg7[%add3A_726] : memref<64000xf32, #tpu.memory_space<vmem>>[vector<16xi32>], vector<16xf32>,
        %add3A_728 = arith.addf %gather3A_725, %gather3A_727 : vector<16xf32>
        %mul3A_729 = arith.constant 5.000000e-01 : f32
        %mul3A_730 = vector.broadcast %mul3A_729 : f32 to vector<16xf32>
        %mul3A_731 = arith.mulf %add3A_728, %mul3A_730 : vector<16xf32>
        tpu.vector_store_idx %arg14[%add3A_724, %add3A_298], %mul3A_731 : memref<64x128xf32, #tpu.memory_space<vmem>>[vector<16xi32>, vector<16xi32>], vector<16xf32>,
        %add3A_732 = arith.constant 32 : i32
        %add3A_733 = vector.broadcast %add3A_732 : i32 to vector<16xi32>
        %add3A_734 = arith.addi %and3A_121, %add3A_733 : vector<16xi32>
        %gather3A_735 = tpu.vector_load_idx %arg12[%add3A_298, %add3A_734] : memref<128x128xf32, #tpu.memory_space<vmem>>[vector<16xi32>, vector<16xi32>], vector<16xf32>,
        %add3A_736 = arith.addi %mul3A_301, %add3A_734 : vector<16xi32>
        %gather3A_737 = tpu.vector_load_idx %arg7[%add3A_736] : memref<64000xf32, #tpu.memory_space<vmem>>[vector<16xi32>], vector<16xf32>,
        %add3A_738 = arith.addf %gather3A_735, %gather3A_737 : vector<16xf32>
        %mul3A_739 = arith.constant 5.000000e-01 : f32
        %mul3A_740 = vector.broadcast %mul3A_739 : f32 to vector<16xf32>
        %mul3A_741 = arith.mulf %add3A_738, %mul3A_740 : vector<16xf32>
        tpu.vector_store_idx %arg14[%add3A_734, %add3A_298], %mul3A_741 : memref<64x128xf32, #tpu.memory_space<vmem>>[vector<16xi32>, vector<16xi32>], vector<16xf32>,
        %add3A_742 = arith.constant 32 : i32
        %add3A_743 = vector.broadcast %add3A_742 : i32 to vector<16xi32>
        %add3A_744 = arith.addi %and3A_127, %add3A_743 : vector<16xi32>
        %gather3A_745 = tpu.vector_load_idx %arg12[%add3A_298, %add3A_744] : memref<128x128xf32, #tpu.memory_space<vmem>>[vector<16xi32>, vector<16xi32>], vector<16xf32>,
        %add3A_746 = arith.addi %mul3A_301, %add3A_744 : vector<16xi32>
        %gather3A_747 = tpu.vector_load_idx %arg7[%add3A_746] : memref<64000xf32, #tpu.memory_space<vmem>>[vector<16xi32>], vector<16xf32>,
        %add3A_748 = arith.addf %gather3A_745, %gather3A_747 : vector<16xf32>
        %mul3A_749 = arith.constant 5.000000e-01 : f32
        %mul3A_750 = vector.broadcast %mul3A_749 : f32 to vector<16xf32>
        %mul3A_751 = arith.mulf %add3A_748, %mul3A_750 : vector<16xf32>
        tpu.vector_store_idx %arg14[%add3A_744, %add3A_298], %mul3A_751 : memref<64x128xf32, #tpu.memory_space<vmem>>[vector<16xi32>, vector<16xi32>], vector<16xf32>,
        %add3A_752 = arith.constant 32 : i32
        %add3A_753 = vector.broadcast %add3A_752 : i32 to vector<16xi32>
        %add3A_754 = arith.addi %and3A_133, %add3A_753 : vector<16xi32>
        %gather3A_755 = tpu.vector_load_idx %arg12[%add3A_298, %add3A_754] : memref<128x128xf32, #tpu.memory_space<vmem>>[vector<16xi32>, vector<16xi32>], vector<16xf32>,
        %add3A_756 = arith.addi %mul3A_301, %add3A_754 : vector<16xi32>
        %gather3A_757 = tpu.vector_load_idx %arg7[%add3A_756] : memref<64000xf32, #tpu.memory_space<vmem>>[vector<16xi32>], vector<16xf32>,
        %add3A_758 = arith.addf %gather3A_755, %gather3A_757 : vector<16xf32>
        %mul3A_759 = arith.constant 5.000000e-01 : f32
        %mul3A_760 = vector.broadcast %mul3A_759 : f32 to vector<16xf32>
        %mul3A_761 = arith.mulf %add3A_758, %mul3A_760 : vector<16xf32>
        tpu.vector_store_idx %arg14[%add3A_754, %add3A_298], %mul3A_761 : memref<64x128xf32, #tpu.memory_space<vmem>>[vector<16xi32>, vector<16xi32>], vector<16xf32>,
        %add3A_762 = arith.constant 32 : i32
        %add3A_763 = vector.broadcast %add3A_762 : i32 to vector<16xi32>
        %add3A_764 = arith.addi %and3A_139, %add3A_763 : vector<16xi32>
        %gather3A_765 = tpu.vector_load_idx %arg12[%add3A_298, %add3A_764] : memref<128x128xf32, #tpu.memory_space<vmem>>[vector<16xi32>, vector<16xi32>], vector<16xf32>,
        %add3A_766 = arith.addi %mul3A_301, %add3A_764 : vector<16xi32>
        %gather3A_767 = tpu.vector_load_idx %arg7[%add3A_766] : memref<64000xf32, #tpu.memory_space<vmem>>[vector<16xi32>], vector<16xf32>,
        %add3A_768 = arith.addf %gather3A_765, %gather3A_767 : vector<16xf32>
        %mul3A_769 = arith.constant 5.000000e-01 : f32
        %mul3A_770 = vector.broadcast %mul3A_769 : f32 to vector<16xf32>
        %mul3A_771 = arith.mulf %add3A_768, %mul3A_770 : vector<16xf32>
        tpu.vector_store_idx %arg14[%add3A_764, %add3A_298], %mul3A_771 : memref<64x128xf32, #tpu.memory_space<vmem>>[vector<16xi32>, vector<16xi32>], vector<16xf32>,
        %add3A_772 = arith.constant 32 : i32
        %add3A_773 = vector.broadcast %add3A_772 : i32 to vector<16xi32>
        %add3A_774 = arith.addi %and3A_145, %add3A_773 : vector<16xi32>
        %gather3A_775 = tpu.vector_load_idx %arg12[%add3A_298, %add3A_774] : memref<128x128xf32, #tpu.memory_space<vmem>>[vector<16xi32>, vector<16xi32>], vector<16xf32>,
        %add3A_776 = arith.addi %mul3A_301, %add3A_774 : vector<16xi32>
        %gather3A_777 = tpu.vector_load_idx %arg7[%add3A_776] : memref<64000xf32, #tpu.memory_space<vmem>>[vector<16xi32>], vector<16xf32>,
        %add3A_778 = arith.addf %gather3A_775, %gather3A_777 : vector<16xf32>
        %mul3A_779 = arith.constant 5.000000e-01 : f32
        %mul3A_780 = vector.broadcast %mul3A_779 : f32 to vector<16xf32>
        %mul3A_781 = arith.mulf %add3A_778, %mul3A_780 : vector<16xf32>
        tpu.vector_store_idx %arg14[%add3A_774, %add3A_298], %mul3A_781 : memref<64x128xf32, #tpu.memory_space<vmem>>[vector<16xi32>, vector<16xi32>], vector<16xf32>,
        %add3A_782 = arith.constant 48 : i32
        %add3A_783 = vector.broadcast %add3A_782 : i32 to vector<16xi32>
        %add3A_784 = arith.addi %and3A_55, %add3A_783 : vector<16xi32>
        %gather3A_785 = tpu.vector_load_idx %arg12[%add3A_298, %add3A_784] : memref<128x128xf32, #tpu.memory_space<vmem>>[vector<16xi32>, vector<16xi32>], vector<16xf32>,
        %add3A_786 = arith.addi %mul3A_301, %add3A_784 : vector<16xi32>
        %gather3A_787 = tpu.vector_load_idx %arg7[%add3A_786] : memref<64000xf32, #tpu.memory_space<vmem>>[vector<16xi32>], vector<16xf32>,
        %add3A_788 = arith.addf %gather3A_785, %gather3A_787 : vector<16xf32>
        %mul3A_789 = arith.constant 5.000000e-01 : f32
        %mul3A_790 = vector.broadcast %mul3A_789 : f32 to vector<16xf32>
        %mul3A_791 = arith.mulf %add3A_788, %mul3A_790 : vector<16xf32>
        tpu.vector_store_idx %arg14[%add3A_784, %add3A_298], %mul3A_791 : memref<64x128xf32, #tpu.memory_space<vmem>>[vector<16xi32>, vector<16xi32>], vector<16xf32>,
        %add3A_792 = arith.constant 48 : i32
        %add3A_793 = vector.broadcast %add3A_792 : i32 to vector<16xi32>
        %add3A_794 = arith.addi %and3A_61, %add3A_793 : vector<16xi32>
        %gather3A_795 = tpu.vector_load_idx %arg12[%add3A_298, %add3A_794] : memref<128x128xf32, #tpu.memory_space<vmem>>[vector<16xi32>, vector<16xi32>], vector<16xf32>,
        %add3A_796 = arith.addi %mul3A_301, %add3A_794 : vector<16xi32>
        %gather3A_797 = tpu.vector_load_idx %arg7[%add3A_796] : memref<64000xf32, #tpu.memory_space<vmem>>[vector<16xi32>], vector<16xf32>,
        %add3A_798 = arith.addf %gather3A_795, %gather3A_797 : vector<16xf32>
        %mul3A_799 = arith.constant 5.000000e-01 : f32
        %mul3A_800 = vector.broadcast %mul3A_799 : f32 to vector<16xf32>
        %mul3A_801 = arith.mulf %add3A_798, %mul3A_800 : vector<16xf32>
        tpu.vector_store_idx %arg14[%add3A_794, %add3A_298], %mul3A_801 : memref<64x128xf32, #tpu.memory_space<vmem>>[vector<16xi32>, vector<16xi32>], vector<16xf32>,
        %add3A_802 = arith.constant 48 : i32
        %add3A_803 = vector.broadcast %add3A_802 : i32 to vector<16xi32>
        %add3A_804 = arith.addi %and3A_67, %add3A_803 : vector<16xi32>
        %gather3A_805 = tpu.vector_load_idx %arg12[%add3A_298, %add3A_804] : memref<128x128xf32, #tpu.memory_space<vmem>>[vector<16xi32>, vector<16xi32>], vector<16xf32>,
        %add3A_806 = arith.addi %mul3A_301, %add3A_804 : vector<16xi32>
        %gather3A_807 = tpu.vector_load_idx %arg7[%add3A_806] : memref<64000xf32, #tpu.memory_space<vmem>>[vector<16xi32>], vector<16xf32>,
        %add3A_808 = arith.addf %gather3A_805, %gather3A_807 : vector<16xf32>
        %mul3A_809 = arith.constant 5.000000e-01 : f32
        %mul3A_810 = vector.broadcast %mul3A_809 : f32 to vector<16xf32>
        %mul3A_811 = arith.mulf %add3A_808, %mul3A_810 : vector<16xf32>
        tpu.vector_store_idx %arg14[%add3A_804, %add3A_298], %mul3A_811 : memref<64x128xf32, #tpu.memory_space<vmem>>[vector<16xi32>, vector<16xi32>], vector<16xf32>,
        %add3A_812 = arith.constant 48 : i32
        %add3A_813 = vector.broadcast %add3A_812 : i32 to vector<16xi32>
        %add3A_814 = arith.addi %and3A_73, %add3A_813 : vector<16xi32>
        %gather3A_815 = tpu.vector_load_idx %arg12[%add3A_298, %add3A_814] : memref<128x128xf32, #tpu.memory_space<vmem>>[vector<16xi32>, vector<16xi32>], vector<16xf32>,
        %add3A_816 = arith.addi %mul3A_301, %add3A_814 : vector<16xi32>
        %gather3A_817 = tpu.vector_load_idx %arg7[%add3A_816] : memref<64000xf32, #tpu.memory_space<vmem>>[vector<16xi32>], vector<16xf32>,
        %add3A_818 = arith.addf %gather3A_815, %gather3A_817 : vector<16xf32>
        %mul3A_819 = arith.constant 5.000000e-01 : f32
        %mul3A_820 = vector.broadcast %mul3A_819 : f32 to vector<16xf32>
        %mul3A_821 = arith.mulf %add3A_818, %mul3A_820 : vector<16xf32>
        tpu.vector_store_idx %arg14[%add3A_814, %add3A_298], %mul3A_821 : memref<64x128xf32, #tpu.memory_space<vmem>>[vector<16xi32>, vector<16xi32>], vector<16xf32>,
        %add3A_822 = arith.constant 48 : i32
        %add3A_823 = vector.broadcast %add3A_822 : i32 to vector<16xi32>
        %add3A_824 = arith.addi %and3A_79, %add3A_823 : vector<16xi32>
        %gather3A_825 = tpu.vector_load_idx %arg12[%add3A_298, %add3A_824] : memref<128x128xf32, #tpu.memory_space<vmem>>[vector<16xi32>, vector<16xi32>], vector<16xf32>,
        %add3A_826 = arith.addi %mul3A_301, %add3A_824 : vector<16xi32>
        %gather3A_827 = tpu.vector_load_idx %arg7[%add3A_826] : memref<64000xf32, #tpu.memory_space<vmem>>[vector<16xi32>], vector<16xf32>,
        %add3A_828 = arith.addf %gather3A_825, %gather3A_827 : vector<16xf32>
        %mul3A_829 = arith.constant 5.000000e-01 : f32
        %mul3A_830 = vector.broadcast %mul3A_829 : f32 to vector<16xf32>
        %mul3A_831 = arith.mulf %add3A_828, %mul3A_830 : vector<16xf32>
        tpu.vector_store_idx %arg14[%add3A_824, %add3A_298], %mul3A_831 : memref<64x128xf32, #tpu.memory_space<vmem>>[vector<16xi32>, vector<16xi32>], vector<16xf32>,
        %add3A_832 = arith.constant 48 : i32
        %add3A_833 = vector.broadcast %add3A_832 : i32 to vector<16xi32>
        %add3A_834 = arith.addi %and3A_85, %add3A_833 : vector<16xi32>
        %gather3A_835 = tpu.vector_load_idx %arg12[%add3A_298, %add3A_834] : memref<128x128xf32, #tpu.memory_space<vmem>>[vector<16xi32>, vector<16xi32>], vector<16xf32>,
        %add3A_836 = arith.addi %mul3A_301, %add3A_834 : vector<16xi32>
        %gather3A_837 = tpu.vector_load_idx %arg7[%add3A_836] : memref<64000xf32, #tpu.memory_space<vmem>>[vector<16xi32>], vector<16xf32>,
        %add3A_838 = arith.addf %gather3A_835, %gather3A_837 : vector<16xf32>
        %mul3A_839 = arith.constant 5.000000e-01 : f32
        %mul3A_840 = vector.broadcast %mul3A_839 : f32 to vector<16xf32>
        %mul3A_841 = arith.mulf %add3A_838, %mul3A_840 : vector<16xf32>
        tpu.vector_store_idx %arg14[%add3A_834, %add3A_298], %mul3A_841 : memref<64x128xf32, #tpu.memory_space<vmem>>[vector<16xi32>, vector<16xi32>], vector<16xf32>,
        %add3A_842 = arith.constant 48 : i32
        %add3A_843 = vector.broadcast %add3A_842 : i32 to vector<16xi32>
        %add3A_844 = arith.addi %and3A_91, %add3A_843 : vector<16xi32>
        %gather3A_845 = tpu.vector_load_idx %arg12[%add3A_298, %add3A_844] : memref<128x128xf32, #tpu.memory_space<vmem>>[vector<16xi32>, vector<16xi32>], vector<16xf32>,
        %add3A_846 = arith.addi %mul3A_301, %add3A_844 : vector<16xi32>
        %gather3A_847 = tpu.vector_load_idx %arg7[%add3A_846] : memref<64000xf32, #tpu.memory_space<vmem>>[vector<16xi32>], vector<16xf32>,
        %add3A_848 = arith.addf %gather3A_845, %gather3A_847 : vector<16xf32>
        %mul3A_849 = arith.constant 5.000000e-01 : f32
        %mul3A_850 = vector.broadcast %mul3A_849 : f32 to vector<16xf32>
        %mul3A_851 = arith.mulf %add3A_848, %mul3A_850 : vector<16xf32>
        tpu.vector_store_idx %arg14[%add3A_844, %add3A_298], %mul3A_851 : memref<64x128xf32, #tpu.memory_space<vmem>>[vector<16xi32>, vector<16xi32>], vector<16xf32>,
        %add3A_852 = arith.constant 48 : i32
        %add3A_853 = vector.broadcast %add3A_852 : i32 to vector<16xi32>
        %add3A_854 = arith.addi %and3A_97, %add3A_853 : vector<16xi32>
        %gather3A_855 = tpu.vector_load_idx %arg12[%add3A_298, %add3A_854] : memref<128x128xf32, #tpu.memory_space<vmem>>[vector<16xi32>, vector<16xi32>], vector<16xf32>,
        %add3A_856 = arith.addi %mul3A_301, %add3A_854 : vector<16xi32>
        %gather3A_857 = tpu.vector_load_idx %arg7[%add3A_856] : memref<64000xf32, #tpu.memory_space<vmem>>[vector<16xi32>], vector<16xf32>,
        %add3A_858 = arith.addf %gather3A_855, %gather3A_857 : vector<16xf32>
        %mul3A_859 = arith.constant 5.000000e-01 : f32
        %mul3A_860 = vector.broadcast %mul3A_859 : f32 to vector<16xf32>
        %mul3A_861 = arith.mulf %add3A_858, %mul3A_860 : vector<16xf32>
        tpu.vector_store_idx %arg14[%add3A_854, %add3A_298], %mul3A_861 : memref<64x128xf32, #tpu.memory_space<vmem>>[vector<16xi32>, vector<16xi32>], vector<16xf32>,
        %add3A_862 = arith.constant 48 : i32
        %add3A_863 = vector.broadcast %add3A_862 : i32 to vector<16xi32>
        %add3A_864 = arith.addi %and3A_103, %add3A_863 : vector<16xi32>
        %gather3A_865 = tpu.vector_load_idx %arg12[%add3A_298, %add3A_864] : memref<128x128xf32, #tpu.memory_space<vmem>>[vector<16xi32>, vector<16xi32>], vector<16xf32>,
        %add3A_866 = arith.addi %mul3A_301, %add3A_864 : vector<16xi32>
        %gather3A_867 = tpu.vector_load_idx %arg7[%add3A_866] : memref<64000xf32, #tpu.memory_space<vmem>>[vector<16xi32>], vector<16xf32>,
        %add3A_868 = arith.addf %gather3A_865, %gather3A_867 : vector<16xf32>
        %mul3A_869 = arith.constant 5.000000e-01 : f32
        %mul3A_870 = vector.broadcast %mul3A_869 : f32 to vector<16xf32>
        %mul3A_871 = arith.mulf %add3A_868, %mul3A_870 : vector<16xf32>
        tpu.vector_store_idx %arg14[%add3A_864, %add3A_298], %mul3A_871 : memref<64x128xf32, #tpu.memory_space<vmem>>[vector<16xi32>, vector<16xi32>], vector<16xf32>,
        %add3A_872 = arith.constant 48 : i32
        %add3A_873 = vector.broadcast %add3A_872 : i32 to vector<16xi32>
        %add3A_874 = arith.addi %and3A_109, %add3A_873 : vector<16xi32>
        %gather3A_875 = tpu.vector_load_idx %arg12[%add3A_298, %add3A_874] : memref<128x128xf32, #tpu.memory_space<vmem>>[vector<16xi32>, vector<16xi32>], vector<16xf32>,
        %add3A_876 = arith.addi %mul3A_301, %add3A_874 : vector<16xi32>
        %gather3A_877 = tpu.vector_load_idx %arg7[%add3A_876] : memref<64000xf32, #tpu.memory_space<vmem>>[vector<16xi32>], vector<16xf32>,
        %add3A_878 = arith.addf %gather3A_875, %gather3A_877 : vector<16xf32>
        %mul3A_879 = arith.constant 5.000000e-01 : f32
        %mul3A_880 = vector.broadcast %mul3A_879 : f32 to vector<16xf32>
        %mul3A_881 = arith.mulf %add3A_878, %mul3A_880 : vector<16xf32>
        tpu.vector_store_idx %arg14[%add3A_874, %add3A_298], %mul3A_881 : memref<64x128xf32, #tpu.memory_space<vmem>>[vector<16xi32>, vector<16xi32>], vector<16xf32>,
        %add3A_882 = arith.constant 48 : i32
        %add3A_883 = vector.broadcast %add3A_882 : i32 to vector<16xi32>
        %add3A_884 = arith.addi %and3A_115, %add3A_883 : vector<16xi32>
        %gather3A_885 = tpu.vector_load_idx %arg12[%add3A_298, %add3A_884] : memref<128x128xf32, #tpu.memory_space<vmem>>[vector<16xi32>, vector<16xi32>], vector<16xf32>,
        %add3A_886 = arith.addi %mul3A_301, %add3A_884 : vector<16xi32>
        %gather3A_887 = tpu.vector_load_idx %arg7[%add3A_886] : memref<64000xf32, #tpu.memory_space<vmem>>[vector<16xi32>], vector<16xf32>,
        %add3A_888 = arith.addf %gather3A_885, %gather3A_887 : vector<16xf32>
        %mul3A_889 = arith.constant 5.000000e-01 : f32
        %mul3A_890 = vector.broadcast %mul3A_889 : f32 to vector<16xf32>
        %mul3A_891 = arith.mulf %add3A_888, %mul3A_890 : vector<16xf32>
        tpu.vector_store_idx %arg14[%add3A_884, %add3A_298], %mul3A_891 : memref<64x128xf32, #tpu.memory_space<vmem>>[vector<16xi32>, vector<16xi32>], vector<16xf32>,
        %add3A_892 = arith.constant 48 : i32
        %add3A_893 = vector.broadcast %add3A_892 : i32 to vector<16xi32>
        %add3A_894 = arith.addi %and3A_121, %add3A_893 : vector<16xi32>
        %gather3A_895 = tpu.vector_load_idx %arg12[%add3A_298, %add3A_894] : memref<128x128xf32, #tpu.memory_space<vmem>>[vector<16xi32>, vector<16xi32>], vector<16xf32>,
        %add3A_896 = arith.addi %mul3A_301, %add3A_894 : vector<16xi32>
        %gather3A_897 = tpu.vector_load_idx %arg7[%add3A_896] : memref<64000xf32, #tpu.memory_space<vmem>>[vector<16xi32>], vector<16xf32>,
        %add3A_898 = arith.addf %gather3A_895, %gather3A_897 : vector<16xf32>
        %mul3A_899 = arith.constant 5.000000e-01 : f32
        %mul3A_900 = vector.broadcast %mul3A_899 : f32 to vector<16xf32>
        %mul3A_901 = arith.mulf %add3A_898, %mul3A_900 : vector<16xf32>
        tpu.vector_store_idx %arg14[%add3A_894, %add3A_298], %mul3A_901 : memref<64x128xf32, #tpu.memory_space<vmem>>[vector<16xi32>, vector<16xi32>], vector<16xf32>,
        %add3A_902 = arith.constant 48 : i32
        %add3A_903 = vector.broadcast %add3A_902 : i32 to vector<16xi32>
        %add3A_904 = arith.addi %and3A_127, %add3A_903 : vector<16xi32>
        %gather3A_905 = tpu.vector_load_idx %arg12[%add3A_298, %add3A_904] : memref<128x128xf32, #tpu.memory_space<vmem>>[vector<16xi32>, vector<16xi32>], vector<16xf32>,
        %add3A_906 = arith.addi %mul3A_301, %add3A_904 : vector<16xi32>
        %gather3A_907 = tpu.vector_load_idx %arg7[%add3A_906] : memref<64000xf32, #tpu.memory_space<vmem>>[vector<16xi32>], vector<16xf32>,
        %add3A_908 = arith.addf %gather3A_905, %gather3A_907 : vector<16xf32>
        %mul3A_909 = arith.constant 5.000000e-01 : f32
        %mul3A_910 = vector.broadcast %mul3A_909 : f32 to vector<16xf32>
        %mul3A_911 = arith.mulf %add3A_908, %mul3A_910 : vector<16xf32>
        tpu.vector_store_idx %arg14[%add3A_904, %add3A_298], %mul3A_911 : memref<64x128xf32, #tpu.memory_space<vmem>>[vector<16xi32>, vector<16xi32>], vector<16xf32>,
        %add3A_912 = arith.constant 48 : i32
        %add3A_913 = vector.broadcast %add3A_912 : i32 to vector<16xi32>
        %add3A_914 = arith.addi %and3A_133, %add3A_913 : vector<16xi32>
        %gather3A_915 = tpu.vector_load_idx %arg12[%add3A_298, %add3A_914] : memref<128x128xf32, #tpu.memory_space<vmem>>[vector<16xi32>, vector<16xi32>], vector<16xf32>,
        %add3A_916 = arith.addi %mul3A_301, %add3A_914 : vector<16xi32>
        %gather3A_917 = tpu.vector_load_idx %arg7[%add3A_916] : memref<64000xf32, #tpu.memory_space<vmem>>[vector<16xi32>], vector<16xf32>,
        %add3A_918 = arith.addf %gather3A_915, %gather3A_917 : vector<16xf32>
        %mul3A_919 = arith.constant 5.000000e-01 : f32
        %mul3A_920 = vector.broadcast %mul3A_919 : f32 to vector<16xf32>
        %mul3A_921 = arith.mulf %add3A_918, %mul3A_920 : vector<16xf32>
        tpu.vector_store_idx %arg14[%add3A_914, %add3A_298], %mul3A_921 : memref<64x128xf32, #tpu.memory_space<vmem>>[vector<16xi32>, vector<16xi32>], vector<16xf32>,
        %add3A_922 = arith.constant 48 : i32
        %add3A_923 = vector.broadcast %add3A_922 : i32 to vector<16xi32>
        %add3A_924 = arith.addi %and3A_139, %add3A_923 : vector<16xi32>
        %gather3A_925 = tpu.vector_load_idx %arg12[%add3A_298, %add3A_924] : memref<128x128xf32, #tpu.memory_space<vmem>>[vector<16xi32>, vector<16xi32>], vector<16xf32>,
        %add3A_926 = arith.addi %mul3A_301, %add3A_924 : vector<16xi32>
        %gather3A_927 = tpu.vector_load_idx %arg7[%add3A_926] : memref<64000xf32, #tpu.memory_space<vmem>>[vector<16xi32>], vector<16xf32>,
        %add3A_928 = arith.addf %gather3A_925, %gather3A_927 : vector<16xf32>
        %mul3A_929 = arith.constant 5.000000e-01 : f32
        %mul3A_930 = vector.broadcast %mul3A_929 : f32 to vector<16xf32>
        %mul3A_931 = arith.mulf %add3A_928, %mul3A_930 : vector<16xf32>
        tpu.vector_store_idx %arg14[%add3A_924, %add3A_298], %mul3A_931 : memref<64x128xf32, #tpu.memory_space<vmem>>[vector<16xi32>, vector<16xi32>], vector<16xf32>,
        %add3A_932 = arith.constant 48 : i32
        %add3A_933 = vector.broadcast %add3A_932 : i32 to vector<16xi32>
        %add3A_934 = arith.addi %and3A_145, %add3A_933 : vector<16xi32>
        %gather3A_935 = tpu.vector_load_idx %arg12[%add3A_298, %add3A_934] : memref<128x128xf32, #tpu.memory_space<vmem>>[vector<16xi32>, vector<16xi32>], vector<16xf32>,
        %add3A_936 = arith.addi %mul3A_301, %add3A_934 : vector<16xi32>
        %gather3A_937 = tpu.vector_load_idx %arg7[%add3A_936] : memref<64000xf32, #tpu.memory_space<vmem>>[vector<16xi32>], vector<16xf32>,
        %add3A_938 = arith.addf %gather3A_935, %gather3A_937 : vector<16xf32>
        %mul3A_939 = arith.constant 5.000000e-01 : f32
        %mul3A_940 = vector.broadcast %mul3A_939 : f32 to vector<16xf32>
        %mul3A_941 = arith.mulf %add3A_938, %mul3A_940 : vector<16xf32>
        tpu.vector_store_idx %arg14[%add3A_934, %add3A_298], %mul3A_941 : memref<64x128xf32, #tpu.memory_space<vmem>>[vector<16xi32>, vector<16xi32>], vector<16xf32>,
      }
      %scan3A_151 = arith.constant 8 : i32
      %add3A_152 = arith.constant 2 : i32
      %add3A_153 = arith.addi %mul3A_43, %add3A_152 : i32
      %lt3A_154 = arith.constant 200 : i32
      %lt3A_155 = arith.cmpi slt, %add3A_153, %lt3A_154 : i32
      %convert_element_type3A_156 = arith.extui %lt3A_155 : i1 to i32
      %cond3A_157 = arith.constant 0 : i32
      %cond3A_158 = arith.cmpi ne, %convert_element_type3A_156, %cond3A_157 : i32
      scf.if %cond3A_158 {
        %add3A_294 = arith.constant 2 : i32
        %add3A_295 = arith.addi %mul3A_43, %add3A_294 : i32
        %mul3A_296 = arith.constant 4096 : i32
        %mul3A_297 = arith.muli %add3A_295, %mul3A_296 : i32
        %add3A_298 = arith.addi %mul3A_297, %mul3A_2 : i32
        %dma_start3A_299 = tpu.memref_slice %arg2[%add3A_298] : memref<819200xi32, #tpu.memory_space<hbm>> -> memref<128xi32, #tpu.memory_space<hbm>>
        %dma_start3A_300 = tpu.memref_slice %arg2[%add3A_298] : memref<819200xi32, #tpu.memory_space<hbm>> -> memref<128xi32, #tpu.memory_space<hbm>>
        tpu.enqueue_dma source(%dma_start3A_300 : memref<128xi32, #tpu.memory_space<hbm>>) target(%arg8 : memref<128xi32, #tpu.memory_space<vmem>>) target_semaphore(%arg16 : memref<!tpu.dma_semaphore, #tpu.memory_space<semaphore_mem>>)
        %dma_start3A_301 = tpu.memref_slice %arg3[%add3A_298] : memref<819200xi32, #tpu.memory_space<hbm>> -> memref<128xi32, #tpu.memory_space<hbm>>
        %dma_start3A_302 = tpu.memref_slice %arg3[%add3A_298] : memref<819200xi32, #tpu.memory_space<hbm>> -> memref<128xi32, #tpu.memory_space<hbm>>
        tpu.enqueue_dma source(%dma_start3A_302 : memref<128xi32, #tpu.memory_space<hbm>>) target(%arg9 : memref<128xi32, #tpu.memory_space<vmem>>) target_semaphore(%arg16 : memref<!tpu.dma_semaphore, #tpu.memory_space<semaphore_mem>>)
      } else {
      }
      %dma_start3A_159 = arith.constant 0 : i32
      %dma_start3A_160 = tpu.memref_slice %arg6[%mul3A_43, %dma_start3A_159, %mul3A_2] : memref<200x64x4096xf32, #tpu.memory_space<hbm>> -> memref<1x64x128xf32, #tpu.memory_space<hbm>>
      %dma_start3A_161 = tpu.memref_squeeze %dma_start3A_160 : memref<1x64x128xf32, #tpu.memory_space<hbm>> -> memref<64x128xf32, #tpu.memory_space<hbm>>
      %dma_start3A_162 = arith.constant 0 : i32
      %dma_start3A_163 = tpu.memref_slice %arg6[%mul3A_43, %dma_start3A_162, %mul3A_2] : memref<200x64x4096xf32, #tpu.memory_space<hbm>> -> memref<1x64x128xf32, #tpu.memory_space<hbm>>
      %dma_start3A_164 = tpu.memref_squeeze %dma_start3A_163 : memref<1x64x128xf32, #tpu.memory_space<hbm>> -> memref<64x128xf32, #tpu.memory_space<hbm>>
      tpu.enqueue_dma source(%arg14 : memref<64x128xf32, #tpu.memory_space<vmem>>) target(%dma_start3A_164 : memref<64x128xf32, #tpu.memory_space<hbm>>) target_semaphore(%arg20 : memref<!tpu.dma_semaphore, #tpu.memory_space<semaphore_mem>>)
      %mul3A_165 = arith.constant 2 : i32
      %mul3A_166 = arith.muli %mul3A_165, %scan3A_41 : i32
      %add3A_167 = arith.constant 1 : i32
      %add3A_168 = arith.addi %mul3A_166, %add3A_167 : i32
      %dma_wait3A_169 = arith.constant 0 : i32
      %dma_wait3A_170 = arith.constant 0 : i32
      %dma_wait3A_171 = tpu.memref_slice %arg4[%dma_wait3A_169, %dma_wait3A_170] : memref<1000000x128xf32, #tpu.memory_space<hbm>> -> memref<1000000x128xf32, #tpu.memory_space<hbm>>
      tpu.wait_indirect_dma semaphore(%arg19 : memref<!tpu.dma_semaphore, #tpu.memory_space<semaphore_mem>>) src(%dma_wait3A_171 : memref<1000000x128xf32, #tpu.memory_space<hbm>>) dst(%arg13 : memref<128x128xf32, #tpu.memory_space<vmem>>)
      %add3A_172 = arith.constant 1 : i32
      %add3A_173 = arith.addi %add3A_168, %add3A_172 : i32
      %lt3A_174 = arith.constant 200 : i32
      %lt3A_175 = arith.cmpi slt, %add3A_173, %lt3A_174 : i32
      %convert_element_type3A_176 = arith.extui %lt3A_175 : i1 to i32
      %cond3A_177 = arith.constant 0 : i32
      %cond3A_178 = arith.cmpi ne, %convert_element_type3A_176, %cond3A_177 : i32
      scf.if %cond3A_178 {
        %add3A_294 = arith.constant 1 : i32
        %add3A_295 = arith.addi %add3A_168, %add3A_294 : i32
        %mul3A_296 = arith.constant 4096 : i32
        %mul3A_297 = arith.muli %add3A_295, %mul3A_296 : i32
        %add3A_298 = arith.addi %mul3A_297, %mul3A_2 : i32
        %dma_wait3A_299 = tpu.memref_slice %arg2[%add3A_298] : memref<819200xi32, #tpu.memory_space<hbm>> -> memref<128xi32, #tpu.memory_space<hbm>>
        %dma_wait3A_300 = tpu.memref_slice %arg2[%add3A_298] : memref<819200xi32, #tpu.memory_space<hbm>> -> memref<128xi32, #tpu.memory_space<hbm>>
        tpu.wait_dma2 semaphore(%arg16 : memref<!tpu.dma_semaphore, #tpu.memory_space<semaphore_mem>>) src(%dma_wait3A_300 : memref<128xi32, #tpu.memory_space<hbm>>) dst(%arg8 : memref<128xi32, #tpu.memory_space<vmem>>)
        %dma_wait3A_301 = tpu.memref_slice %arg3[%add3A_298] : memref<819200xi32, #tpu.memory_space<hbm>> -> memref<128xi32, #tpu.memory_space<hbm>>
        %dma_wait3A_302 = tpu.memref_slice %arg3[%add3A_298] : memref<819200xi32, #tpu.memory_space<hbm>> -> memref<128xi32, #tpu.memory_space<hbm>>
        tpu.wait_dma2 semaphore(%arg16 : memref<!tpu.dma_semaphore, #tpu.memory_space<semaphore_mem>>) src(%dma_wait3A_302 : memref<128xi32, #tpu.memory_space<hbm>>) dst(%arg9 : memref<128xi32, #tpu.memory_space<vmem>>)
        %ge3A = arith.constant 1 : i32
        %ge3A_303 = arith.cmpi sge, %add3A_168, %ge3A : i32
        %convert_element_type3A_304 = arith.extui %ge3A_303 : i1 to i32
        %cond3A_305 = arith.constant 0 : i32
        %cond3A_306 = arith.cmpi ne, %convert_element_type3A_304, %cond3A_305 : i32
        scf.if %cond3A_306 {
          %sub3A = arith.constant 1 : i32
          %sub3A_310 = arith.subi %add3A_168, %sub3A : i32
          %dma_wait3A_311 = arith.constant 0 : i32
          %dma_wait3A_312 = tpu.memref_slice %arg6[%sub3A_310, %dma_wait3A_311, %mul3A_2] : memref<200x64x4096xf32, #tpu.memory_space<hbm>> -> memref<1x64x128xf32, #tpu.memory_space<hbm>>
          %dma_wait3A_313 = tpu.memref_squeeze %dma_wait3A_312 : memref<1x64x128xf32, #tpu.memory_space<hbm>> -> memref<64x128xf32, #tpu.memory_space<hbm>>
          %dma_wait3A_314 = arith.constant 0 : i32
          %dma_wait3A_315 = tpu.memref_slice %arg6[%sub3A_310, %dma_wait3A_314, %mul3A_2] : memref<200x64x4096xf32, #tpu.memory_space<hbm>> -> memref<1x64x128xf32, #tpu.memory_space<hbm>>
          %dma_wait3A_316 = tpu.memref_squeeze %dma_wait3A_315 : memref<1x64x128xf32, #tpu.memory_space<hbm>> -> memref<64x128xf32, #tpu.memory_space<hbm>>
          tpu.wait_dma2 semaphore(%arg20 : memref<!tpu.dma_semaphore, #tpu.memory_space<semaphore_mem>>) src(%arg14 : memref<64x128xf32, #tpu.memory_space<vmem>>) dst(%dma_wait3A_316 : memref<64x128xf32, #tpu.memory_space<hbm>>)
        } else {
        }
        %dma_start3A_307 = arith.constant 0 : i32
        %dma_start3A_308 = arith.constant 0 : i32
        %dma_start3A_309 = tpu.memref_slice %arg4[%dma_start3A_307, %dma_start3A_308] : memref<1000000x128xf32, #tpu.memory_space<hbm>> -> memref<1000000x128xf32, #tpu.memory_space<hbm>>
        tpu.enqueue_indirect_dma source(%dma_start3A_309 : memref<1000000x128xf32, #tpu.memory_space<hbm>>) target(%arg12 : memref<128x128xf32, #tpu.memory_space<vmem>>) offsets(%arg8 : memref<128xi32, #tpu.memory_space<vmem>>) semaphore(%arg18 : memref<!tpu.dma_semaphore, #tpu.memory_space<semaphore_mem>>)
      } else {
      }
      %add3A_179 = arith.constant 0 : i32
      %add3A_180 = vector.broadcast %add3A_179 : i32 to vector<16xi32>
      %add3A_181 = arith.addi %iota3A, %add3A_180 : vector<16xi32>
      %and3A_182 = arith.constant 15 : i32
      %and3A_183 = vector.broadcast %and3A_182 : i32 to vector<16xi32>
      %and3A_184 = arith.andi %add3A_181, %and3A_183 : vector<16xi32>
      %add3A_185 = arith.constant 1 : i32
      %add3A_186 = vector.broadcast %add3A_185 : i32 to vector<16xi32>
      %add3A_187 = arith.addi %iota3A, %add3A_186 : vector<16xi32>
      %and3A_188 = arith.constant 15 : i32
      %and3A_189 = vector.broadcast %and3A_188 : i32 to vector<16xi32>
      %and3A_190 = arith.andi %add3A_187, %and3A_189 : vector<16xi32>
      %add3A_191 = arith.constant 2 : i32
      %add3A_192 = vector.broadcast %add3A_191 : i32 to vector<16xi32>
      %add3A_193 = arith.addi %iota3A, %add3A_192 : vector<16xi32>
      %and3A_194 = arith.constant 15 : i32
      %and3A_195 = vector.broadcast %and3A_194 : i32 to vector<16xi32>
      %and3A_196 = arith.andi %add3A_193, %and3A_195 : vector<16xi32>
      %add3A_197 = arith.constant 3 : i32
      %add3A_198 = vector.broadcast %add3A_197 : i32 to vector<16xi32>
      %add3A_199 = arith.addi %iota3A, %add3A_198 : vector<16xi32>
      %and3A_200 = arith.constant 15 : i32
      %and3A_201 = vector.broadcast %and3A_200 : i32 to vector<16xi32>
      %and3A_202 = arith.andi %add3A_199, %and3A_201 : vector<16xi32>
      %add3A_203 = arith.constant 4 : i32
      %add3A_204 = vector.broadcast %add3A_203 : i32 to vector<16xi32>
      %add3A_205 = arith.addi %iota3A, %add3A_204 : vector<16xi32>
      %and3A_206 = arith.constant 15 : i32
      %and3A_207 = vector.broadcast %and3A_206 : i32 to vector<16xi32>
      %and3A_208 = arith.andi %add3A_205, %and3A_207 : vector<16xi32>
      %add3A_209 = arith.constant 5 : i32
      %add3A_210 = vector.broadcast %add3A_209 : i32 to vector<16xi32>
      %add3A_211 = arith.addi %iota3A, %add3A_210 : vector<16xi32>
      %and3A_212 = arith.constant 15 : i32
      %and3A_213 = vector.broadcast %and3A_212 : i32 to vector<16xi32>
      %and3A_214 = arith.andi %add3A_211, %and3A_213 : vector<16xi32>
      %add3A_215 = arith.constant 6 : i32
      %add3A_216 = vector.broadcast %add3A_215 : i32 to vector<16xi32>
      %add3A_217 = arith.addi %iota3A, %add3A_216 : vector<16xi32>
      %and3A_218 = arith.constant 15 : i32
      %and3A_219 = vector.broadcast %and3A_218 : i32 to vector<16xi32>
      %and3A_220 = arith.andi %add3A_217, %and3A_219 : vector<16xi32>
      %add3A_221 = arith.constant 7 : i32
      %add3A_222 = vector.broadcast %add3A_221 : i32 to vector<16xi32>
      %add3A_223 = arith.addi %iota3A, %add3A_222 : vector<16xi32>
      %and3A_224 = arith.constant 15 : i32
      %and3A_225 = vector.broadcast %and3A_224 : i32 to vector<16xi32>
      %and3A_226 = arith.andi %add3A_223, %and3A_225 : vector<16xi32>
      %add3A_227 = arith.constant 8 : i32
      %add3A_228 = vector.broadcast %add3A_227 : i32 to vector<16xi32>
      %add3A_229 = arith.addi %iota3A, %add3A_228 : vector<16xi32>
      %and3A_230 = arith.constant 15 : i32
      %and3A_231 = vector.broadcast %and3A_230 : i32 to vector<16xi32>
      %and3A_232 = arith.andi %add3A_229, %and3A_231 : vector<16xi32>
      %add3A_233 = arith.constant 9 : i32
      %add3A_234 = vector.broadcast %add3A_233 : i32 to vector<16xi32>
      %add3A_235 = arith.addi %iota3A, %add3A_234 : vector<16xi32>
      %and3A_236 = arith.constant 15 : i32
      %and3A_237 = vector.broadcast %and3A_236 : i32 to vector<16xi32>
      %and3A_238 = arith.andi %add3A_235, %and3A_237 : vector<16xi32>
      %add3A_239 = arith.constant 10 : i32
      %add3A_240 = vector.broadcast %add3A_239 : i32 to vector<16xi32>
      %add3A_241 = arith.addi %iota3A, %add3A_240 : vector<16xi32>
      %and3A_242 = arith.constant 15 : i32
      %and3A_243 = vector.broadcast %and3A_242 : i32 to vector<16xi32>
      %and3A_244 = arith.andi %add3A_241, %and3A_243 : vector<16xi32>
      %add3A_245 = arith.constant 11 : i32
      %add3A_246 = vector.broadcast %add3A_245 : i32 to vector<16xi32>
      %add3A_247 = arith.addi %iota3A, %add3A_246 : vector<16xi32>
      %and3A_248 = arith.constant 15 : i32
      %and3A_249 = vector.broadcast %and3A_248 : i32 to vector<16xi32>
      %and3A_250 = arith.andi %add3A_247, %and3A_249 : vector<16xi32>
      %add3A_251 = arith.constant 12 : i32
      %add3A_252 = vector.broadcast %add3A_251 : i32 to vector<16xi32>
      %add3A_253 = arith.addi %iota3A, %add3A_252 : vector<16xi32>
      %and3A_254 = arith.constant 15 : i32
      %and3A_255 = vector.broadcast %and3A_254 : i32 to vector<16xi32>
      %and3A_256 = arith.andi %add3A_253, %and3A_255 : vector<16xi32>
      %add3A_257 = arith.constant 13 : i32
      %add3A_258 = vector.broadcast %add3A_257 : i32 to vector<16xi32>
      %add3A_259 = arith.addi %iota3A, %add3A_258 : vector<16xi32>
      %and3A_260 = arith.constant 15 : i32
      %and3A_261 = vector.broadcast %and3A_260 : i32 to vector<16xi32>
      %and3A_262 = arith.andi %add3A_259, %and3A_261 : vector<16xi32>
      %add3A_263 = arith.constant 14 : i32
      %add3A_264 = vector.broadcast %add3A_263 : i32 to vector<16xi32>
      %add3A_265 = arith.addi %iota3A, %add3A_264 : vector<16xi32>
      %and3A_266 = arith.constant 15 : i32
      %and3A_267 = vector.broadcast %and3A_266 : i32 to vector<16xi32>
      %and3A_268 = arith.andi %add3A_265, %and3A_267 : vector<16xi32>
      %add3A_269 = arith.constant 15 : i32
      %add3A_270 = vector.broadcast %add3A_269 : i32 to vector<16xi32>
      %add3A_271 = arith.addi %iota3A, %add3A_270 : vector<16xi32>
      %and3A_272 = arith.constant 15 : i32
      %and3A_273 = vector.broadcast %and3A_272 : i32 to vector<16xi32>
      %and3A_274 = arith.andi %add3A_271, %and3A_273 : vector<16xi32>
      %scan3A_275 = arith.constant 0 : i32
      %scan3A_276 = arith.constant 0 : i32
      %scan3A_277 = arith.constant 8 : i32
      %scan3A_278 = arith.addi %scan3A_276, %scan3A_277 : i32
      %scan3A_279 = arith.constant 1 : i32
      scf.for %scan3A_294 = %scan3A_276 to %scan3A_278 step %scan3A_279  : i32 {
        %mul3A_295 = arith.constant 16 : i32
        %mul3A_296 = arith.muli %scan3A_294, %mul3A_295 : i32
        %add3A_297 = vector.broadcast %mul3A_296 : i32 to vector<16xi32>
        %add3A_298 = arith.addi %iota3A, %add3A_297 : vector<16xi32>
        %gather3A = tpu.vector_load_idx %arg11[%add3A_298] : memref<128xi32, #tpu.memory_space<vmem>>[vector<16xi32>], vector<16xi32>,
        %mul3A_299 = arith.constant 64 : i32
        %mul3A_300 = vector.broadcast %mul3A_299 : i32 to vector<16xi32>
        %mul3A_301 = arith.muli %gather3A, %mul3A_300 : vector<16xi32>
        %add3A_302 = arith.constant 0 : i32
        %add3A_303 = vector.broadcast %add3A_302 : i32 to vector<16xi32>
        %add3A_304 = arith.addi %and3A_184, %add3A_303 : vector<16xi32>
        %gather3A_305 = tpu.vector_load_idx %arg13[%add3A_298, %add3A_304] : memref<128x128xf32, #tpu.memory_space<vmem>>[vector<16xi32>, vector<16xi32>], vector<16xf32>,
        %add3A_306 = arith.addi %mul3A_301, %add3A_304 : vector<16xi32>
        %gather3A_307 = tpu.vector_load_idx %arg7[%add3A_306] : memref<64000xf32, #tpu.memory_space<vmem>>[vector<16xi32>], vector<16xf32>,
        %add3A_308 = arith.addf %gather3A_305, %gather3A_307 : vector<16xf32>
        %mul3A_309 = arith.constant 5.000000e-01 : f32
        %mul3A_310 = vector.broadcast %mul3A_309 : f32 to vector<16xf32>
        %mul3A_311 = arith.mulf %add3A_308, %mul3A_310 : vector<16xf32>
        tpu.vector_store_idx %arg15[%add3A_304, %add3A_298], %mul3A_311 : memref<64x128xf32, #tpu.memory_space<vmem>>[vector<16xi32>, vector<16xi32>], vector<16xf32>,
        %add3A_312 = arith.constant 0 : i32
        %add3A_313 = vector.broadcast %add3A_312 : i32 to vector<16xi32>
        %add3A_314 = arith.addi %and3A_190, %add3A_313 : vector<16xi32>
        %gather3A_315 = tpu.vector_load_idx %arg13[%add3A_298, %add3A_314] : memref<128x128xf32, #tpu.memory_space<vmem>>[vector<16xi32>, vector<16xi32>], vector<16xf32>,
        %add3A_316 = arith.addi %mul3A_301, %add3A_314 : vector<16xi32>
        %gather3A_317 = tpu.vector_load_idx %arg7[%add3A_316] : memref<64000xf32, #tpu.memory_space<vmem>>[vector<16xi32>], vector<16xf32>,
        %add3A_318 = arith.addf %gather3A_315, %gather3A_317 : vector<16xf32>
        %mul3A_319 = arith.constant 5.000000e-01 : f32
        %mul3A_320 = vector.broadcast %mul3A_319 : f32 to vector<16xf32>
        %mul3A_321 = arith.mulf %add3A_318, %mul3A_320 : vector<16xf32>
        tpu.vector_store_idx %arg15[%add3A_314, %add3A_298], %mul3A_321 : memref<64x128xf32, #tpu.memory_space<vmem>>[vector<16xi32>, vector<16xi32>], vector<16xf32>,
        %add3A_322 = arith.constant 0 : i32
        %add3A_323 = vector.broadcast %add3A_322 : i32 to vector<16xi32>
        %add3A_324 = arith.addi %and3A_196, %add3A_323 : vector<16xi32>
        %gather3A_325 = tpu.vector_load_idx %arg13[%add3A_298, %add3A_324] : memref<128x128xf32, #tpu.memory_space<vmem>>[vector<16xi32>, vector<16xi32>], vector<16xf32>,
        %add3A_326 = arith.addi %mul3A_301, %add3A_324 : vector<16xi32>
        %gather3A_327 = tpu.vector_load_idx %arg7[%add3A_326] : memref<64000xf32, #tpu.memory_space<vmem>>[vector<16xi32>], vector<16xf32>,
        %add3A_328 = arith.addf %gather3A_325, %gather3A_327 : vector<16xf32>
        %mul3A_329 = arith.constant 5.000000e-01 : f32
        %mul3A_330 = vector.broadcast %mul3A_329 : f32 to vector<16xf32>
        %mul3A_331 = arith.mulf %add3A_328, %mul3A_330 : vector<16xf32>
        tpu.vector_store_idx %arg15[%add3A_324, %add3A_298], %mul3A_331 : memref<64x128xf32, #tpu.memory_space<vmem>>[vector<16xi32>, vector<16xi32>], vector<16xf32>,
        %add3A_332 = arith.constant 0 : i32
        %add3A_333 = vector.broadcast %add3A_332 : i32 to vector<16xi32>
        %add3A_334 = arith.addi %and3A_202, %add3A_333 : vector<16xi32>
        %gather3A_335 = tpu.vector_load_idx %arg13[%add3A_298, %add3A_334] : memref<128x128xf32, #tpu.memory_space<vmem>>[vector<16xi32>, vector<16xi32>], vector<16xf32>,
        %add3A_336 = arith.addi %mul3A_301, %add3A_334 : vector<16xi32>
        %gather3A_337 = tpu.vector_load_idx %arg7[%add3A_336] : memref<64000xf32, #tpu.memory_space<vmem>>[vector<16xi32>], vector<16xf32>,
        %add3A_338 = arith.addf %gather3A_335, %gather3A_337 : vector<16xf32>
        %mul3A_339 = arith.constant 5.000000e-01 : f32
        %mul3A_340 = vector.broadcast %mul3A_339 : f32 to vector<16xf32>
        %mul3A_341 = arith.mulf %add3A_338, %mul3A_340 : vector<16xf32>
        tpu.vector_store_idx %arg15[%add3A_334, %add3A_298], %mul3A_341 : memref<64x128xf32, #tpu.memory_space<vmem>>[vector<16xi32>, vector<16xi32>], vector<16xf32>,
        %add3A_342 = arith.constant 0 : i32
        %add3A_343 = vector.broadcast %add3A_342 : i32 to vector<16xi32>
        %add3A_344 = arith.addi %and3A_208, %add3A_343 : vector<16xi32>
        %gather3A_345 = tpu.vector_load_idx %arg13[%add3A_298, %add3A_344] : memref<128x128xf32, #tpu.memory_space<vmem>>[vector<16xi32>, vector<16xi32>], vector<16xf32>,
        %add3A_346 = arith.addi %mul3A_301, %add3A_344 : vector<16xi32>
        %gather3A_347 = tpu.vector_load_idx %arg7[%add3A_346] : memref<64000xf32, #tpu.memory_space<vmem>>[vector<16xi32>], vector<16xf32>,
        %add3A_348 = arith.addf %gather3A_345, %gather3A_347 : vector<16xf32>
        %mul3A_349 = arith.constant 5.000000e-01 : f32
        %mul3A_350 = vector.broadcast %mul3A_349 : f32 to vector<16xf32>
        %mul3A_351 = arith.mulf %add3A_348, %mul3A_350 : vector<16xf32>
        tpu.vector_store_idx %arg15[%add3A_344, %add3A_298], %mul3A_351 : memref<64x128xf32, #tpu.memory_space<vmem>>[vector<16xi32>, vector<16xi32>], vector<16xf32>,
        %add3A_352 = arith.constant 0 : i32
        %add3A_353 = vector.broadcast %add3A_352 : i32 to vector<16xi32>
        %add3A_354 = arith.addi %and3A_214, %add3A_353 : vector<16xi32>
        %gather3A_355 = tpu.vector_load_idx %arg13[%add3A_298, %add3A_354] : memref<128x128xf32, #tpu.memory_space<vmem>>[vector<16xi32>, vector<16xi32>], vector<16xf32>,
        %add3A_356 = arith.addi %mul3A_301, %add3A_354 : vector<16xi32>
        %gather3A_357 = tpu.vector_load_idx %arg7[%add3A_356] : memref<64000xf32, #tpu.memory_space<vmem>>[vector<16xi32>], vector<16xf32>,
        %add3A_358 = arith.addf %gather3A_355, %gather3A_357 : vector<16xf32>
        %mul3A_359 = arith.constant 5.000000e-01 : f32
        %mul3A_360 = vector.broadcast %mul3A_359 : f32 to vector<16xf32>
        %mul3A_361 = arith.mulf %add3A_358, %mul3A_360 : vector<16xf32>
        tpu.vector_store_idx %arg15[%add3A_354, %add3A_298], %mul3A_361 : memref<64x128xf32, #tpu.memory_space<vmem>>[vector<16xi32>, vector<16xi32>], vector<16xf32>,
        %add3A_362 = arith.constant 0 : i32
        %add3A_363 = vector.broadcast %add3A_362 : i32 to vector<16xi32>
        %add3A_364 = arith.addi %and3A_220, %add3A_363 : vector<16xi32>
        %gather3A_365 = tpu.vector_load_idx %arg13[%add3A_298, %add3A_364] : memref<128x128xf32, #tpu.memory_space<vmem>>[vector<16xi32>, vector<16xi32>], vector<16xf32>,
        %add3A_366 = arith.addi %mul3A_301, %add3A_364 : vector<16xi32>
        %gather3A_367 = tpu.vector_load_idx %arg7[%add3A_366] : memref<64000xf32, #tpu.memory_space<vmem>>[vector<16xi32>], vector<16xf32>,
        %add3A_368 = arith.addf %gather3A_365, %gather3A_367 : vector<16xf32>
        %mul3A_369 = arith.constant 5.000000e-01 : f32
        %mul3A_370 = vector.broadcast %mul3A_369 : f32 to vector<16xf32>
        %mul3A_371 = arith.mulf %add3A_368, %mul3A_370 : vector<16xf32>
        tpu.vector_store_idx %arg15[%add3A_364, %add3A_298], %mul3A_371 : memref<64x128xf32, #tpu.memory_space<vmem>>[vector<16xi32>, vector<16xi32>], vector<16xf32>,
        %add3A_372 = arith.constant 0 : i32
        %add3A_373 = vector.broadcast %add3A_372 : i32 to vector<16xi32>
        %add3A_374 = arith.addi %and3A_226, %add3A_373 : vector<16xi32>
        %gather3A_375 = tpu.vector_load_idx %arg13[%add3A_298, %add3A_374] : memref<128x128xf32, #tpu.memory_space<vmem>>[vector<16xi32>, vector<16xi32>], vector<16xf32>,
        %add3A_376 = arith.addi %mul3A_301, %add3A_374 : vector<16xi32>
        %gather3A_377 = tpu.vector_load_idx %arg7[%add3A_376] : memref<64000xf32, #tpu.memory_space<vmem>>[vector<16xi32>], vector<16xf32>,
        %add3A_378 = arith.addf %gather3A_375, %gather3A_377 : vector<16xf32>
        %mul3A_379 = arith.constant 5.000000e-01 : f32
        %mul3A_380 = vector.broadcast %mul3A_379 : f32 to vector<16xf32>
        %mul3A_381 = arith.mulf %add3A_378, %mul3A_380 : vector<16xf32>
        tpu.vector_store_idx %arg15[%add3A_374, %add3A_298], %mul3A_381 : memref<64x128xf32, #tpu.memory_space<vmem>>[vector<16xi32>, vector<16xi32>], vector<16xf32>,
        %add3A_382 = arith.constant 0 : i32
        %add3A_383 = vector.broadcast %add3A_382 : i32 to vector<16xi32>
        %add3A_384 = arith.addi %and3A_232, %add3A_383 : vector<16xi32>
        %gather3A_385 = tpu.vector_load_idx %arg13[%add3A_298, %add3A_384] : memref<128x128xf32, #tpu.memory_space<vmem>>[vector<16xi32>, vector<16xi32>], vector<16xf32>,
        %add3A_386 = arith.addi %mul3A_301, %add3A_384 : vector<16xi32>
        %gather3A_387 = tpu.vector_load_idx %arg7[%add3A_386] : memref<64000xf32, #tpu.memory_space<vmem>>[vector<16xi32>], vector<16xf32>,
        %add3A_388 = arith.addf %gather3A_385, %gather3A_387 : vector<16xf32>
        %mul3A_389 = arith.constant 5.000000e-01 : f32
        %mul3A_390 = vector.broadcast %mul3A_389 : f32 to vector<16xf32>
        %mul3A_391 = arith.mulf %add3A_388, %mul3A_390 : vector<16xf32>
        tpu.vector_store_idx %arg15[%add3A_384, %add3A_298], %mul3A_391 : memref<64x128xf32, #tpu.memory_space<vmem>>[vector<16xi32>, vector<16xi32>], vector<16xf32>,
        %add3A_392 = arith.constant 0 : i32
        %add3A_393 = vector.broadcast %add3A_392 : i32 to vector<16xi32>
        %add3A_394 = arith.addi %and3A_238, %add3A_393 : vector<16xi32>
        %gather3A_395 = tpu.vector_load_idx %arg13[%add3A_298, %add3A_394] : memref<128x128xf32, #tpu.memory_space<vmem>>[vector<16xi32>, vector<16xi32>], vector<16xf32>,
        %add3A_396 = arith.addi %mul3A_301, %add3A_394 : vector<16xi32>
        %gather3A_397 = tpu.vector_load_idx %arg7[%add3A_396] : memref<64000xf32, #tpu.memory_space<vmem>>[vector<16xi32>], vector<16xf32>,
        %add3A_398 = arith.addf %gather3A_395, %gather3A_397 : vector<16xf32>
        %mul3A_399 = arith.constant 5.000000e-01 : f32
        %mul3A_400 = vector.broadcast %mul3A_399 : f32 to vector<16xf32>
        %mul3A_401 = arith.mulf %add3A_398, %mul3A_400 : vector<16xf32>
        tpu.vector_store_idx %arg15[%add3A_394, %add3A_298], %mul3A_401 : memref<64x128xf32, #tpu.memory_space<vmem>>[vector<16xi32>, vector<16xi32>], vector<16xf32>,
        %add3A_402 = arith.constant 0 : i32
        %add3A_403 = vector.broadcast %add3A_402 : i32 to vector<16xi32>
        %add3A_404 = arith.addi %and3A_244, %add3A_403 : vector<16xi32>
        %gather3A_405 = tpu.vector_load_idx %arg13[%add3A_298, %add3A_404] : memref<128x128xf32, #tpu.memory_space<vmem>>[vector<16xi32>, vector<16xi32>], vector<16xf32>,
        %add3A_406 = arith.addi %mul3A_301, %add3A_404 : vector<16xi32>
        %gather3A_407 = tpu.vector_load_idx %arg7[%add3A_406] : memref<64000xf32, #tpu.memory_space<vmem>>[vector<16xi32>], vector<16xf32>,
        %add3A_408 = arith.addf %gather3A_405, %gather3A_407 : vector<16xf32>
        %mul3A_409 = arith.constant 5.000000e-01 : f32
        %mul3A_410 = vector.broadcast %mul3A_409 : f32 to vector<16xf32>
        %mul3A_411 = arith.mulf %add3A_408, %mul3A_410 : vector<16xf32>
        tpu.vector_store_idx %arg15[%add3A_404, %add3A_298], %mul3A_411 : memref<64x128xf32, #tpu.memory_space<vmem>>[vector<16xi32>, vector<16xi32>], vector<16xf32>,
        %add3A_412 = arith.constant 0 : i32
        %add3A_413 = vector.broadcast %add3A_412 : i32 to vector<16xi32>
        %add3A_414 = arith.addi %and3A_250, %add3A_413 : vector<16xi32>
        %gather3A_415 = tpu.vector_load_idx %arg13[%add3A_298, %add3A_414] : memref<128x128xf32, #tpu.memory_space<vmem>>[vector<16xi32>, vector<16xi32>], vector<16xf32>,
        %add3A_416 = arith.addi %mul3A_301, %add3A_414 : vector<16xi32>
        %gather3A_417 = tpu.vector_load_idx %arg7[%add3A_416] : memref<64000xf32, #tpu.memory_space<vmem>>[vector<16xi32>], vector<16xf32>,
        %add3A_418 = arith.addf %gather3A_415, %gather3A_417 : vector<16xf32>
        %mul3A_419 = arith.constant 5.000000e-01 : f32
        %mul3A_420 = vector.broadcast %mul3A_419 : f32 to vector<16xf32>
        %mul3A_421 = arith.mulf %add3A_418, %mul3A_420 : vector<16xf32>
        tpu.vector_store_idx %arg15[%add3A_414, %add3A_298], %mul3A_421 : memref<64x128xf32, #tpu.memory_space<vmem>>[vector<16xi32>, vector<16xi32>], vector<16xf32>,
        %add3A_422 = arith.constant 0 : i32
        %add3A_423 = vector.broadcast %add3A_422 : i32 to vector<16xi32>
        %add3A_424 = arith.addi %and3A_256, %add3A_423 : vector<16xi32>
        %gather3A_425 = tpu.vector_load_idx %arg13[%add3A_298, %add3A_424] : memref<128x128xf32, #tpu.memory_space<vmem>>[vector<16xi32>, vector<16xi32>], vector<16xf32>,
        %add3A_426 = arith.addi %mul3A_301, %add3A_424 : vector<16xi32>
        %gather3A_427 = tpu.vector_load_idx %arg7[%add3A_426] : memref<64000xf32, #tpu.memory_space<vmem>>[vector<16xi32>], vector<16xf32>,
        %add3A_428 = arith.addf %gather3A_425, %gather3A_427 : vector<16xf32>
        %mul3A_429 = arith.constant 5.000000e-01 : f32
        %mul3A_430 = vector.broadcast %mul3A_429 : f32 to vector<16xf32>
        %mul3A_431 = arith.mulf %add3A_428, %mul3A_430 : vector<16xf32>
        tpu.vector_store_idx %arg15[%add3A_424, %add3A_298], %mul3A_431 : memref<64x128xf32, #tpu.memory_space<vmem>>[vector<16xi32>, vector<16xi32>], vector<16xf32>,
        %add3A_432 = arith.constant 0 : i32
        %add3A_433 = vector.broadcast %add3A_432 : i32 to vector<16xi32>
        %add3A_434 = arith.addi %and3A_262, %add3A_433 : vector<16xi32>
        %gather3A_435 = tpu.vector_load_idx %arg13[%add3A_298, %add3A_434] : memref<128x128xf32, #tpu.memory_space<vmem>>[vector<16xi32>, vector<16xi32>], vector<16xf32>,
        %add3A_436 = arith.addi %mul3A_301, %add3A_434 : vector<16xi32>
        %gather3A_437 = tpu.vector_load_idx %arg7[%add3A_436] : memref<64000xf32, #tpu.memory_space<vmem>>[vector<16xi32>], vector<16xf32>,
        %add3A_438 = arith.addf %gather3A_435, %gather3A_437 : vector<16xf32>
        %mul3A_439 = arith.constant 5.000000e-01 : f32
        %mul3A_440 = vector.broadcast %mul3A_439 : f32 to vector<16xf32>
        %mul3A_441 = arith.mulf %add3A_438, %mul3A_440 : vector<16xf32>
        tpu.vector_store_idx %arg15[%add3A_434, %add3A_298], %mul3A_441 : memref<64x128xf32, #tpu.memory_space<vmem>>[vector<16xi32>, vector<16xi32>], vector<16xf32>,
        %add3A_442 = arith.constant 0 : i32
        %add3A_443 = vector.broadcast %add3A_442 : i32 to vector<16xi32>
        %add3A_444 = arith.addi %and3A_268, %add3A_443 : vector<16xi32>
        %gather3A_445 = tpu.vector_load_idx %arg13[%add3A_298, %add3A_444] : memref<128x128xf32, #tpu.memory_space<vmem>>[vector<16xi32>, vector<16xi32>], vector<16xf32>,
        %add3A_446 = arith.addi %mul3A_301, %add3A_444 : vector<16xi32>
        %gather3A_447 = tpu.vector_load_idx %arg7[%add3A_446] : memref<64000xf32, #tpu.memory_space<vmem>>[vector<16xi32>], vector<16xf32>,
        %add3A_448 = arith.addf %gather3A_445, %gather3A_447 : vector<16xf32>
        %mul3A_449 = arith.constant 5.000000e-01 : f32
        %mul3A_450 = vector.broadcast %mul3A_449 : f32 to vector<16xf32>
        %mul3A_451 = arith.mulf %add3A_448, %mul3A_450 : vector<16xf32>
        tpu.vector_store_idx %arg15[%add3A_444, %add3A_298], %mul3A_451 : memref<64x128xf32, #tpu.memory_space<vmem>>[vector<16xi32>, vector<16xi32>], vector<16xf32>,
        %add3A_452 = arith.constant 0 : i32
        %add3A_453 = vector.broadcast %add3A_452 : i32 to vector<16xi32>
        %add3A_454 = arith.addi %and3A_274, %add3A_453 : vector<16xi32>
        %gather3A_455 = tpu.vector_load_idx %arg13[%add3A_298, %add3A_454] : memref<128x128xf32, #tpu.memory_space<vmem>>[vector<16xi32>, vector<16xi32>], vector<16xf32>,
        %add3A_456 = arith.addi %mul3A_301, %add3A_454 : vector<16xi32>
        %gather3A_457 = tpu.vector_load_idx %arg7[%add3A_456] : memref<64000xf32, #tpu.memory_space<vmem>>[vector<16xi32>], vector<16xf32>,
        %add3A_458 = arith.addf %gather3A_455, %gather3A_457 : vector<16xf32>
        %mul3A_459 = arith.constant 5.000000e-01 : f32
        %mul3A_460 = vector.broadcast %mul3A_459 : f32 to vector<16xf32>
        %mul3A_461 = arith.mulf %add3A_458, %mul3A_460 : vector<16xf32>
        tpu.vector_store_idx %arg15[%add3A_454, %add3A_298], %mul3A_461 : memref<64x128xf32, #tpu.memory_space<vmem>>[vector<16xi32>, vector<16xi32>], vector<16xf32>,
        %add3A_462 = arith.constant 16 : i32
        %add3A_463 = vector.broadcast %add3A_462 : i32 to vector<16xi32>
        %add3A_464 = arith.addi %and3A_184, %add3A_463 : vector<16xi32>
        %gather3A_465 = tpu.vector_load_idx %arg13[%add3A_298, %add3A_464] : memref<128x128xf32, #tpu.memory_space<vmem>>[vector<16xi32>, vector<16xi32>], vector<16xf32>,
        %add3A_466 = arith.addi %mul3A_301, %add3A_464 : vector<16xi32>
        %gather3A_467 = tpu.vector_load_idx %arg7[%add3A_466] : memref<64000xf32, #tpu.memory_space<vmem>>[vector<16xi32>], vector<16xf32>,
        %add3A_468 = arith.addf %gather3A_465, %gather3A_467 : vector<16xf32>
        %mul3A_469 = arith.constant 5.000000e-01 : f32
        %mul3A_470 = vector.broadcast %mul3A_469 : f32 to vector<16xf32>
        %mul3A_471 = arith.mulf %add3A_468, %mul3A_470 : vector<16xf32>
        tpu.vector_store_idx %arg15[%add3A_464, %add3A_298], %mul3A_471 : memref<64x128xf32, #tpu.memory_space<vmem>>[vector<16xi32>, vector<16xi32>], vector<16xf32>,
        %add3A_472 = arith.constant 16 : i32
        %add3A_473 = vector.broadcast %add3A_472 : i32 to vector<16xi32>
        %add3A_474 = arith.addi %and3A_190, %add3A_473 : vector<16xi32>
        %gather3A_475 = tpu.vector_load_idx %arg13[%add3A_298, %add3A_474] : memref<128x128xf32, #tpu.memory_space<vmem>>[vector<16xi32>, vector<16xi32>], vector<16xf32>,
        %add3A_476 = arith.addi %mul3A_301, %add3A_474 : vector<16xi32>
        %gather3A_477 = tpu.vector_load_idx %arg7[%add3A_476] : memref<64000xf32, #tpu.memory_space<vmem>>[vector<16xi32>], vector<16xf32>,
        %add3A_478 = arith.addf %gather3A_475, %gather3A_477 : vector<16xf32>
        %mul3A_479 = arith.constant 5.000000e-01 : f32
        %mul3A_480 = vector.broadcast %mul3A_479 : f32 to vector<16xf32>
        %mul3A_481 = arith.mulf %add3A_478, %mul3A_480 : vector<16xf32>
        tpu.vector_store_idx %arg15[%add3A_474, %add3A_298], %mul3A_481 : memref<64x128xf32, #tpu.memory_space<vmem>>[vector<16xi32>, vector<16xi32>], vector<16xf32>,
        %add3A_482 = arith.constant 16 : i32
        %add3A_483 = vector.broadcast %add3A_482 : i32 to vector<16xi32>
        %add3A_484 = arith.addi %and3A_196, %add3A_483 : vector<16xi32>
        %gather3A_485 = tpu.vector_load_idx %arg13[%add3A_298, %add3A_484] : memref<128x128xf32, #tpu.memory_space<vmem>>[vector<16xi32>, vector<16xi32>], vector<16xf32>,
        %add3A_486 = arith.addi %mul3A_301, %add3A_484 : vector<16xi32>
        %gather3A_487 = tpu.vector_load_idx %arg7[%add3A_486] : memref<64000xf32, #tpu.memory_space<vmem>>[vector<16xi32>], vector<16xf32>,
        %add3A_488 = arith.addf %gather3A_485, %gather3A_487 : vector<16xf32>
        %mul3A_489 = arith.constant 5.000000e-01 : f32
        %mul3A_490 = vector.broadcast %mul3A_489 : f32 to vector<16xf32>
        %mul3A_491 = arith.mulf %add3A_488, %mul3A_490 : vector<16xf32>
        tpu.vector_store_idx %arg15[%add3A_484, %add3A_298], %mul3A_491 : memref<64x128xf32, #tpu.memory_space<vmem>>[vector<16xi32>, vector<16xi32>], vector<16xf32>,
        %add3A_492 = arith.constant 16 : i32
        %add3A_493 = vector.broadcast %add3A_492 : i32 to vector<16xi32>
        %add3A_494 = arith.addi %and3A_202, %add3A_493 : vector<16xi32>
        %gather3A_495 = tpu.vector_load_idx %arg13[%add3A_298, %add3A_494] : memref<128x128xf32, #tpu.memory_space<vmem>>[vector<16xi32>, vector<16xi32>], vector<16xf32>,
        %add3A_496 = arith.addi %mul3A_301, %add3A_494 : vector<16xi32>
        %gather3A_497 = tpu.vector_load_idx %arg7[%add3A_496] : memref<64000xf32, #tpu.memory_space<vmem>>[vector<16xi32>], vector<16xf32>,
        %add3A_498 = arith.addf %gather3A_495, %gather3A_497 : vector<16xf32>
        %mul3A_499 = arith.constant 5.000000e-01 : f32
        %mul3A_500 = vector.broadcast %mul3A_499 : f32 to vector<16xf32>
        %mul3A_501 = arith.mulf %add3A_498, %mul3A_500 : vector<16xf32>
        tpu.vector_store_idx %arg15[%add3A_494, %add3A_298], %mul3A_501 : memref<64x128xf32, #tpu.memory_space<vmem>>[vector<16xi32>, vector<16xi32>], vector<16xf32>,
        %add3A_502 = arith.constant 16 : i32
        %add3A_503 = vector.broadcast %add3A_502 : i32 to vector<16xi32>
        %add3A_504 = arith.addi %and3A_208, %add3A_503 : vector<16xi32>
        %gather3A_505 = tpu.vector_load_idx %arg13[%add3A_298, %add3A_504] : memref<128x128xf32, #tpu.memory_space<vmem>>[vector<16xi32>, vector<16xi32>], vector<16xf32>,
        %add3A_506 = arith.addi %mul3A_301, %add3A_504 : vector<16xi32>
        %gather3A_507 = tpu.vector_load_idx %arg7[%add3A_506] : memref<64000xf32, #tpu.memory_space<vmem>>[vector<16xi32>], vector<16xf32>,
        %add3A_508 = arith.addf %gather3A_505, %gather3A_507 : vector<16xf32>
        %mul3A_509 = arith.constant 5.000000e-01 : f32
        %mul3A_510 = vector.broadcast %mul3A_509 : f32 to vector<16xf32>
        %mul3A_511 = arith.mulf %add3A_508, %mul3A_510 : vector<16xf32>
        tpu.vector_store_idx %arg15[%add3A_504, %add3A_298], %mul3A_511 : memref<64x128xf32, #tpu.memory_space<vmem>>[vector<16xi32>, vector<16xi32>], vector<16xf32>,
        %add3A_512 = arith.constant 16 : i32
        %add3A_513 = vector.broadcast %add3A_512 : i32 to vector<16xi32>
        %add3A_514 = arith.addi %and3A_214, %add3A_513 : vector<16xi32>
        %gather3A_515 = tpu.vector_load_idx %arg13[%add3A_298, %add3A_514] : memref<128x128xf32, #tpu.memory_space<vmem>>[vector<16xi32>, vector<16xi32>], vector<16xf32>,
        %add3A_516 = arith.addi %mul3A_301, %add3A_514 : vector<16xi32>
        %gather3A_517 = tpu.vector_load_idx %arg7[%add3A_516] : memref<64000xf32, #tpu.memory_space<vmem>>[vector<16xi32>], vector<16xf32>,
        %add3A_518 = arith.addf %gather3A_515, %gather3A_517 : vector<16xf32>
        %mul3A_519 = arith.constant 5.000000e-01 : f32
        %mul3A_520 = vector.broadcast %mul3A_519 : f32 to vector<16xf32>
        %mul3A_521 = arith.mulf %add3A_518, %mul3A_520 : vector<16xf32>
        tpu.vector_store_idx %arg15[%add3A_514, %add3A_298], %mul3A_521 : memref<64x128xf32, #tpu.memory_space<vmem>>[vector<16xi32>, vector<16xi32>], vector<16xf32>,
        %add3A_522 = arith.constant 16 : i32
        %add3A_523 = vector.broadcast %add3A_522 : i32 to vector<16xi32>
        %add3A_524 = arith.addi %and3A_220, %add3A_523 : vector<16xi32>
        %gather3A_525 = tpu.vector_load_idx %arg13[%add3A_298, %add3A_524] : memref<128x128xf32, #tpu.memory_space<vmem>>[vector<16xi32>, vector<16xi32>], vector<16xf32>,
        %add3A_526 = arith.addi %mul3A_301, %add3A_524 : vector<16xi32>
        %gather3A_527 = tpu.vector_load_idx %arg7[%add3A_526] : memref<64000xf32, #tpu.memory_space<vmem>>[vector<16xi32>], vector<16xf32>,
        %add3A_528 = arith.addf %gather3A_525, %gather3A_527 : vector<16xf32>
        %mul3A_529 = arith.constant 5.000000e-01 : f32
        %mul3A_530 = vector.broadcast %mul3A_529 : f32 to vector<16xf32>
        %mul3A_531 = arith.mulf %add3A_528, %mul3A_530 : vector<16xf32>
        tpu.vector_store_idx %arg15[%add3A_524, %add3A_298], %mul3A_531 : memref<64x128xf32, #tpu.memory_space<vmem>>[vector<16xi32>, vector<16xi32>], vector<16xf32>,
        %add3A_532 = arith.constant 16 : i32
        %add3A_533 = vector.broadcast %add3A_532 : i32 to vector<16xi32>
        %add3A_534 = arith.addi %and3A_226, %add3A_533 : vector<16xi32>
        %gather3A_535 = tpu.vector_load_idx %arg13[%add3A_298, %add3A_534] : memref<128x128xf32, #tpu.memory_space<vmem>>[vector<16xi32>, vector<16xi32>], vector<16xf32>,
        %add3A_536 = arith.addi %mul3A_301, %add3A_534 : vector<16xi32>
        %gather3A_537 = tpu.vector_load_idx %arg7[%add3A_536] : memref<64000xf32, #tpu.memory_space<vmem>>[vector<16xi32>], vector<16xf32>,
        %add3A_538 = arith.addf %gather3A_535, %gather3A_537 : vector<16xf32>
        %mul3A_539 = arith.constant 5.000000e-01 : f32
        %mul3A_540 = vector.broadcast %mul3A_539 : f32 to vector<16xf32>
        %mul3A_541 = arith.mulf %add3A_538, %mul3A_540 : vector<16xf32>
        tpu.vector_store_idx %arg15[%add3A_534, %add3A_298], %mul3A_541 : memref<64x128xf32, #tpu.memory_space<vmem>>[vector<16xi32>, vector<16xi32>], vector<16xf32>,
        %add3A_542 = arith.constant 16 : i32
        %add3A_543 = vector.broadcast %add3A_542 : i32 to vector<16xi32>
        %add3A_544 = arith.addi %and3A_232, %add3A_543 : vector<16xi32>
        %gather3A_545 = tpu.vector_load_idx %arg13[%add3A_298, %add3A_544] : memref<128x128xf32, #tpu.memory_space<vmem>>[vector<16xi32>, vector<16xi32>], vector<16xf32>,
        %add3A_546 = arith.addi %mul3A_301, %add3A_544 : vector<16xi32>
        %gather3A_547 = tpu.vector_load_idx %arg7[%add3A_546] : memref<64000xf32, #tpu.memory_space<vmem>>[vector<16xi32>], vector<16xf32>,
        %add3A_548 = arith.addf %gather3A_545, %gather3A_547 : vector<16xf32>
        %mul3A_549 = arith.constant 5.000000e-01 : f32
        %mul3A_550 = vector.broadcast %mul3A_549 : f32 to vector<16xf32>
        %mul3A_551 = arith.mulf %add3A_548, %mul3A_550 : vector<16xf32>
        tpu.vector_store_idx %arg15[%add3A_544, %add3A_298], %mul3A_551 : memref<64x128xf32, #tpu.memory_space<vmem>>[vector<16xi32>, vector<16xi32>], vector<16xf32>,
        %add3A_552 = arith.constant 16 : i32
        %add3A_553 = vector.broadcast %add3A_552 : i32 to vector<16xi32>
        %add3A_554 = arith.addi %and3A_238, %add3A_553 : vector<16xi32>
        %gather3A_555 = tpu.vector_load_idx %arg13[%add3A_298, %add3A_554] : memref<128x128xf32, #tpu.memory_space<vmem>>[vector<16xi32>, vector<16xi32>], vector<16xf32>,
        %add3A_556 = arith.addi %mul3A_301, %add3A_554 : vector<16xi32>
        %gather3A_557 = tpu.vector_load_idx %arg7[%add3A_556] : memref<64000xf32, #tpu.memory_space<vmem>>[vector<16xi32>], vector<16xf32>,
        %add3A_558 = arith.addf %gather3A_555, %gather3A_557 : vector<16xf32>
        %mul3A_559 = arith.constant 5.000000e-01 : f32
        %mul3A_560 = vector.broadcast %mul3A_559 : f32 to vector<16xf32>
        %mul3A_561 = arith.mulf %add3A_558, %mul3A_560 : vector<16xf32>
        tpu.vector_store_idx %arg15[%add3A_554, %add3A_298], %mul3A_561 : memref<64x128xf32, #tpu.memory_space<vmem>>[vector<16xi32>, vector<16xi32>], vector<16xf32>,
        %add3A_562 = arith.constant 16 : i32
        %add3A_563 = vector.broadcast %add3A_562 : i32 to vector<16xi32>
        %add3A_564 = arith.addi %and3A_244, %add3A_563 : vector<16xi32>
        %gather3A_565 = tpu.vector_load_idx %arg13[%add3A_298, %add3A_564] : memref<128x128xf32, #tpu.memory_space<vmem>>[vector<16xi32>, vector<16xi32>], vector<16xf32>,
        %add3A_566 = arith.addi %mul3A_301, %add3A_564 : vector<16xi32>
        %gather3A_567 = tpu.vector_load_idx %arg7[%add3A_566] : memref<64000xf32, #tpu.memory_space<vmem>>[vector<16xi32>], vector<16xf32>,
        %add3A_568 = arith.addf %gather3A_565, %gather3A_567 : vector<16xf32>
        %mul3A_569 = arith.constant 5.000000e-01 : f32
        %mul3A_570 = vector.broadcast %mul3A_569 : f32 to vector<16xf32>
        %mul3A_571 = arith.mulf %add3A_568, %mul3A_570 : vector<16xf32>
        tpu.vector_store_idx %arg15[%add3A_564, %add3A_298], %mul3A_571 : memref<64x128xf32, #tpu.memory_space<vmem>>[vector<16xi32>, vector<16xi32>], vector<16xf32>,
        %add3A_572 = arith.constant 16 : i32
        %add3A_573 = vector.broadcast %add3A_572 : i32 to vector<16xi32>
        %add3A_574 = arith.addi %and3A_250, %add3A_573 : vector<16xi32>
        %gather3A_575 = tpu.vector_load_idx %arg13[%add3A_298, %add3A_574] : memref<128x128xf32, #tpu.memory_space<vmem>>[vector<16xi32>, vector<16xi32>], vector<16xf32>,
        %add3A_576 = arith.addi %mul3A_301, %add3A_574 : vector<16xi32>
        %gather3A_577 = tpu.vector_load_idx %arg7[%add3A_576] : memref<64000xf32, #tpu.memory_space<vmem>>[vector<16xi32>], vector<16xf32>,
        %add3A_578 = arith.addf %gather3A_575, %gather3A_577 : vector<16xf32>
        %mul3A_579 = arith.constant 5.000000e-01 : f32
        %mul3A_580 = vector.broadcast %mul3A_579 : f32 to vector<16xf32>
        %mul3A_581 = arith.mulf %add3A_578, %mul3A_580 : vector<16xf32>
        tpu.vector_store_idx %arg15[%add3A_574, %add3A_298], %mul3A_581 : memref<64x128xf32, #tpu.memory_space<vmem>>[vector<16xi32>, vector<16xi32>], vector<16xf32>,
        %add3A_582 = arith.constant 16 : i32
        %add3A_583 = vector.broadcast %add3A_582 : i32 to vector<16xi32>
        %add3A_584 = arith.addi %and3A_256, %add3A_583 : vector<16xi32>
        %gather3A_585 = tpu.vector_load_idx %arg13[%add3A_298, %add3A_584] : memref<128x128xf32, #tpu.memory_space<vmem>>[vector<16xi32>, vector<16xi32>], vector<16xf32>,
        %add3A_586 = arith.addi %mul3A_301, %add3A_584 : vector<16xi32>
        %gather3A_587 = tpu.vector_load_idx %arg7[%add3A_586] : memref<64000xf32, #tpu.memory_space<vmem>>[vector<16xi32>], vector<16xf32>,
        %add3A_588 = arith.addf %gather3A_585, %gather3A_587 : vector<16xf32>
        %mul3A_589 = arith.constant 5.000000e-01 : f32
        %mul3A_590 = vector.broadcast %mul3A_589 : f32 to vector<16xf32>
        %mul3A_591 = arith.mulf %add3A_588, %mul3A_590 : vector<16xf32>
        tpu.vector_store_idx %arg15[%add3A_584, %add3A_298], %mul3A_591 : memref<64x128xf32, #tpu.memory_space<vmem>>[vector<16xi32>, vector<16xi32>], vector<16xf32>,
        %add3A_592 = arith.constant 16 : i32
        %add3A_593 = vector.broadcast %add3A_592 : i32 to vector<16xi32>
        %add3A_594 = arith.addi %and3A_262, %add3A_593 : vector<16xi32>
        %gather3A_595 = tpu.vector_load_idx %arg13[%add3A_298, %add3A_594] : memref<128x128xf32, #tpu.memory_space<vmem>>[vector<16xi32>, vector<16xi32>], vector<16xf32>,
        %add3A_596 = arith.addi %mul3A_301, %add3A_594 : vector<16xi32>
        %gather3A_597 = tpu.vector_load_idx %arg7[%add3A_596] : memref<64000xf32, #tpu.memory_space<vmem>>[vector<16xi32>], vector<16xf32>,
        %add3A_598 = arith.addf %gather3A_595, %gather3A_597 : vector<16xf32>
        %mul3A_599 = arith.constant 5.000000e-01 : f32
        %mul3A_600 = vector.broadcast %mul3A_599 : f32 to vector<16xf32>
        %mul3A_601 = arith.mulf %add3A_598, %mul3A_600 : vector<16xf32>
        tpu.vector_store_idx %arg15[%add3A_594, %add3A_298], %mul3A_601 : memref<64x128xf32, #tpu.memory_space<vmem>>[vector<16xi32>, vector<16xi32>], vector<16xf32>,
        %add3A_602 = arith.constant 16 : i32
        %add3A_603 = vector.broadcast %add3A_602 : i32 to vector<16xi32>
        %add3A_604 = arith.addi %and3A_268, %add3A_603 : vector<16xi32>
        %gather3A_605 = tpu.vector_load_idx %arg13[%add3A_298, %add3A_604] : memref<128x128xf32, #tpu.memory_space<vmem>>[vector<16xi32>, vector<16xi32>], vector<16xf32>,
        %add3A_606 = arith.addi %mul3A_301, %add3A_604 : vector<16xi32>
        %gather3A_607 = tpu.vector_load_idx %arg7[%add3A_606] : memref<64000xf32, #tpu.memory_space<vmem>>[vector<16xi32>], vector<16xf32>,
        %add3A_608 = arith.addf %gather3A_605, %gather3A_607 : vector<16xf32>
        %mul3A_609 = arith.constant 5.000000e-01 : f32
        %mul3A_610 = vector.broadcast %mul3A_609 : f32 to vector<16xf32>
        %mul3A_611 = arith.mulf %add3A_608, %mul3A_610 : vector<16xf32>
        tpu.vector_store_idx %arg15[%add3A_604, %add3A_298], %mul3A_611 : memref<64x128xf32, #tpu.memory_space<vmem>>[vector<16xi32>, vector<16xi32>], vector<16xf32>,
        %add3A_612 = arith.constant 16 : i32
        %add3A_613 = vector.broadcast %add3A_612 : i32 to vector<16xi32>
        %add3A_614 = arith.addi %and3A_274, %add3A_613 : vector<16xi32>
        %gather3A_615 = tpu.vector_load_idx %arg13[%add3A_298, %add3A_614] : memref<128x128xf32, #tpu.memory_space<vmem>>[vector<16xi32>, vector<16xi32>], vector<16xf32>,
        %add3A_616 = arith.addi %mul3A_301, %add3A_614 : vector<16xi32>
        %gather3A_617 = tpu.vector_load_idx %arg7[%add3A_616] : memref<64000xf32, #tpu.memory_space<vmem>>[vector<16xi32>], vector<16xf32>,
        %add3A_618 = arith.addf %gather3A_615, %gather3A_617 : vector<16xf32>
        %mul3A_619 = arith.constant 5.000000e-01 : f32
        %mul3A_620 = vector.broadcast %mul3A_619 : f32 to vector<16xf32>
        %mul3A_621 = arith.mulf %add3A_618, %mul3A_620 : vector<16xf32>
        tpu.vector_store_idx %arg15[%add3A_614, %add3A_298], %mul3A_621 : memref<64x128xf32, #tpu.memory_space<vmem>>[vector<16xi32>, vector<16xi32>], vector<16xf32>,
        %add3A_622 = arith.constant 32 : i32
        %add3A_623 = vector.broadcast %add3A_622 : i32 to vector<16xi32>
        %add3A_624 = arith.addi %and3A_184, %add3A_623 : vector<16xi32>
        %gather3A_625 = tpu.vector_load_idx %arg13[%add3A_298, %add3A_624] : memref<128x128xf32, #tpu.memory_space<vmem>>[vector<16xi32>, vector<16xi32>], vector<16xf32>,
        %add3A_626 = arith.addi %mul3A_301, %add3A_624 : vector<16xi32>
        %gather3A_627 = tpu.vector_load_idx %arg7[%add3A_626] : memref<64000xf32, #tpu.memory_space<vmem>>[vector<16xi32>], vector<16xf32>,
        %add3A_628 = arith.addf %gather3A_625, %gather3A_627 : vector<16xf32>
        %mul3A_629 = arith.constant 5.000000e-01 : f32
        %mul3A_630 = vector.broadcast %mul3A_629 : f32 to vector<16xf32>
        %mul3A_631 = arith.mulf %add3A_628, %mul3A_630 : vector<16xf32>
        tpu.vector_store_idx %arg15[%add3A_624, %add3A_298], %mul3A_631 : memref<64x128xf32, #tpu.memory_space<vmem>>[vector<16xi32>, vector<16xi32>], vector<16xf32>,
        %add3A_632 = arith.constant 32 : i32
        %add3A_633 = vector.broadcast %add3A_632 : i32 to vector<16xi32>
        %add3A_634 = arith.addi %and3A_190, %add3A_633 : vector<16xi32>
        %gather3A_635 = tpu.vector_load_idx %arg13[%add3A_298, %add3A_634] : memref<128x128xf32, #tpu.memory_space<vmem>>[vector<16xi32>, vector<16xi32>], vector<16xf32>,
        %add3A_636 = arith.addi %mul3A_301, %add3A_634 : vector<16xi32>
        %gather3A_637 = tpu.vector_load_idx %arg7[%add3A_636] : memref<64000xf32, #tpu.memory_space<vmem>>[vector<16xi32>], vector<16xf32>,
        %add3A_638 = arith.addf %gather3A_635, %gather3A_637 : vector<16xf32>
        %mul3A_639 = arith.constant 5.000000e-01 : f32
        %mul3A_640 = vector.broadcast %mul3A_639 : f32 to vector<16xf32>
        %mul3A_641 = arith.mulf %add3A_638, %mul3A_640 : vector<16xf32>
        tpu.vector_store_idx %arg15[%add3A_634, %add3A_298], %mul3A_641 : memref<64x128xf32, #tpu.memory_space<vmem>>[vector<16xi32>, vector<16xi32>], vector<16xf32>,
        %add3A_642 = arith.constant 32 : i32
        %add3A_643 = vector.broadcast %add3A_642 : i32 to vector<16xi32>
        %add3A_644 = arith.addi %and3A_196, %add3A_643 : vector<16xi32>
        %gather3A_645 = tpu.vector_load_idx %arg13[%add3A_298, %add3A_644] : memref<128x128xf32, #tpu.memory_space<vmem>>[vector<16xi32>, vector<16xi32>], vector<16xf32>,
        %add3A_646 = arith.addi %mul3A_301, %add3A_644 : vector<16xi32>
        %gather3A_647 = tpu.vector_load_idx %arg7[%add3A_646] : memref<64000xf32, #tpu.memory_space<vmem>>[vector<16xi32>], vector<16xf32>,
        %add3A_648 = arith.addf %gather3A_645, %gather3A_647 : vector<16xf32>
        %mul3A_649 = arith.constant 5.000000e-01 : f32
        %mul3A_650 = vector.broadcast %mul3A_649 : f32 to vector<16xf32>
        %mul3A_651 = arith.mulf %add3A_648, %mul3A_650 : vector<16xf32>
        tpu.vector_store_idx %arg15[%add3A_644, %add3A_298], %mul3A_651 : memref<64x128xf32, #tpu.memory_space<vmem>>[vector<16xi32>, vector<16xi32>], vector<16xf32>,
        %add3A_652 = arith.constant 32 : i32
        %add3A_653 = vector.broadcast %add3A_652 : i32 to vector<16xi32>
        %add3A_654 = arith.addi %and3A_202, %add3A_653 : vector<16xi32>
        %gather3A_655 = tpu.vector_load_idx %arg13[%add3A_298, %add3A_654] : memref<128x128xf32, #tpu.memory_space<vmem>>[vector<16xi32>, vector<16xi32>], vector<16xf32>,
        %add3A_656 = arith.addi %mul3A_301, %add3A_654 : vector<16xi32>
        %gather3A_657 = tpu.vector_load_idx %arg7[%add3A_656] : memref<64000xf32, #tpu.memory_space<vmem>>[vector<16xi32>], vector<16xf32>,
        %add3A_658 = arith.addf %gather3A_655, %gather3A_657 : vector<16xf32>
        %mul3A_659 = arith.constant 5.000000e-01 : f32
        %mul3A_660 = vector.broadcast %mul3A_659 : f32 to vector<16xf32>
        %mul3A_661 = arith.mulf %add3A_658, %mul3A_660 : vector<16xf32>
        tpu.vector_store_idx %arg15[%add3A_654, %add3A_298], %mul3A_661 : memref<64x128xf32, #tpu.memory_space<vmem>>[vector<16xi32>, vector<16xi32>], vector<16xf32>,
        %add3A_662 = arith.constant 32 : i32
        %add3A_663 = vector.broadcast %add3A_662 : i32 to vector<16xi32>
        %add3A_664 = arith.addi %and3A_208, %add3A_663 : vector<16xi32>
        %gather3A_665 = tpu.vector_load_idx %arg13[%add3A_298, %add3A_664] : memref<128x128xf32, #tpu.memory_space<vmem>>[vector<16xi32>, vector<16xi32>], vector<16xf32>,
        %add3A_666 = arith.addi %mul3A_301, %add3A_664 : vector<16xi32>
        %gather3A_667 = tpu.vector_load_idx %arg7[%add3A_666] : memref<64000xf32, #tpu.memory_space<vmem>>[vector<16xi32>], vector<16xf32>,
        %add3A_668 = arith.addf %gather3A_665, %gather3A_667 : vector<16xf32>
        %mul3A_669 = arith.constant 5.000000e-01 : f32
        %mul3A_670 = vector.broadcast %mul3A_669 : f32 to vector<16xf32>
        %mul3A_671 = arith.mulf %add3A_668, %mul3A_670 : vector<16xf32>
        tpu.vector_store_idx %arg15[%add3A_664, %add3A_298], %mul3A_671 : memref<64x128xf32, #tpu.memory_space<vmem>>[vector<16xi32>, vector<16xi32>], vector<16xf32>,
        %add3A_672 = arith.constant 32 : i32
        %add3A_673 = vector.broadcast %add3A_672 : i32 to vector<16xi32>
        %add3A_674 = arith.addi %and3A_214, %add3A_673 : vector<16xi32>
        %gather3A_675 = tpu.vector_load_idx %arg13[%add3A_298, %add3A_674] : memref<128x128xf32, #tpu.memory_space<vmem>>[vector<16xi32>, vector<16xi32>], vector<16xf32>,
        %add3A_676 = arith.addi %mul3A_301, %add3A_674 : vector<16xi32>
        %gather3A_677 = tpu.vector_load_idx %arg7[%add3A_676] : memref<64000xf32, #tpu.memory_space<vmem>>[vector<16xi32>], vector<16xf32>,
        %add3A_678 = arith.addf %gather3A_675, %gather3A_677 : vector<16xf32>
        %mul3A_679 = arith.constant 5.000000e-01 : f32
        %mul3A_680 = vector.broadcast %mul3A_679 : f32 to vector<16xf32>
        %mul3A_681 = arith.mulf %add3A_678, %mul3A_680 : vector<16xf32>
        tpu.vector_store_idx %arg15[%add3A_674, %add3A_298], %mul3A_681 : memref<64x128xf32, #tpu.memory_space<vmem>>[vector<16xi32>, vector<16xi32>], vector<16xf32>,
        %add3A_682 = arith.constant 32 : i32
        %add3A_683 = vector.broadcast %add3A_682 : i32 to vector<16xi32>
        %add3A_684 = arith.addi %and3A_220, %add3A_683 : vector<16xi32>
        %gather3A_685 = tpu.vector_load_idx %arg13[%add3A_298, %add3A_684] : memref<128x128xf32, #tpu.memory_space<vmem>>[vector<16xi32>, vector<16xi32>], vector<16xf32>,
        %add3A_686 = arith.addi %mul3A_301, %add3A_684 : vector<16xi32>
        %gather3A_687 = tpu.vector_load_idx %arg7[%add3A_686] : memref<64000xf32, #tpu.memory_space<vmem>>[vector<16xi32>], vector<16xf32>,
        %add3A_688 = arith.addf %gather3A_685, %gather3A_687 : vector<16xf32>
        %mul3A_689 = arith.constant 5.000000e-01 : f32
        %mul3A_690 = vector.broadcast %mul3A_689 : f32 to vector<16xf32>
        %mul3A_691 = arith.mulf %add3A_688, %mul3A_690 : vector<16xf32>
        tpu.vector_store_idx %arg15[%add3A_684, %add3A_298], %mul3A_691 : memref<64x128xf32, #tpu.memory_space<vmem>>[vector<16xi32>, vector<16xi32>], vector<16xf32>,
        %add3A_692 = arith.constant 32 : i32
        %add3A_693 = vector.broadcast %add3A_692 : i32 to vector<16xi32>
        %add3A_694 = arith.addi %and3A_226, %add3A_693 : vector<16xi32>
        %gather3A_695 = tpu.vector_load_idx %arg13[%add3A_298, %add3A_694] : memref<128x128xf32, #tpu.memory_space<vmem>>[vector<16xi32>, vector<16xi32>], vector<16xf32>,
        %add3A_696 = arith.addi %mul3A_301, %add3A_694 : vector<16xi32>
        %gather3A_697 = tpu.vector_load_idx %arg7[%add3A_696] : memref<64000xf32, #tpu.memory_space<vmem>>[vector<16xi32>], vector<16xf32>,
        %add3A_698 = arith.addf %gather3A_695, %gather3A_697 : vector<16xf32>
        %mul3A_699 = arith.constant 5.000000e-01 : f32
        %mul3A_700 = vector.broadcast %mul3A_699 : f32 to vector<16xf32>
        %mul3A_701 = arith.mulf %add3A_698, %mul3A_700 : vector<16xf32>
        tpu.vector_store_idx %arg15[%add3A_694, %add3A_298], %mul3A_701 : memref<64x128xf32, #tpu.memory_space<vmem>>[vector<16xi32>, vector<16xi32>], vector<16xf32>,
        %add3A_702 = arith.constant 32 : i32
        %add3A_703 = vector.broadcast %add3A_702 : i32 to vector<16xi32>
        %add3A_704 = arith.addi %and3A_232, %add3A_703 : vector<16xi32>
        %gather3A_705 = tpu.vector_load_idx %arg13[%add3A_298, %add3A_704] : memref<128x128xf32, #tpu.memory_space<vmem>>[vector<16xi32>, vector<16xi32>], vector<16xf32>,
        %add3A_706 = arith.addi %mul3A_301, %add3A_704 : vector<16xi32>
        %gather3A_707 = tpu.vector_load_idx %arg7[%add3A_706] : memref<64000xf32, #tpu.memory_space<vmem>>[vector<16xi32>], vector<16xf32>,
        %add3A_708 = arith.addf %gather3A_705, %gather3A_707 : vector<16xf32>
        %mul3A_709 = arith.constant 5.000000e-01 : f32
        %mul3A_710 = vector.broadcast %mul3A_709 : f32 to vector<16xf32>
        %mul3A_711 = arith.mulf %add3A_708, %mul3A_710 : vector<16xf32>
        tpu.vector_store_idx %arg15[%add3A_704, %add3A_298], %mul3A_711 : memref<64x128xf32, #tpu.memory_space<vmem>>[vector<16xi32>, vector<16xi32>], vector<16xf32>,
        %add3A_712 = arith.constant 32 : i32
        %add3A_713 = vector.broadcast %add3A_712 : i32 to vector<16xi32>
        %add3A_714 = arith.addi %and3A_238, %add3A_713 : vector<16xi32>
        %gather3A_715 = tpu.vector_load_idx %arg13[%add3A_298, %add3A_714] : memref<128x128xf32, #tpu.memory_space<vmem>>[vector<16xi32>, vector<16xi32>], vector<16xf32>,
        %add3A_716 = arith.addi %mul3A_301, %add3A_714 : vector<16xi32>
        %gather3A_717 = tpu.vector_load_idx %arg7[%add3A_716] : memref<64000xf32, #tpu.memory_space<vmem>>[vector<16xi32>], vector<16xf32>,
        %add3A_718 = arith.addf %gather3A_715, %gather3A_717 : vector<16xf32>
        %mul3A_719 = arith.constant 5.000000e-01 : f32
        %mul3A_720 = vector.broadcast %mul3A_719 : f32 to vector<16xf32>
        %mul3A_721 = arith.mulf %add3A_718, %mul3A_720 : vector<16xf32>
        tpu.vector_store_idx %arg15[%add3A_714, %add3A_298], %mul3A_721 : memref<64x128xf32, #tpu.memory_space<vmem>>[vector<16xi32>, vector<16xi32>], vector<16xf32>,
        %add3A_722 = arith.constant 32 : i32
        %add3A_723 = vector.broadcast %add3A_722 : i32 to vector<16xi32>
        %add3A_724 = arith.addi %and3A_244, %add3A_723 : vector<16xi32>
        %gather3A_725 = tpu.vector_load_idx %arg13[%add3A_298, %add3A_724] : memref<128x128xf32, #tpu.memory_space<vmem>>[vector<16xi32>, vector<16xi32>], vector<16xf32>,
        %add3A_726 = arith.addi %mul3A_301, %add3A_724 : vector<16xi32>
        %gather3A_727 = tpu.vector_load_idx %arg7[%add3A_726] : memref<64000xf32, #tpu.memory_space<vmem>>[vector<16xi32>], vector<16xf32>,
        %add3A_728 = arith.addf %gather3A_725, %gather3A_727 : vector<16xf32>
        %mul3A_729 = arith.constant 5.000000e-01 : f32
        %mul3A_730 = vector.broadcast %mul3A_729 : f32 to vector<16xf32>
        %mul3A_731 = arith.mulf %add3A_728, %mul3A_730 : vector<16xf32>
        tpu.vector_store_idx %arg15[%add3A_724, %add3A_298], %mul3A_731 : memref<64x128xf32, #tpu.memory_space<vmem>>[vector<16xi32>, vector<16xi32>], vector<16xf32>,
        %add3A_732 = arith.constant 32 : i32
        %add3A_733 = vector.broadcast %add3A_732 : i32 to vector<16xi32>
        %add3A_734 = arith.addi %and3A_250, %add3A_733 : vector<16xi32>
        %gather3A_735 = tpu.vector_load_idx %arg13[%add3A_298, %add3A_734] : memref<128x128xf32, #tpu.memory_space<vmem>>[vector<16xi32>, vector<16xi32>], vector<16xf32>,
        %add3A_736 = arith.addi %mul3A_301, %add3A_734 : vector<16xi32>
        %gather3A_737 = tpu.vector_load_idx %arg7[%add3A_736] : memref<64000xf32, #tpu.memory_space<vmem>>[vector<16xi32>], vector<16xf32>,
        %add3A_738 = arith.addf %gather3A_735, %gather3A_737 : vector<16xf32>
        %mul3A_739 = arith.constant 5.000000e-01 : f32
        %mul3A_740 = vector.broadcast %mul3A_739 : f32 to vector<16xf32>
        %mul3A_741 = arith.mulf %add3A_738, %mul3A_740 : vector<16xf32>
        tpu.vector_store_idx %arg15[%add3A_734, %add3A_298], %mul3A_741 : memref<64x128xf32, #tpu.memory_space<vmem>>[vector<16xi32>, vector<16xi32>], vector<16xf32>,
        %add3A_742 = arith.constant 32 : i32
        %add3A_743 = vector.broadcast %add3A_742 : i32 to vector<16xi32>
        %add3A_744 = arith.addi %and3A_256, %add3A_743 : vector<16xi32>
        %gather3A_745 = tpu.vector_load_idx %arg13[%add3A_298, %add3A_744] : memref<128x128xf32, #tpu.memory_space<vmem>>[vector<16xi32>, vector<16xi32>], vector<16xf32>,
        %add3A_746 = arith.addi %mul3A_301, %add3A_744 : vector<16xi32>
        %gather3A_747 = tpu.vector_load_idx %arg7[%add3A_746] : memref<64000xf32, #tpu.memory_space<vmem>>[vector<16xi32>], vector<16xf32>,
        %add3A_748 = arith.addf %gather3A_745, %gather3A_747 : vector<16xf32>
        %mul3A_749 = arith.constant 5.000000e-01 : f32
        %mul3A_750 = vector.broadcast %mul3A_749 : f32 to vector<16xf32>
        %mul3A_751 = arith.mulf %add3A_748, %mul3A_750 : vector<16xf32>
        tpu.vector_store_idx %arg15[%add3A_744, %add3A_298], %mul3A_751 : memref<64x128xf32, #tpu.memory_space<vmem>>[vector<16xi32>, vector<16xi32>], vector<16xf32>,
        %add3A_752 = arith.constant 32 : i32
        %add3A_753 = vector.broadcast %add3A_752 : i32 to vector<16xi32>
        %add3A_754 = arith.addi %and3A_262, %add3A_753 : vector<16xi32>
        %gather3A_755 = tpu.vector_load_idx %arg13[%add3A_298, %add3A_754] : memref<128x128xf32, #tpu.memory_space<vmem>>[vector<16xi32>, vector<16xi32>], vector<16xf32>,
        %add3A_756 = arith.addi %mul3A_301, %add3A_754 : vector<16xi32>
        %gather3A_757 = tpu.vector_load_idx %arg7[%add3A_756] : memref<64000xf32, #tpu.memory_space<vmem>>[vector<16xi32>], vector<16xf32>,
        %add3A_758 = arith.addf %gather3A_755, %gather3A_757 : vector<16xf32>
        %mul3A_759 = arith.constant 5.000000e-01 : f32
        %mul3A_760 = vector.broadcast %mul3A_759 : f32 to vector<16xf32>
        %mul3A_761 = arith.mulf %add3A_758, %mul3A_760 : vector<16xf32>
        tpu.vector_store_idx %arg15[%add3A_754, %add3A_298], %mul3A_761 : memref<64x128xf32, #tpu.memory_space<vmem>>[vector<16xi32>, vector<16xi32>], vector<16xf32>,
        %add3A_762 = arith.constant 32 : i32
        %add3A_763 = vector.broadcast %add3A_762 : i32 to vector<16xi32>
        %add3A_764 = arith.addi %and3A_268, %add3A_763 : vector<16xi32>
        %gather3A_765 = tpu.vector_load_idx %arg13[%add3A_298, %add3A_764] : memref<128x128xf32, #tpu.memory_space<vmem>>[vector<16xi32>, vector<16xi32>], vector<16xf32>,
        %add3A_766 = arith.addi %mul3A_301, %add3A_764 : vector<16xi32>
        %gather3A_767 = tpu.vector_load_idx %arg7[%add3A_766] : memref<64000xf32, #tpu.memory_space<vmem>>[vector<16xi32>], vector<16xf32>,
        %add3A_768 = arith.addf %gather3A_765, %gather3A_767 : vector<16xf32>
        %mul3A_769 = arith.constant 5.000000e-01 : f32
        %mul3A_770 = vector.broadcast %mul3A_769 : f32 to vector<16xf32>
        %mul3A_771 = arith.mulf %add3A_768, %mul3A_770 : vector<16xf32>
        tpu.vector_store_idx %arg15[%add3A_764, %add3A_298], %mul3A_771 : memref<64x128xf32, #tpu.memory_space<vmem>>[vector<16xi32>, vector<16xi32>], vector<16xf32>,
        %add3A_772 = arith.constant 32 : i32
        %add3A_773 = vector.broadcast %add3A_772 : i32 to vector<16xi32>
        %add3A_774 = arith.addi %and3A_274, %add3A_773 : vector<16xi32>
        %gather3A_775 = tpu.vector_load_idx %arg13[%add3A_298, %add3A_774] : memref<128x128xf32, #tpu.memory_space<vmem>>[vector<16xi32>, vector<16xi32>], vector<16xf32>,
        %add3A_776 = arith.addi %mul3A_301, %add3A_774 : vector<16xi32>
        %gather3A_777 = tpu.vector_load_idx %arg7[%add3A_776] : memref<64000xf32, #tpu.memory_space<vmem>>[vector<16xi32>], vector<16xf32>,
        %add3A_778 = arith.addf %gather3A_775, %gather3A_777 : vector<16xf32>
        %mul3A_779 = arith.constant 5.000000e-01 : f32
        %mul3A_780 = vector.broadcast %mul3A_779 : f32 to vector<16xf32>
        %mul3A_781 = arith.mulf %add3A_778, %mul3A_780 : vector<16xf32>
        tpu.vector_store_idx %arg15[%add3A_774, %add3A_298], %mul3A_781 : memref<64x128xf32, #tpu.memory_space<vmem>>[vector<16xi32>, vector<16xi32>], vector<16xf32>,
        %add3A_782 = arith.constant 48 : i32
        %add3A_783 = vector.broadcast %add3A_782 : i32 to vector<16xi32>
        %add3A_784 = arith.addi %and3A_184, %add3A_783 : vector<16xi32>
        %gather3A_785 = tpu.vector_load_idx %arg13[%add3A_298, %add3A_784] : memref<128x128xf32, #tpu.memory_space<vmem>>[vector<16xi32>, vector<16xi32>], vector<16xf32>,
        %add3A_786 = arith.addi %mul3A_301, %add3A_784 : vector<16xi32>
        %gather3A_787 = tpu.vector_load_idx %arg7[%add3A_786] : memref<64000xf32, #tpu.memory_space<vmem>>[vector<16xi32>], vector<16xf32>,
        %add3A_788 = arith.addf %gather3A_785, %gather3A_787 : vector<16xf32>
        %mul3A_789 = arith.constant 5.000000e-01 : f32
        %mul3A_790 = vector.broadcast %mul3A_789 : f32 to vector<16xf32>
        %mul3A_791 = arith.mulf %add3A_788, %mul3A_790 : vector<16xf32>
        tpu.vector_store_idx %arg15[%add3A_784, %add3A_298], %mul3A_791 : memref<64x128xf32, #tpu.memory_space<vmem>>[vector<16xi32>, vector<16xi32>], vector<16xf32>,
        %add3A_792 = arith.constant 48 : i32
        %add3A_793 = vector.broadcast %add3A_792 : i32 to vector<16xi32>
        %add3A_794 = arith.addi %and3A_190, %add3A_793 : vector<16xi32>
        %gather3A_795 = tpu.vector_load_idx %arg13[%add3A_298, %add3A_794] : memref<128x128xf32, #tpu.memory_space<vmem>>[vector<16xi32>, vector<16xi32>], vector<16xf32>,
        %add3A_796 = arith.addi %mul3A_301, %add3A_794 : vector<16xi32>
        %gather3A_797 = tpu.vector_load_idx %arg7[%add3A_796] : memref<64000xf32, #tpu.memory_space<vmem>>[vector<16xi32>], vector<16xf32>,
        %add3A_798 = arith.addf %gather3A_795, %gather3A_797 : vector<16xf32>
        %mul3A_799 = arith.constant 5.000000e-01 : f32
        %mul3A_800 = vector.broadcast %mul3A_799 : f32 to vector<16xf32>
        %mul3A_801 = arith.mulf %add3A_798, %mul3A_800 : vector<16xf32>
        tpu.vector_store_idx %arg15[%add3A_794, %add3A_298], %mul3A_801 : memref<64x128xf32, #tpu.memory_space<vmem>>[vector<16xi32>, vector<16xi32>], vector<16xf32>,
        %add3A_802 = arith.constant 48 : i32
        %add3A_803 = vector.broadcast %add3A_802 : i32 to vector<16xi32>
        %add3A_804 = arith.addi %and3A_196, %add3A_803 : vector<16xi32>
        %gather3A_805 = tpu.vector_load_idx %arg13[%add3A_298, %add3A_804] : memref<128x128xf32, #tpu.memory_space<vmem>>[vector<16xi32>, vector<16xi32>], vector<16xf32>,
        %add3A_806 = arith.addi %mul3A_301, %add3A_804 : vector<16xi32>
        %gather3A_807 = tpu.vector_load_idx %arg7[%add3A_806] : memref<64000xf32, #tpu.memory_space<vmem>>[vector<16xi32>], vector<16xf32>,
        %add3A_808 = arith.addf %gather3A_805, %gather3A_807 : vector<16xf32>
        %mul3A_809 = arith.constant 5.000000e-01 : f32
        %mul3A_810 = vector.broadcast %mul3A_809 : f32 to vector<16xf32>
        %mul3A_811 = arith.mulf %add3A_808, %mul3A_810 : vector<16xf32>
        tpu.vector_store_idx %arg15[%add3A_804, %add3A_298], %mul3A_811 : memref<64x128xf32, #tpu.memory_space<vmem>>[vector<16xi32>, vector<16xi32>], vector<16xf32>,
        %add3A_812 = arith.constant 48 : i32
        %add3A_813 = vector.broadcast %add3A_812 : i32 to vector<16xi32>
        %add3A_814 = arith.addi %and3A_202, %add3A_813 : vector<16xi32>
        %gather3A_815 = tpu.vector_load_idx %arg13[%add3A_298, %add3A_814] : memref<128x128xf32, #tpu.memory_space<vmem>>[vector<16xi32>, vector<16xi32>], vector<16xf32>,
        %add3A_816 = arith.addi %mul3A_301, %add3A_814 : vector<16xi32>
        %gather3A_817 = tpu.vector_load_idx %arg7[%add3A_816] : memref<64000xf32, #tpu.memory_space<vmem>>[vector<16xi32>], vector<16xf32>,
        %add3A_818 = arith.addf %gather3A_815, %gather3A_817 : vector<16xf32>
        %mul3A_819 = arith.constant 5.000000e-01 : f32
        %mul3A_820 = vector.broadcast %mul3A_819 : f32 to vector<16xf32>
        %mul3A_821 = arith.mulf %add3A_818, %mul3A_820 : vector<16xf32>
        tpu.vector_store_idx %arg15[%add3A_814, %add3A_298], %mul3A_821 : memref<64x128xf32, #tpu.memory_space<vmem>>[vector<16xi32>, vector<16xi32>], vector<16xf32>,
        %add3A_822 = arith.constant 48 : i32
        %add3A_823 = vector.broadcast %add3A_822 : i32 to vector<16xi32>
        %add3A_824 = arith.addi %and3A_208, %add3A_823 : vector<16xi32>
        %gather3A_825 = tpu.vector_load_idx %arg13[%add3A_298, %add3A_824] : memref<128x128xf32, #tpu.memory_space<vmem>>[vector<16xi32>, vector<16xi32>], vector<16xf32>,
        %add3A_826 = arith.addi %mul3A_301, %add3A_824 : vector<16xi32>
        %gather3A_827 = tpu.vector_load_idx %arg7[%add3A_826] : memref<64000xf32, #tpu.memory_space<vmem>>[vector<16xi32>], vector<16xf32>,
        %add3A_828 = arith.addf %gather3A_825, %gather3A_827 : vector<16xf32>
        %mul3A_829 = arith.constant 5.000000e-01 : f32
        %mul3A_830 = vector.broadcast %mul3A_829 : f32 to vector<16xf32>
        %mul3A_831 = arith.mulf %add3A_828, %mul3A_830 : vector<16xf32>
        tpu.vector_store_idx %arg15[%add3A_824, %add3A_298], %mul3A_831 : memref<64x128xf32, #tpu.memory_space<vmem>>[vector<16xi32>, vector<16xi32>], vector<16xf32>,
        %add3A_832 = arith.constant 48 : i32
        %add3A_833 = vector.broadcast %add3A_832 : i32 to vector<16xi32>
        %add3A_834 = arith.addi %and3A_214, %add3A_833 : vector<16xi32>
        %gather3A_835 = tpu.vector_load_idx %arg13[%add3A_298, %add3A_834] : memref<128x128xf32, #tpu.memory_space<vmem>>[vector<16xi32>, vector<16xi32>], vector<16xf32>,
        %add3A_836 = arith.addi %mul3A_301, %add3A_834 : vector<16xi32>
        %gather3A_837 = tpu.vector_load_idx %arg7[%add3A_836] : memref<64000xf32, #tpu.memory_space<vmem>>[vector<16xi32>], vector<16xf32>,
        %add3A_838 = arith.addf %gather3A_835, %gather3A_837 : vector<16xf32>
        %mul3A_839 = arith.constant 5.000000e-01 : f32
        %mul3A_840 = vector.broadcast %mul3A_839 : f32 to vector<16xf32>
        %mul3A_841 = arith.mulf %add3A_838, %mul3A_840 : vector<16xf32>
        tpu.vector_store_idx %arg15[%add3A_834, %add3A_298], %mul3A_841 : memref<64x128xf32, #tpu.memory_space<vmem>>[vector<16xi32>, vector<16xi32>], vector<16xf32>,
        %add3A_842 = arith.constant 48 : i32
        %add3A_843 = vector.broadcast %add3A_842 : i32 to vector<16xi32>
        %add3A_844 = arith.addi %and3A_220, %add3A_843 : vector<16xi32>
        %gather3A_845 = tpu.vector_load_idx %arg13[%add3A_298, %add3A_844] : memref<128x128xf32, #tpu.memory_space<vmem>>[vector<16xi32>, vector<16xi32>], vector<16xf32>,
        %add3A_846 = arith.addi %mul3A_301, %add3A_844 : vector<16xi32>
        %gather3A_847 = tpu.vector_load_idx %arg7[%add3A_846] : memref<64000xf32, #tpu.memory_space<vmem>>[vector<16xi32>], vector<16xf32>,
        %add3A_848 = arith.addf %gather3A_845, %gather3A_847 : vector<16xf32>
        %mul3A_849 = arith.constant 5.000000e-01 : f32
        %mul3A_850 = vector.broadcast %mul3A_849 : f32 to vector<16xf32>
        %mul3A_851 = arith.mulf %add3A_848, %mul3A_850 : vector<16xf32>
        tpu.vector_store_idx %arg15[%add3A_844, %add3A_298], %mul3A_851 : memref<64x128xf32, #tpu.memory_space<vmem>>[vector<16xi32>, vector<16xi32>], vector<16xf32>,
        %add3A_852 = arith.constant 48 : i32
        %add3A_853 = vector.broadcast %add3A_852 : i32 to vector<16xi32>
        %add3A_854 = arith.addi %and3A_226, %add3A_853 : vector<16xi32>
        %gather3A_855 = tpu.vector_load_idx %arg13[%add3A_298, %add3A_854] : memref<128x128xf32, #tpu.memory_space<vmem>>[vector<16xi32>, vector<16xi32>], vector<16xf32>,
        %add3A_856 = arith.addi %mul3A_301, %add3A_854 : vector<16xi32>
        %gather3A_857 = tpu.vector_load_idx %arg7[%add3A_856] : memref<64000xf32, #tpu.memory_space<vmem>>[vector<16xi32>], vector<16xf32>,
        %add3A_858 = arith.addf %gather3A_855, %gather3A_857 : vector<16xf32>
        %mul3A_859 = arith.constant 5.000000e-01 : f32
        %mul3A_860 = vector.broadcast %mul3A_859 : f32 to vector<16xf32>
        %mul3A_861 = arith.mulf %add3A_858, %mul3A_860 : vector<16xf32>
        tpu.vector_store_idx %arg15[%add3A_854, %add3A_298], %mul3A_861 : memref<64x128xf32, #tpu.memory_space<vmem>>[vector<16xi32>, vector<16xi32>], vector<16xf32>,
        %add3A_862 = arith.constant 48 : i32
        %add3A_863 = vector.broadcast %add3A_862 : i32 to vector<16xi32>
        %add3A_864 = arith.addi %and3A_232, %add3A_863 : vector<16xi32>
        %gather3A_865 = tpu.vector_load_idx %arg13[%add3A_298, %add3A_864] : memref<128x128xf32, #tpu.memory_space<vmem>>[vector<16xi32>, vector<16xi32>], vector<16xf32>,
        %add3A_866 = arith.addi %mul3A_301, %add3A_864 : vector<16xi32>
        %gather3A_867 = tpu.vector_load_idx %arg7[%add3A_866] : memref<64000xf32, #tpu.memory_space<vmem>>[vector<16xi32>], vector<16xf32>,
        %add3A_868 = arith.addf %gather3A_865, %gather3A_867 : vector<16xf32>
        %mul3A_869 = arith.constant 5.000000e-01 : f32
        %mul3A_870 = vector.broadcast %mul3A_869 : f32 to vector<16xf32>
        %mul3A_871 = arith.mulf %add3A_868, %mul3A_870 : vector<16xf32>
        tpu.vector_store_idx %arg15[%add3A_864, %add3A_298], %mul3A_871 : memref<64x128xf32, #tpu.memory_space<vmem>>[vector<16xi32>, vector<16xi32>], vector<16xf32>,
        %add3A_872 = arith.constant 48 : i32
        %add3A_873 = vector.broadcast %add3A_872 : i32 to vector<16xi32>
        %add3A_874 = arith.addi %and3A_238, %add3A_873 : vector<16xi32>
        %gather3A_875 = tpu.vector_load_idx %arg13[%add3A_298, %add3A_874] : memref<128x128xf32, #tpu.memory_space<vmem>>[vector<16xi32>, vector<16xi32>], vector<16xf32>,
        %add3A_876 = arith.addi %mul3A_301, %add3A_874 : vector<16xi32>
        %gather3A_877 = tpu.vector_load_idx %arg7[%add3A_876] : memref<64000xf32, #tpu.memory_space<vmem>>[vector<16xi32>], vector<16xf32>,
        %add3A_878 = arith.addf %gather3A_875, %gather3A_877 : vector<16xf32>
        %mul3A_879 = arith.constant 5.000000e-01 : f32
        %mul3A_880 = vector.broadcast %mul3A_879 : f32 to vector<16xf32>
        %mul3A_881 = arith.mulf %add3A_878, %mul3A_880 : vector<16xf32>
        tpu.vector_store_idx %arg15[%add3A_874, %add3A_298], %mul3A_881 : memref<64x128xf32, #tpu.memory_space<vmem>>[vector<16xi32>, vector<16xi32>], vector<16xf32>,
        %add3A_882 = arith.constant 48 : i32
        %add3A_883 = vector.broadcast %add3A_882 : i32 to vector<16xi32>
        %add3A_884 = arith.addi %and3A_244, %add3A_883 : vector<16xi32>
        %gather3A_885 = tpu.vector_load_idx %arg13[%add3A_298, %add3A_884] : memref<128x128xf32, #tpu.memory_space<vmem>>[vector<16xi32>, vector<16xi32>], vector<16xf32>,
        %add3A_886 = arith.addi %mul3A_301, %add3A_884 : vector<16xi32>
        %gather3A_887 = tpu.vector_load_idx %arg7[%add3A_886] : memref<64000xf32, #tpu.memory_space<vmem>>[vector<16xi32>], vector<16xf32>,
        %add3A_888 = arith.addf %gather3A_885, %gather3A_887 : vector<16xf32>
        %mul3A_889 = arith.constant 5.000000e-01 : f32
        %mul3A_890 = vector.broadcast %mul3A_889 : f32 to vector<16xf32>
        %mul3A_891 = arith.mulf %add3A_888, %mul3A_890 : vector<16xf32>
        tpu.vector_store_idx %arg15[%add3A_884, %add3A_298], %mul3A_891 : memref<64x128xf32, #tpu.memory_space<vmem>>[vector<16xi32>, vector<16xi32>], vector<16xf32>,
        %add3A_892 = arith.constant 48 : i32
        %add3A_893 = vector.broadcast %add3A_892 : i32 to vector<16xi32>
        %add3A_894 = arith.addi %and3A_250, %add3A_893 : vector<16xi32>
        %gather3A_895 = tpu.vector_load_idx %arg13[%add3A_298, %add3A_894] : memref<128x128xf32, #tpu.memory_space<vmem>>[vector<16xi32>, vector<16xi32>], vector<16xf32>,
        %add3A_896 = arith.addi %mul3A_301, %add3A_894 : vector<16xi32>
        %gather3A_897 = tpu.vector_load_idx %arg7[%add3A_896] : memref<64000xf32, #tpu.memory_space<vmem>>[vector<16xi32>], vector<16xf32>,
        %add3A_898 = arith.addf %gather3A_895, %gather3A_897 : vector<16xf32>
        %mul3A_899 = arith.constant 5.000000e-01 : f32
        %mul3A_900 = vector.broadcast %mul3A_899 : f32 to vector<16xf32>
        %mul3A_901 = arith.mulf %add3A_898, %mul3A_900 : vector<16xf32>
        tpu.vector_store_idx %arg15[%add3A_894, %add3A_298], %mul3A_901 : memref<64x128xf32, #tpu.memory_space<vmem>>[vector<16xi32>, vector<16xi32>], vector<16xf32>,
        %add3A_902 = arith.constant 48 : i32
        %add3A_903 = vector.broadcast %add3A_902 : i32 to vector<16xi32>
        %add3A_904 = arith.addi %and3A_256, %add3A_903 : vector<16xi32>
        %gather3A_905 = tpu.vector_load_idx %arg13[%add3A_298, %add3A_904] : memref<128x128xf32, #tpu.memory_space<vmem>>[vector<16xi32>, vector<16xi32>], vector<16xf32>,
        %add3A_906 = arith.addi %mul3A_301, %add3A_904 : vector<16xi32>
        %gather3A_907 = tpu.vector_load_idx %arg7[%add3A_906] : memref<64000xf32, #tpu.memory_space<vmem>>[vector<16xi32>], vector<16xf32>,
        %add3A_908 = arith.addf %gather3A_905, %gather3A_907 : vector<16xf32>
        %mul3A_909 = arith.constant 5.000000e-01 : f32
        %mul3A_910 = vector.broadcast %mul3A_909 : f32 to vector<16xf32>
        %mul3A_911 = arith.mulf %add3A_908, %mul3A_910 : vector<16xf32>
        tpu.vector_store_idx %arg15[%add3A_904, %add3A_298], %mul3A_911 : memref<64x128xf32, #tpu.memory_space<vmem>>[vector<16xi32>, vector<16xi32>], vector<16xf32>,
        %add3A_912 = arith.constant 48 : i32
        %add3A_913 = vector.broadcast %add3A_912 : i32 to vector<16xi32>
        %add3A_914 = arith.addi %and3A_262, %add3A_913 : vector<16xi32>
        %gather3A_915 = tpu.vector_load_idx %arg13[%add3A_298, %add3A_914] : memref<128x128xf32, #tpu.memory_space<vmem>>[vector<16xi32>, vector<16xi32>], vector<16xf32>,
        %add3A_916 = arith.addi %mul3A_301, %add3A_914 : vector<16xi32>
        %gather3A_917 = tpu.vector_load_idx %arg7[%add3A_916] : memref<64000xf32, #tpu.memory_space<vmem>>[vector<16xi32>], vector<16xf32>,
        %add3A_918 = arith.addf %gather3A_915, %gather3A_917 : vector<16xf32>
        %mul3A_919 = arith.constant 5.000000e-01 : f32
        %mul3A_920 = vector.broadcast %mul3A_919 : f32 to vector<16xf32>
        %mul3A_921 = arith.mulf %add3A_918, %mul3A_920 : vector<16xf32>
        tpu.vector_store_idx %arg15[%add3A_914, %add3A_298], %mul3A_921 : memref<64x128xf32, #tpu.memory_space<vmem>>[vector<16xi32>, vector<16xi32>], vector<16xf32>,
        %add3A_922 = arith.constant 48 : i32
        %add3A_923 = vector.broadcast %add3A_922 : i32 to vector<16xi32>
        %add3A_924 = arith.addi %and3A_268, %add3A_923 : vector<16xi32>
        %gather3A_925 = tpu.vector_load_idx %arg13[%add3A_298, %add3A_924] : memref<128x128xf32, #tpu.memory_space<vmem>>[vector<16xi32>, vector<16xi32>], vector<16xf32>,
        %add3A_926 = arith.addi %mul3A_301, %add3A_924 : vector<16xi32>
        %gather3A_927 = tpu.vector_load_idx %arg7[%add3A_926] : memref<64000xf32, #tpu.memory_space<vmem>>[vector<16xi32>], vector<16xf32>,
        %add3A_928 = arith.addf %gather3A_925, %gather3A_927 : vector<16xf32>
        %mul3A_929 = arith.constant 5.000000e-01 : f32
        %mul3A_930 = vector.broadcast %mul3A_929 : f32 to vector<16xf32>
        %mul3A_931 = arith.mulf %add3A_928, %mul3A_930 : vector<16xf32>
        tpu.vector_store_idx %arg15[%add3A_924, %add3A_298], %mul3A_931 : memref<64x128xf32, #tpu.memory_space<vmem>>[vector<16xi32>, vector<16xi32>], vector<16xf32>,
        %add3A_932 = arith.constant 48 : i32
        %add3A_933 = vector.broadcast %add3A_932 : i32 to vector<16xi32>
        %add3A_934 = arith.addi %and3A_274, %add3A_933 : vector<16xi32>
        %gather3A_935 = tpu.vector_load_idx %arg13[%add3A_298, %add3A_934] : memref<128x128xf32, #tpu.memory_space<vmem>>[vector<16xi32>, vector<16xi32>], vector<16xf32>,
        %add3A_936 = arith.addi %mul3A_301, %add3A_934 : vector<16xi32>
        %gather3A_937 = tpu.vector_load_idx %arg7[%add3A_936] : memref<64000xf32, #tpu.memory_space<vmem>>[vector<16xi32>], vector<16xf32>,
        %add3A_938 = arith.addf %gather3A_935, %gather3A_937 : vector<16xf32>
        %mul3A_939 = arith.constant 5.000000e-01 : f32
        %mul3A_940 = vector.broadcast %mul3A_939 : f32 to vector<16xf32>
        %mul3A_941 = arith.mulf %add3A_938, %mul3A_940 : vector<16xf32>
        tpu.vector_store_idx %arg15[%add3A_934, %add3A_298], %mul3A_941 : memref<64x128xf32, #tpu.memory_space<vmem>>[vector<16xi32>, vector<16xi32>], vector<16xf32>,
      }
      %scan3A_280 = arith.constant 8 : i32
      %add3A_281 = arith.constant 2 : i32
      %add3A_282 = arith.addi %add3A_168, %add3A_281 : i32
      %lt3A_283 = arith.constant 200 : i32
      %lt3A_284 = arith.cmpi slt, %add3A_282, %lt3A_283 : i32
      %convert_element_type3A_285 = arith.extui %lt3A_284 : i1 to i32
      %cond3A_286 = arith.constant 0 : i32
      %cond3A_287 = arith.cmpi ne, %convert_element_type3A_285, %cond3A_286 : i32
      scf.if %cond3A_287 {
        %add3A_294 = arith.constant 2 : i32
        %add3A_295 = arith.addi %add3A_168, %add3A_294 : i32
        %mul3A_296 = arith.constant 4096 : i32
        %mul3A_297 = arith.muli %add3A_295, %mul3A_296 : i32
        %add3A_298 = arith.addi %mul3A_297, %mul3A_2 : i32
        %dma_start3A_299 = tpu.memref_slice %arg2[%add3A_298] : memref<819200xi32, #tpu.memory_space<hbm>> -> memref<128xi32, #tpu.memory_space<hbm>>
        %dma_start3A_300 = tpu.memref_slice %arg2[%add3A_298] : memref<819200xi32, #tpu.memory_space<hbm>> -> memref<128xi32, #tpu.memory_space<hbm>>
        tpu.enqueue_dma source(%dma_start3A_300 : memref<128xi32, #tpu.memory_space<hbm>>) target(%arg10 : memref<128xi32, #tpu.memory_space<vmem>>) target_semaphore(%arg17 : memref<!tpu.dma_semaphore, #tpu.memory_space<semaphore_mem>>)
        %dma_start3A_301 = tpu.memref_slice %arg3[%add3A_298] : memref<819200xi32, #tpu.memory_space<hbm>> -> memref<128xi32, #tpu.memory_space<hbm>>
        %dma_start3A_302 = tpu.memref_slice %arg3[%add3A_298] : memref<819200xi32, #tpu.memory_space<hbm>> -> memref<128xi32, #tpu.memory_space<hbm>>
        tpu.enqueue_dma source(%dma_start3A_302 : memref<128xi32, #tpu.memory_space<hbm>>) target(%arg11 : memref<128xi32, #tpu.memory_space<vmem>>) target_semaphore(%arg17 : memref<!tpu.dma_semaphore, #tpu.memory_space<semaphore_mem>>)
      } else {
      }
      %dma_start3A_288 = arith.constant 0 : i32
      %dma_start3A_289 = tpu.memref_slice %arg6[%add3A_168, %dma_start3A_288, %mul3A_2] : memref<200x64x4096xf32, #tpu.memory_space<hbm>> -> memref<1x64x128xf32, #tpu.memory_space<hbm>>
      %dma_start3A_290 = tpu.memref_squeeze %dma_start3A_289 : memref<1x64x128xf32, #tpu.memory_space<hbm>> -> memref<64x128xf32, #tpu.memory_space<hbm>>
      %dma_start3A_291 = arith.constant 0 : i32
      %dma_start3A_292 = tpu.memref_slice %arg6[%add3A_168, %dma_start3A_291, %mul3A_2] : memref<200x64x4096xf32, #tpu.memory_space<hbm>> -> memref<1x64x128xf32, #tpu.memory_space<hbm>>
      %dma_start3A_293 = tpu.memref_squeeze %dma_start3A_292 : memref<1x64x128xf32, #tpu.memory_space<hbm>> -> memref<64x128xf32, #tpu.memory_space<hbm>>
      tpu.enqueue_dma source(%arg15 : memref<64x128xf32, #tpu.memory_space<vmem>>) target(%dma_start3A_293 : memref<64x128xf32, #tpu.memory_space<hbm>>) target_semaphore(%arg21 : memref<!tpu.dma_semaphore, #tpu.memory_space<semaphore_mem>>)
    }
    %scan3A_26 = arith.constant 100 : i32
    %dma_wait3A_27 = arith.constant 198 : i32
    %dma_wait3A_28 = arith.constant 0 : i32
    %dma_wait3A_29 = tpu.memref_slice %arg6[%dma_wait3A_27, %dma_wait3A_28, %mul3A_2] : memref<200x64x4096xf32, #tpu.memory_space<hbm>> -> memref<1x64x128xf32, #tpu.memory_space<hbm>>
    %dma_wait3A_30 = tpu.memref_squeeze %dma_wait3A_29 : memref<1x64x128xf32, #tpu.memory_space<hbm>> -> memref<64x128xf32, #tpu.memory_space<hbm>>
    %dma_wait3A_31 = arith.constant 0 : i32
    %dma_wait3A_32 = tpu.memref_slice %arg6[%dma_wait3A_27, %dma_wait3A_31, %mul3A_2] : memref<200x64x4096xf32, #tpu.memory_space<hbm>> -> memref<1x64x128xf32, #tpu.memory_space<hbm>>
    %dma_wait3A_33 = tpu.memref_squeeze %dma_wait3A_32 : memref<1x64x128xf32, #tpu.memory_space<hbm>> -> memref<64x128xf32, #tpu.memory_space<hbm>>
    tpu.wait_dma2 semaphore(%arg20 : memref<!tpu.dma_semaphore, #tpu.memory_space<semaphore_mem>>) src(%arg14 : memref<64x128xf32, #tpu.memory_space<vmem>>) dst(%dma_wait3A_33 : memref<64x128xf32, #tpu.memory_space<hbm>>)
    %dma_wait3A_34 = arith.constant 199 : i32
    %dma_wait3A_35 = arith.constant 0 : i32
    %dma_wait3A_36 = tpu.memref_slice %arg6[%dma_wait3A_34, %dma_wait3A_35, %mul3A_2] : memref<200x64x4096xf32, #tpu.memory_space<hbm>> -> memref<1x64x128xf32, #tpu.memory_space<hbm>>
    %dma_wait3A_37 = tpu.memref_squeeze %dma_wait3A_36 : memref<1x64x128xf32, #tpu.memory_space<hbm>> -> memref<64x128xf32, #tpu.memory_space<hbm>>
    %dma_wait3A_38 = arith.constant 0 : i32
    %dma_wait3A_39 = tpu.memref_slice %arg6[%dma_wait3A_34, %dma_wait3A_38, %mul3A_2] : memref<200x64x4096xf32, #tpu.memory_space<hbm>> -> memref<1x64x128xf32, #tpu.memory_space<hbm>>
    %dma_wait3A_40 = tpu.memref_squeeze %dma_wait3A_39 : memref<1x64x128xf32, #tpu.memory_space<hbm>> -> memref<64x128xf32, #tpu.memory_space<hbm>>
    tpu.wait_dma2 semaphore(%arg21 : memref<!tpu.dma_semaphore, #tpu.memory_space<semaphore_mem>>) src(%arg15 : memref<64x128xf32, #tpu.memory_space<vmem>>) dst(%dma_wait3A_40 : memref<64x128xf32, #tpu.memory_space<hbm>>)
    return
  }
}

</mosaic_0001>

<sc_bundles>
// kernel: kernel.3.cloned.1.call-start
scs
__scs_entry_jumppad:
0x0: {  	(pc) =	sbr.rel $0x88, $3  }
0x1: {  	(tag) =	ssettag $0x0;
	lr =	simm.s32 $0x1  }
0x2: {  	[smem:$0x3F9D] =	sst lr;
	_ =	strace $0xD0000000  }
0x3: {  	_ = 	snop  }
0x4: {  	_ = 	snop  }
0x5: {  	_ = 	snop  }
0x6: {  	_ = 	snop  }
0x7: {  	_ = 	snop  }
__scs_overlays_trampoline_lowered:
0x8: {  	[smem:$0x3FAC] =	sst s0  }
0x9: {  	[smem:$0x3FAD] =	sst s1  }
0xa: {  	[smem:$0x3FAE] =	sst s2  }
0xb: {  	[smem:$0x3FAF] =	sst s3  }
0xc: {  	[smem:$0x3FB0] =	sst s4  }
0xd: {  	[smem:$0x3FB1] =	sst s5  }
0xe: {  	[smem:$0x3FB2] =	sst s6  }
0xf: {  	[smem:$0x3FB3] =	sst s7  }
0x10: {  	[smem:$0x3FB4] =	sst s8  }
0x11: {  	[smem:$0x3FB5] =	sst s9;
	s0 =	simm.s32 @!p0 $0x0  }
0x12: {  	s1 =	sld [smem:$0x3F9B];
	s0 =	simm.s32 @p0 $0x1  }
0x13: {  	[smem:$0x3FB6] =	sst s0;
	s0 =	simm.s32 @!p1 $0x0  }
0x14: {  	s2 =	sld [smem:$0x3F9A];
	s0 =	simm.s32 @p1 $0x1  }
0x15: {  	[smem:$0x3FB7] =	sst s0;
	s0 =	simm.s32 @!p2 $0x0  }
0x16: {  	s3 =	sld [smem:$0x3FDB];
	s0 =	simm.s32 @p2 $0x1  }
0x17: {  	s4 =	simm.s32 $0x1BF5;
	[smem:$0x3FB9] =	sst s0  }
0x18: {  	s0 =	sld [smem:$0x3F9C];
	_ =	swait.ge [sflag:s4], $0x0  }
0x19: {  	s7 =	sld [smem:$0x3F9D]  }
0x1a: {  	s8 =	sadd.s32 $0xFFFFE003, lr  }
0x1b: {  	s9 =	sadd.s32 $0xFFFFFEF7, lr;
	s5 =	simm.s32 $0xFFFFFFFF;
	p2 =	slt.u32 s8, $0xFFFFF086  }
0x1c: {  	p1 =	slt.u32 s9, $0xF7A;
	s5 =	simm.s32 @!p2 $0x0  }
0x1d: {  	s5 =	simm.s32 @p1 $0x1;
	p0 =	seq.s32 s7, s2  }
0x1e: {  	s7 =	smul.u32 @!p0 $0xF7A, s2;
	p2 =	seq.s32 @!p0 s5, $0x0  }
0x1f: {  	s9 =	smul.u32 $0xF7A, s1;
	s8 =	simm.s32 @!p0 $0x1BF5;
	p2 =	por !p2, p0  }
0x20: {  	[sflag:s8] =	ssyncset.s32 @!p0 $0xFFFFF086;
	s6 =	sadd.s32 @!p0 s3, s7;
	s7 =	simm.s32 @!p0 $0x108  }
0x21: {  	s3 =	sadd.s32 s3, s9;
	s6 =	sadd.s32 @!p0 $0x88, s6;
	s7 =	simm.s32 @p2 $0x1082  }
0x22: {  	[simem:s7], [sflag:s8] =	dma.local @!p0 [hbm:s6], $0xF7A  }
0x23: {  	s9 =	sor.u32 $0xD0000000, s2;
	s6 =	simm.s32 $0x108;
	_ =	swait.ge @!p0 [sflag:s8], $0x0  }
0x24: {  	s3 =	sadd.s32 $0x88, s3;
	s6 =	simm.s32 @!p1 $0x1082;
	[sflag:s4] =	ssyncset.s32 $0xFFFFF086  }
0x25: {  	[simem:s6], [sflag:s4] =	dma.local [hbm:s3], $0xF7A  }
0x26: {  	[smem:$0x3F9D] =	sst s1;
	(tag) =	ssettag s2;
	_ =	strace s9  }
0x27: {  	s1 =	sld [smem:$0x3FAD]  }
0x28: {  	s2 =	sld [smem:$0x3FAE]  }
0x29: {  	s4 =	sld [smem:$0x3FB0]  }
0x2a: {  	p0 =	seq.s32 s5, $0x0;
	s5 =	sld [smem:$0x3FB1]  }
0x2b: {  	s6 =	sld [smem:$0x3FB2]  }
0x2c: {  	s7 =	sld [smem:$0x3FB3]  }
0x2d: {  	s3 =	simm.s32 $0x108;
	s8 =	sld [smem:$0x3FB4]  }
0x2e: {  	s3 =	simm.s32 @!p0 $0x1082;
	s9 =	sld [smem:$0x3FB5]  }
0x2f: {  	lr =	sadd.s32 s0, s3;
	s0 =	sld [smem:$0x3FAC]  }
0x30: {  	s3 =	sld [smem:$0x3FAF]  }
0x31: {  	[smem:$0x3FB8] =	sst s10  }
0x32: {  	s10 =	sld [smem:$0x3FB6];
	_ =	sdelay $0x3  }
0x33: {  	p0 =	seq.s32 s10, $0x1;
	s10 =	sld [smem:$0x3FB8];
	_ =	sdelay $0x3  }
0x34: {  	[smem:$0x3FB8] =	sst s10  }
0x35: {  	s10 =	sld [smem:$0x3FB7];
	_ =	sdelay $0x3  }
0x36: {  	p1 =	seq.s32 s10, $0x1;
	s10 =	sld [smem:$0x3FB8];
	_ =	sdelay $0x3  }
0x37: {  	[smem:$0x3FB8] =	sst s10  }
0x38: {  	s10 =	sld [smem:$0x3FB9]  }
0x39: {  	_ = 	snop;
	(pc) =	sbr.ind lr, $3  }
0x3a: {  	_ = 	snop  }
0x3b: {  	_ = 	snop  }
0x3c: {  	p2 =	seq.s32 s10, $0x1;
	s10 =	sld [smem:$0x3FB8]  }
0x3d: {  	_ =	shalt  }
0x3e: {  	_ =	shalt  }
0x3f: {  	_ =	shalt  }
0x40: {  	_ =	shalt  }
0x41: {  	_ =	shalt  }
0x42: {  	_ =	shalt  }
0x43: {  	_ =	shalt  }
0x44: {  	_ =	shalt  }
0x45: {  	_ =	shalt  }
0x46: {  	_ =	shalt  }
0x47: {  	_ =	shalt  }
0x48: {  	_ =	shalt  }
0x49: {  	_ =	shalt  }
0x4a: {  	_ =	shalt  }
0x4b: {  	_ =	shalt  }
0x4c: {  	_ =	shalt  }
0x4d: {  	_ =	shalt  }
0x4e: {  	_ =	shalt  }
0x4f: {  	_ =	shalt  }
0x50: {  	_ =	shalt  }
0x51: {  	_ =	shalt  }
0x52: {  	_ =	shalt  }
0x53: {  	_ =	shalt  }
0x54: {  	_ =	shalt  }
0x55: {  	_ =	shalt  }
0x56: {  	_ =	shalt  }
0x57: {  	_ =	shalt  }
0x58: {  	_ =	shalt  }
0x59: {  	_ =	shalt  }
0x5a: {  	_ =	shalt  }
0x5b: {  	_ =	shalt  }
0x5c: {  	_ =	shalt  }
0x5d: {  	_ =	shalt  }
0x5e: {  	_ =	shalt  }
0x5f: {  	_ =	shalt  }
0x60: {  	_ =	shalt  }
0x61: {  	_ =	shalt  }
0x62: {  	_ =	shalt  }
0x63: {  	_ =	shalt  }
0x64: {  	_ =	shalt  }
0x65: {  	_ =	shalt  }
0x66: {  	_ =	shalt  }
0x67: {  	_ =	shalt  }
0x68: {  	_ =	shalt  }
0x69: {  	_ =	shalt  }
0x6a: {  	_ =	shalt  }
0x6b: {  	_ =	shalt  }
0x6c: {  	_ =	shalt  }
0x6d: {  	_ =	shalt  }
0x6e: {  	_ =	shalt  }
0x6f: {  	_ =	shalt  }
0x70: {  	_ =	shalt  }
0x71: {  	_ =	shalt  }
0x72: {  	_ =	shalt  }
0x73: {  	_ =	shalt  }
0x74: {  	_ =	shalt  }
0x75: {  	_ =	shalt  }
0x76: {  	_ =	shalt  }
0x77: {  	_ =	shalt  }
0x78: {  	_ =	shalt  }
0x79: {  	_ =	shalt  }
0x7a: {  	_ =	shalt  }
0x7b: {  	_ =	shalt  }
0x7c: {  	_ =	shalt  }
0x7d: {  	_ =	shalt  }
0x7e: {  	_ =	shalt  }
0x7f: {  	_ =	shalt  }
0x80: {  	_ =	shalt  }
0x81: {  	_ =	shalt  }
0x82: {  	_ =	shalt  }
0x83: {  	_ =	shalt  }
0x84: {  	_ =	shalt  }
0x85: {  	_ =	shalt  }
0x86: {  	_ =	shalt  }
0x87: {  	_ =	shalt  }
.Lfunc_end0:
.L_simem_size_0:
called_computation_lowered:
.L_overlay_start_0:
0x88: {  	s2 =	sld [smem:$0x3FD9]  }
0x89: {  	s3 =	sld [smem:$0x3FFE];
	_ =	sdelay $0x1  }
0x8a: {  	s1 =	srdreg.scid  }
0x8b: {  	s0 =	sand.u32 $0x1, s1  }
0x8c: {  	s17 =	sshll.u32 s0, $0xA;
	s2 =	sadd.s32 s3, s2  }
0x8d: {  	s2 =	sadd.s32 s2, s17  }
0x8e: {  	[smem:$0x3FC4] =	sst s2  }
0x8f: {  	_ = 	snop  }
0x90: {  	s2 =	sld [smem:$0x3FD0];
	(tm) =	ssettm $0x1  }
0x91: {  	s18 =	sld [smem:$0x3FFB];
	_ =	sdelay $0x3  }
0x92: {  	_ =	strace s18  }
0x93: {  	s3 =	sld [smem:$0x3FFC];
	_ =	sdelay $0x3  }
0x94: {  	_ =	strace s3  }
0x95: {  	s3 =	sld [smem:$0x3FFD];
	_ =	sdelay $0x3  }
0x96: {  	_ =	strace s3  }
0x97: {  	_ =	strace $0x8FFFFFFF  }
0x98: {  	s19 =	sld [smem:$0x3FDB];
	_ =	sdelay $0x1  }
0x99: {  	s4 =	simm.s32 $_scs_section_size  }
0x9a: {  	s5 =	simm.s32 $_size__tile_overlayer_lowered;
	s6 =	simm.s32 $_tile_overlayer_lowered  }
0x9b: {  	s22 =	simm.s32 $0x1BFF;
	s21 =	sshll.u32 s6, $0x1;
	s3 =	sadd.s32 s4, s19  }
0x9c: {  	s7 =	simm.s32 $0x0;
	s20 =	sshll.u32 s5, $0x1;
	s5 =	sadd.s32 s21, s3  }
0x9d: {  	[timem:s7], [sflag:s22] =	dma.local [hbm:s5], s20  }
0x9e: {  	_ =	swait.ge [sflag:s22], s20  }
0x9f: {  	s4 =	ssub.s32 $0x0, s20;
	[sflag:s22] =	ssyncset.done $0x0  }
0xa0: {  	[sflag:s22] =	ssyncadd.s32 s4;
	_ =	sdelay $0x1  }
0xa1: {  	s23 =	simm.s32 $0x1B8B  }
0xa2: {  	_ =	swait.ge [sflag:s23], $0x1  }
0xa3: {  	[sflag:s23] =	ssyncset.done $0x0  }
0xa4: {  	s25 =	simm.s32 $0x1B8E;
	s24 =	sld [smem:$0x3FFE];
	[sflag:s23] =	ssyncadd.s32 $0xFFFFFFFF  }
0xa5: {  	s26 =	simm.s32 $execute0_lowered;
	[smem:$0x3FD2] =	sst s25  }
0xa6: {  	s5 =	sshll.u32 s26, $0x1;
	_ =	strace $0x80000046;
	[dreg:$0x1] =	wrdreg $0xFFFFFFFF  }
0xa7: {  	s28 =	simm.s32 $_size_execute0_lowered;
	s3 =	sadd.s32 s3, s5;
	[dreg:$0x0] =	wrdreg $0x0  }
0xa8: {  	s5 =	sshll.u32 s28, $0x1;
	[dreg:$0x2] =	wrdreg s3  }
0xa9: {  	[dreg:$0x3] =	wrdreg s5  }
0xaa: {  	[dreg:$0x4] =	wrdreg $0xC0  }
0xab: {  	_ =	task [dreg:s7], $0x5FFFF  }
0xac: {  	[dreg:$0x1] =	wrdreg $0xFFFFFFFF  }
0xad: {  	[dreg:$0x0] =	wrdreg $0x60  }
0xae: {  	[dreg:$0x2] =	wrdreg s24  }
0xaf: {  	[dreg:$0x3] =	wrdreg s2  }
0xb0: {  	[dreg:$0x4] =	wrdreg $0x9  }
0xb1: {  	_ =	task.clear_ibuf [dreg:s7], $0x5FFFF;
	_ =	strace $0x90000046  }
0xb2: {  	s29 =	simm.s32 $0x9;
	_ =	strace $0x80000048  }
0xb3: {  	_ =	swait.ge [sflag:s29], $0x1  }
0xb4: {  	[sflag:s29] =	ssyncadd.s32 $0xFFFFFFFF  }
0xb5: {  	_ =	strace $0x90000048  }
0xb6: {  	_ =	sfence  }
0xb7: {  	s30 =	sld [smem:$0x0];
	_ =	sdelay $0x2  }
0xb8: {  	s31 =	sshll.u32 s1, $0xD;
	s1 =	sshrl.u32 s1, $0x2  }
0xb9: {  	s3 =	sand.u32 $0x4000, s31;
	s1 =	sadd.s32 s1, s30  }
0xba: {  	s0 =	sor.u32 s3, s0;
	s1 =	sshll.u32 s1, $0x11  }
0xbb: {  	s0 =	sor.u32 s1, s0  }
0xbc: {  	s0 =	sadd.s32 $0x8F2B, s0  }
0xbd: {  	[sflag:s0] =	ssyncadd.remote.s32 $0x1  }
0xbe: {  	_ =	sfence.sel $0xFFFF  }
0xbf: {  	[dreg:$0x0] =	wrdreg $0xFFFFFFFF;
	(pc) =	sbr.abs _section_cstart, $3  }
0xc0: {  	[dreg:$0x1] =	wrdreg $0xFFFFFFFF  }
0xc1: {  	_ =	task.clear_ibuf [dreg:s7], $0x2FFFF;
	_ =	strace $0x9FFFFFFF  }
0xc2: {  	(tm) =	ssettm $0x7FFFFFFF  }
0xc3: {  	_ =	shalt  }
tec
execute0_lowered:
.L_overlay_start_1:
0x0: {  	(tag) =	ssettag $0x1  }
0x1: {  	v0 =	vimm.s32 $0xFEDCBA9;
	vm14 =	vcmask $0x300  }
0x2: {  	v1 =	vimm.s32 $0xF;
	vm13 =	vcmask $0x704;
	v2 =	vimm.s32 $0x87654321  }
0x3: {  	vm12 =	vcmask $0xB08;
	vm11 =	vcmask $0xF0C;
	vm10 =	vcmask $0x1310  }
0x4: {  	vm9 =	vcmask $0x1714;
	vm8 =	vcmask $0x1B18;
	vm6 =	vcmask $0x1F1C  }
0x5: {  	vm7 =	vcmask $0x2320;
	v4 =	vimm.s32 $0x8F;
	vm5 =	vcmask $0x2724  }
0x6: {  	vm4 =	vcmask $0x2B28;
	vm3 =	vcmask $0x2F2C;
	vm1 =	vcmask $0x3330  }
0x7: {  	vm2 =	vcmask $0x3734;
	vm0 =	vcmask $0x3B38;
	v5 =	vimm.s32 $0x10F  }
0x8: {  	v63 =	vimm.s32 $0x18F;
	v32 =	vimm.s32 $0x3210FEDC;
	v33 =	vimm.s32 $0xBA987654  }
0x9: {  	v11 =	vimm.s32 $0x20F;
	v39 =	vimm.s32 $0x43210FED;
	v40 =	vimm.s32 $0xCBA98765  }
0xa: {  	v42 =	vimm.s32 $0x28F;
	v46 =	vimm.s32 $0x30F;
	v47 =	vimm.s32 $0x543210FE  }
0xb: {  	v48 =	vimm.s32 $0x6543210F;
	v18 =	vimm.s32 $0x38F;
	v19 =	vimm.s32 $0x40F  }
0xc: {  	v21 =	vimm.s32 $0x108F;
	v23 =	vimm.s32 $0x110F;
	v25 =	vimm.s32 $0x118F  }
0xd: {  	v27 =	vimm.s32 $0x120F;
	v29 =	vimm.s32 $0x128F;
	v30 =	vimm.s32 $0x130F  }
0xe: {  	v31 =	vimm.s32 $0x138F;
	v0 =	vunpack.c.l.s4.s8 v0;
	v1 =	vsel vm14, $0x80, v1  }
0xf: {  	v2 =	vunpack.c.l.s4.s8 v2;
	v4 =	vsel vm14, $0x100, v4;
	v6 =	vsel vm14, $0x180, v5  }
0x10: {  	v36 =	vsel vm14, $0x280, v11;
	v11 =	vunpack.c.l.s4.s8 v40;
	v18 =	vsel vm14, $0x400, v18  }
0x11: {  	v19 =	vsel vm14, $0x480, v19;
	v40 =	vimm.s32 $0x1C1B1A19;
	v21 =	vsel vm14, $0x1100, v21  }
0x12: {  	v23 =	vsel vm14, $0x1180, v23;
	v25 =	vsel vm14, $0x1200, v25;
	v27 =	vsel vm14, $0x1280, v27  }
0x13: {  	v29 =	vsel vm14, $0x1300, v29;
	v30 =	vsel vm14, $0x1380, v30;
	v31 =	vsel vm14, $0x1400, v31  }
0x14: {  	v1 =	vsel vm13, $0x101, v1;
	v4 =	vsel vm13, $0x181, v4;
	v19 =	vsel vm13, $0x501, v19  }
0x15: {  	v21 =	vsel vm13, $0x1181, v21;
	v23 =	vsel vm13, $0x1201, v23;
	v25 =	vsel vm13, $0x1281, v25  }
0x16: {  	v27 =	vsel vm13, $0x1301, v27;
	v29 =	vsel vm13, $0x1381, v29;
	v30 =	vsel vm13, $0x1401, v30  }
0x17: {  	v31 =	vsel vm13, $0x1481, v31;
	v1 =	vsel vm12, $0x182, v1;
	v0 =	vunpack.c.0.s8.s32 v0  }
0x18: {  	v57 =	vunpack.c.0.s8.s32 v2;
	v4 =	vsel vm12, $0x202, v4;
	v13 =	vunpack.c.0.s8.s32 v11  }
0x19: {  	v19 =	vsel vm12, $0x582, v19;
	v3 =	vsel vm11, $0x203, v1;
	v4 =	vsel vm11, $0x283, v4  }
0x1a: {  	v19 =	vsel vm11, $0x603, v19;
	v58 =	vsel vm10, $0x284, v3;
	v3 =	vcombine.low v57, v0  }
0x1b: {  	v4 =	vsel vm10, $0x304, v4;
	v0 =	vcombine.low v0, v57;
	v2 =	vsel vm9, $0x305, v58  }
0x1c: {  	v19 =	vsel vm10, $0x684, v19;
	v2 =	vsel vm8, $0x386, v2;
	v3 =	vand.u32 $0xF, v3  }
0x1d: {  	v0 =	vand.u32 $0xF, v0;
	v2 =	vsel vm6, $0x407, v2;
	[tilespmem:$0x1F830] =	vst v3;
	v3 =	vsel vm9, $0x385, v4  }
0x1e: {  	v4 =	vimm.s32 $0x10FEDCBA;
	v2 =	vsel vm7, $0x488, v2;
	v3 =	vsel vm8, $0x406, v3  }
0x1f: {  	v59 =	vunpack.c.l.s4.s8 v4;
	v4 =	vimm.s32 $0x98765432;
	v2 =	vsel vm5, $0x509, v2  }
0x20: {  	v3 =	vsel vm6, $0x487, v3;
	v4 =	vunpack.c.l.s4.s8 v4;
	v2 =	vsel vm4, $0x58A, v2  }
0x21: {  	v3 =	vsel vm7, $0x508, v3;
	v5 =	vunpack.c.0.s8.s32 v59;
	v2 =	vsel vm3, $0x60B, v2  }
0x22: {  	v3 =	vsel vm5, $0x589, v3;
	v7 =	vunpack.c.0.s8.s32 v4;
	v4 =	vimm.s32 $0x210FEDCB  }
0x23: {  	v2 =	vsel vm1, $0x68C, v2;
	v60 =	vsel vm4, $0x60A, v3;
	v3 =	vsel vm13, $0x201, v6  }
0x24: {  	v6 =	vimm.s32 $0xA9876543;
	v4 =	vunpack.c.l.s4.s8 v4;
	v2 =	vsel vm2, $0x70D, v2  }
0x25: {  	v3 =	vsel vm12, $0x282, v3;
	v6 =	vunpack.c.l.s4.s8 v6;
	v8 =	vcombine.low v7, v5  }
0x26: {  	v5 =	vcombine.low v5, v7;
	v2 =	vsel vm0, $0x78E, v2;
	v3 =	vsel vm11, $0x303, v3  }
0x27: {  	v61 =	vunpack.c.0.s8.s32 v4;
	[tilespmem:$0x1F840] =	vst v2;
	v2 =	vsel vm3, $0x68B, v60;
	v3 =	vsel vm10, $0x384, v3  }
0x28: {  	v5 =	vand.u32 $0xF, v5;
	v60 =	vimm.s32 $0x60F;
	v9 =	vsel vm1, $0x70C, v2  }
0x29: {  	v10 =	vsel vm9, $0x405, v3;
	v3 =	vunpack.c.0.s8.s32 v6;
	v6 =	vand.u32 $0xF, v8;
	[tilespmem:$0x1FC90] =	vst v5  }
0x2a: {  	v5 =	vimm.s32 $0x58F;
	v4 =	vsel vm8, $0x486, v10;
	[tilespmem:$0x1F850] =	vst v6;
	v6 =	vsel vm2, $0x78D, v9  }
0x2b: {  	v9 =	vunpack.c.l.s4.s8 v33;
	v5 =	vsel vm14, $0x600, v5;
	v33 =	vimm.s32 $0x70F  }
0x2c: {  	v4 =	vsel vm6, $0x507, v4;
	v62 =	vcombine.low v3, v61;
	v6 =	vsel vm0, $0xE, v6  }
0x2d: {  	v5 =	vsel vm13, $0x681, v5;
	v2 =	vcombine.low v61, v3;
	v4 =	vsel vm7, $0x588, v4  }
0x2e: {  	[tilespmem:$0x1F860] =	vst v6;
	v6 =	vsel vm14, $0x200, v63;
	v5 =	vsel vm12, $0x702, v5;
	v4 =	vsel vm5, $0x609, v4  }
0x2f: {  	v8 =	vand.u32 $0xF, v62;
	v6 =	vsel vm13, $0x281, v6;
	v3 =	vsel vm11, $0x783, v5  }
0x30: {  	v2 =	vand.u32 $0xF, v2;
	v5 =	vimm.s32 $0xB0F;
	v4 =	vsel vm4, $0x68A, v4  }
0x31: {  	[tilespmem:$0x1F870] =	vst v8;
	v6 =	vsel vm12, $0x302, v6;
	v8 =	vunpack.c.l.s4.s8 v32;
	v59 =	vsel vm10, $0x4, v3  }
0x32: {  	[tilespmem:$0x1FA30] =	vst v2;
	v2 =	vsel vm14, $0x680, v60;
	v32 =	vimm.s32 $0x68F;
	v5 =	vsel vm14, $0xB80, v5  }
0x33: {  	v4 =	vsel vm3, $0x70B, v4;
	v6 =	vsel vm11, $0x383, v6;
	v2 =	vsel vm13, $0x701, v2  }
0x34: {  	v5 =	vsel vm13, $0xC01, v5;
	v34 =	vsel vm1, $0x78C, v4;
	v6 =	vsel vm10, $0x404, v6  }
0x35: {  	v4 =	vunpack.c.0.s8.s32 v8;
	v2 =	vsel vm12, $0x782, v2;
	v35 =	vsel vm9, $0x485, v6  }
0x36: {  	v6 =	vunpack.c.0.s8.s32 v9;
	v10 =	vsel vm2, $0xD, v34;
	v9 =	vsel vm13, $0x301, v36  }
0x37: {  	v2 =	vsel vm11, $0x3, v2;
	v36 =	vimm.s32 $0x80F;
	v8 =	vsel vm8, $0x506, v35  }
0x38: {  	v9 =	vsel vm12, $0x382, v9;
	v10 =	vsel vm0, $0x8E, v10;
	v62 =	vsel vm10, $0x84, v2  }
0x39: {  	v8 =	vsel vm6, $0x587, v8;
	v37 =	vcombine.low v6, v4;
	v9 =	vsel vm11, $0x403, v9  }
0x3a: {  	[tilespmem:$0x1FB30] =	vst v10;
	v10 =	vunpack.c.l.s4.s8 v39;
	v3 =	vcombine.low v4, v6;
	v4 =	vimm.s32 $0xA8F  }
0x3b: {  	v6 =	vimm.s32 $0xB8F;
	v8 =	vsel vm7, $0x608, v8;
	v9 =	vsel vm10, $0x484, v9  }
0x3c: {  	v4 =	vsel vm14, $0xB00, v4;
	v6 =	vsel vm14, $0xC00, v6;
	v8 =	vsel vm5, $0x689, v8  }
0x3d: {  	v38 =	vand.u32 $0xF, v37;
	v9 =	vsel vm9, $0x505, v9;
	v41 =	vunpack.c.0.s8.s32 v10  }
0x3e: {  	v10 =	vsel vm14, $0x300, v42;
	v63 =	vand.u32 $0xF, v3;
	v42 =	vimm.s32 $0x14131211  }
0x3f: {  	v4 =	vsel vm13, $0xB81, v4;
	v6 =	vsel vm13, $0xC81, v6;
	v8 =	vsel vm4, $0x70A, v8  }
0x40: {  	v9 =	vsel vm8, $0x586, v9;
	v10 =	vsel vm13, $0x381, v10;
	v8 =	vsel vm3, $0x78B, v8  }
0x41: {  	v9 =	vsel vm6, $0x607, v9;
	v10 =	vsel vm12, $0x402, v10;
	v12 =	vsel vm1, $0xC, v8  }
0x42: {  	v9 =	vsel vm7, $0x688, v9;
	v10 =	vsel vm11, $0x483, v10;
	v8 =	vcombine.low v41, v13  }
0x43: {  	v9 =	vsel vm5, $0x709, v9;
	v43 =	vsel vm2, $0x8D, v12;
	v12 =	vcombine.low v13, v41  }
0x44: {  	v10 =	vsel vm10, $0x504, v10;
	v41 =	vimm.s32 $0x101F1E1D;
	v13 =	vimm.s32 $0xE0F  }
0x45: {  	v9 =	vsel vm4, $0x78A, v9;
	v11 =	vsel vm0, $0x10E, v43;
	v45 =	vsel vm9, $0x585, v10  }
0x46: {  	v10 =	vsel vm14, $0x380, v46;
	v2 =	vand.u32 $0xF, v8;
	v43 =	vimm.s32 $0x88F  }
0x47: {  	v46 =	vimm.s32 $0x90F;
	v13 =	vsel vm14, $0xE80, v13;
	v9 =	vsel vm3, $0xB, v9  }
0x48: {  	[tilespmem:$0x1F880] =	vst v11;
	v44 =	vand.u32 $0xF, v12;
	v11 =	vunpack.c.l.s4.s8 v47;
	v10 =	vsel vm13, $0x401, v10  }
0x49: {  	v12 =	vimm.s32 $0xDCBA9876;
	[tilespmem:$0x1FA10] =	vst v2;
	v2 =	vsel vm14, $0x780, v33;
	v33 =	vimm.s32 $0x148F  }
0x4a: {  	v13 =	vsel vm13, $0xF01, v13;
	v9 =	vsel vm1, $0x8C, v9;
	v10 =	vsel vm12, $0x482, v10  }
0x4b: {  	[tilespmem:$0x1FB90] =	vst v44;
	v12 =	vunpack.c.l.s4.s8 v12;
	v2 =	vsel vm13, $0x1, v2;
	v44 =	vsel vm14, $0x900, v43  }
0x4c: {  	v33 =	vsel vm14, $0x1500, v33;
	v43 =	vimm.s32 $0x1A0F;
	v9 =	vsel vm2, $0x10D, v9  }
0x4d: {  	v10 =	vsel vm11, $0x503, v10;
	v15 =	vunpack.c.0.s8.s32 v11;
	v11 =	vunpack.c.l.s4.s8 v48  }
0x4e: {  	v2 =	vsel vm12, $0x82, v2;
	v48 =	vsel vm14, $0x980, v46;
	v43 =	vsel vm14, $0x1A80, v43  }
0x4f: {  	v46 =	vimm.s32 $0x1B8F;
	v33 =	vsel vm13, $0x1581, v33;
	v9 =	vsel vm0, $0x18E, v9  }
0x50: {  	v10 =	vsel vm10, $0x584, v10;
	v17 =	vunpack.c.0.s8.s32 v12;
	v12 =	vimm.s32 $0xEDCBA987  }
0x51: {  	v2 =	vsel vm11, $0x103, v2;
	v46 =	vsel vm14, $0x1C00, v46;
	v43 =	vsel vm13, $0x1B01, v43  }
0x52: {  	[tilespmem:$0x1FBB0] =	vst v9;
	v9 =	vsel vm8, $0x606, v45;
	v10 =	vsel vm9, $0x605, v10;
	v12 =	vunpack.c.l.s4.s8 v12  }
0x53: {  	v49 =	vunpack.c.0.s8.s32 v11;
	v2 =	vsel vm10, $0x184, v2;
	v45 =	vimm.s32 $0x18171615  }
0x54: {  	v46 =	vsel vm13, $0x1C81, v46;
	v9 =	vsel vm6, $0x687, v9;
	v10 =	vsel vm8, $0x686, v10  }
0x55: {  	v14 =	vcombine.low v17, v15;
	v3 =	vcombine.low v15, v17;
	v35 =	vsel vm9, $0x205, v2  }
0x56: {  	v2 =	vsel vm14, $0x880, v36;
	v22 =	vunpack.c.0.s8.s32 v45;
	v15 =	vimm.s32 $0xE8F  }
0x57: {  	v17 =	vimm.s32 $0xF0F;
	v36 =	vimm.s32 $0x160F;
	v45 =	vimm.s32 $0x1B0F  }
0x58: {  	v9 =	vsel vm7, $0x708, v9;
	v10 =	vsel vm6, $0x707, v10;
	v50 =	vunpack.c.0.s8.s32 v12  }
0x59: {  	v2 =	vsel vm13, $0x901, v2;
	v15 =	vsel vm14, $0xF00, v15;
	v17 =	vsel vm14, $0xF80, v17  }
0x5a: {  	v36 =	vsel vm14, $0x1680, v36;
	v45 =	vsel vm14, $0x1B80, v45;
	v9 =	vsel vm5, $0x789, v9  }
0x5b: {  	[tilespmem:$0x1FA80] =	vst v63;
	v10 =	vsel vm7, $0x788, v10;
	v51 =	vand.u32 $0xF, v14;
	v63 =	vand.u32 $0xF, v3  }
0x5c: {  	v2 =	vsel vm12, $0x982, v2;
	v15 =	vsel vm13, $0xF81, v15;
	v17 =	vsel vm13, $0x801, v17  }
0x5d: {  	v36 =	vsel vm13, $0x1701, v36;
	v45 =	vsel vm13, $0x1C01, v45;
	v9 =	vsel vm4, $0xA, v9  }
0x5e: {  	v12 =	vsel vm5, $0x9, v10;
	v2 =	vsel vm11, $0xA03, v2;
	v3 =	vcombine.low v49, v50  }
0x5f: {  	[tilespmem:$0x1F890] =	vst v51;
	v51 =	vimm.s32 $0x98F;
	v9 =	vsel vm3, $0x8B, v9;
	v12 =	vsel vm4, $0x8A, v12  }
0x60: {  	v2 =	vsel vm10, $0xA84, v2;
	v16 =	vsel vm1, $0x10C, v9;
	v12 =	vsel vm3, $0x10B, v12  }
0x61: {  	[tilespmem:$0x1FB60] =	vst v38;
	v38 =	vsel vm9, $0xB05, v2;
	v60 =	vand.u32 $0xF, v3;
	v2 =	vsel vm14, $0xA00, v51  }
0x62: {  	v3 =	vimm.s32 $0xA0F;
	v51 =	vimm.s32 $0x1E0F;
	v14 =	vsel vm2, $0x18D, v16  }
0x63: {  	v16 =	vcombine.low v50, v49;
	v39 =	vsel vm8, $0xB86, v38;
	v49 =	vimm.s32 $0x1D1C1B1A  }
0x64: {  	v50 =	vimm.s32 $0x11101F1E;
	v3 =	vsel vm14, $0xA80, v3;
	v38 =	vimm.s32 $0x170F  }
0x65: {  	v51 =	vsel vm14, $0x1E80, v51;
	v2 =	vsel vm13, $0xA81, v2;
	v14 =	vsel vm0, $0x20E, v14  }
0x66: {  	v38 =	vsel vm14, $0x1780, v38;
	v3 =	vsel vm13, $0xB01, v3;
	v51 =	vsel vm13, $0x1F01, v51  }
0x67: {  	v2 =	vsel vm12, $0xB02, v2;
	[tilespmem:$0x1FBD0] =	vst v14;
	v14 =	vsel vm1, $0x18C, v12;
	v52 =	vand.u32 $0xF, v16  }
0x68: {  	v16 =	vsel vm13, $0x481, v18;
	v18 =	vimm.s32 $0xFEDCBA98;
	v38 =	vsel vm13, $0x1001, v38  }
0x69: {  	v14 =	vsel vm2, $0x20D, v14;
	v16 =	vsel vm12, $0x502, v16;
	v18 =	vunpack.c.l.s4.s8 v18  }
0x6a: {  	[tilespmem:$0x1F8A0] =	vst v52;
	v52 =	vimm.s32 $0xC8F;
	v14 =	vsel vm0, $0x28E, v14;
	v16 =	vsel vm11, $0x583, v16  }
0x6b: {  	v8 =	vsel vm14, $0xD00, v52;
	[tilespmem:$0x1FBF0] =	vst v14;
	v14 =	vimm.s32 $0x76543210;
	v16 =	vsel vm10, $0x604, v16  }
0x6c: {  	v52 =	vimm.s32 $0x1E8F;
	v14 =	vunpack.c.l.s4.s8 v14;
	v16 =	vsel vm9, $0x685, v16  }
0x6d: {  	v18 =	vunpack.c.0.s8.s32 v18;
	v52 =	vsel vm14, $0x1F00, v52;
	v16 =	vsel vm8, $0x706, v16  }
0x6e: {  	v8 =	vsel vm13, $0xD81, v8;
	v14 =	vunpack.c.0.s8.s32 v14;
	v16 =	vsel vm6, $0x787, v16  }
0x6f: {  	v52 =	vsel vm13, $0x1F81, v52;
	v18 =	vand.u32 $0xF, v18;
	v16 =	vsel vm7, $0x8, v16  }
0x70: {  	v14 =	vcombine.low v18, v14;
	v16 =	vsel vm5, $0x89, v16;
	v18 =	vsel vm9, $0x705, v19  }
0x71: {  	v19 =	vimm.s32 $0x48F;
	v16 =	vsel vm4, $0x10A, v16;
	v18 =	vsel vm8, $0x786, v18  }
0x72: {  	v19 =	vsel vm14, $0x500, v19;
	v16 =	vsel vm3, $0x18B, v16;
	v18 =	vsel vm6, $0x7, v18  }
0x73: {  	v19 =	vsel vm13, $0x581, v19;
	v16 =	vsel vm1, $0x20C, v16;
	v18 =	vsel vm7, $0x88, v18  }
0x74: {  	v19 =	vsel vm12, $0x602, v19;
	v16 =	vsel vm2, $0x28D, v16;
	v18 =	vsel vm5, $0x109, v18  }
0x75: {  	[tilespmem:$0x1FC10] =	vst v14;
	v53 =	vsel vm4, $0x18A, v18;
	v18 =	vsel vm11, $0x683, v19;
	v14 =	vsel vm0, $0x30E, v16  }
0x76: {  	v19 =	vimm.s32 $0x100F;
	v1 =	vsel vm3, $0x20B, v53;
	v18 =	vsel vm10, $0x704, v18  }
0x77: {  	[tilespmem:$0x1FC30] =	vst v14;
	v14 =	vunpack.c.0.s8.s32 v50;
	v53 =	vimm.s32 $0xD0F;
	v19 =	vsel vm14, $0x1080, v19  }
0x78: {  	v50 =	vimm.s32 $0x1D8F;
	v54 =	vsel vm1, $0x28C, v1;
	v55 =	vsel vm9, $0x785, v18  }
0x79: {  	v18 =	vimm.s32 $0x50F;
	v9 =	vsel vm14, $0xD80, v53;
	v50 =	vsel vm14, $0x1E00, v50  }
0x7a: {  	[tilespmem:$0x1FC50] =	vst v0;
	v53 =	vimm.s32 $0x1F0F;
	v19 =	vsel vm13, $0x1101, v19;
	v0 =	vsel vm2, $0x30D, v54  }
0x7b: {  	v1 =	vsel vm8, $0x6, v55;
	v7 =	vsel vm14, $0x580, v18;
	v55 =	vunpack.c.0.s8.s32 v49  }
0x7c: {  	v54 =	vimm.s32 $0xD8F;
	v49 =	vimm.s32 $0x1D0F;
	v53 =	vsel vm14, $0x1F80, v53  }
0x7d: {  	v9 =	vsel vm13, $0xE01, v9;
	v50 =	vsel vm13, $0x1E81, v50;
	v1 =	vsel vm6, $0x87, v1  }
0x7e: {  	v0 =	vsel vm0, $0x38E, v0;
	v57 =	vsel vm13, $0x601, v7;
	v7 =	vimm.s32 $0xC0F  }
0x7f: {  	v11 =	vsel vm14, $0xE00, v54;
	v56 =	vsel vm7, $0x108, v1;
	v1 =	vsel vm12, $0x682, v57  }
0x80: {  	v49 =	vsel vm14, $0x1D80, v49;
	[tilespmem:$0x1FC70] =	vst v0;
	v0 =	vsel vm5, $0x189, v56;
	v1 =	vsel vm11, $0x703, v1  }
0x81: {  	v54 =	vimm.s32 $0x15141312;
	v0 =	vsel vm4, $0x20A, v0;
	v1 =	vsel vm10, $0x784, v1  }
0x82: {  	v53 =	vsel vm13, $0x1801, v53;
	v0 =	vsel vm3, $0x28B, v0;
	v1 =	vsel vm9, $0x5, v1  }
0x83: {  	v57 =	vunpack.c.0.s8.s32 v41;
	v0 =	vsel vm1, $0x30C, v0;
	v1 =	vsel vm8, $0x86, v1  }
0x84: {  	v7 =	vsel vm14, $0xC80, v7;
	v0 =	vsel vm2, $0x38D, v0;
	v1 =	vsel vm6, $0x107, v1  }
0x85: {  	v0 =	vsel vm0, $0x40E, v0;
	v58 =	vsel vm7, $0x188, v1;
	v1 =	vsel vm9, $0x85, v59  }
0x86: {  	v41 =	vimm.s32 $0x190F;
	[tilespmem:$0x1FCF0] =	vst v0;
	v0 =	vsel vm5, $0x209, v58;
	v1 =	vsel vm8, $0x106, v1  }
0x87: {  	v11 =	vsel vm13, $0xE81, v11;
	v0 =	vsel vm4, $0x28A, v0;
	v1 =	vsel vm6, $0x187, v1  }
0x88: {  	v49 =	vsel vm13, $0x1E01, v49;
	v0 =	vsel vm3, $0x30B, v0;
	v1 =	vsel vm7, $0x208, v1  }
0x89: {  	v56 =	vunpack.c.0.s8.s32 v42;
	v0 =	vsel vm1, $0x38C, v0;
	v1 =	vsel vm5, $0x289, v1  }
0x8a: {  	v41 =	vsel vm14, $0x1980, v41;
	v0 =	vsel vm2, $0x40D, v0;
	v1 =	vsel vm4, $0x30A, v1  }
0x8b: {  	v42 =	vimm.s32 $0x198F;
	v0 =	vsel vm0, $0x48E, v0;
	v61 =	vsel vm3, $0x38B, v1  }
0x8c: {  	v7 =	vsel vm13, $0xD01, v7;
	v1 =	vsel vm9, $0x105, v62;
	[tilespmem:$0x1FD40] =	vst v0;
	v0 =	vsel vm1, $0x40C, v61  }
0x8d: {  	v42 =	vsel vm14, $0x1A00, v42;
	v1 =	vsel vm8, $0x186, v1;
	v0 =	vsel vm2, $0x48D, v0  }
0x8e: {  	v10 =	vsel vm6, $0x207, v1;
	v1 =	vsel vm14, $0x700, v32;
	v0 =	vsel vm0, $0x50E, v0  }
0x8f: {  	v41 =	vsel vm13, $0x1A01, v41;
	v1 =	vsel vm13, $0x781, v1;
	[tilespmem:$0x1FAA0] =	vst v0;
	v0 =	vsel vm7, $0x288, v10  }
0x90: {  	v42 =	vsel vm13, $0x1A81, v42;
	v1 =	vsel vm12, $0x2, v1;
	v0 =	vsel vm5, $0x309, v0  }
0x91: {  	v58 =	vunpack.c.0.s8.s32 v40;
	v1 =	vsel vm11, $0x83, v1;
	v0 =	vsel vm4, $0x38A, v0  }
0x92: {  	v40 =	vimm.s32 $0x188F;
	v1 =	vsel vm10, $0x104, v1;
	v0 =	vsel vm3, $0x40B, v0  }
0x93: {  	v40 =	vsel vm14, $0x1900, v40;
	v1 =	vsel vm9, $0x185, v1;
	v0 =	vsel vm1, $0x48C, v0  }
0x94: {  	v40 =	vsel vm13, $0x1981, v40;
	v1 =	vsel vm8, $0x206, v1;
	v0 =	vsel vm2, $0x50D, v0  }
0x95: {  	v32 =	vimm.s32 $0x140F;
	v34 =	vsel vm6, $0x287, v1;
	v0 =	vsel vm0, $0x58E, v0  }
0x96: {  	v62 =	vimm.s32 $0x19181716;
	v32 =	vsel vm14, $0x1480, v32;
	[tilespmem:$0x1FA20] =	vst v0;
	v0 =	vsel vm7, $0x308, v34  }
0x97: {  	v10 =	vunpack.c.0.s8.s32 v54;
	v32 =	vsel vm13, $0x1501, v32;
	v0 =	vsel vm5, $0x389, v0  }
0x98: {  	v54 =	vunpack.c.0.s8.s32 v62;
	v62 =	vimm.s32 $0x1E1D1C1B;
	v0 =	vsel vm4, $0x40A, v0  }
0x99: {  	v1 =	vsel vm8, $0x286, v35;
	v35 =	vimm.s32 $0x158F;
	v0 =	vsel vm3, $0x48B, v0  }
0x9a: {  	v1 =	vsel vm6, $0x307, v1;
	v35 =	vsel vm14, $0x1600, v35;
	v0 =	vsel vm1, $0x50C, v0  }
0x9b: {  	v1 =	vsel vm7, $0x388, v1;
	v34 =	vimm.s32 $0x150F;
	v0 =	vsel vm2, $0x58D, v0  }
0x9c: {  	v1 =	vsel vm5, $0x409, v1;
	v61 =	vsel vm0, $0x60E, v0;
	v0 =	vsel vm6, $0xC07, v39  }
0x9d: {  	v35 =	vsel vm13, $0x1681, v35;
	v1 =	vsel vm4, $0x48A, v1;
	v0 =	vsel vm7, $0xC88, v0  }
0x9e: {  	v34 =	vsel vm14, $0x1580, v34;
	v1 =	vsel vm3, $0x50B, v1;
	v0 =	vsel vm5, $0xD09, v0  }
0x9f: {  	v34 =	vsel vm13, $0x1601, v34;
	v1 =	vsel vm1, $0x58C, v1;
	v0 =	vsel vm4, $0xD8A, v0  }
0xa0: {  	v37 =	vsel vm2, $0x60D, v1;
	v1 =	vsel vm13, $0x981, v44;
	v0 =	vsel vm3, $0xE0B, v0  }
0xa1: {  	v44 =	vimm.s32 $0x1A8F;
	v1 =	vsel vm12, $0xA02, v1;
	v0 =	vsel vm1, $0xE8C, v0  }
0xa2: {  	v59 =	vsel vm0, $0x68E, v37;
	v1 =	vsel vm11, $0xA83, v1;
	v0 =	vsel vm2, $0xF0D, v0  }
0xa3: {  	v37 =	vimm.s32 $0x168F;
	v47 =	vsel vm10, $0xB04, v1;
	v0 =	vsel vm0, $0xF8E, v0  }
0xa4: {  	v39 =	vimm.s32 $0x180F;
	v44 =	vsel vm14, $0x1B00, v44;
	[tilespmem:$0x1F8B0] =	vst v0;
	v0 =	vsel vm9, $0xB85, v47  }
0xa5: {  	v37 =	vsel vm14, $0x1700, v37;
	v1 =	vsel vm13, $0xA01, v48;
	v0 =	vsel vm8, $0xC06, v0  }
0xa6: {  	v39 =	vsel vm14, $0x1880, v39;
	v1 =	vsel vm12, $0xA82, v1;
	v0 =	vsel vm6, $0xC87, v0  }
0xa7: {  	v44 =	vsel vm13, $0x1B81, v44;
	v1 =	vsel vm11, $0xB03, v1;
	v0 =	vsel vm7, $0xD08, v0  }
0xa8: {  	v48 =	vimm.s32 $0x1C8F;
	v1 =	vsel vm10, $0xB84, v1;
	v0 =	vsel vm5, $0xD89, v0  }
0xa9: {  	v37 =	vsel vm13, $0x1781, v37;
	v1 =	vsel vm9, $0xC05, v1;
	v0 =	vsel vm4, $0xE0A, v0  }
0xaa: {  	v39 =	vsel vm13, $0x1901, v39;
	v1 =	vsel vm8, $0xC86, v1;
	v0 =	vsel vm3, $0xE8B, v0  }
0xab: {  	v48 =	vsel vm14, $0x1D00, v48;
	v1 =	vsel vm6, $0xD07, v1;
	v0 =	vsel vm1, $0xF0C, v0  }
0xac: {  	v47 =	vimm.s32 $0x1C0F;
	v1 =	vsel vm7, $0xD88, v1;
	v0 =	vsel vm2, $0xF8D, v0  }
0xad: {  	v47 =	vsel vm14, $0x1C80, v47;
	v1 =	vsel vm5, $0xE09, v1;
	v0 =	vsel vm0, $0x80E, v0  }
0xae: {  	v48 =	vsel vm13, $0x1D81, v48;
	v47 =	vsel vm13, $0x1D01, v47;
	[tilespmem:$0x1F8C0] =	vst v0;
	v0 =	vsel vm4, $0xE8A, v1  }
0xaf: {  	v1 =	vsel vm11, $0xB83, v2;
	v2 =	vsel vm12, $0xB82, v3;
	v3 =	vsel vm12, $0xC02, v4  }
0xb0: {  	v4 =	vsel vm12, $0xC82, v5;
	v5 =	vsel vm12, $0xD02, v6;
	v6 =	vsel vm12, $0xD82, v7  }
0xb1: {  	v7 =	vsel vm12, $0xE02, v8;
	v8 =	vsel vm12, $0xE82, v9;
	v9 =	vsel vm12, $0xF02, v11  }
0xb2: {  	v11 =	vsel vm12, $0xF82, v13;
	v13 =	vsel vm12, $0x802, v15;
	v15 =	vsel vm12, $0x882, v17  }
0xb3: {  	v17 =	vsel vm12, $0x1182, v19;
	v19 =	vsel vm12, $0x1202, v21;
	v21 =	vsel vm12, $0x1282, v23  }
0xb4: {  	v23 =	vsel vm12, $0x1302, v25;
	v25 =	vsel vm12, $0x1382, v27;
	v27 =	vsel vm12, $0x1402, v29  }
0xb5: {  	v29 =	vsel vm12, $0x1482, v30;
	v30 =	vsel vm12, $0x1502, v31;
	v31 =	vsel vm12, $0x1582, v32  }
0xb6: {  	v32 =	vsel vm12, $0x1602, v33;
	v33 =	vsel vm12, $0x1682, v34;
	v34 =	vsel vm12, $0x1702, v35  }
0xb7: {  	v35 =	vsel vm12, $0x1782, v36;
	v36 =	vsel vm12, $0x1002, v37;
	v37 =	vsel vm12, $0x1082, v38  }
0xb8: {  	v38 =	vsel vm12, $0x1982, v39;
	v39 =	vsel vm12, $0x1A02, v40;
	v40 =	vsel vm12, $0x1A82, v41  }
0xb9: {  	v41 =	vsel vm12, $0x1B02, v42;
	v42 =	vsel vm12, $0x1B82, v43;
	v43 =	vsel vm12, $0x1C02, v44  }
0xba: {  	v44 =	vsel vm12, $0x1C82, v45;
	v45 =	vsel vm12, $0x1D02, v46;
	v46 =	vsel vm12, $0x1D82, v47  }
0xbb: {  	v47 =	vsel vm12, $0x1E02, v48;
	v48 =	vsel vm12, $0x1E82, v49;
	v49 =	vsel vm12, $0x1F02, v50  }
0xbc: {  	v50 =	vsel vm12, $0x1F82, v51;
	v51 =	vsel vm12, $0x1802, v52;
	v52 =	vsel vm12, $0x1882, v53  }
0xbd: {  	v53 =	vunpack.c.0.s8.s32 v62;
	v62 =	vimm.s32 $0x1211101F;
	v0 =	vsel vm3, $0xF0B, v0  }
0xbe: {  	v1 =	vsel vm10, $0xC04, v1;
	v2 =	vsel vm11, $0xC03, v2;
	v3 =	vsel vm11, $0xC83, v3  }
0xbf: {  	v4 =	vsel vm11, $0xD03, v4;
	v5 =	vsel vm11, $0xD83, v5;
	v6 =	vsel vm11, $0xE03, v6  }
0xc0: {  	v7 =	vsel vm11, $0xE83, v7;
	v8 =	vsel vm11, $0xF03, v8;
	v9 =	vsel vm11, $0xF83, v9  }
0xc1: {  	v11 =	vsel vm11, $0x803, v11;
	v13 =	vsel vm11, $0x883, v13;
	v15 =	vsel vm11, $0x903, v15  }
0xc2: {  	v17 =	vsel vm11, $0x1203, v17;
	v19 =	vsel vm11, $0x1283, v19;
	v21 =	vsel vm11, $0x1303, v21  }
0xc3: {  	v23 =	vsel vm11, $0x1383, v23;
	v25 =	vsel vm11, $0x1403, v25;
	v27 =	vsel vm11, $0x1483, v27  }
0xc4: {  	v29 =	vsel vm11, $0x1503, v29;
	v30 =	vsel vm11, $0x1583, v30;
	v31 =	vsel vm11, $0x1603, v31  }
0xc5: {  	v32 =	vsel vm11, $0x1683, v32;
	v33 =	vsel vm11, $0x1703, v33;
	v34 =	vsel vm11, $0x1783, v34  }
0xc6: {  	v35 =	vsel vm11, $0x1003, v35;
	v36 =	vsel vm11, $0x1083, v36;
	v37 =	vsel vm11, $0x1103, v37  }
0xc7: {  	v38 =	vsel vm11, $0x1A03, v38;
	v39 =	vsel vm11, $0x1A83, v39;
	v40 =	vsel vm11, $0x1B03, v40  }
0xc8: {  	v41 =	vsel vm11, $0x1B83, v41;
	v42 =	vsel vm11, $0x1C03, v42;
	v43 =	vsel vm11, $0x1C83, v43  }
0xc9: {  	v44 =	vsel vm11, $0x1D03, v44;
	v45 =	vsel vm11, $0x1D83, v45;
	v46 =	vsel vm11, $0x1E03, v46  }
0xca: {  	v47 =	vsel vm11, $0x1E83, v47;
	v48 =	vsel vm11, $0x1F03, v48;
	v49 =	vsel vm11, $0x1F83, v49  }
0xcb: {  	v50 =	vsel vm11, $0x1803, v50;
	v51 =	vsel vm11, $0x1883, v51;
	v52 =	vsel vm11, $0x1903, v52  }
0xcc: {  	[tilespmem:$0x1F8D0] =	vst v53;
	v53 =	vunpack.c.0.s8.s32 v62;
	v0 =	vsel vm1, $0xF8C, v0;
	v1 =	vsel vm9, $0xC85, v1  }
0xcd: {  	v2 =	vsel vm10, $0xC84, v2;
	v3 =	vsel vm10, $0xD04, v3;
	v4 =	vsel vm10, $0xD84, v4  }
0xce: {  	v5 =	vsel vm10, $0xE04, v5;
	v6 =	vsel vm10, $0xE84, v6;
	v7 =	vsel vm10, $0xF04, v7  }
0xcf: {  	v8 =	vsel vm10, $0xF84, v8;
	v9 =	vsel vm10, $0x804, v9;
	v11 =	vsel vm10, $0x884, v11  }
0xd0: {  	v13 =	vsel vm10, $0x904, v13;
	v15 =	vsel vm10, $0x984, v15;
	v17 =	vsel vm10, $0x1284, v17  }
0xd1: {  	v19 =	vsel vm10, $0x1304, v19;
	v21 =	vsel vm10, $0x1384, v21;
	v23 =	vsel vm10, $0x1404, v23  }
0xd2: {  	v25 =	vsel vm10, $0x1484, v25;
	v27 =	vsel vm10, $0x1504, v27;
	v29 =	vsel vm10, $0x1584, v29  }
0xd3: {  	v30 =	vsel vm10, $0x1604, v30;
	v31 =	vsel vm10, $0x1684, v31;
	v32 =	vsel vm10, $0x1704, v32  }
0xd4: {  	v33 =	vsel vm10, $0x1784, v33;
	v34 =	vsel vm10, $0x1004, v34;
	v35 =	vsel vm10, $0x1084, v35  }
0xd5: {  	v36 =	vsel vm10, $0x1104, v36;
	v37 =	vsel vm10, $0x1184, v37;
	v38 =	vsel vm10, $0x1A84, v38  }
0xd6: {  	v39 =	vsel vm10, $0x1B04, v39;
	v40 =	vsel vm10, $0x1B84, v40;
	v41 =	vsel vm10, $0x1C04, v41  }
0xd7: {  	v42 =	vsel vm10, $0x1C84, v42;
	v43 =	vsel vm10, $0x1D04, v43;
	v44 =	vsel vm10, $0x1D84, v44  }
0xd8: {  	v45 =	vsel vm10, $0x1E04, v45;
	v46 =	vsel vm10, $0x1E84, v46;
	v47 =	vsel vm10, $0x1F04, v47  }
0xd9: {  	v48 =	vsel vm10, $0x1F84, v48;
	v49 =	vsel vm10, $0x1804, v49;
	v50 =	vsel vm10, $0x1884, v50  }
0xda: {  	v51 =	vsel vm10, $0x1904, v51;
	v52 =	vsel vm10, $0x1984, v52;
	v62 =	vimm.s32 $0x16151413  }
0xdb: {  	v0 =	vsel vm2, $0x80D, v0;
	v1 =	vsel vm8, $0xD06, v1;
	v2 =	vsel vm9, $0xD05, v2  }
0xdc: {  	v3 =	vsel vm9, $0xD85, v3;
	v4 =	vsel vm9, $0xE05, v4;
	v5 =	vsel vm9, $0xE85, v5  }
0xdd: {  	v6 =	vsel vm9, $0xF05, v6;
	v7 =	vsel vm9, $0xF85, v7;
	v8 =	vsel vm9, $0x805, v8  }
0xde: {  	v9 =	vsel vm9, $0x885, v9;
	v11 =	vsel vm9, $0x905, v11;
	v13 =	vsel vm9, $0x985, v13  }
0xdf: {  	v15 =	vsel vm9, $0xA05, v15;
	v17 =	vsel vm9, $0x1305, v17;
	v19 =	vsel vm9, $0x1385, v19  }
0xe0: {  	v21 =	vsel vm9, $0x1405, v21;
	v23 =	vsel vm9, $0x1485, v23;
	v25 =	vsel vm9, $0x1505, v25  }
0xe1: {  	v27 =	vsel vm9, $0x1585, v27;
	v29 =	vsel vm9, $0x1605, v29;
	v30 =	vsel vm9, $0x1685, v30  }
0xe2: {  	v31 =	vsel vm9, $0x1705, v31;
	v32 =	vsel vm9, $0x1785, v32;
	v33 =	vsel vm9, $0x1005, v33  }
0xe3: {  	v34 =	vsel vm9, $0x1085, v34;
	v35 =	vsel vm9, $0x1105, v35;
	v36 =	vsel vm9, $0x1185, v36  }
0xe4: {  	v37 =	vsel vm9, $0x1205, v37;
	v38 =	vsel vm9, $0x1B05, v38;
	v39 =	vsel vm9, $0x1B85, v39  }
0xe5: {  	v40 =	vsel vm9, $0x1C05, v40;
	v41 =	vsel vm9, $0x1C85, v41;
	v42 =	vsel vm9, $0x1D05, v42  }
0xe6: {  	v43 =	vsel vm9, $0x1D85, v43;
	v44 =	vsel vm9, $0x1E05, v44;
	v45 =	vsel vm9, $0x1E85, v45  }
0xe7: {  	v46 =	vsel vm9, $0x1F05, v46;
	v47 =	vsel vm9, $0x1F85, v47;
	v48 =	vsel vm9, $0x1805, v48  }
0xe8: {  	v49 =	vsel vm9, $0x1885, v49;
	v50 =	vsel vm9, $0x1905, v50;
	v51 =	vsel vm9, $0x1985, v51  }
0xe9: {  	v52 =	vsel vm9, $0x1A05, v52;
	[tilespmem:$0x1F8E0] =	vst v53;
	v53 =	vunpack.c.0.s8.s32 v62;
	v0 =	vsel vm0, $0x88E, v0  }
0xea: {  	v62 =	vimm.s32 $0x1A191817;
	[tilespmem:$0x1F910] =	vst v0;
	v0 =	vsel vm6, $0xD87, v1;
	v1 =	vsel vm8, $0xD86, v2  }
0xeb: {  	v2 =	vsel vm8, $0xE06, v3;
	v3 =	vsel vm8, $0xE86, v4;
	v4 =	vsel vm8, $0xF06, v5  }
0xec: {  	v5 =	vsel vm8, $0xF86, v6;
	v6 =	vsel vm8, $0x806, v7;
	v7 =	vsel vm8, $0x886, v8  }
0xed: {  	v8 =	vsel vm8, $0x906, v9;
	v9 =	vsel vm8, $0x986, v11;
	v11 =	vsel vm8, $0xA06, v13  }
0xee: {  	v13 =	vsel vm8, $0xA86, v15;
	v15 =	vsel vm8, $0x1386, v17;
	v17 =	vsel vm8, $0x1406, v19  }
0xef: {  	v19 =	vsel vm8, $0x1486, v21;
	v21 =	vsel vm8, $0x1506, v23;
	v23 =	vsel vm8, $0x1586, v25  }
0xf0: {  	v25 =	vsel vm8, $0x1606, v27;
	v27 =	vsel vm8, $0x1686, v29;
	v29 =	vsel vm8, $0x1706, v30  }
0xf1: {  	v30 =	vsel vm8, $0x1786, v31;
	v31 =	vsel vm8, $0x1006, v32;
	v32 =	vsel vm8, $0x1086, v33  }
0xf2: {  	v33 =	vsel vm8, $0x1106, v34;
	v34 =	vsel vm8, $0x1186, v35;
	v35 =	vsel vm8, $0x1206, v36  }
0xf3: {  	v36 =	vsel vm8, $0x1286, v37;
	v37 =	vsel vm8, $0x1B86, v38;
	v38 =	vsel vm8, $0x1C06, v39  }
0xf4: {  	v39 =	vsel vm8, $0x1C86, v40;
	v40 =	vsel vm8, $0x1D06, v41;
	v41 =	vsel vm8, $0x1D86, v42  }
0xf5: {  	v42 =	vsel vm8, $0x1E06, v43;
	v43 =	vsel vm8, $0x1E86, v44;
	v44 =	vsel vm8, $0x1F06, v45  }
0xf6: {  	v45 =	vsel vm8, $0x1F86, v46;
	v46 =	vsel vm8, $0x1806, v47;
	v47 =	vsel vm8, $0x1886, v48  }
0xf7: {  	v48 =	vsel vm8, $0x1906, v49;
	v49 =	vsel vm8, $0x1986, v50;
	v50 =	vsel vm8, $0x1A06, v51  }
0xf8: {  	v51 =	vsel vm8, $0x1A86, v52;
	[tilespmem:$0x1F8F0] =	vst v53;
	v53 =	vunpack.c.0.s8.s32 v62;
	v62 =	vimm.s32 $0x1F1E1D1C  }
0xf9: {  	v0 =	vsel vm7, $0xE08, v0;
	v1 =	vsel vm6, $0xE07, v1;
	v2 =	vsel vm6, $0xE87, v2  }
0xfa: {  	v3 =	vsel vm6, $0xF07, v3;
	v4 =	vsel vm6, $0xF87, v4;
	v5 =	vsel vm6, $0x807, v5  }
0xfb: {  	v6 =	vsel vm6, $0x887, v6;
	v7 =	vsel vm6, $0x907, v7;
	v8 =	vsel vm6, $0x987, v8  }
0xfc: {  	v9 =	vsel vm6, $0xA07, v9;
	v11 =	vsel vm6, $0xA87, v11;
	v13 =	vsel vm6, $0xB07, v13  }
0xfd: {  	v15 =	vsel vm6, $0x1407, v15;
	v17 =	vsel vm6, $0x1487, v17;
	v19 =	vsel vm6, $0x1507, v19  }
0xfe: {  	v21 =	vsel vm6, $0x1587, v21;
	v23 =	vsel vm6, $0x1607, v23;
	v25 =	vsel vm6, $0x1687, v25  }
0xff: {  	v27 =	vsel vm6, $0x1707, v27;
	v29 =	vsel vm6, $0x1787, v29;
	v30 =	vsel vm6, $0x1007, v30  }
0x100: {  	v31 =	vsel vm6, $0x1087, v31;
	v32 =	vsel vm6, $0x1107, v32;
	v33 =	vsel vm6, $0x1187, v33  }
0x101: {  	v34 =	vsel vm6, $0x1207, v34;
	v35 =	vsel vm6, $0x1287, v35;
	v36 =	vsel vm6, $0x1307, v36  }
0x102: {  	v37 =	vsel vm6, $0x1C07, v37;
	v38 =	vsel vm6, $0x1C87, v38;
	v39 =	vsel vm6, $0x1D07, v39  }
0x103: {  	v40 =	vsel vm6, $0x1D87, v40;
	v41 =	vsel vm6, $0x1E07, v41;
	v42 =	vsel vm6, $0x1E87, v42  }
0x104: {  	v43 =	vsel vm6, $0x1F07, v43;
	v44 =	vsel vm6, $0x1F87, v44;
	v45 =	vsel vm6, $0x1807, v45  }
0x105: {  	v46 =	vsel vm6, $0x1887, v46;
	v47 =	vsel vm6, $0x1907, v47;
	v48 =	vsel vm6, $0x1987, v48  }
0x106: {  	v49 =	vsel vm6, $0x1A07, v49;
	v50 =	vsel vm6, $0x1A87, v50;
	v51 =	vsel vm6, $0x1B07, v51  }
0x107: {  	v52 =	vunpack.c.0.s8.s32 v62;
	v0 =	vsel vm5, $0xE89, v0;
	v1 =	vsel vm7, $0xE88, v1  }
0x108: {  	v2 =	vsel vm7, $0xF08, v2;
	v3 =	vsel vm7, $0xF88, v3;
	v4 =	vsel vm7, $0x808, v4  }
0x109: {  	v5 =	vsel vm7, $0x888, v5;
	v6 =	vsel vm7, $0x908, v6;
	v7 =	vsel vm7, $0x988, v7  }
0x10a: {  	v8 =	vsel vm7, $0xA08, v8;
	v9 =	vsel vm7, $0xA88, v9;
	v11 =	vsel vm7, $0xB08, v11  }
0x10b: {  	v13 =	vsel vm7, $0xB88, v13;
	v15 =	vsel vm7, $0x1488, v15;
	v17 =	vsel vm7, $0x1508, v17  }
0x10c: {  	v19 =	vsel vm7, $0x1588, v19;
	v21 =	vsel vm7, $0x1608, v21;
	v23 =	vsel vm7, $0x1688, v23  }
0x10d: {  	v25 =	vsel vm7, $0x1708, v25;
	v27 =	vsel vm7, $0x1788, v27;
	v29 =	vsel vm7, $0x1008, v29  }
0x10e: {  	v30 =	vsel vm7, $0x1088, v30;
	v31 =	vsel vm7, $0x1108, v31;
	v32 =	vsel vm7, $0x1188, v32  }
0x10f: {  	v33 =	vsel vm7, $0x1208, v33;
	v34 =	vsel vm7, $0x1288, v34;
	v35 =	vsel vm7, $0x1308, v35  }
0x110: {  	v36 =	vsel vm7, $0x1388, v36;
	v37 =	vsel vm7, $0x1C88, v37;
	v38 =	vsel vm7, $0x1D08, v38  }
0x111: {  	v39 =	vsel vm7, $0x1D88, v39;
	v40 =	vsel vm7, $0x1E08, v40;
	v41 =	vsel vm7, $0x1E88, v41  }
0x112: {  	v42 =	vsel vm7, $0x1F08, v42;
	v43 =	vsel vm7, $0x1F88, v43;
	v44 =	vsel vm7, $0x1808, v44  }
0x113: {  	v45 =	vsel vm7, $0x1888, v45;
	v46 =	vsel vm7, $0x1908, v46;
	v47 =	vsel vm7, $0x1988, v47  }
0x114: {  	v48 =	vsel vm7, $0x1A08, v48;
	v49 =	vsel vm7, $0x1A88, v49;
	v62 =	vimm.s32 $0x17161514  }
0x115: {  	v50 =	vsel vm7, $0x1B08, v50;
	v51 =	vsel vm7, $0x1B88, v51;
	v62 =	vunpack.c.0.s8.s32 v62  }
0x116: {  	v0 =	vsel vm4, $0xF0A, v0;
	v1 =	vsel vm5, $0xF09, v1;
	v2 =	vsel vm5, $0xF89, v2  }
0x117: {  	v3 =	vsel vm5, $0x809, v3;
	v4 =	vsel vm5, $0x889, v4;
	v5 =	vsel vm5, $0x909, v5  }
0x118: {  	v6 =	vsel vm5, $0x989, v6;
	v7 =	vsel vm5, $0xA09, v7;
	v8 =	vsel vm5, $0xA89, v8  }
0x119: {  	v9 =	vsel vm5, $0xB09, v9;
	v11 =	vsel vm5, $0xB89, v11;
	v13 =	vsel vm5, $0xC09, v13  }
0x11a: {  	v15 =	vsel vm5, $0x1509, v15;
	v17 =	vsel vm5, $0x1589, v17;
	v19 =	vsel vm5, $0x1609, v19  }
0x11b: {  	v21 =	vsel vm5, $0x1689, v21;
	v23 =	vsel vm5, $0x1709, v23;
	v25 =	vsel vm5, $0x1789, v25  }
0x11c: {  	v27 =	vsel vm5, $0x1009, v27;
	v29 =	vsel vm5, $0x1089, v29;
	v30 =	vsel vm5, $0x1109, v30  }
0x11d: {  	v31 =	vsel vm5, $0x1189, v31;
	v32 =	vsel vm5, $0x1209, v32;
	v33 =	vsel vm5, $0x1289, v33  }
0x11e: {  	v34 =	vsel vm5, $0x1309, v34;
	v35 =	vsel vm5, $0x1389, v35;
	v36 =	vsel vm5, $0x1409, v36  }
0x11f: {  	v37 =	vsel vm5, $0x1D09, v37;
	v38 =	vsel vm5, $0x1D89, v38;
	v39 =	vsel vm5, $0x1E09, v39  }
0x120: {  	v40 =	vsel vm5, $0x1E89, v40;
	v41 =	vsel vm5, $0x1F09, v41;
	v42 =	vsel vm5, $0x1F89, v42  }
0x121: {  	v16 =	vsel vm5, $0x1809, v43;
	v18 =	vsel vm5, $0x1889, v44;
	v45 =	vsel vm5, $0x1909, v45  }
0x122: {  	v26 =	vsel vm5, $0x1989, v46;
	v47 =	vsel vm5, $0x1A09, v47;
	v24 =	vsel vm5, $0x1A89, v48  }
0x123: {  	v28 =	vsel vm5, $0x1B09, v49;
	v50 =	vsel vm5, $0x1B89, v50;
	v51 =	vsel vm5, $0x1C09, v51  }
0x124: {  	[tilespmem:$0x1F920] =	vst v52;
	v52 =	vimm.s32 $0x13121110;
	v0 =	vsel vm3, $0xF8B, v0;
	v1 =	vsel vm4, $0xF8A, v1  }
0x125: {  	[tilespmem:$0x1F900] =	vst v53;
	v2 =	vsel vm4, $0x80A, v2;
	v48 =	vsel vm4, $0x88A, v3;
	v53 =	vsel vm4, $0x98A, v5  }
0x126: {  	v9 =	vsel vm4, $0xB8A, v9;
	v3 =	vsel vm4, $0x168A, v19;
	v5 =	vsel vm4, $0x178A, v23  }
0x127: {  	v19 =	vsel vm4, $0x140A, v35;
	v23 =	vsel vm4, $0x1D8A, v37;
	v35 =	vsel vm4, $0x1A0A, v26  }
0x128: {  	v52 =	vunpack.c.0.s8.s32 v52;
	[tilespmem:$0x1F940] =	vst v62;
	v62 =	vimm.s32 $0x1B1A1918;
	v0 =	vsel vm1, $0x80C, v0  }
0x129: {  	v1 =	vsel vm3, $0x80B, v1;
	v2 =	vsel vm3, $0x88B, v2;
	v49 =	vsel vm3, $0x90B, v48  }
0x12a: {  	v0 =	vsel vm2, $0x88D, v0;
	v1 =	vsel vm1, $0x88C, v1;
	v44 =	vsel vm1, $0x90C, v2  }
0x12b: {  	v2 =	vsel vm3, $0xA0B, v53;
	[tilespmem:$0x1F930] =	vst v52;
	v52 =	vunpack.c.0.s8.s32 v62;
	v0 =	vsel vm0, $0x90E, v0  }
0x12c: {  	v26 =	vmovc v61;
	v61 =	vsel vm4, $0x1B0A, v24;
	v43 =	vsel vm2, $0x90D, v1;
	v46 =	vsel vm2, $0x98D, v44;
	[tilespmem:$0x1F960] =	vst v0  }
0x12d: {  	v61 =	vsel vm3, $0x1B8B, v61;
	v0 =	vsel vm0, $0x98E, v43;
	v43 =	vsel vm1, $0xA8C, v2;
	[tilespmem:$0x1F950] =	vst v52  }
0x12e: {  	[tilespmem:$0x1F970] =	vst v0;
	v0 =	vsel vm0, $0xA0E, v46;
	v52 =	vsel vm4, $0x90A, v4;
	v44 =	vsel vm2, $0xB0D, v43  }
0x12f: {  	v46 =	vsel vm4, $0xA0A, v6;
	v43 =	vsel vm3, $0xC0B, v9;
	v4 =	vsel vm4, $0x170A, v21  }
0x130: {  	v6 =	vsel vm4, $0x100A, v25;
	v9 =	vsel vm4, $0x118A, v30;
	v21 =	vsel vm4, $0x148A, v36  }
0x131: {  	v25 =	vsel vm4, $0x1E0A, v38;
	v30 =	vsel vm4, $0x1F8A, v41;
	v36 =	vsel vm4, $0x1A8A, v47  }
0x132: {  	v47 =	vimm.s32 $0x2C2B2A29;
	[tilespmem:$0x1F980] =	vst v0;
	v0 =	vsel vm1, $0x98C, v49;
	v1 =	vsel vm3, $0x98B, v52  }
0x133: {  	v48 =	vsel vm3, $0xA8B, v46;
	v49 =	vsel vm4, $0xA8A, v7;
	v52 =	vsel vm4, $0xB0A, v8  }
0x134: {  	v46 =	vsel vm4, $0xC8A, v13;
	v7 =	vsel vm4, $0x108A, v27;
	v13 =	vsel vm4, $0x128A, v32  }
0x135: {  	v27 =	vsel vm4, $0x1E8A, v39;
	v32 =	vsel vm4, $0x188A, v16;
	v0 =	vsel vm2, $0xA0D, v0  }
0x136: {  	v1 =	vsel vm1, $0xA0C, v1;
	v2 =	vsel vm3, $0xB8B, v52;
	v52 =	vsel vm4, $0x190A, v18  }
0x137: {  	v0 =	vsel vm0, $0xA8E, v0;
	v62 =	vsel vm2, $0xA8D, v1;
	v1 =	vsel vm3, $0xB0B, v49  }
0x138: {  	v52 =	vsel vm3, $0x198B, v52;
	[tilespmem:$0x1F990] =	vst v0;
	v0 =	vsel vm0, $0xB0E, v62;
	v1 =	vsel vm1, $0xB8C, v1  }
0x139: {  	v62 =	vsel vm1, $0xC0C, v2;
	v2 =	vsel vm3, $0xD0B, v46;
	v46 =	vmovc v63;
	v63 =	vsel vm4, $0x1C0A, v50  }
0x13a: {  	v50 =	vunpack.c.0.s8.s32 v47;
	[tilespmem:$0x1F9A0] =	vst v0;
	v0 =	vsel vm0, $0xB8E, v44;
	v53 =	vsel vm2, $0xC0D, v1  }
0x13b: {  	v8 =	vsel vm2, $0xC8D, v62;
	v44 =	vsel vm4, $0xC0A, v11;
	v49 =	vsel vm1, $0xD8C, v2  }
0x13c: {  	v2 =	vsel vm4, $0x160A, v17;
	v11 =	vsel vm4, $0x120A, v31;
	v17 =	vsel vm4, $0x138A, v34  }
0x13d: {  	v31 =	vsel vm4, $0x180A, v42;
	v62 =	vsel vm4, $0x1B8A, v28;
	v63 =	vsel vm3, $0x1C8B, v63  }
0x13e: {  	[tilespmem:$0x1F9B0] =	vst v0;
	v0 =	vsel vm1, $0xB0C, v48;
	v1 =	vsel vm3, $0xC8B, v44;
	v62 =	vsel vm3, $0x1C0B, v62  }
0x13f: {  	[tilespmem:$0x1FA50] =	vst v50;
	v50 =	vimm.s32 $0x202F2E2D;
	v38 =	vsel vm1, $0x1D0C, v63;
	v0 =	vsel vm2, $0xB8D, v0  }
0x140: {  	v1 =	vsel vm1, $0xD0C, v1;
	v12 =	vunpack.c.0.s8.s32 v50;
	v37 =	vsel vm1, $0x1C8C, v62  }
0x141: {  	v38 =	vsel vm2, $0x1D8D, v38;
	v0 =	vsel vm0, $0xC0E, v0;
	v48 =	vsel vm2, $0xD8D, v1  }
0x142: {  	v1 =	vsel vm4, $0x158A, v15;
	v15 =	vsel vm4, $0x130A, v33;
	v37 =	vsel vm2, $0x1D0D, v37  }
0x143: {  	v38 =	vsel vm0, $0x1E0E, v38;
	[tilespmem:$0x1F9C0] =	vst v0;
	v0 =	vsel vm0, $0xC8E, v53;
	v53 =	vsel vm4, $0x198A, v45  }
0x144: {  	v37 =	vsel vm0, $0x1D8E, v37;
	[tilespmem:$0x1F9D0] =	vst v0;
	v0 =	vsel vm0, $0xD0E, v8;
	v8 =	vsel vm4, $0x110A, v29  }
0x145: {  	v29 =	vsel vm4, $0x1F0A, v40;
	v40 =	vsel vm4, $0x1C8A, v51;
	v51 =	vsel vm3, $0x130B, v13  }
0x146: {  	v13 =	vsel vm3, $0x138B, v15;
	v15 =	vsel vm3, $0x140B, v17;
	v17 =	vsel vm3, $0x148B, v19  }
0x147: {  	v19 =	vsel vm3, $0x150B, v21;
	v21 =	vsel vm3, $0x1E0B, v23;
	v23 =	vsel vm3, $0x1E8B, v25  }
0x148: {  	v25 =	vsel vm3, $0x1F0B, v27;
	v53 =	vsel vm3, $0x1A0B, v53;
	[tilespmem:$0x1F9E0] =	vst v0;
	v0 =	vsel vm1, $0xC8C, v43  }
0x149: {  	v27 =	vsel vm3, $0x1F8B, v29;
	v29 =	vsel vm3, $0x180B, v30;
	v30 =	vsel vm3, $0x188B, v31  }
0x14a: {  	v31 =	vsel vm3, $0x190B, v32;
	v13 =	vsel vm1, $0x140C, v13;
	v15 =	vsel vm1, $0x148C, v15  }
0x14b: {  	v17 =	vsel vm1, $0x150C, v17;
	v32 =	vsel vm1, $0x1A0C, v52;
	v33 =	vsel vm1, $0x1A8C, v53  }
0x14c: {  	v0 =	vsel vm2, $0xD0D, v0;
	v13 =	vsel vm2, $0x148D, v13;
	v15 =	vsel vm2, $0x150D, v15  }
0x14d: {  	[tilespmem:$0x1FA60] =	vst v12;
	v32 =	vsel vm2, $0x1A8D, v32;
	v33 =	vsel vm2, $0x1B0D, v33;
	v0 =	vsel vm0, $0xD8E, v0  }
0x14e: {  	[tilespmem:$0x1FD30] =	vst v38;
	v50 =	vsel vm0, $0x150E, v13;
	v32 =	vsel vm0, $0x1B0E, v32;
	v33 =	vsel vm0, $0x1B8E, v33  }
0x14f: {  	[tilespmem:$0x1F9F0] =	vst v0;
	v0 =	vsel vm0, $0xE0E, v48;
	v48 =	vmovc v60;
	v60 =	vsel vm3, $0x1B0B, v36;
	v36 =	vsel vm1, $0x1C0C, v61  }
0x150: {  	[tilespmem:$0x1FA00] =	vst v0;
	v0 =	vsel vm2, $0xE0D, v49;
	v49 =	vmovc v59;
	v59 =	vsel vm3, $0x1A8B, v35;
	v35 =	vsel vm1, $0x1B8C, v60  }
0x151: {  	[tilespmem:$0x1FD20] =	vst v37;
	v36 =	vsel vm2, $0x1C8D, v36;
	v0 =	vsel vm0, $0xE8E, v0;
	v34 =	vsel vm1, $0x1B0C, v59  }
0x152: {  	v35 =	vsel vm2, $0x1C0D, v35;
	v36 =	vsel vm0, $0x1D0E, v36;
	[tilespmem:$0x1FA40] =	vst v0;
	v0 =	vsel vm3, $0x160B, v1  }
0x153: {  	[tilespmem:$0x1FB80] =	vst v50;
	v1 =	vsel vm3, $0x168B, v2;
	v2 =	vsel vm3, $0x170B, v3;
	v3 =	vsel vm3, $0x178B, v4  }
0x154: {  	[tilespmem:$0x1FCC0] =	vst v32;
	v4 =	vsel vm3, $0x100B, v5;
	v5 =	vsel vm3, $0x108B, v6;
	v6 =	vsel vm3, $0x110B, v7  }
0x155: {  	[tilespmem:$0x1FCD0] =	vst v33;
	v7 =	vsel vm3, $0x118B, v8;
	v8 =	vsel vm3, $0x120B, v9;
	v9 =	vsel vm3, $0x128B, v11  }
0x156: {  	v11 =	vsel vm1, $0x138C, v51;
	v51 =	vimm.s32 $0x24232221;
	v35 =	vsel vm0, $0x1C8E, v35;
	[tilespmem:$0x1FD10] =	vst v36  }
0x157: {  	v34 =	vsel vm2, $0x1B8D, v34;
	v12 =	vunpack.c.0.s8.s32 v51;
	v51 =	vsel vm0, $0x158E, v15;
	[tilespmem:$0x1FD00] =	vst v35  }
0x158: {  	v47 =	vsel vm3, $0x1D0B, v40;
	v18 =	vsel vm2, $0x158D, v17;
	v34 =	vsel vm0, $0x1C0E, v34;
	[tilespmem:$0x1FBA0] =	vst v51  }
0x159: {  	v31 =	vsel vm1, $0x198C, v31;
	v39 =	vsel vm1, $0x1D8C, v47;
	v11 =	vsel vm2, $0x140D, v11;
	[tilespmem:$0x1FCE0] =	vst v34  }
0x15a: {  	v31 =	vsel vm2, $0x1A0D, v31;
	v0 =	vsel vm1, $0x168C, v0;
	v47 =	vsel vm0, $0x148E, v11;
	[tilespmem:$0x1FA70] =	vst v12  }
0x15b: {  	v1 =	vsel vm1, $0x170C, v1;
	v0 =	vsel vm2, $0x170D, v0;
	v11 =	vsel vm0, $0x1A8E, v31;
	[tilespmem:$0x1FB70] =	vst v47  }
0x15c: {  	v2 =	vsel vm1, $0x178C, v2;
	v1 =	vsel vm2, $0x178D, v1;
	v0 =	vsel vm0, $0x178E, v0;
	[tilespmem:$0x1FCB0] =	vst v11  }
0x15d: {  	v3 =	vsel vm1, $0x100C, v3;
	v2 =	vsel vm2, $0x100D, v2;
	v52 =	vsel vm0, $0x100E, v1;
	[tilespmem:$0x1FAB0] =	vst v0  }
0x15e: {  	v4 =	vsel vm1, $0x108C, v4;
	v3 =	vsel vm2, $0x108D, v3;
	v53 =	vsel vm0, $0x108E, v2;
	[tilespmem:$0x1FAC0] =	vst v52  }
0x15f: {  	v5 =	vsel vm1, $0x110C, v5;
	v4 =	vsel vm2, $0x110D, v4;
	v59 =	vsel vm0, $0x110E, v3;
	[tilespmem:$0x1FAD0] =	vst v53  }
0x160: {  	v6 =	vsel vm1, $0x118C, v6;
	v5 =	vsel vm2, $0x118D, v5;
	v60 =	vsel vm0, $0x118E, v4;
	[tilespmem:$0x1FAE0] =	vst v59  }
0x161: {  	v7 =	vsel vm1, $0x120C, v7;
	v6 =	vsel vm2, $0x120D, v6;
	v61 =	vsel vm0, $0x120E, v5;
	[tilespmem:$0x1FAF0] =	vst v60  }
0x162: {  	v8 =	vsel vm1, $0x128C, v8;
	v16 =	vsel vm2, $0x128D, v7;
	v62 =	vsel vm0, $0x128E, v6;
	[tilespmem:$0x1FB00] =	vst v61  }
0x163: {  	v9 =	vsel vm1, $0x130C, v9;
	v8 =	vsel vm2, $0x130D, v8;
	v63 =	vsel vm0, $0x130E, v16;
	[tilespmem:$0x1FB10] =	vst v62  }
0x164: {  	v29 =	vsel vm1, $0x188C, v29;
	v9 =	vsel vm2, $0x138D, v9;
	v40 =	vsel vm0, $0x138E, v8;
	[tilespmem:$0x1FB20] =	vst v63  }
0x165: {  	v30 =	vsel vm1, $0x190C, v30;
	v29 =	vsel vm2, $0x190D, v29;
	v42 =	vsel vm0, $0x140E, v9;
	[tilespmem:$0x1FB40] =	vst v40  }
0x166: {  	v30 =	vsel vm2, $0x198D, v30;
	v50 =	vimm.s32 $0x25242322;
	v8 =	vsel vm0, $0x198E, v29;
	[tilespmem:$0x1FB50] =	vst v42  }
0x167: {  	v17 =	vimm.s32 $0x28272625;
	v51 =	vunpack.c.0.s8.s32 v50;
	v9 =	vsel vm0, $0x1A0E, v30;
	[tilespmem:$0x1FC80] =	vst v8  }
0x168: {  	v19 =	vsel vm1, $0x158C, v19;
	v12 =	vunpack.c.0.s8.s32 v17;
	[tilespmem:$0x1FCA0] =	vst v9  }
0x169: {  	v41 =	vld [tilespmem:$0x1FA80];
	v24 =	vsel vm2, $0x160D, v19;
	v39 =	vsel vm2, $0x1E0D, v39;
	[tilespmem:$0x1FD70] =	vst v51  }
0x16a: {  	v44 =	vld [tilespmem:$0x1FA20];
	v52 =	vsel vm0, $0x160E, v18;
	[tilespmem:$0x1FA90] =	vst v12;
	v12 =	vsel vm0, $0x1E8E, v39;
	v39 =	vimm.s32 $0x2D2C2B2A  }
0x16b: {  	v45 =	vld [tilespmem:$0x1FA30];
	v21 =	vsel vm1, $0x1E8C, v21;
	v53 =	vsel vm0, $0x168E, v24;
	[tilespmem:$0x1FBC0] =	vst v52;
	v0 =	vunpack.c.0.s8.s32 v39  }
0x16c: {  	v43 =	vld [tilespmem:$0x1FA10];
	v21 =	vsel vm2, $0x1F0D, v21;
	v47 =	vimm.s32 $0x21202F2E;
	[tilespmem:$0x1FBE0] =	vst v53  }
0x16d: {  	v23 =	vsel vm1, $0x1F0C, v23;
	v19 =	vld [tilespmem:$0x1FAA0];
	v59 =	vsel vm0, $0x1F8E, v21;
	[tilespmem:$0x1FD50] =	vst v0;
	v0 =	vunpack.c.0.s8.s32 v47  }
0x16e: {  	v23 =	vsel vm2, $0x1F8D, v23;
	v13 =	vld [tilespmem:$0x1FB90];
	[tilespmem:$0x1FC00] =	vst v59;
	v52 =	vimm.s32 $0x29282726  }
0x16f: {  	v27 =	vsel vm1, $0x180C, v27;
	v34 =	vld [tilespmem:$0x1FCF0];
	v60 =	vsel vm0, $0x180E, v23;
	[tilespmem:$0x1FD60] =	vst v0;
	v0 =	vunpack.c.0.s8.s32 v52  }
0x170: {  	v27 =	vsel vm2, $0x188D, v27;
	v17 =	vld [tilespmem:$0x1FB30];
	[tilespmem:$0x1FC20] =	vst v60;
	v59 =	vimm.s32 $0x2E2D2C2B  }
0x171: {  	v25 =	vsel vm1, $0x1F8C, v25;
	v16 =	vld [tilespmem:$0x1FBD0];
	v63 =	vsel vm0, $0x190E, v27;
	[tilespmem:$0x1FD80] =	vst v0;
	v0 =	vunpack.c.0.s8.s32 v59  }
0x172: {  	v25 =	vsel vm2, $0x180D, v25;
	v29 =	vld [tilespmem:$0x1FC90];
	[tilespmem:$0x1FC60] =	vst v63;
	v63 =	vimm.s32 $0x26252423  }
0x173: {  	v62 =	vld [tilespmem:$0x1FB60];
	v61 =	vsel vm0, $0x188E, v25;
	v9 =	vimm.s32 $0x2F2E2D2C;
	[tilespmem:$0x1FD90] =	vst v0;
	v0 =	vunpack.c.0.s8.s32 v63  }
0x174: {  	v40 =	vld [tilespmem:$0x1FBB0];
	v8 =	vimm.s32 $0x2A292827;
	[tilespmem:$0x1FC40] =	vst v61;
	v11 =	vunpack.c.0.s8.s32 v9  }
0x175: {  	v42 =	vld [tilespmem:$0x1FBF0];
	v60 =	vimm.s32 $0x2221202F;
	[tilespmem:$0x1FDB0] =	vst v0;
	v0 =	vunpack.c.0.s8.s32 v8  }
0x176: {  	v32 =	vimm.s32 $0x23222120;
	v21 =	vld [tilespmem:$0x1FC10];
	v61 =	vunpack.c.0.s8.s32 v60;
	[tilespmem:$0x1FDD0] =	vst v11  }
0x177: {  	v35 =	vimm.s32 $0x2B2A2928;
	v23 =	vld [tilespmem:$0x1FC30];
	[tilespmem:$0x1FDC0] =	vst v0;
	v0 =	vunpack.c.0.s8.s32 v32  }
0x178: {  	s0 =	rddreg [dreg:$0x0];
	s2 =	simm.s32 $0x0;
	v36 =	vunpack.c.0.s8.s32 v35;
	v25 =	vld [tilespmem:$0x1FC50];
	v39 =	vimm.s32 $0x34333231;
	[tilespmem:$0x1FDA0] =	vst v61  }
0x179: {  	[smem:$0x7FF] =	sst s2;
	v27 =	vld [tilespmem:$0x1FC70];
	v47 =	vunpack.c.0.s8.s32 v39;
	v52 =	vimm.s32 $0x31303F3E;
	[tilespmem:$0x1FDE0] =	vst v0  }
0x17a: {  	s1 =	rddreg [dreg:$0x1];
	v53 =	vld [tilespmem:$0x1FD40];
	v59 =	vunpack.c.0.s8.s32 v52;
	v63 =	vimm.s32 $0x3E3D3C3B;
	_ =	strace $0x80000047;
	[tilespmem:$0x1FE00] =	vst v36  }
0x17b: {  	v8 =	vunpack.c.0.s8.s32 v63;
	[tilespmem:$0x1FE30] =	vst v47  }
0x17c: {  	[tilespmem:$0x1FE60] =	vst v59  }
0x17d: {  	[tilespmem:$0x1FE90] =	vst v8  }
0x17e: {  	[tilespmem:$0x1FF20] =	vst v55  }
0x17f: {  	v33 =	vimm.s32 $0x27262524;
	[tilespmem:$0x1FF30] =	vst v14  }
0x180: {  	v0 =	vunpack.c.0.s8.s32 v33;
	[tilespmem:$0x1FF40] =	vst v10  }
0x181: {  	v37 =	vimm.s32 $0x3C3B3A39;
	vm0 =	vcmask $0x1F10;
	[tilespmem:$0x1FF50] =	vst v54  }
0x182: {  	v3 =	vsel vm0, v14, v55;
	[tilespmem:$0x1FDF0] =	vst v0;
	v0 =	vunpack.c.0.s8.s32 v37  }
0x183: {  	v38 =	vimm.s32 $0x303F3E3D;
	[tilespmem:$0x1FFA0] =	vst v3  }
0x184: {  	v63 =	vsel vm0, v54, v10;
	[tilespmem:$0x1FE10] =	vst v0;
	v0 =	vunpack.c.0.s8.s32 v38  }
0x185: {  	v50 =	vimm.s32 $0x38373635;
	[tilespmem:$0x1FFB0] =	vst v63  }
0x186: {  	[tilespmem:$0x1FE20] =	vst v0;
	v0 =	vunpack.c.0.s8.s32 v50  }
0x187: {  	v51 =	vimm.s32 $0x3D3C3B3A;
	[tilespmem:$0x1FFD0] =	vst v22  }
0x188: {  	v32 =	vimm.s32 $0x3A393837;
	[tilespmem:$0x1FE40] =	vst v0;
	v0 =	vunpack.c.0.s8.s32 v51  }
0x189: {  	v60 =	vimm.s32 $0x35343332;
	v33 =	vunpack.c.0.s8.s32 v32;
	[tilespmem:$0x1FFE0] =	vst v12  }
0x18a: {  	[tilespmem:$0x1FE50] =	vst v0;
	v0 =	vunpack.c.0.s8.s32 v60  }
0x18b: {  	v5 =	vlaneseq.u32;
	v61 =	vimm.s32 $0x39383736;
	[tilespmem:$0x1FEC0] =	vst v33  }
0x18c: {  	s19 =	simm.s32 $0xFA80;
	s20 =	simm.s32 $0xFB00;
	v47 =	vmul.u32 $0x81, v5;
	v59 =	vor.u32 $0x10, v5;
	[tilespmem:$0x1FE70] =	vst v0;
	v0 =	vunpack.c.0.s8.s32 v61  }
0x18d: {  	s3 =	srdreg.scid;
	s21 =	simm.s32 $0xFB80;
	s28 =	simm.s32 $0x13C00;
	v9 =	vimm.s32 $0x3231303F;
	[tilespmem:$0x1FF10] =	vst v59  }
0x18e: {  	s29 =	simm.s32 $0x17C00;
	s30 =	simm.s32 $0x400;
	s31 =	simm.s32 $0x8000;
	v14 =	vmov v47;
	[tilespmem:$0x1FE80] =	vst v0;
	v0 =	vunpack.c.0.s8.s32 v9  }
0x18f: {  	s6 =	stileid.u32;
	s22 =	simm.s32 $0x1;
	s4 =	sadd.s32 $0xF42E00, s0;
	v11 =	vimm.s32 $0x36353433;
	[tilespmem:$0x1FFF0] =	vst v14  }
0x190: {  	s23 =	simm.s32 $0x80;
	s3 =	sand.u32 $0x1, s3;
	s5 =	sadd.s32 $0xF5BE00, s0;
	v37 =	vimm.s32 $0x37363534;
	v4 =	vor.u32 $0x800, v14;
	[tilespmem:$0x1FEA0] =	vst v0;
	v0 =	vunpack.c.0.s8.s32 v11  }
0x191: {  	s7 =	sshll.u32 s6, $0x8;
	s6 =	sadd.s32 $0xF76E00, s0;
	s8 =	sshll.u32 s3, $0x7;
	v35 =	vimm.s32 $0x3F3E3D3C;
	v38 =	vunpack.c.0.s8.s32 v37;
	[tilespmem:$0x1FF60] =	vst v4  }
0x192: {  	s0 =	sadd.s32 $0xF74E00, s0;
	s3 =	ssub.s32 $0x2, s3;
	s7 =	sor.u32 s8, s7;
	[tilespmem:$0x1FEB0] =	vst v0;
	v0 =	vunpack.c.0.s8.s32 v35  }
0x193: {  	s15 =	sadd.s32 $0x8000, s1;
	s24 =	sshrl.u32 s3, $0x1;
	s8 =	sshrl.u32 s7, $0x3;
	v36 =	vimm.s32 $0x33323130;
	[tilespmem:$0x1FEF0] =	vst v38  }
0x194: {  	s13 =	sor.u32 $0x2000, s7;
	s9 =	sadd.s32 s4, s8;
	[dreg:$0x3] =	wrdreg s0;
	v60 =	vsel vm0, v57, v58;
	[tilespmem:$0x1FED0] =	vst v0;
	v0 =	vunpack.c.0.s8.s32 v36  }
0x195: {  	s25 =	sor.u32 $0x200, s8;
	s8 =	sadd.s32 s5, s8;
	v39 =	vimm.s32 $0x3B3A3938;
	[dreg:$0x4] =	wrdreg s9;
	[tilespmem:$0x1FF70] =	vst v60  }
0x196: {  	s14 =	sor.u32 $0x3000, s7;
	s26 =	sadd.s32 s4, s25;
	[dreg:$0x5] =	wrdreg s8;
	v61 =	vsel vm0, v22, v56;
	[tilespmem:$0x1FEE0] =	vst v0;
	v0 =	vunpack.c.0.s8.s32 v39  }
0x197: {  	s0 =	ssub.s32 s3, s24;
	[dreg:$0x6] =	wrdreg s26;
	s3 =	sadd.s32 s5, s25;
	[tilespmem:$0x1FF80] =	vst v61;
	v1 =	vcombine.low v61, v60  }
0x198: {  	s24 =	simm.s32 $0xFC00;
	s25 =	simm.s32 $0x3;
	s26 =	simm.s32 $0x2;
	[tilespmem:$0x1FF00] =	vst v0;
	v0 =	vcombine.low v63, v3  }
0x199: {  	s9 =	simm.s32 $0x0;
	[dreg:$0x7] =	wrdreg s3;
	s0 =	smax.u32 s0, $0x1;
	[tilespmem:$0x1FF90] =	vst v1  }
0x19a: {  	v52 =	vmov v56;
	s3 =	simm.s32 $0x19C00;
	[dreg:$0x8] =	wrdreg s0;
	s0 =	simm.s32 $0x4;
	v50 =	vmov v58;
	v51 =	vmov v57;
	[tilespmem:$0x1FFC0] =	vst v0  }
.LBB2_1:
0x19b: {  	s8 =	rddreg [dreg:$0x3];
	s11 =	simm.s32 $0x7  }
0x19c: {  	[tilespmem:s2], [sflag:$0x7] =	stream.linear.gather [hbm4b:s8+s2], $0xFA00, $0x38;
	[tilespmem:$0x1BC00] =	vst v63  }
0x19d: {  	_ =	swait.ge [sflag:s11], $0xFA00  }
0x19e: {  	[sflag:s11] =	ssyncset.done $0x0  }
0x19f: {  	s10 =	simm.s32 $0xFA00;
	s12 =	rddreg [dreg:$0x4];
	[sflag:s11] =	ssyncadd.s32 $0xFFFF0600  }
0x1a0: {  	[tilespmem:s10], [sflag:$0x1] =	stream.linear.gather [hbm4b:s12+s2], $0x80, $0x38;
	[tilespmem:$0x1BC00] =	vst v63  }
0x1a1: {  	s16 =	rddreg [dreg:$0x5]  }
0x1a2: {  	[tilespmem:s19], [sflag:$0x1] =	stream.linear.gather [hbm4b:s16+s2], $0x80, $0x38;
	[tilespmem:$0x1BC00] =	vst v63  }
0x1a3: {  	s17 =	rddreg [dreg:$0x6]  }
0x1a4: {  	[tilespmem:s20], [sflag:$0x2] =	stream.linear.gather [hbm4b:s17+s2], $0x80, $0x38;
	[tilespmem:$0x1BC00] =	vst v63  }
0x1a5: {  	s18 =	rddreg [dreg:$0x7]  }
0x1a6: {  	[tilespmem:s21], [sflag:$0x2] =	stream.linear.gather [hbm4b:s18+s2], $0x80, $0x38;
	[tilespmem:$0x1BC00] =	vst v63  }
0x1a7: {  	_ =	swait.ge [sflag:s22], $0x80  }
0x1a8: {  	[sflag:s22] =	ssyncset.done $0x0  }
0x1a9: {  	[sflag:s22] =	ssyncadd.s32 $0xFFFFFF80  }
0x1aa: {  	_ =	swait.ge [sflag:s22], $0x80  }
0x1ab: {  	[sflag:s22] =	ssyncset.done $0x0  }
0x1ac: {  	[sflag:s22] =	ssyncadd.s32 $0xFFFFFF80  }
0x1ad: {  	[tilespmem:s24], [sflag:$0x3] =	stream.indirect.gather [hbm4b:s6+s23], $0x80, s10, s23, $0xb8;
	[tilespmem:$0x1BC00] =	vst v63  }
0x1ae: {  	s10 =	simm.s32 $0x0  }
.LBB2_2:
0x1af: {  	_ =	swait.ge [sflag:s25], $0x4000  }
0x1b0: {  	[sflag:s25] =	ssyncset.done $0x0  }
0x1b1: {  	[sflag:s25] =	ssyncadd.s32 $0xFFFFC000  }
0x1b2: {  	_ =	swait.ge [sflag:s26], $0x80  }
0x1b3: {  	[sflag:s26] =	ssyncset.done $0x0  }
0x1b4: {  	[sflag:s26] =	ssyncadd.s32 $0xFFFFFF80  }
0x1b5: {  	_ =	swait.ge [sflag:s26], $0x80  }
0x1b6: {  	p0 =	seq.s32 s10, $0x0;
	[sflag:s26] =	ssyncset.done $0x0  }
0x1b7: {  	s11 =	simm.s32 @!p0 $0x6;
	[sflag:s26] =	ssyncadd.s32 $0xFFFFFF80  }
0x1b8: {  	_ =	swait.ge @!p0 [sflag:s11], $0x2000  }
0x1b9: {  	[sflag:s11] =	ssyncset.done @!p0 $0x0  }
0x1ba: {  	s12 =	simm.s32 $0x0;
	[sflag:s11] =	ssyncadd.s32 @!p0 $0xFFFFE000;
	s11 =	sshll.u32 s10, $0x10  }
0x1bb: {  	[tilespmem:s28], [sflag:$0x4] =	stream.indirect.gather [hbm4b:s6+s23], $0x80, s20, s23, $0xb8;
	[tilespmem:$0x1BC00] =	vst v63  }
.LBB2_3:
0x1bc: {  	v0 =	vor.u32 s12, v5;
	_ =	sdelay $0x4  }
0x1bd: {  	v1 =	vld.idx.msk [tilespmem:v0+s19+$0x0], $0xffff;
	_ =	sdelay $0x3  }
0x1be: {  	v2 =	vshll.u32 v0, $0x7  }
0x1bf: {  	v0 =	vshll.u32 v1, $0x6;
	v1 =	vor.u32 v5, v2  }
0x1c0: {  	v3 =	vor.u32 v5, v0;
	_ =	sdelay $0x2  }
0x1c1: {  	v6 =	vld [tilespmem:$0x1F830]  }
0x1c2: {  	v1 =	vld.idx.msk [tilespmem:v1+s24+$0x0], $0xffff  }
0x1c3: {  	v3 =	vld.idx.msk [tilespmem:v3+s2+$0x0], $0xffff;
	_ =	sdelay $0x3  }
0x1c4: {  	v4 =	vor.u32 s12, v14  }
0x1c5: {  	v1 =	vadd.f32 v3, v1;
	v3 =	vor.u32 v6, v2  }
0x1c6: {  	v6 =	vor.u32 v6, v0  }
0x1c7: {  	v1 =	vmul.f32 $5.000000000e-01, v1;
	_ =	sdelay $0x1  }
0x1c8: {  	[tilespmem:v4+s29+$0x0] =	vst.idx.msk $0xffff, v1;
	v4 =	vld [tilespmem:$0x1F840]  }
0x1c9: {  	v1 =	vld.idx.msk [tilespmem:v3+s24+$0x0], $0xffff  }
0x1ca: {  	v3 =	vld.idx.msk [tilespmem:v6+s2+$0x0], $0xffff  }
0x1cb: {  	v6 =	vld [tilespmem:$0x1F850];
	_ =	sdelay $0x3  }
0x1cc: {  	v4 =	vor.u32 s12, v4  }
0x1cd: {  	v1 =	vadd.f32 v3, v1;
	v3 =	vor.u32 v6, v2  }
0x1ce: {  	v6 =	vor.u32 v6, v0  }
0x1cf: {  	v1 =	vmul.f32 $5.000000000e-01, v1;
	_ =	sdelay $0x1  }
0x1d0: {  	[tilespmem:v4+s29+$0x0] =	vst.idx.msk $0xffff, v1;
	v4 =	vld [tilespmem:$0x1F860]  }
0x1d1: {  	v1 =	vld.idx.msk [tilespmem:v3+s24+$0x0], $0xffff  }
0x1d2: {  	v3 =	vld.idx.msk [tilespmem:v6+s2+$0x0], $0xffff  }
0x1d3: {  	v6 =	vld [tilespmem:$0x1F870];
	_ =	sdelay $0x3  }
0x1d4: {  	v4 =	vor.u32 s12, v4  }
0x1d5: {  	v1 =	vadd.f32 v3, v1;
	v3 =	vor.u32 v6, v2  }
0x1d6: {  	v6 =	vor.u32 v6, v0  }
0x1d7: {  	v1 =	vmul.f32 $5.000000000e-01, v1;
	_ =	sdelay $0x1  }
0x1d8: {  	[tilespmem:v4+s29+$0x0] =	vst.idx.msk $0xffff, v1  }
0x1d9: {  	v1 =	vld.idx.msk [tilespmem:v3+s24+$0x0], $0xffff  }
0x1da: {  	v3 =	vld.idx.msk [tilespmem:v6+s2+$0x0], $0xffff;
	_ =	sdelay $0x3  }
0x1db: {  	v4 =	vor.u32 s12, v17  }
0x1dc: {  	v1 =	vadd.f32 v3, v1;
	v3 =	vor.u32 v62, v2  }
0x1dd: {  	v6 =	vor.u32 v62, v0  }
0x1de: {  	v1 =	vmul.f32 $5.000000000e-01, v1;
	_ =	sdelay $0x1  }
0x1df: {  	[tilespmem:v4+s29+$0x0] =	vst.idx.msk $0xffff, v1;
	v4 =	vld [tilespmem:$0x1F880]  }
0x1e0: {  	v1 =	vld.idx.msk [tilespmem:v3+s24+$0x0], $0xffff  }
0x1e1: {  	v3 =	vld.idx.msk [tilespmem:v6+s2+$0x0], $0xffff;
	_ =	sdelay $0x3  }
0x1e2: {  	v4 =	vor.u32 s12, v4  }
0x1e3: {  	v1 =	vadd.f32 v3, v1;
	v3 =	vor.u32 v13, v2  }
0x1e4: {  	v6 =	vor.u32 v13, v0  }
0x1e5: {  	v1 =	vmul.f32 $5.000000000e-01, v1;
	_ =	sdelay $0x1  }
0x1e6: {  	[tilespmem:v4+s29+$0x0] =	vst.idx.msk $0xffff, v1  }
0x1e7: {  	v1 =	vld.idx.msk [tilespmem:v3+s24+$0x0], $0xffff  }
0x1e8: {  	v3 =	vld.idx.msk [tilespmem:v6+s2+$0x0], $0xffff  }
0x1e9: {  	v6 =	vld [tilespmem:$0x1F890];
	_ =	sdelay $0x3  }
0x1ea: {  	v4 =	vor.u32 s12, v40  }
0x1eb: {  	v1 =	vadd.f32 v3, v1;
	v3 =	vor.u32 v6, v2  }
0x1ec: {  	v6 =	vor.u32 v6, v0  }
0x1ed: {  	v1 =	vmul.f32 $5.000000000e-01, v1;
	_ =	sdelay $0x1  }
0x1ee: {  	[tilespmem:v4+s29+$0x0] =	vst.idx.msk $0xffff, v1  }
0x1ef: {  	v1 =	vld.idx.msk [tilespmem:v3+s24+$0x0], $0xffff  }
0x1f0: {  	v3 =	vld.idx.msk [tilespmem:v6+s2+$0x0], $0xffff  }
0x1f1: {  	v6 =	vld [tilespmem:$0x1F8A0];
	_ =	sdelay $0x3  }
0x1f2: {  	v4 =	vor.u32 s12, v16  }
0x1f3: {  	v1 =	vadd.f32 v3, v1;
	v3 =	vor.u32 v6, v2  }
0x1f4: {  	v6 =	vor.u32 v6, v0  }
0x1f5: {  	v1 =	vmul.f32 $5.000000000e-01, v1;
	_ =	sdelay $0x1  }
0x1f6: {  	[tilespmem:v4+s29+$0x0] =	vst.idx.msk $0xffff, v1  }
0x1f7: {  	v1 =	vld.idx.msk [tilespmem:v3+s24+$0x0], $0xffff  }
0x1f8: {  	v3 =	vld.idx.msk [tilespmem:v6+s2+$0x0], $0xffff;
	_ =	sdelay $0x3  }
0x1f9: {  	v4 =	vor.u32 s12, v42  }
0x1fa: {  	v1 =	vadd.f32 v3, v1;
	v3 =	vor.u32 v21, v2  }
0x1fb: {  	v6 =	vor.u32 v21, v0  }
0x1fc: {  	v1 =	vmul.f32 $5.000000000e-01, v1;
	_ =	sdelay $0x1  }
0x1fd: {  	[tilespmem:v4+s29+$0x0] =	vst.idx.msk $0xffff, v1  }
0x1fe: {  	v1 =	vld.idx.msk [tilespmem:v3+s24+$0x0], $0xffff  }
0x1ff: {  	v3 =	vld.idx.msk [tilespmem:v6+s2+$0x0], $0xffff;
	_ =	sdelay $0x3  }
0x200: {  	v4 =	vor.u32 s12, v23  }
0x201: {  	v1 =	vadd.f32 v3, v1;
	v3 =	vor.u32 v25, v2  }
0x202: {  	v6 =	vor.u32 v25, v0  }
0x203: {  	v1 =	vmul.f32 $5.000000000e-01, v1;
	_ =	sdelay $0x1  }
0x204: {  	[tilespmem:v4+s29+$0x0] =	vst.idx.msk $0xffff, v1  }
0x205: {  	v1 =	vld.idx.msk [tilespmem:v3+s24+$0x0], $0xffff  }
0x206: {  	v3 =	vld.idx.msk [tilespmem:v6+s2+$0x0], $0xffff;
	_ =	sdelay $0x3  }
0x207: {  	v4 =	vor.u32 s12, v27  }
0x208: {  	v1 =	vadd.f32 v3, v1;
	v3 =	vor.u32 v29, v2  }
0x209: {  	v6 =	vor.u32 v29, v0  }
0x20a: {  	v1 =	vmul.f32 $5.000000000e-01, v1;
	_ =	sdelay $0x1  }
0x20b: {  	[tilespmem:v4+s29+$0x0] =	vst.idx.msk $0xffff, v1  }
0x20c: {  	v1 =	vld.idx.msk [tilespmem:v3+s24+$0x0], $0xffff  }
0x20d: {  	v3 =	vld.idx.msk [tilespmem:v6+s2+$0x0], $0xffff;
	_ =	sdelay $0x3  }
0x20e: {  	v4 =	vor.u32 s12, v34  }
0x20f: {  	v1 =	vadd.f32 v3, v1;
	v3 =	vor.u32 v45, v2  }
0x210: {  	v6 =	vor.u32 v45, v0  }
0x211: {  	v1 =	vmul.f32 $5.000000000e-01, v1;
	_ =	sdelay $0x1  }
0x212: {  	[tilespmem:v4+s29+$0x0] =	vst.idx.msk $0xffff, v1  }
0x213: {  	v1 =	vld.idx.msk [tilespmem:v3+s24+$0x0], $0xffff  }
0x214: {  	v3 =	vld.idx.msk [tilespmem:v6+s2+$0x0], $0xffff;
	_ =	sdelay $0x3  }
0x215: {  	v4 =	vor.u32 s12, v53  }
0x216: {  	v1 =	vadd.f32 v3, v1;
	v3 =	vor.u32 v41, v2  }
0x217: {  	v6 =	vor.u32 v41, v0  }
0x218: {  	v1 =	vmul.f32 $5.000000000e-01, v1;
	_ =	sdelay $0x1  }
0x219: {  	[tilespmem:v4+s29+$0x0] =	vst.idx.msk $0xffff, v1  }
0x21a: {  	v1 =	vld.idx.msk [tilespmem:v3+s24+$0x0], $0xffff  }
0x21b: {  	v3 =	vld.idx.msk [tilespmem:v6+s2+$0x0], $0xffff;
	_ =	sdelay $0x3  }
0x21c: {  	v4 =	vor.u32 s12, v19  }
0x21d: {  	v1 =	vadd.f32 v3, v1;
	v3 =	vor.u32 v43, v2  }
0x21e: {  	v6 =	vor.u32 v43, v0  }
0x21f: {  	v1 =	vmul.f32 $5.000000000e-01, v1;
	_ =	sdelay $0x1  }
0x220: {  	[tilespmem:v4+s29+$0x0] =	vst.idx.msk $0xffff, v1  }
0x221: {  	v1 =	vld.idx.msk [tilespmem:v3+s24+$0x0], $0xffff  }
0x222: {  	v3 =	vld.idx.msk [tilespmem:v6+s2+$0x0], $0xffff;
	_ =	sdelay $0x3  }
0x223: {  	v4 =	vor.u32 s12, v44  }
0x224: {  	v1 =	vadd.f32 v3, v1;
	v3 =	vor.u32 v46, v2  }
0x225: {  	v6 =	vor.u32 v46, v0  }
0x226: {  	v1 =	vmul.f32 $5.000000000e-01, v1;
	_ =	sdelay $0x1  }
0x227: {  	[tilespmem:v4+s29+$0x0] =	vst.idx.msk $0xffff, v1  }
0x228: {  	v1 =	vld.idx.msk [tilespmem:v3+s24+$0x0], $0xffff  }
0x229: {  	v3 =	vld.idx.msk [tilespmem:v6+s2+$0x0], $0xffff;
	_ =	sdelay $0x3  }
0x22a: {  	v4 =	vor.u32 s12, v26  }
0x22b: {  	v1 =	vadd.f32 v3, v1;
	v3 =	vor.u32 v48, v2  }
0x22c: {  	v6 =	vor.u32 v48, v0  }
0x22d: {  	v1 =	vmul.f32 $5.000000000e-01, v1;
	_ =	sdelay $0x1  }
0x22e: {  	[tilespmem:v4+s29+$0x0] =	vst.idx.msk $0xffff, v1  }
0x22f: {  	v1 =	vld.idx.msk [tilespmem:v3+s24+$0x0], $0xffff  }
0x230: {  	v3 =	vld.idx.msk [tilespmem:v6+s2+$0x0], $0xffff  }
0x231: {  	v6 =	vld [tilespmem:$0x1FF10];
	_ =	sdelay $0x3  }
0x232: {  	v4 =	vor.u32 s12, v49  }
0x233: {  	v1 =	vadd.f32 v3, v1;
	v3 =	vor.u32 v6, v2  }
0x234: {  	v6 =	vor.u32 v6, v0  }
0x235: {  	v1 =	vmul.f32 $5.000000000e-01, v1;
	_ =	sdelay $0x1  }
0x236: {  	[tilespmem:v4+s29+$0x0] =	vst.idx.msk $0xffff, v1;
	v4 =	vld [tilespmem:$0x1FF60]  }
0x237: {  	v1 =	vld.idx.msk [tilespmem:v3+s24+$0x0], $0xffff  }
0x238: {  	v3 =	vld.idx.msk [tilespmem:v6+s2+$0x0], $0xffff  }
0x239: {  	v6 =	vld [tilespmem:$0x1FF90];
	_ =	sdelay $0x3  }
0x23a: {  	v4 =	vor.u32 s12, v4  }
0x23b: {  	v1 =	vadd.f32 v3, v1;
	v3 =	vor.u32 v6, v2  }
0x23c: {  	v6 =	vor.u32 v6, v0  }
0x23d: {  	v1 =	vmul.f32 $5.000000000e-01, v1;
	_ =	sdelay $0x1  }
0x23e: {  	[tilespmem:v4+s29+$0x0] =	vst.idx.msk $0xffff, v1;
	v4 =	vld [tilespmem:$0x1F8B0]  }
0x23f: {  	v1 =	vld.idx.msk [tilespmem:v3+s24+$0x0], $0xffff  }
0x240: {  	v3 =	vld.idx.msk [tilespmem:v6+s2+$0x0], $0xffff  }
0x241: {  	v6 =	vld [tilespmem:$0x1FFC0];
	_ =	sdelay $0x3  }
0x242: {  	v4 =	vor.u32 s12, v4  }
0x243: {  	v57 =	vld [tilespmem:$0x1F8E0];
	v1 =	vadd.f32 v3, v1;
	v3 =	vor.u32 v6, v2  }
0x244: {  	v35 =	vld [tilespmem:$0x1F8F0];
	v6 =	vor.u32 v6, v0  }
0x245: {  	v36 =	vld [tilespmem:$0x1F900];
	v1 =	vmul.f32 $5.000000000e-01, v1  }
0x246: {  	v29 =	vld [tilespmem:$0x1F8D0]  }
0x247: {  	v8 =	vld [tilespmem:$0x1F8C0];
	[tilespmem:v4+s29+$0x0] =	vst.idx.msk $0xffff, v1  }
0x248: {  	v1 =	vld.idx.msk [tilespmem:v3+s24+$0x0], $0xffff  }
0x249: {  	v3 =	vld.idx.msk [tilespmem:v6+s2+$0x0], $0xffff;
	_ =	sdelay $0x1  }
0x24a: {  	v4 =	vsel vm0, v57, v29;
	v6 =	vsel vm0, v36, v35  }
0x24b: {  	v10 =	vcombine.low v6, v4  }
0x24c: {  	v8 =	vor.u32 s12, v8  }
0x24d: {  	v37 =	vld [tilespmem:$0x1F920];
	v1 =	vadd.f32 v3, v1;
	v3 =	vor.u32 v10, v2  }
0x24e: {  	v38 =	vld [tilespmem:$0x1F930];
	v11 =	vor.u32 v10, v0  }
0x24f: {  	v58 =	vld [tilespmem:$0x1F940];
	v1 =	vmul.f32 $5.000000000e-01, v1  }
0x250: {  	v54 =	vld [tilespmem:$0x1F950];
	[tilespmem:$0x1F6C0] =	vst v10  }
0x251: {  	v10 =	vld [tilespmem:$0x1F910];
	[tilespmem:v8+s29+$0x0] =	vst.idx.msk $0xffff, v1  }
0x252: {  	v1 =	vld.idx.msk [tilespmem:v3+s24+$0x0], $0xffff  }
0x253: {  	v3 =	vld.idx.msk [tilespmem:v11+s2+$0x0], $0xffff;
	_ =	sdelay $0x1  }
0x254: {  	v8 =	vsel vm0, v38, v37;
	v11 =	vsel vm0, v54, v58  }
0x255: {  	v12 =	vcombine.low v11, v8  }
0x256: {  	v21 =	vor.u32 s12, v10  }
0x257: {  	v1 =	vadd.f32 v3, v1;
	v3 =	vor.u32 v12, v2  }
0x258: {  	v23 =	vor.u32 v12, v0  }
0x259: {  	v1 =	vmul.f32 $5.000000000e-01, v1;
	_ =	sdelay $0x1  }
0x25a: {  	v10 =	vld [tilespmem:$0x1F960];
	[tilespmem:v21+s29+$0x0] =	vst.idx.msk $0xffff, v1  }
0x25b: {  	v1 =	vld.idx.msk [tilespmem:v3+s24+$0x0], $0xffff  }
0x25c: {  	v3 =	vld.idx.msk [tilespmem:v23+s2+$0x0], $0xffff;
	_ =	sdelay $0x1  }
0x25d: {  	v30 =	vsel vm0, v52, v51;
	v31 =	vsel vm0, v50, v22  }
0x25e: {  	[tilespmem:$0x1F6D0] =	vst v12;
	v12 =	vcombine.low v31, v30  }
0x25f: {  	v23 =	vor.u32 s12, v10;
	v10 =	vld [tilespmem:$0x1FF30]  }
0x260: {  	[tilespmem:$0x1F6E0] =	vst v12;
	v25 =	vor.u32 v12, v0;
	v1 =	vadd.f32 v3, v1;
	v3 =	vor.u32 v12, v2;
	v12 =	vld [tilespmem:$0x1FF40];
	_ =	sdelay $0x4  }
0x261: {  	v32 =	vsel vm0, v12, v10;
	v10 =	vld [tilespmem:$0x1FF20]  }
0x262: {  	v12 =	vld [tilespmem:$0x1FF50]  }
0x263: {  	v1 =	vmul.f32 $5.000000000e-01, v1;
	_ =	sdelay $0x1  }
0x264: {  	[tilespmem:v23+s29+$0x0] =	vst.idx.msk $0xffff, v1  }
0x265: {  	v1 =	vld.idx.msk [tilespmem:v3+s24+$0x0], $0xffff  }
0x266: {  	v33 =	vsel vm0, v10, v12;
	v10 =	vld [tilespmem:$0x1F970]  }
0x267: {  	v3 =	vld.idx.msk [tilespmem:v25+s2+$0x0], $0xffff;
	_ =	sdelay $0x2  }
0x268: {  	v12 =	vcombine.low v33, v32  }
0x269: {  	v25 =	vor.u32 s12, v10  }
0x26a: {  	v1 =	vadd.f32 v3, v1;
	v3 =	vor.u32 v12, v2  }
0x26b: {  	v27 =	vor.u32 v12, v0  }
0x26c: {  	v1 =	vmul.f32 $5.000000000e-01, v1;
	_ =	sdelay $0x1  }
0x26d: {  	v10 =	vld [tilespmem:$0x1F980];
	[tilespmem:v25+s29+$0x0] =	vst.idx.msk $0xffff, v1  }
0x26e: {  	v1 =	vld.idx.msk [tilespmem:v3+s24+$0x0], $0xffff  }
0x26f: {  	v3 =	vld.idx.msk [tilespmem:v27+s2+$0x0], $0xffff;
	_ =	sdelay $0x1  }
0x270: {  	v35 =	vsel vm0, v35, v57;
	v36 =	vsel vm0, v29, v36  }
0x271: {  	[tilespmem:$0x1F6F0] =	vst v12;
	v12 =	vcombine.low v36, v35  }
0x272: {  	v27 =	vor.u32 s12, v10  }
0x273: {  	v1 =	vadd.f32 v3, v1;
	v3 =	vor.u32 v12, v2  }
0x274: {  	v29 =	vor.u32 v12, v0  }
0x275: {  	v1 =	vmul.f32 $5.000000000e-01, v1;
	_ =	sdelay $0x1  }
0x276: {  	v10 =	vld [tilespmem:$0x1F990];
	[tilespmem:v27+s29+$0x0] =	vst.idx.msk $0xffff, v1  }
0x277: {  	v1 =	vld.idx.msk [tilespmem:v3+s24+$0x0], $0xffff  }
0x278: {  	v3 =	vld.idx.msk [tilespmem:v29+s2+$0x0], $0xffff;
	_ =	sdelay $0x1  }
0x279: {  	v27 =	vsel vm0, v58, v38;
	v29 =	vsel vm0, v37, v54  }
0x27a: {  	v9 =	vld [tilespmem:$0x1FF70];
	[tilespmem:$0x1F700] =	vst v12;
	v12 =	vcombine.low v29, v27  }
0x27b: {  	v29 =	vor.u32 s12, v10;
	v10 =	vld [tilespmem:$0x1FF80]  }
0x27c: {  	v1 =	vadd.f32 v3, v1;
	v3 =	vor.u32 v12, v2  }
0x27d: {  	v59 =	vor.u32 v12, v0  }
0x27e: {  	v1 =	vmul.f32 $5.000000000e-01, v1  }
0x27f: {  	[tilespmem:$0x1F710] =	vst v12  }
0x280: {  	v12 =	vcombine.low v9, v10;
	v10 =	vld [tilespmem:$0x1F9A0];
	[tilespmem:v29+s29+$0x0] =	vst.idx.msk $0xffff, v1  }
0x281: {  	v1 =	vld.idx.msk [tilespmem:v3+s24+$0x0], $0xffff  }
0x282: {  	v3 =	vld.idx.msk [tilespmem:v59+s2+$0x0], $0xffff;
	_ =	sdelay $0x2  }
0x283: {  	v9 =	vld [tilespmem:$0x1FFA0]  }
0x284: {  	v60 =	vor.u32 s12, v10;
	v10 =	vld [tilespmem:$0x1FFB0]  }
0x285: {  	v1 =	vadd.f32 v3, v1;
	v3 =	vor.u32 v12, v2  }
0x286: {  	v61 =	vor.u32 v12, v0  }
0x287: {  	v1 =	vmul.f32 $5.000000000e-01, v1  }
0x288: {  	[tilespmem:$0x1F720] =	vst v12  }
0x289: {  	v12 =	vcombine.low v9, v10;
	v10 =	vld [tilespmem:$0x1F9B0];
	[tilespmem:v60+s29+$0x0] =	vst.idx.msk $0xffff, v1  }
0x28a: {  	v1 =	vld.idx.msk [tilespmem:v3+s24+$0x0], $0xffff  }
0x28b: {  	v3 =	vld.idx.msk [tilespmem:v61+s2+$0x0], $0xffff;
	_ =	sdelay $0x3  }
0x28c: {  	v63 =	vor.u32 s12, v10  }
0x28d: {  	v1 =	vadd.f32 v3, v1;
	v3 =	vor.u32 v12, v2  }
0x28e: {  	v34 =	vor.u32 v12, v0  }
0x28f: {  	v1 =	vmul.f32 $5.000000000e-01, v1;
	_ =	sdelay $0x1  }
0x290: {  	v6 =	vcombine.low v4, v6;
	v4 =	vld [tilespmem:$0x1F9C0];
	[tilespmem:v63+s29+$0x0] =	vst.idx.msk $0xffff, v1  }
0x291: {  	v1 =	vld.idx.msk [tilespmem:v3+s24+$0x0], $0xffff  }
0x292: {  	v3 =	vld.idx.msk [tilespmem:v34+s2+$0x0], $0xffff;
	_ =	sdelay $0x3  }
0x293: {  	v4 =	vor.u32 s12, v4  }
0x294: {  	v1 =	vadd.f32 v3, v1;
	v3 =	vor.u32 v6, v2  }
0x295: {  	[tilespmem:$0x1F740] =	vst v6;
	v6 =	vor.u32 v6, v0  }
0x296: {  	v1 =	vmul.f32 $5.000000000e-01, v1;
	_ =	sdelay $0x1  }
0x297: {  	[tilespmem:v4+s29+$0x0] =	vst.idx.msk $0xffff, v1;
	v4 =	vld [tilespmem:$0x1F9D0]  }
0x298: {  	v1 =	vld.idx.msk [tilespmem:v3+s24+$0x0], $0xffff  }
0x299: {  	v3 =	vld.idx.msk [tilespmem:v6+s2+$0x0], $0xffff;
	_ =	sdelay $0x2  }
0x29a: {  	v6 =	vcombine.low v8, v11  }
0x29b: {  	v4 =	vor.u32 s12, v4  }
0x29c: {  	v1 =	vadd.f32 v3, v1;
	v3 =	vor.u32 v6, v2  }
0x29d: {  	[tilespmem:$0x1F750] =	vst v6;
	v6 =	vor.u32 v6, v0  }
0x29e: {  	v1 =	vmul.f32 $5.000000000e-01, v1;
	_ =	sdelay $0x1  }
0x29f: {  	[tilespmem:v4+s29+$0x0] =	vst.idx.msk $0xffff, v1;
	v4 =	vld [tilespmem:$0x1F9E0]  }
0x2a0: {  	v1 =	vld.idx.msk [tilespmem:v3+s24+$0x0], $0xffff  }
0x2a1: {  	v3 =	vld.idx.msk [tilespmem:v6+s2+$0x0], $0xffff;
	_ =	sdelay $0x2  }
0x2a2: {  	v6 =	vcombine.low v30, v31  }
0x2a3: {  	v4 =	vor.u32 s12, v4  }
0x2a4: {  	v1 =	vadd.f32 v3, v1;
	v3 =	vor.u32 v6, v2  }
0x2a5: {  	[tilespmem:$0x1F760] =	vst v6;
	v6 =	vor.u32 v6, v0  }
0x2a6: {  	v1 =	vmul.f32 $5.000000000e-01, v1;
	_ =	sdelay $0x1  }
0x2a7: {  	[tilespmem:v4+s29+$0x0] =	vst.idx.msk $0xffff, v1;
	v4 =	vld [tilespmem:$0x1F9F0]  }
0x2a8: {  	v1 =	vld.idx.msk [tilespmem:v3+s24+$0x0], $0xffff  }
0x2a9: {  	v3 =	vld.idx.msk [tilespmem:v6+s2+$0x0], $0xffff;
	_ =	sdelay $0x2  }
0x2aa: {  	v6 =	vcombine.low v32, v33  }
0x2ab: {  	v4 =	vor.u32 s12, v4  }
0x2ac: {  	v1 =	vadd.f32 v3, v1;
	v3 =	vor.u32 v6, v2  }
0x2ad: {  	[tilespmem:$0x1F770] =	vst v6;
	v6 =	vor.u32 v6, v0  }
0x2ae: {  	v1 =	vmul.f32 $5.000000000e-01, v1;
	_ =	sdelay $0x1  }
0x2af: {  	[tilespmem:v4+s29+$0x0] =	vst.idx.msk $0xffff, v1;
	v4 =	vld [tilespmem:$0x1FA00]  }
0x2b0: {  	v1 =	vld.idx.msk [tilespmem:v3+s24+$0x0], $0xffff  }
0x2b1: {  	v3 =	vld.idx.msk [tilespmem:v6+s2+$0x0], $0xffff;
	_ =	sdelay $0x2  }
0x2b2: {  	v6 =	vcombine.low v35, v36  }
0x2b3: {  	v4 =	vor.u32 s12, v4  }
0x2b4: {  	v1 =	vadd.f32 v3, v1;
	v3 =	vor.u32 v6, v2  }
0x2b5: {  	[tilespmem:$0x1F780] =	vst v6;
	v6 =	vor.u32 v6, v0  }
0x2b6: {  	v1 =	vmul.f32 $5.000000000e-01, v1;
	_ =	sdelay $0x1  }
0x2b7: {  	[tilespmem:v4+s29+$0x0] =	vst.idx.msk $0xffff, v1;
	v4 =	vld [tilespmem:$0x1FA40]  }
0x2b8: {  	v1 =	vld.idx.msk [tilespmem:v3+s24+$0x0], $0xffff  }
0x2b9: {  	v3 =	vld.idx.msk [tilespmem:v6+s2+$0x0], $0xffff;
	_ =	sdelay $0x3  }
0x2ba: {  	v6 =	vor.u32 $0x20, v5;
	v4 =	vor.u32 s12, v4  }
0x2bb: {  	v21 =	vld [tilespmem:$0x1FA50];
	v1 =	vadd.f32 v3, v1;
	v3 =	vor.u32 v6, v2  }
0x2bc: {  	v23 =	vld [tilespmem:$0x1FA60];
	[tilespmem:$0x1F790] =	vst v6;
	v6 =	vor.u32 v6, v0  }
0x2bd: {  	v25 =	vld [tilespmem:$0x1FA70];
	v1 =	vmul.f32 $5.000000000e-01, v1  }
0x2be: {  	v27 =	vld [tilespmem:$0x1FA90]  }
0x2bf: {  	[tilespmem:v4+s29+$0x0] =	vst.idx.msk $0xffff, v1  }
0x2c0: {  	v1 =	vld.idx.msk [tilespmem:v3+s24+$0x0], $0xffff  }
0x2c1: {  	v3 =	vld.idx.msk [tilespmem:v6+s2+$0x0], $0xffff;
	_ =	sdelay $0x1  }
0x2c2: {  	v4 =	vsel vm0, v23, v21;
	v6 =	vsel vm0, v27, v25  }
0x2c3: {  	v8 =	vor.u32 $0x1000, v14;
	v10 =	vcombine.low v6, v4  }
0x2c4: {  	[tilespmem:$0x1F7A0] =	vst v8;
	v8 =	vor.u32 s12, v8  }
0x2c5: {  	v40 =	vmov v52;
	v52 =	vld [tilespmem:$0x1FD70];
	v1 =	vadd.f32 v3, v1;
	v3 =	vor.u32 v10, v2  }
0x2c6: {  	v53 =	vld [tilespmem:$0x1FD80];
	v11 =	vor.u32 v10, v0  }
0x2c7: {  	v29 =	vld [tilespmem:$0x1FD50];
	v1 =	vmul.f32 $5.000000000e-01, v1  }
0x2c8: {  	v34 =	vld [tilespmem:$0x1FD60];
	[tilespmem:$0x1F7B0] =	vst v10  }
0x2c9: {  	v10 =	vld [tilespmem:$0x1FAB0];
	[tilespmem:v8+s29+$0x0] =	vst.idx.msk $0xffff, v1  }
0x2ca: {  	v1 =	vld.idx.msk [tilespmem:v3+s24+$0x0], $0xffff  }
0x2cb: {  	v3 =	vld.idx.msk [tilespmem:v11+s2+$0x0], $0xffff;
	_ =	sdelay $0x1  }
0x2cc: {  	v8 =	vsel vm0, v34, v29;
	v11 =	vsel vm0, v53, v52  }
0x2cd: {  	[tilespmem:$0x1F730] =	vst v12;
	v12 =	vcombine.low v11, v8  }
0x2ce: {  	v30 =	vor.u32 s12, v10  }
0x2cf: {  	v55 =	vld [tilespmem:$0x1FDA0];
	v1 =	vadd.f32 v3, v1;
	v3 =	vor.u32 v12, v2  }
0x2d0: {  	v56 =	vld [tilespmem:$0x1FDB0];
	v31 =	vor.u32 v12, v0  }
0x2d1: {  	v57 =	vld [tilespmem:$0x1FDC0];
	v1 =	vmul.f32 $5.000000000e-01, v1  }
0x2d2: {  	v54 =	vld [tilespmem:$0x1FD90]  }
0x2d3: {  	v10 =	vld [tilespmem:$0x1FAC0];
	[tilespmem:v30+s29+$0x0] =	vst.idx.msk $0xffff, v1  }
0x2d4: {  	v1 =	vld.idx.msk [tilespmem:v3+s24+$0x0], $0xffff  }
0x2d5: {  	v3 =	vld.idx.msk [tilespmem:v31+s2+$0x0], $0xffff;
	_ =	sdelay $0x1  }
0x2d6: {  	v30 =	vsel vm0, v55, v54;
	v31 =	vsel vm0, v57, v56  }
0x2d7: {  	[tilespmem:$0x1F7C0] =	vst v12;
	v12 =	vcombine.low v31, v30  }
0x2d8: {  	v37 =	vor.u32 s12, v10  }
0x2d9: {  	v22 =	vld [tilespmem:$0x1FE00];
	v1 =	vadd.f32 v3, v1;
	v3 =	vor.u32 v12, v2  }
0x2da: {  	v58 =	vld [tilespmem:$0x1FDD0];
	v38 =	vor.u32 v12, v0  }
0x2db: {  	v59 =	vld [tilespmem:$0x1FDE0];
	v1 =	vmul.f32 $5.000000000e-01, v1  }
0x2dc: {  	v63 =	vld [tilespmem:$0x1FDF0]  }
0x2dd: {  	v10 =	vld [tilespmem:$0x1FAD0];
	[tilespmem:v37+s29+$0x0] =	vst.idx.msk $0xffff, v1  }
0x2de: {  	v1 =	vld.idx.msk [tilespmem:v3+s24+$0x0], $0xffff  }
0x2df: {  	v3 =	vld.idx.msk [tilespmem:v38+s2+$0x0], $0xffff;
	_ =	sdelay $0x1  }
0x2e0: {  	v32 =	vsel vm0, v59, v58;
	v33 =	vsel vm0, v22, v63  }
0x2e1: {  	[tilespmem:$0x1F7D0] =	vst v12;
	v12 =	vcombine.low v33, v32  }
0x2e2: {  	v39 =	vmov v45;
	v45 =	vor.u32 s12, v10  }
0x2e3: {  	v1 =	vadd.f32 v3, v1;
	v3 =	vor.u32 v12, v2  }
0x2e4: {  	v60 =	vor.u32 v12, v0  }
0x2e5: {  	v1 =	vmul.f32 $5.000000000e-01, v1;
	_ =	sdelay $0x1  }
0x2e6: {  	v10 =	vld [tilespmem:$0x1FAE0];
	[tilespmem:v45+s29+$0x0] =	vst.idx.msk $0xffff, v1  }
0x2e7: {  	v1 =	vld.idx.msk [tilespmem:v3+s24+$0x0], $0xffff  }
0x2e8: {  	v3 =	vld.idx.msk [tilespmem:v60+s2+$0x0], $0xffff;
	_ =	sdelay $0x1  }
0x2e9: {  	v35 =	vsel vm0, v25, v23;
	v36 =	vsel vm0, v21, v27  }
0x2ea: {  	[tilespmem:$0x1F7E0] =	vst v12;
	v12 =	vcombine.low v36, v35  }
0x2eb: {  	v61 =	vor.u32 s12, v10  }
0x2ec: {  	v1 =	vadd.f32 v3, v1;
	v3 =	vor.u32 v12, v2  }
0x2ed: {  	v45 =	vor.u32 v12, v0  }
0x2ee: {  	v1 =	vmul.f32 $5.000000000e-01, v1;
	_ =	sdelay $0x1  }
0x2ef: {  	v10 =	vld [tilespmem:$0x1FAF0];
	[tilespmem:v61+s29+$0x0] =	vst.idx.msk $0xffff, v1  }
0x2f0: {  	v1 =	vld.idx.msk [tilespmem:v3+s24+$0x0], $0xffff  }
0x2f1: {  	v3 =	vld.idx.msk [tilespmem:v45+s2+$0x0], $0xffff;
	_ =	sdelay $0x1  }
0x2f2: {  	v37 =	vsel vm0, v52, v34;
	v38 =	vsel vm0, v29, v53  }
0x2f3: {  	[tilespmem:$0x1F7F0] =	vst v12;
	v12 =	vcombine.low v38, v37  }
0x2f4: {  	v60 =	vor.u32 s12, v10  }
0x2f5: {  	v1 =	vadd.f32 v3, v1;
	v3 =	vor.u32 v12, v2  }
0x2f6: {  	v61 =	vor.u32 v12, v0  }
0x2f7: {  	v1 =	vmul.f32 $5.000000000e-01, v1;
	_ =	sdelay $0x1  }
0x2f8: {  	v10 =	vld [tilespmem:$0x1FB00];
	[tilespmem:v60+s29+$0x0] =	vst.idx.msk $0xffff, v1  }
0x2f9: {  	v1 =	vld.idx.msk [tilespmem:v3+s24+$0x0], $0xffff  }
0x2fa: {  	v3 =	vld.idx.msk [tilespmem:v61+s2+$0x0], $0xffff;
	_ =	sdelay $0x1  }
0x2fb: {  	v60 =	vsel vm0, v56, v55;
	v61 =	vsel vm0, v54, v57  }
0x2fc: {  	[tilespmem:$0x1F800] =	vst v12;
	v12 =	vcombine.low v61, v60  }
0x2fd: {  	v34 =	vor.u32 s12, v10  }
0x2fe: {  	v1 =	vadd.f32 v3, v1;
	v3 =	vor.u32 v12, v2  }
0x2ff: {  	v45 =	vor.u32 v12, v0  }
0x300: {  	v1 =	vmul.f32 $5.000000000e-01, v1;
	_ =	sdelay $0x1  }
0x301: {  	v10 =	vld [tilespmem:$0x1FB10];
	[tilespmem:v34+s29+$0x0] =	vst.idx.msk $0xffff, v1  }
0x302: {  	v1 =	vld.idx.msk [tilespmem:v3+s24+$0x0], $0xffff  }
0x303: {  	v3 =	vld.idx.msk [tilespmem:v45+s2+$0x0], $0xffff;
	_ =	sdelay $0x1  }
0x304: {  	v57 =	vsel vm0, v63, v59;
	v59 =	vsel vm0, v58, v22  }
0x305: {  	v7 =	vcombine.low v59, v57  }
0x306: {  	v63 =	vor.u32 s12, v10  }
0x307: {  	v1 =	vadd.f32 v3, v1;
	v3 =	vor.u32 v7, v2  }
0x308: {  	v34 =	vor.u32 v7, v0  }
0x309: {  	v1 =	vmul.f32 $5.000000000e-01, v1;
	_ =	sdelay $0x1  }
0x30a: {  	v54 =	vcombine.low v4, v6;
	v4 =	vld [tilespmem:$0x1FB20];
	[tilespmem:v63+s29+$0x0] =	vst.idx.msk $0xffff, v1  }
0x30b: {  	v1 =	vld.idx.msk [tilespmem:v3+s24+$0x0], $0xffff  }
0x30c: {  	v3 =	vld.idx.msk [tilespmem:v34+s2+$0x0], $0xffff;
	_ =	sdelay $0x3  }
0x30d: {  	v4 =	vor.u32 s12, v4  }
0x30e: {  	v1 =	vadd.f32 v3, v1;
	v3 =	vor.u32 v54, v2  }
0x30f: {  	v6 =	vor.u32 v54, v0  }
0x310: {  	v1 =	vmul.f32 $5.000000000e-01, v1;
	_ =	sdelay $0x1  }
0x311: {  	[tilespmem:v4+s29+$0x0] =	vst.idx.msk $0xffff, v1;
	v4 =	vld [tilespmem:$0x1FB40]  }
0x312: {  	v1 =	vld.idx.msk [tilespmem:v3+s24+$0x0], $0xffff  }
0x313: {  	v3 =	vld.idx.msk [tilespmem:v6+s2+$0x0], $0xffff;
	_ =	sdelay $0x2  }
0x314: {  	v55 =	vcombine.low v8, v11  }
0x315: {  	v4 =	vor.u32 s12, v4  }
0x316: {  	v1 =	vadd.f32 v3, v1;
	v3 =	vor.u32 v55, v2  }
0x317: {  	v6 =	vor.u32 v55, v0  }
0x318: {  	v1 =	vmul.f32 $5.000000000e-01, v1;
	_ =	sdelay $0x1  }
0x319: {  	[tilespmem:v4+s29+$0x0] =	vst.idx.msk $0xffff, v1;
	v4 =	vld [tilespmem:$0x1FB50]  }
0x31a: {  	v1 =	vld.idx.msk [tilespmem:v3+s24+$0x0], $0xffff  }
0x31b: {  	v3 =	vld.idx.msk [tilespmem:v6+s2+$0x0], $0xffff;
	_ =	sdelay $0x2  }
0x31c: {  	v56 =	vcombine.low v30, v31  }
0x31d: {  	v4 =	vor.u32 s12, v4  }
0x31e: {  	v1 =	vadd.f32 v3, v1;
	v3 =	vor.u32 v56, v2  }
0x31f: {  	v6 =	vor.u32 v56, v0  }
0x320: {  	v1 =	vmul.f32 $5.000000000e-01, v1;
	_ =	sdelay $0x1  }
0x321: {  	[tilespmem:v4+s29+$0x0] =	vst.idx.msk $0xffff, v1;
	v4 =	vld [tilespmem:$0x1FB70]  }
0x322: {  	v1 =	vld.idx.msk [tilespmem:v3+s24+$0x0], $0xffff  }
0x323: {  	v3 =	vld.idx.msk [tilespmem:v6+s2+$0x0], $0xffff;
	_ =	sdelay $0x2  }
0x324: {  	v57 =	vcombine.low v32, v33  }
0x325: {  	v4 =	vor.u32 s12, v4  }
0x326: {  	v1 =	vadd.f32 v3, v1;
	v3 =	vor.u32 v57, v2  }
0x327: {  	v6 =	vor.u32 v57, v0  }
0x328: {  	v1 =	vmul.f32 $5.000000000e-01, v1;
	_ =	sdelay $0x1  }
0x329: {  	[tilespmem:v4+s29+$0x0] =	vst.idx.msk $0xffff, v1;
	v4 =	vld [tilespmem:$0x1FB80]  }
0x32a: {  	v1 =	vld.idx.msk [tilespmem:v3+s24+$0x0], $0xffff  }
0x32b: {  	v3 =	vld.idx.msk [tilespmem:v6+s2+$0x0], $0xffff;
	_ =	sdelay $0x2  }
0x32c: {  	v58 =	vcombine.low v35, v36  }
0x32d: {  	v4 =	vor.u32 s12, v4  }
0x32e: {  	v1 =	vadd.f32 v3, v1;
	v3 =	vor.u32 v58, v2  }
0x32f: {  	v6 =	vor.u32 v58, v0  }
0x330: {  	v1 =	vmul.f32 $5.000000000e-01, v1;
	_ =	sdelay $0x1  }
0x331: {  	[tilespmem:v4+s29+$0x0] =	vst.idx.msk $0xffff, v1;
	v4 =	vld [tilespmem:$0x1FBA0]  }
0x332: {  	v1 =	vld.idx.msk [tilespmem:v3+s24+$0x0], $0xffff  }
0x333: {  	v3 =	vld.idx.msk [tilespmem:v6+s2+$0x0], $0xffff;
	_ =	sdelay $0x2  }
0x334: {  	v59 =	vcombine.low v37, v38  }
0x335: {  	v4 =	vor.u32 s12, v4  }
0x336: {  	v1 =	vadd.f32 v3, v1;
	v3 =	vor.u32 v59, v2  }
0x337: {  	v6 =	vor.u32 v59, v0  }
0x338: {  	v1 =	vmul.f32 $5.000000000e-01, v1;
	_ =	sdelay $0x1  }
0x339: {  	[tilespmem:v4+s29+$0x0] =	vst.idx.msk $0xffff, v1;
	v4 =	vld [tilespmem:$0x1FBC0]  }
0x33a: {  	v1 =	vld.idx.msk [tilespmem:v3+s24+$0x0], $0xffff  }
0x33b: {  	v3 =	vld.idx.msk [tilespmem:v6+s2+$0x0], $0xffff;
	_ =	sdelay $0x2  }
0x33c: {  	v60 =	vcombine.low v60, v61  }
0x33d: {  	v4 =	vor.u32 s12, v4  }
0x33e: {  	v1 =	vadd.f32 v3, v1;
	v3 =	vor.u32 v60, v2  }
0x33f: {  	v6 =	vor.u32 v60, v0  }
0x340: {  	v1 =	vmul.f32 $5.000000000e-01, v1;
	_ =	sdelay $0x1  }
0x341: {  	[tilespmem:v4+s29+$0x0] =	vst.idx.msk $0xffff, v1;
	v4 =	vld [tilespmem:$0x1FBE0]  }
0x342: {  	v1 =	vld.idx.msk [tilespmem:v3+s24+$0x0], $0xffff  }
0x343: {  	v3 =	vld.idx.msk [tilespmem:v6+s2+$0x0], $0xffff;
	_ =	sdelay $0x3  }
0x344: {  	v61 =	vor.u32 $0x30, v5;
	v4 =	vor.u32 s12, v4  }
0x345: {  	v21 =	vld [tilespmem:$0x1FE10];
	v1 =	vadd.f32 v3, v1;
	v3 =	vor.u32 v61, v2  }
0x346: {  	v23 =	vld [tilespmem:$0x1FE30];
	v6 =	vor.u32 v61, v0  }
0x347: {  	v22 =	vld [tilespmem:$0x1FE20];
	v1 =	vmul.f32 $5.000000000e-01, v1  }
0x348: {  	v34 =	vld [tilespmem:$0x1FE40]  }
0x349: {  	[tilespmem:v4+s29+$0x0] =	vst.idx.msk $0xffff, v1  }
0x34a: {  	v1 =	vld.idx.msk [tilespmem:v3+s24+$0x0], $0xffff  }
0x34b: {  	v3 =	vld.idx.msk [tilespmem:v6+s2+$0x0], $0xffff;
	_ =	sdelay $0x1  }
0x34c: {  	v4 =	vsel vm0, v22, v21;
	v6 =	vsel vm0, v34, v23  }
0x34d: {  	v5 =	vor.u32 $0x1800, v14;
	v63 =	vcombine.low v6, v4  }
0x34e: {  	v8 =	vor.u32 s12, v5  }
0x34f: {  	v47 =	vmov v26;
	v26 =	vld [tilespmem:$0x1FE80];
	v1 =	vadd.f32 v3, v1;
	v3 =	vor.u32 v63, v2  }
0x350: {  	v52 =	vld [tilespmem:$0x1FE70];
	v11 =	vor.u32 v63, v0  }
0x351: {  	v37 =	vld [tilespmem:$0x1FE50];
	v1 =	vmul.f32 $5.000000000e-01, v1  }
0x352: {  	v38 =	vld [tilespmem:$0x1FE60];
	[tilespmem:$0x1F820] =	vst v5  }
0x353: {  	v5 =	vld [tilespmem:$0x1FC00];
	[tilespmem:v8+s29+$0x0] =	vst.idx.msk $0xffff, v1  }
0x354: {  	v1 =	vld.idx.msk [tilespmem:v3+s24+$0x0], $0xffff  }
0x355: {  	v3 =	vld.idx.msk [tilespmem:v11+s2+$0x0], $0xffff;
	_ =	sdelay $0x1  }
0x356: {  	v8 =	vsel vm0, v38, v37;
	v11 =	vsel vm0, v26, v52  }
0x357: {  	v30 =	vcombine.low v11, v8  }
0x358: {  	v31 =	vor.u32 s12, v5  }
0x359: {  	v28 =	vld [tilespmem:$0x1FE90];
	v1 =	vadd.f32 v3, v1;
	v3 =	vor.u32 v30, v2  }
0x35a: {  	v15 =	vld [tilespmem:$0x1FEA0];
	v36 =	vor.u32 v30, v0  }
0x35b: {  	v19 =	vld [tilespmem:$0x1FEC0];
	v1 =	vmul.f32 $5.000000000e-01, v1  }
0x35c: {  	v9 =	vld [tilespmem:$0x1FEB0]  }
0x35d: {  	v5 =	vld [tilespmem:$0x1FC20];
	[tilespmem:v31+s29+$0x0] =	vst.idx.msk $0xffff, v1  }
0x35e: {  	v1 =	vld.idx.msk [tilespmem:v3+s24+$0x0], $0xffff  }
0x35f: {  	v3 =	vld.idx.msk [tilespmem:v36+s2+$0x0], $0xffff;
	_ =	sdelay $0x1  }
0x360: {  	v10 =	vsel vm0, v15, v28;
	[tilespmem:$0x1F810] =	vst v12;
	v12 =	vsel vm0, v19, v9  }
0x361: {  	v31 =	vcombine.low v12, v10  }
0x362: {  	v45 =	vor.u32 s12, v5  }
0x363: {  	v1 =	vadd.f32 v3, v1;
	v3 =	vor.u32 v31, v2  }
0x364: {  	v53 =	vor.u32 v31, v0  }
0x365: {  	v25 =	vld [tilespmem:$0x1FEE0];
	v1 =	vmul.f32 $5.000000000e-01, v1  }
0x366: {  	v29 =	vld [tilespmem:$0x1FEF0]  }
0x367: {  	[tilespmem:v45+s29+$0x0] =	vst.idx.msk $0xffff, v1;
	v45 =	vld [tilespmem:$0x1FED0]  }
0x368: {  	v1 =	vld.idx.msk [tilespmem:v3+s24+$0x0], $0xffff  }
0x369: {  	v3 =	vld.idx.msk [tilespmem:v53+s2+$0x0], $0xffff  }
0x36a: {  	v53 =	vld [tilespmem:$0x1FF00];
	_ =	sdelay $0x1  }
0x36b: {  	v5 =	vld [tilespmem:$0x1FC40];
	_ =	sdelay $0x2  }
0x36c: {  	v24 =	vmov v16;
	v14 =	vsel vm0, v25, v45;
	v16 =	vsel vm0, v53, v29  }
0x36d: {  	v32 =	vcombine.low v16, v14  }
0x36e: {  	v33 =	vor.u32 s12, v5  }
0x36f: {  	v1 =	vadd.f32 v3, v1;
	v3 =	vor.u32 v32, v2  }
0x370: {  	v36 =	vor.u32 v32, v0  }
0x371: {  	v1 =	vmul.f32 $5.000000000e-01, v1;
	_ =	sdelay $0x1  }
0x372: {  	v5 =	vld [tilespmem:$0x1FC60];
	[tilespmem:v33+s29+$0x0] =	vst.idx.msk $0xffff, v1  }
0x373: {  	v1 =	vld.idx.msk [tilespmem:v3+s24+$0x0], $0xffff  }
0x374: {  	v3 =	vld.idx.msk [tilespmem:v36+s2+$0x0], $0xffff;
	_ =	sdelay $0x1  }
0x375: {  	v18 =	vsel vm0, v23, v22;
	v20 =	vsel vm0, v21, v34  }
0x376: {  	v33 =	vcombine.low v20, v18  }
0x377: {  	v35 =	vor.u32 s12, v5  }
0x378: {  	v1 =	vadd.f32 v3, v1;
	v3 =	vor.u32 v33, v2  }
0x379: {  	v34 =	vor.u32 v33, v0  }
0x37a: {  	v1 =	vmul.f32 $5.000000000e-01, v1;
	_ =	sdelay $0x1  }
0x37b: {  	v5 =	vld [tilespmem:$0x1FC80];
	[tilespmem:v35+s29+$0x0] =	vst.idx.msk $0xffff, v1  }
0x37c: {  	v1 =	vld.idx.msk [tilespmem:v3+s24+$0x0], $0xffff  }
0x37d: {  	v3 =	vld.idx.msk [tilespmem:v34+s2+$0x0], $0xffff;
	_ =	sdelay $0x1  }
0x37e: {  	v27 =	vmov v24;
	v24 =	vsel vm0, v37, v26;
	v22 =	vsel vm0, v52, v38  }
0x37f: {  	v35 =	vcombine.low v24, v22  }
0x380: {  	v34 =	vor.u32 s12, v5  }
0x381: {  	v1 =	vadd.f32 v3, v1;
	v3 =	vor.u32 v35, v2  }
0x382: {  	v52 =	vor.u32 v35, v0  }
0x383: {  	v1 =	vmul.f32 $5.000000000e-01, v1;
	_ =	sdelay $0x1  }
0x384: {  	v5 =	vld [tilespmem:$0x1FCA0];
	[tilespmem:v34+s29+$0x0] =	vst.idx.msk $0xffff, v1  }
0x385: {  	v1 =	vld.idx.msk [tilespmem:v3+s24+$0x0], $0xffff  }
0x386: {  	v3 =	vld.idx.msk [tilespmem:v52+s2+$0x0], $0xffff;
	_ =	sdelay $0x1  }
0x387: {  	v28 =	vsel vm0, v28, v19;
	v26 =	vsel vm0, v9, v15  }
0x388: {  	v36 =	vcombine.low v28, v26  }
0x389: {  	v34 =	vor.u32 s12, v5  }
0x38a: {  	v1 =	vadd.f32 v3, v1;
	v3 =	vor.u32 v36, v2  }
0x38b: {  	v52 =	vor.u32 v36, v0  }
0x38c: {  	v1 =	vmul.f32 $5.000000000e-01, v1;
	_ =	sdelay $0x1  }
0x38d: {  	v5 =	vld [tilespmem:$0x1FCB0];
	[tilespmem:v34+s29+$0x0] =	vst.idx.msk $0xffff, v1  }
0x38e: {  	v1 =	vld.idx.msk [tilespmem:v3+s24+$0x0], $0xffff  }
0x38f: {  	v3 =	vld.idx.msk [tilespmem:v52+s2+$0x0], $0xffff;
	_ =	sdelay $0x1  }
0x390: {  	v34 =	vsel vm0, v29, v25;
	v52 =	vsel vm0, v45, v53  }
0x391: {  	v37 =	vcombine.low v52, v34  }
0x392: {  	v53 =	vor.u32 s12, v5  }
0x393: {  	v1 =	vadd.f32 v3, v1;
	v3 =	vor.u32 v37, v2  }
0x394: {  	v5 =	vor.u32 v37, v0  }
0x395: {  	v1 =	vmul.f32 $5.000000000e-01, v1;
	_ =	sdelay $0x1  }
0x396: {  	v38 =	vcombine.low v4, v6;
	v4 =	vld [tilespmem:$0x1FCC0];
	[tilespmem:v53+s29+$0x0] =	vst.idx.msk $0xffff, v1  }
0x397: {  	v1 =	vld.idx.msk [tilespmem:v3+s24+$0x0], $0xffff  }
0x398: {  	v3 =	vld.idx.msk [tilespmem:v5+s2+$0x0], $0xffff;
	_ =	sdelay $0x3  }
0x399: {  	v4 =	vor.u32 s12, v4  }
0x39a: {  	v5 =	vor.u32 v38, v0;
	v1 =	vadd.f32 v3, v1;
	_ =	sdelay $0x1  }
0x39b: {  	v3 =	vor.u32 v38, v2;
	v1 =	vmul.f32 $5.000000000e-01, v1;
	_ =	sdelay $0x1  }
0x39c: {  	[tilespmem:v4+s29+$0x0] =	vst.idx.msk $0xffff, v1  }
0x39d: {  	v4 =	vld.idx.msk [tilespmem:v5+s2+$0x0], $0xffff  }
0x39e: {  	v5 =	vld [tilespmem:$0x1FCD0]  }
0x39f: {  	v3 =	vld.idx.msk [tilespmem:v3+s24+$0x0], $0xffff;
	_ =	sdelay $0x2  }
0x3a0: {  	v1 =	vcombine.low v8, v11  }
0x3a1: {  	v5 =	vor.u32 s12, v5  }
0x3a2: {  	v6 =	vor.u32 v1, v0;
	v3 =	vadd.f32 v4, v3;
	_ =	sdelay $0x1  }
0x3a3: {  	v4 =	vor.u32 v1, v2;
	v3 =	vmul.f32 $5.000000000e-01, v3;
	_ =	sdelay $0x1  }
0x3a4: {  	[tilespmem:v5+s29+$0x0] =	vst.idx.msk $0xffff, v3  }
0x3a5: {  	v5 =	vld.idx.msk [tilespmem:v6+s2+$0x0], $0xffff  }
0x3a6: {  	v6 =	vld [tilespmem:$0x1FCE0]  }
0x3a7: {  	v4 =	vld.idx.msk [tilespmem:v4+s24+$0x0], $0xffff;
	_ =	sdelay $0x2  }
0x3a8: {  	v3 =	vcombine.low v10, v12  }
0x3a9: {  	v6 =	vor.u32 s12, v6  }
0x3aa: {  	v4 =	vadd.f32 v5, v4;
	v5 =	vor.u32 v3, v2  }
0x3ab: {  	v8 =	vor.u32 v3, v0  }
0x3ac: {  	v4 =	vmul.f32 $5.000000000e-01, v4;
	_ =	sdelay $0x1  }
0x3ad: {  	[tilespmem:v6+s29+$0x0] =	vst.idx.msk $0xffff, v4;
	v6 =	vld [tilespmem:$0x1FD00]  }
0x3ae: {  	v4 =	vld.idx.msk [tilespmem:v5+s24+$0x0], $0xffff  }
0x3af: {  	v5 =	vld.idx.msk [tilespmem:v8+s2+$0x0], $0xffff;
	_ =	sdelay $0x2  }
0x3b0: {  	v11 =	vcombine.low v14, v16  }
0x3b1: {  	v6 =	vor.u32 s12, v6  }
0x3b2: {  	v8 =	vor.u32 v11, v0;
	v4 =	vadd.f32 v5, v4;
	_ =	sdelay $0x1  }
0x3b3: {  	v5 =	vor.u32 v11, v2;
	v4 =	vmul.f32 $5.000000000e-01, v4;
	_ =	sdelay $0x1  }
0x3b4: {  	[tilespmem:v6+s29+$0x0] =	vst.idx.msk $0xffff, v4  }
0x3b5: {  	v6 =	vld.idx.msk [tilespmem:v8+s2+$0x0], $0xffff  }
0x3b6: {  	v8 =	vld [tilespmem:$0x1FD10]  }
0x3b7: {  	v5 =	vld.idx.msk [tilespmem:v5+s24+$0x0], $0xffff;
	_ =	sdelay $0x2  }
0x3b8: {  	v4 =	vcombine.low v18, v20  }
0x3b9: {  	v8 =	vor.u32 s12, v8  }
0x3ba: {  	v10 =	vor.u32 v4, v0;
	v5 =	vadd.f32 v6, v5;
	_ =	sdelay $0x1  }
0x3bb: {  	v6 =	vor.u32 v4, v2;
	v5 =	vmul.f32 $5.000000000e-01, v5;
	_ =	sdelay $0x1  }
0x3bc: {  	[tilespmem:v8+s29+$0x0] =	vst.idx.msk $0xffff, v5  }
0x3bd: {  	v8 =	vld.idx.msk [tilespmem:v10+s2+$0x0], $0xffff  }
0x3be: {  	v10 =	vld [tilespmem:$0x1FD20]  }
0x3bf: {  	v5 =	vld.idx.msk [tilespmem:v6+s24+$0x0], $0xffff;
	_ =	sdelay $0x2  }
0x3c0: {  	v6 =	vcombine.low v22, v24  }
0x3c1: {  	v10 =	vor.u32 s12, v10  }
0x3c2: {  	v12 =	vor.u32 v6, v0;
	v5 =	vadd.f32 v8, v5;
	_ =	sdelay $0x1  }
0x3c3: {  	v8 =	vor.u32 v6, v2;
	v5 =	vmul.f32 $5.000000000e-01, v5;
	_ =	sdelay $0x1  }
0x3c4: {  	[tilespmem:v10+s29+$0x0] =	vst.idx.msk $0xffff, v5  }
0x3c5: {  	v10 =	vld.idx.msk [tilespmem:v12+s2+$0x0], $0xffff  }
0x3c6: {  	v12 =	vld [tilespmem:$0x1FD30]  }
0x3c7: {  	v5 =	vld.idx.msk [tilespmem:v8+s24+$0x0], $0xffff;
	_ =	sdelay $0x2  }
0x3c8: {  	v8 =	vcombine.low v26, v28  }
0x3c9: {  	v12 =	vor.u32 s12, v12  }
0x3ca: {  	v2 =	vor.u32 v8, v2;
	v5 =	vadd.f32 v10, v5  }
0x3cb: {  	v0 =	vor.u32 v8, v0  }
0x3cc: {  	v19 =	vld [tilespmem:$0x1FAA0];
	v5 =	vmul.f32 $5.000000000e-01, v5  }
0x3cd: {  	v21 =	vld [tilespmem:$0x1FC10]  }
0x3ce: {  	[tilespmem:v12+s29+$0x0] =	vst.idx.msk $0xffff, v5;
	v12 =	vld [tilespmem:$0x1FFE0]  }
0x3cf: {  	v2 =	vld.idx.msk [tilespmem:v2+s24+$0x0], $0xffff  }
0x3d0: {  	v0 =	vld.idx.msk [tilespmem:v0+s2+$0x0], $0xffff  }
0x3d1: {  	v23 =	vld [tilespmem:$0x1FC30]  }
0x3d2: {  	v25 =	vld [tilespmem:$0x1FC50]  }
0x3d3: {  	v29 =	vld [tilespmem:$0x1FC90]  }
0x3d4: {  	p0 =	sne.s32 s12, $0x70;
	v34 =	vld [tilespmem:$0x1FCF0];
	v5 =	vor.u32 s12, v12  }
.Ltmp0:
0x3d5: {  	v52 =	vmov v40;
	v40 =	vld [tilespmem:$0x1FBB0];
	v0 =	vadd.f32 v0, v2;
	(pc) =	sbr.rel @p0 .LBB2_3-.Ltmp0, $4  }
0x3d6: {  	v53 =	vld [tilespmem:$0x1FD40]  }
0x3d7: {  	v14 =	vld [tilespmem:$0x1FFF0];
	v0 =	vmul.f32 $5.000000000e-01, v0  }
0x3d8: {  	v16 =	vmov v27;
	v27 =	vld [tilespmem:$0x1FC70]  }
0x3d9: {  	v45 =	vmov v39;
	v22 =	vld [tilespmem:$0x1FFD0];
	v26 =	vmov v47;
	s12 =	sadd.s32 $0x10, s12;
	[tilespmem:v5+s29+$0x0] =	vst.idx.msk $0xffff, v0;
	v5 =	vlaneseq.u32  }
0x3da: {  	p0 =	seq.s32 s10, $0x63  }
0x3db: {  	s12 =	sshll.u32 @!p0 s10, $0xD  }
0x3dc: {  	s16 =	sadd.s32 @!p0 s13, s12  }
0x3dd: {  	s16 =	sshrl.u32 @!p0 s16, $0x3  }
0x3de: {  	s8 =	simm.s32 @!p0 $0x0;
	s17 =	simm.s32 @!p0 $0xFA00;
	s18 =	sadd.s32 @!p0 s4, s16  }
0x3df: {  	[tilespmem:s17], [sflag:$0x1] =	stream.linear.gather @!p0 [hbm4b:s18+s8], $0x80, $0x38;
	[tilespmem:$0x1BC00] =	vst v63  }
0x3e0: {  	s11 =	sor.u32 s7, s11;
	s16 =	sadd.s32 @!p0 s5, s16;
	s18 =	simm.s32 @!p0 $0xFA80  }
0x3e1: {  	[tilespmem:s18], [sflag:$0x1] =	stream.linear.gather @!p0 [hbm4b:s16+s8], $0x80, $0x38;
	[tilespmem:$0x1BC00] =	vst v63  }
0x3e2: {  	s18 =	sadd.s32 s1, s11  }
0x3e3: {  	[hbm4b:s18+s30] =	stream.strided.scatter [tilespmem:s29], [sflag:$0x5], $0x2000, s31, s30, $0x38;
	[tilespmem:$0x1BC00] =	vst v63  }
0x3e4: {  	_ =	swait.ge [sflag:s0], $0x4000  }
0x3e5: {  	[sflag:s0] =	ssyncset.done $0x0  }
0x3e6: {  	s8 =	simm.s32 @!p0 $0x1;
	[sflag:s0] =	ssyncadd.s32 $0xFFFFC000  }
0x3e7: {  	_ =	swait.ge @!p0 [sflag:s8], $0x80  }
0x3e8: {  	[sflag:s8] =	ssyncset.done @!p0 $0x0  }
0x3e9: {  	[sflag:s8] =	ssyncadd.s32 @!p0 $0xFFFFFF80  }
0x3ea: {  	_ =	swait.ge @!p0 [sflag:s8], $0x80  }
0x3eb: {  	[sflag:s8] =	ssyncset.done @!p0 $0x0  }
0x3ec: {  	[sflag:s8] =	ssyncadd.s32 @!p0 $0xFFFFFF80;
	s8 =	simm.s32 @!p0 $0x5  }
0x3ed: {  	_ =	swait.ge @!p0 [sflag:s8], $0x2000  }
0x3ee: {  	[sflag:s8] =	ssyncset.done @!p0 $0x0  }
0x3ef: {  	s16 =	simm.s32 @!p0 $0xFC00;
	[sflag:s8] =	ssyncadd.s32 @!p0 $0xFFFFE000;
	s8 =	simm.s32 @!p0 $0x80  }
0x3f0: {  	[tilespmem:s16], [sflag:$0x3] =	stream.indirect.gather @!p0 [hbm4b:s6+s8], $0x80, s17, s8, $0xb8;
	[tilespmem:$0x1BC00] =	vst v63  }
0x3f1: {  	s16 =	simm.s32 $0x0  }
.LBB2_5:
0x3f2: {  	v0 =	vor.u32 s16, v5;
	_ =	sdelay $0x4  }
0x3f3: {  	v5 =	vld.idx.msk [tilespmem:v0+s21+$0x0], $0xffff;
	_ =	sdelay $0x3  }
0x3f4: {  	v10 =	vlaneseq.u32;
	v2 =	vshll.u32 v0, $0x7  }
0x3f5: {  	v0 =	vshll.u32 v5, $0x6;
	v5 =	vor.u32 v10, v2  }
0x3f6: {  	v10 =	vor.u32 v10, v0;
	_ =	sdelay $0x2  }
0x3f7: {  	v9 =	vld [tilespmem:$0x1F830]  }
0x3f8: {  	v5 =	vld.idx.msk [tilespmem:v5+s28+$0x0], $0xffff  }
0x3f9: {  	v10 =	vld.idx.msk [tilespmem:v10+s2+$0x0], $0xffff;
	_ =	sdelay $0x3  }
0x3fa: {  	v12 =	vor.u32 s16, v14  }
0x3fb: {  	v5 =	vadd.f32 v10, v5;
	v10 =	vor.u32 v9, v2  }
0x3fc: {  	v14 =	vor.u32 v9, v0  }
0x3fd: {  	v9 =	vld [tilespmem:$0x1F840];
	v5 =	vmul.f32 $5.000000000e-01, v5;
	_ =	sdelay $0x1  }
0x3fe: {  	[tilespmem:v12+s3+$0x0] =	vst.idx.msk $0xffff, v5  }
0x3ff: {  	v5 =	vld.idx.msk [tilespmem:v10+s28+$0x0], $0xffff  }
0x400: {  	v10 =	vld.idx.msk [tilespmem:v14+s2+$0x0], $0xffff  }
0x401: {  	v12 =	vor.u32 s16, v9;
	v9 =	vld [tilespmem:$0x1F850];
	_ =	sdelay $0x4  }
0x402: {  	v5 =	vadd.f32 v10, v5;
	v10 =	vor.u32 v9, v2  }
0x403: {  	v14 =	vor.u32 v9, v0  }
0x404: {  	v9 =	vld [tilespmem:$0x1F860];
	v5 =	vmul.f32 $5.000000000e-01, v5;
	_ =	sdelay $0x1  }
0x405: {  	[tilespmem:v12+s3+$0x0] =	vst.idx.msk $0xffff, v5  }
0x406: {  	v5 =	vld.idx.msk [tilespmem:v10+s28+$0x0], $0xffff  }
0x407: {  	v10 =	vld.idx.msk [tilespmem:v14+s2+$0x0], $0xffff  }
0x408: {  	v12 =	vor.u32 s16, v9;
	v9 =	vld [tilespmem:$0x1F870];
	_ =	sdelay $0x4  }
0x409: {  	v5 =	vadd.f32 v10, v5;
	v10 =	vor.u32 v9, v2  }
0x40a: {  	v14 =	vor.u32 v9, v0  }
0x40b: {  	v5 =	vmul.f32 $5.000000000e-01, v5;
	_ =	sdelay $0x1  }
0x40c: {  	[tilespmem:v12+s3+$0x0] =	vst.idx.msk $0xffff, v5  }
0x40d: {  	v5 =	vld.idx.msk [tilespmem:v10+s28+$0x0], $0xffff  }
0x40e: {  	v10 =	vld.idx.msk [tilespmem:v14+s2+$0x0], $0xffff;
	_ =	sdelay $0x3  }
0x40f: {  	v12 =	vor.u32 s16, v17  }
0x410: {  	v5 =	vadd.f32 v10, v5;
	v10 =	vor.u32 v62, v2  }
0x411: {  	v14 =	vor.u32 v62, v0  }
0x412: {  	v5 =	vmul.f32 $5.000000000e-01, v5;
	_ =	sdelay $0x1  }
0x413: {  	v9 =	vld [tilespmem:$0x1F880];
	[tilespmem:v12+s3+$0x0] =	vst.idx.msk $0xffff, v5  }
0x414: {  	v5 =	vld.idx.msk [tilespmem:v10+s28+$0x0], $0xffff  }
0x415: {  	v10 =	vld.idx.msk [tilespmem:v14+s2+$0x0], $0xffff;
	_ =	sdelay $0x3  }
0x416: {  	v12 =	vor.u32 s16, v9  }
0x417: {  	v5 =	vadd.f32 v10, v5;
	v10 =	vor.u32 v13, v2  }
0x418: {  	v14 =	vor.u32 v13, v0  }
0x419: {  	v5 =	vmul.f32 $5.000000000e-01, v5;
	_ =	sdelay $0x1  }
0x41a: {  	v9 =	vld [tilespmem:$0x1F890];
	[tilespmem:v12+s3+$0x0] =	vst.idx.msk $0xffff, v5  }
0x41b: {  	v5 =	vld.idx.msk [tilespmem:v10+s28+$0x0], $0xffff  }
0x41c: {  	v10 =	vld.idx.msk [tilespmem:v14+s2+$0x0], $0xffff;
	_ =	sdelay $0x3  }
0x41d: {  	v12 =	vor.u32 s16, v40  }
0x41e: {  	v5 =	vadd.f32 v10, v5;
	v10 =	vor.u32 v9, v2  }
0x41f: {  	v14 =	vor.u32 v9, v0  }
0x420: {  	v5 =	vmul.f32 $5.000000000e-01, v5;
	_ =	sdelay $0x1  }
0x421: {  	v9 =	vld [tilespmem:$0x1F8A0];
	[tilespmem:v12+s3+$0x0] =	vst.idx.msk $0xffff, v5  }
0x422: {  	v5 =	vld.idx.msk [tilespmem:v10+s28+$0x0], $0xffff  }
0x423: {  	v10 =	vld.idx.msk [tilespmem:v14+s2+$0x0], $0xffff;
	_ =	sdelay $0x3  }
0x424: {  	v12 =	vor.u32 s16, v16  }
0x425: {  	v5 =	vadd.f32 v10, v5;
	v10 =	vor.u32 v9, v2  }
0x426: {  	v14 =	vor.u32 v9, v0  }
0x427: {  	v5 =	vmul.f32 $5.000000000e-01, v5;
	_ =	sdelay $0x1  }
0x428: {  	[tilespmem:v12+s3+$0x0] =	vst.idx.msk $0xffff, v5  }
0x429: {  	v5 =	vld.idx.msk [tilespmem:v10+s28+$0x0], $0xffff  }
0x42a: {  	v10 =	vld.idx.msk [tilespmem:v14+s2+$0x0], $0xffff;
	_ =	sdelay $0x3  }
0x42b: {  	v12 =	vor.u32 s16, v42  }
0x42c: {  	v5 =	vadd.f32 v10, v5;
	v10 =	vor.u32 v21, v2  }
0x42d: {  	v14 =	vor.u32 v21, v0  }
0x42e: {  	v5 =	vmul.f32 $5.000000000e-01, v5;
	_ =	sdelay $0x1  }
0x42f: {  	[tilespmem:v12+s3+$0x0] =	vst.idx.msk $0xffff, v5  }
0x430: {  	v5 =	vld.idx.msk [tilespmem:v10+s28+$0x0], $0xffff  }
0x431: {  	v10 =	vld.idx.msk [tilespmem:v14+s2+$0x0], $0xffff;
	_ =	sdelay $0x3  }
0x432: {  	v12 =	vor.u32 s16, v23  }
0x433: {  	v5 =	vadd.f32 v10, v5;
	v10 =	vor.u32 v25, v2  }
0x434: {  	v14 =	vor.u32 v25, v0  }
0x435: {  	v5 =	vmul.f32 $5.000000000e-01, v5;
	_ =	sdelay $0x1  }
0x436: {  	[tilespmem:v12+s3+$0x0] =	vst.idx.msk $0xffff, v5  }
0x437: {  	v5 =	vld.idx.msk [tilespmem:v10+s28+$0x0], $0xffff  }
0x438: {  	v10 =	vld.idx.msk [tilespmem:v14+s2+$0x0], $0xffff;
	_ =	sdelay $0x3  }
0x439: {  	v12 =	vor.u32 s16, v27  }
0x43a: {  	v5 =	vadd.f32 v10, v5;
	v10 =	vor.u32 v29, v2  }
0x43b: {  	v14 =	vor.u32 v29, v0  }
0x43c: {  	v5 =	vmul.f32 $5.000000000e-01, v5;
	_ =	sdelay $0x1  }
0x43d: {  	[tilespmem:v12+s3+$0x0] =	vst.idx.msk $0xffff, v5  }
0x43e: {  	v5 =	vld.idx.msk [tilespmem:v10+s28+$0x0], $0xffff  }
0x43f: {  	v10 =	vld.idx.msk [tilespmem:v14+s2+$0x0], $0xffff;
	_ =	sdelay $0x3  }
0x440: {  	v12 =	vor.u32 s16, v34  }
0x441: {  	v5 =	vadd.f32 v10, v5;
	v10 =	vor.u32 v45, v2  }
0x442: {  	v14 =	vor.u32 v45, v0  }
0x443: {  	v5 =	vmul.f32 $5.000000000e-01, v5;
	_ =	sdelay $0x1  }
0x444: {  	[tilespmem:v12+s3+$0x0] =	vst.idx.msk $0xffff, v5  }
0x445: {  	v5 =	vld.idx.msk [tilespmem:v10+s28+$0x0], $0xffff  }
0x446: {  	v10 =	vld.idx.msk [tilespmem:v14+s2+$0x0], $0xffff;
	_ =	sdelay $0x3  }
0x447: {  	v12 =	vor.u32 s16, v53  }
0x448: {  	v5 =	vadd.f32 v10, v5;
	v10 =	vor.u32 v41, v2  }
0x449: {  	v14 =	vor.u32 v41, v0  }
0x44a: {  	v5 =	vmul.f32 $5.000000000e-01, v5;
	_ =	sdelay $0x1  }
0x44b: {  	[tilespmem:v12+s3+$0x0] =	vst.idx.msk $0xffff, v5  }
0x44c: {  	v5 =	vld.idx.msk [tilespmem:v10+s28+$0x0], $0xffff  }
0x44d: {  	v10 =	vld.idx.msk [tilespmem:v14+s2+$0x0], $0xffff;
	_ =	sdelay $0x3  }
0x44e: {  	v12 =	vor.u32 s16, v19  }
0x44f: {  	v5 =	vadd.f32 v10, v5;
	v10 =	vor.u32 v43, v2  }
0x450: {  	v14 =	vor.u32 v43, v0  }
0x451: {  	v5 =	vmul.f32 $5.000000000e-01, v5;
	_ =	sdelay $0x1  }
0x452: {  	[tilespmem:v12+s3+$0x0] =	vst.idx.msk $0xffff, v5  }
0x453: {  	v5 =	vld.idx.msk [tilespmem:v10+s28+$0x0], $0xffff  }
0x454: {  	v10 =	vld.idx.msk [tilespmem:v14+s2+$0x0], $0xffff;
	_ =	sdelay $0x3  }
0x455: {  	v12 =	vor.u32 s16, v44  }
0x456: {  	v5 =	vadd.f32 v10, v5;
	v10 =	vor.u32 v46, v2  }
0x457: {  	v14 =	vor.u32 v46, v0  }
0x458: {  	v5 =	vmul.f32 $5.000000000e-01, v5;
	_ =	sdelay $0x1  }
0x459: {  	[tilespmem:v12+s3+$0x0] =	vst.idx.msk $0xffff, v5  }
0x45a: {  	v5 =	vld.idx.msk [tilespmem:v10+s28+$0x0], $0xffff  }
0x45b: {  	v10 =	vld.idx.msk [tilespmem:v14+s2+$0x0], $0xffff;
	_ =	sdelay $0x3  }
0x45c: {  	v12 =	vor.u32 s16, v26  }
0x45d: {  	v5 =	vadd.f32 v10, v5;
	v10 =	vor.u32 v48, v2  }
0x45e: {  	v14 =	vor.u32 v48, v0  }
0x45f: {  	v5 =	vmul.f32 $5.000000000e-01, v5;
	_ =	sdelay $0x1  }
0x460: {  	[tilespmem:v12+s3+$0x0] =	vst.idx.msk $0xffff, v5  }
0x461: {  	v5 =	vld.idx.msk [tilespmem:v10+s28+$0x0], $0xffff  }
0x462: {  	v10 =	vld.idx.msk [tilespmem:v14+s2+$0x0], $0xffff  }
0x463: {  	v14 =	vld [tilespmem:$0x1FF10];
	_ =	sdelay $0x3  }
0x464: {  	v12 =	vor.u32 s16, v49  }
0x465: {  	v5 =	vadd.f32 v10, v5;
	v10 =	vor.u32 v14, v2  }
0x466: {  	v14 =	vor.u32 v14, v0  }
0x467: {  	v5 =	vmul.f32 $5.000000000e-01, v5;
	_ =	sdelay $0x1  }
0x468: {  	[tilespmem:v12+s3+$0x0] =	vst.idx.msk $0xffff, v5;
	v12 =	vld [tilespmem:$0x1FF60]  }
0x469: {  	v5 =	vld.idx.msk [tilespmem:v10+s28+$0x0], $0xffff  }
0x46a: {  	v10 =	vld.idx.msk [tilespmem:v14+s2+$0x0], $0xffff  }
0x46b: {  	v14 =	vld [tilespmem:$0x1FF90];
	_ =	sdelay $0x3  }
0x46c: {  	v12 =	vor.u32 s16, v12  }
0x46d: {  	v5 =	vadd.f32 v10, v5;
	v10 =	vor.u32 v14, v2  }
0x46e: {  	v14 =	vor.u32 v14, v0  }
0x46f: {  	v5 =	vmul.f32 $5.000000000e-01, v5;
	_ =	sdelay $0x1  }
0x470: {  	[tilespmem:v12+s3+$0x0] =	vst.idx.msk $0xffff, v5;
	v12 =	vld [tilespmem:$0x1F8B0]  }
0x471: {  	v5 =	vld.idx.msk [tilespmem:v10+s28+$0x0], $0xffff  }
0x472: {  	v10 =	vld.idx.msk [tilespmem:v14+s2+$0x0], $0xffff  }
0x473: {  	v14 =	vld [tilespmem:$0x1FFC0];
	_ =	sdelay $0x3  }
0x474: {  	v12 =	vor.u32 s16, v12  }
0x475: {  	v5 =	vadd.f32 v10, v5;
	v10 =	vor.u32 v14, v2  }
0x476: {  	v14 =	vor.u32 v14, v0  }
0x477: {  	v5 =	vmul.f32 $5.000000000e-01, v5;
	_ =	sdelay $0x1  }
0x478: {  	[tilespmem:v12+s3+$0x0] =	vst.idx.msk $0xffff, v5;
	v12 =	vld [tilespmem:$0x1F8C0]  }
0x479: {  	v5 =	vld.idx.msk [tilespmem:v10+s28+$0x0], $0xffff  }
0x47a: {  	v10 =	vld.idx.msk [tilespmem:v14+s2+$0x0], $0xffff  }
0x47b: {  	v14 =	vld [tilespmem:$0x1F6C0];
	_ =	sdelay $0x3  }
0x47c: {  	v12 =	vor.u32 s16, v12  }
0x47d: {  	v5 =	vadd.f32 v10, v5;
	v10 =	vor.u32 v14, v2  }
0x47e: {  	v14 =	vor.u32 v14, v0  }
0x47f: {  	v5 =	vmul.f32 $5.000000000e-01, v5;
	_ =	sdelay $0x1  }
0x480: {  	[tilespmem:v12+s3+$0x0] =	vst.idx.msk $0xffff, v5;
	v12 =	vld [tilespmem:$0x1F910]  }
0x481: {  	v5 =	vld.idx.msk [tilespmem:v10+s28+$0x0], $0xffff  }
0x482: {  	v10 =	vld.idx.msk [tilespmem:v14+s2+$0x0], $0xffff  }
0x483: {  	v14 =	vld [tilespmem:$0x1F6D0];
	_ =	sdelay $0x3  }
0x484: {  	v12 =	vor.u32 s16, v12  }
0x485: {  	v5 =	vadd.f32 v10, v5;
	v10 =	vor.u32 v14, v2  }
0x486: {  	v14 =	vor.u32 v14, v0  }
0x487: {  	v5 =	vmul.f32 $5.000000000e-01, v5;
	_ =	sdelay $0x1  }
0x488: {  	[tilespmem:v12+s3+$0x0] =	vst.idx.msk $0xffff, v5;
	v12 =	vld [tilespmem:$0x1F960]  }
0x489: {  	v5 =	vld.idx.msk [tilespmem:v10+s28+$0x0], $0xffff  }
0x48a: {  	v10 =	vld.idx.msk [tilespmem:v14+s2+$0x0], $0xffff  }
0x48b: {  	v14 =	vld [tilespmem:$0x1F6E0];
	_ =	sdelay $0x3  }
0x48c: {  	v12 =	vor.u32 s16, v12  }
0x48d: {  	v5 =	vadd.f32 v10, v5;
	v10 =	vor.u32 v14, v2  }
0x48e: {  	v14 =	vor.u32 v14, v0  }
0x48f: {  	v5 =	vmul.f32 $5.000000000e-01, v5;
	_ =	sdelay $0x1  }
0x490: {  	[tilespmem:v12+s3+$0x0] =	vst.idx.msk $0xffff, v5;
	v12 =	vld [tilespmem:$0x1F970]  }
0x491: {  	v5 =	vld.idx.msk [tilespmem:v10+s28+$0x0], $0xffff  }
0x492: {  	v10 =	vld.idx.msk [tilespmem:v14+s2+$0x0], $0xffff  }
0x493: {  	v14 =	vld [tilespmem:$0x1F6F0];
	_ =	sdelay $0x3  }
0x494: {  	v12 =	vor.u32 s16, v12  }
0x495: {  	v5 =	vadd.f32 v10, v5;
	v10 =	vor.u32 v14, v2  }
0x496: {  	v14 =	vor.u32 v14, v0  }
0x497: {  	v5 =	vmul.f32 $5.000000000e-01, v5;
	_ =	sdelay $0x1  }
0x498: {  	[tilespmem:v12+s3+$0x0] =	vst.idx.msk $0xffff, v5;
	v12 =	vld [tilespmem:$0x1F980]  }
0x499: {  	v5 =	vld.idx.msk [tilespmem:v10+s28+$0x0], $0xffff  }
0x49a: {  	v10 =	vld.idx.msk [tilespmem:v14+s2+$0x0], $0xffff  }
0x49b: {  	v14 =	vld [tilespmem:$0x1F700];
	_ =	sdelay $0x3  }
0x49c: {  	v12 =	vor.u32 s16, v12  }
0x49d: {  	v5 =	vadd.f32 v10, v5;
	v10 =	vor.u32 v14, v2  }
0x49e: {  	v14 =	vor.u32 v14, v0  }
0x49f: {  	v5 =	vmul.f32 $5.000000000e-01, v5;
	_ =	sdelay $0x1  }
0x4a0: {  	[tilespmem:v12+s3+$0x0] =	vst.idx.msk $0xffff, v5;
	v12 =	vld [tilespmem:$0x1F990]  }
0x4a1: {  	v5 =	vld.idx.msk [tilespmem:v10+s28+$0x0], $0xffff  }
0x4a2: {  	v10 =	vld.idx.msk [tilespmem:v14+s2+$0x0], $0xffff  }
0x4a3: {  	v14 =	vld [tilespmem:$0x1F710];
	_ =	sdelay $0x3  }
0x4a4: {  	v12 =	vor.u32 s16, v12  }
0x4a5: {  	v5 =	vadd.f32 v10, v5;
	v10 =	vor.u32 v14, v2  }
0x4a6: {  	v14 =	vor.u32 v14, v0  }
0x4a7: {  	v5 =	vmul.f32 $5.000000000e-01, v5;
	_ =	sdelay $0x1  }
0x4a8: {  	[tilespmem:v12+s3+$0x0] =	vst.idx.msk $0xffff, v5;
	v12 =	vld [tilespmem:$0x1F9A0]  }
0x4a9: {  	v5 =	vld.idx.msk [tilespmem:v10+s28+$0x0], $0xffff  }
0x4aa: {  	v10 =	vld.idx.msk [tilespmem:v14+s2+$0x0], $0xffff  }
0x4ab: {  	v14 =	vld [tilespmem:$0x1F720];
	_ =	sdelay $0x3  }
0x4ac: {  	v12 =	vor.u32 s16, v12  }
0x4ad: {  	v5 =	vadd.f32 v10, v5;
	v10 =	vor.u32 v14, v2  }
0x4ae: {  	v14 =	vor.u32 v14, v0  }
0x4af: {  	v5 =	vmul.f32 $5.000000000e-01, v5;
	_ =	sdelay $0x1  }
0x4b0: {  	[tilespmem:v12+s3+$0x0] =	vst.idx.msk $0xffff, v5;
	v12 =	vld [tilespmem:$0x1F9B0]  }
0x4b1: {  	v5 =	vld.idx.msk [tilespmem:v10+s28+$0x0], $0xffff  }
0x4b2: {  	v10 =	vld.idx.msk [tilespmem:v14+s2+$0x0], $0xffff  }
0x4b3: {  	v14 =	vld [tilespmem:$0x1F730];
	_ =	sdelay $0x3  }
0x4b4: {  	v12 =	vor.u32 s16, v12  }
0x4b5: {  	v5 =	vadd.f32 v10, v5;
	v10 =	vor.u32 v14, v2  }
0x4b6: {  	v14 =	vor.u32 v14, v0  }
0x4b7: {  	v5 =	vmul.f32 $5.000000000e-01, v5;
	_ =	sdelay $0x1  }
0x4b8: {  	[tilespmem:v12+s3+$0x0] =	vst.idx.msk $0xffff, v5;
	v12 =	vld [tilespmem:$0x1F9C0]  }
0x4b9: {  	v5 =	vld.idx.msk [tilespmem:v10+s28+$0x0], $0xffff  }
0x4ba: {  	v10 =	vld.idx.msk [tilespmem:v14+s2+$0x0], $0xffff  }
0x4bb: {  	v14 =	vld [tilespmem:$0x1F740];
	_ =	sdelay $0x3  }
0x4bc: {  	v12 =	vor.u32 s16, v12  }
0x4bd: {  	v5 =	vadd.f32 v10, v5;
	v10 =	vor.u32 v14, v2  }
0x4be: {  	v14 =	vor.u32 v14, v0  }
0x4bf: {  	v5 =	vmul.f32 $5.000000000e-01, v5;
	_ =	sdelay $0x1  }
0x4c0: {  	[tilespmem:v12+s3+$0x0] =	vst.idx.msk $0xffff, v5;
	v12 =	vld [tilespmem:$0x1F9D0]  }
0x4c1: {  	v5 =	vld.idx.msk [tilespmem:v10+s28+$0x0], $0xffff  }
0x4c2: {  	v10 =	vld.idx.msk [tilespmem:v14+s2+$0x0], $0xffff  }
0x4c3: {  	v14 =	vld [tilespmem:$0x1F750];
	_ =	sdelay $0x3  }
0x4c4: {  	v12 =	vor.u32 s16, v12  }
0x4c5: {  	v5 =	vadd.f32 v10, v5;
	v10 =	vor.u32 v14, v2  }
0x4c6: {  	v14 =	vor.u32 v14, v0  }
0x4c7: {  	v5 =	vmul.f32 $5.000000000e-01, v5;
	_ =	sdelay $0x1  }
0x4c8: {  	[tilespmem:v12+s3+$0x0] =	vst.idx.msk $0xffff, v5;
	v12 =	vld [tilespmem:$0x1F9E0]  }
0x4c9: {  	v5 =	vld.idx.msk [tilespmem:v10+s28+$0x0], $0xffff  }
0x4ca: {  	v10 =	vld.idx.msk [tilespmem:v14+s2+$0x0], $0xffff  }
0x4cb: {  	v14 =	vld [tilespmem:$0x1F760];
	_ =	sdelay $0x3  }
0x4cc: {  	v12 =	vor.u32 s16, v12  }
0x4cd: {  	v5 =	vadd.f32 v10, v5;
	v10 =	vor.u32 v14, v2  }
0x4ce: {  	v14 =	vor.u32 v14, v0  }
0x4cf: {  	v5 =	vmul.f32 $5.000000000e-01, v5;
	_ =	sdelay $0x1  }
0x4d0: {  	[tilespmem:v12+s3+$0x0] =	vst.idx.msk $0xffff, v5;
	v12 =	vld [tilespmem:$0x1F9F0]  }
0x4d1: {  	v5 =	vld.idx.msk [tilespmem:v10+s28+$0x0], $0xffff  }
0x4d2: {  	v10 =	vld.idx.msk [tilespmem:v14+s2+$0x0], $0xffff  }
0x4d3: {  	v14 =	vld [tilespmem:$0x1F770];
	_ =	sdelay $0x3  }
0x4d4: {  	v12 =	vor.u32 s16, v12  }
0x4d5: {  	v5 =	vadd.f32 v10, v5;
	v10 =	vor.u32 v14, v2  }
0x4d6: {  	v14 =	vor.u32 v14, v0  }
0x4d7: {  	v5 =	vmul.f32 $5.000000000e-01, v5;
	_ =	sdelay $0x1  }
0x4d8: {  	[tilespmem:v12+s3+$0x0] =	vst.idx.msk $0xffff, v5;
	v12 =	vld [tilespmem:$0x1FA00]  }
0x4d9: {  	v5 =	vld.idx.msk [tilespmem:v10+s28+$0x0], $0xffff  }
0x4da: {  	v10 =	vld.idx.msk [tilespmem:v14+s2+$0x0], $0xffff  }
0x4db: {  	v14 =	vld [tilespmem:$0x1F780];
	_ =	sdelay $0x3  }
0x4dc: {  	v12 =	vor.u32 s16, v12  }
0x4dd: {  	v5 =	vadd.f32 v10, v5;
	v10 =	vor.u32 v14, v2  }
0x4de: {  	v14 =	vor.u32 v14, v0  }
0x4df: {  	v5 =	vmul.f32 $5.000000000e-01, v5;
	_ =	sdelay $0x1  }
0x4e0: {  	[tilespmem:v12+s3+$0x0] =	vst.idx.msk $0xffff, v5;
	v12 =	vld [tilespmem:$0x1FA40]  }
0x4e1: {  	v5 =	vld.idx.msk [tilespmem:v10+s28+$0x0], $0xffff  }
0x4e2: {  	v10 =	vld.idx.msk [tilespmem:v14+s2+$0x0], $0xffff  }
0x4e3: {  	v14 =	vld [tilespmem:$0x1F790];
	_ =	sdelay $0x3  }
0x4e4: {  	v12 =	vor.u32 s16, v12  }
0x4e5: {  	v5 =	vadd.f32 v10, v5;
	v10 =	vor.u32 v14, v2  }
0x4e6: {  	v14 =	vor.u32 v14, v0  }
0x4e7: {  	v5 =	vmul.f32 $5.000000000e-01, v5;
	_ =	sdelay $0x1  }
0x4e8: {  	[tilespmem:v12+s3+$0x0] =	vst.idx.msk $0xffff, v5;
	v12 =	vld [tilespmem:$0x1F7A0]  }
0x4e9: {  	v5 =	vld.idx.msk [tilespmem:v10+s28+$0x0], $0xffff  }
0x4ea: {  	v10 =	vld.idx.msk [tilespmem:v14+s2+$0x0], $0xffff  }
0x4eb: {  	v14 =	vld [tilespmem:$0x1F7B0];
	_ =	sdelay $0x3  }
0x4ec: {  	v12 =	vor.u32 s16, v12  }
0x4ed: {  	v5 =	vadd.f32 v10, v5;
	v10 =	vor.u32 v14, v2  }
0x4ee: {  	v14 =	vor.u32 v14, v0  }
0x4ef: {  	v5 =	vmul.f32 $5.000000000e-01, v5;
	_ =	sdelay $0x1  }
0x4f0: {  	[tilespmem:v12+s3+$0x0] =	vst.idx.msk $0xffff, v5;
	v12 =	vld [tilespmem:$0x1FAB0]  }
0x4f1: {  	v5 =	vld.idx.msk [tilespmem:v10+s28+$0x0], $0xffff  }
0x4f2: {  	v10 =	vld.idx.msk [tilespmem:v14+s2+$0x0], $0xffff  }
0x4f3: {  	v14 =	vld [tilespmem:$0x1F7C0];
	_ =	sdelay $0x3  }
0x4f4: {  	v12 =	vor.u32 s16, v12  }
0x4f5: {  	v5 =	vadd.f32 v10, v5;
	v10 =	vor.u32 v14, v2  }
0x4f6: {  	v14 =	vor.u32 v14, v0  }
0x4f7: {  	v5 =	vmul.f32 $5.000000000e-01, v5;
	_ =	sdelay $0x1  }
0x4f8: {  	[tilespmem:v12+s3+$0x0] =	vst.idx.msk $0xffff, v5;
	v12 =	vld [tilespmem:$0x1FAC0]  }
0x4f9: {  	v5 =	vld.idx.msk [tilespmem:v10+s28+$0x0], $0xffff  }
0x4fa: {  	v10 =	vld.idx.msk [tilespmem:v14+s2+$0x0], $0xffff  }
0x4fb: {  	v14 =	vld [tilespmem:$0x1F7D0];
	_ =	sdelay $0x3  }
0x4fc: {  	v12 =	vor.u32 s16, v12  }
0x4fd: {  	v5 =	vadd.f32 v10, v5;
	v10 =	vor.u32 v14, v2  }
0x4fe: {  	v14 =	vor.u32 v14, v0  }
0x4ff: {  	v5 =	vmul.f32 $5.000000000e-01, v5;
	_ =	sdelay $0x1  }
0x500: {  	[tilespmem:v12+s3+$0x0] =	vst.idx.msk $0xffff, v5;
	v12 =	vld [tilespmem:$0x1FAD0]  }
0x501: {  	v5 =	vld.idx.msk [tilespmem:v10+s28+$0x0], $0xffff  }
0x502: {  	v10 =	vld.idx.msk [tilespmem:v14+s2+$0x0], $0xffff  }
0x503: {  	v14 =	vld [tilespmem:$0x1F7E0];
	_ =	sdelay $0x3  }
0x504: {  	v12 =	vor.u32 s16, v12  }
0x505: {  	v5 =	vadd.f32 v10, v5;
	v10 =	vor.u32 v14, v2  }
0x506: {  	v14 =	vor.u32 v14, v0  }
0x507: {  	v5 =	vmul.f32 $5.000000000e-01, v5;
	_ =	sdelay $0x1  }
0x508: {  	[tilespmem:v12+s3+$0x0] =	vst.idx.msk $0xffff, v5;
	v12 =	vld [tilespmem:$0x1FAE0]  }
0x509: {  	v5 =	vld.idx.msk [tilespmem:v10+s28+$0x0], $0xffff  }
0x50a: {  	v10 =	vld.idx.msk [tilespmem:v14+s2+$0x0], $0xffff  }
0x50b: {  	v14 =	vld [tilespmem:$0x1F7F0];
	_ =	sdelay $0x3  }
0x50c: {  	v12 =	vor.u32 s16, v12  }
0x50d: {  	v5 =	vadd.f32 v10, v5;
	v10 =	vor.u32 v14, v2  }
0x50e: {  	v14 =	vor.u32 v14, v0  }
0x50f: {  	v5 =	vmul.f32 $5.000000000e-01, v5;
	_ =	sdelay $0x1  }
0x510: {  	[tilespmem:v12+s3+$0x0] =	vst.idx.msk $0xffff, v5;
	v12 =	vld [tilespmem:$0x1FAF0]  }
0x511: {  	v5 =	vld.idx.msk [tilespmem:v10+s28+$0x0], $0xffff  }
0x512: {  	v10 =	vld.idx.msk [tilespmem:v14+s2+$0x0], $0xffff  }
0x513: {  	v14 =	vld [tilespmem:$0x1F800];
	_ =	sdelay $0x3  }
0x514: {  	v12 =	vor.u32 s16, v12  }
0x515: {  	v5 =	vadd.f32 v10, v5;
	v10 =	vor.u32 v14, v2  }
0x516: {  	v14 =	vor.u32 v14, v0  }
0x517: {  	v5 =	vmul.f32 $5.000000000e-01, v5;
	_ =	sdelay $0x1  }
0x518: {  	[tilespmem:v12+s3+$0x0] =	vst.idx.msk $0xffff, v5;
	v12 =	vld [tilespmem:$0x1FB00]  }
0x519: {  	v5 =	vld.idx.msk [tilespmem:v10+s28+$0x0], $0xffff  }
0x51a: {  	v10 =	vld.idx.msk [tilespmem:v14+s2+$0x0], $0xffff  }
0x51b: {  	v14 =	vld [tilespmem:$0x1F810];
	_ =	sdelay $0x3  }
0x51c: {  	v12 =	vor.u32 s16, v12  }
0x51d: {  	v5 =	vadd.f32 v10, v5;
	v10 =	vor.u32 v14, v2  }
0x51e: {  	v14 =	vor.u32 v14, v0  }
0x51f: {  	v5 =	vmul.f32 $5.000000000e-01, v5;
	_ =	sdelay $0x1  }
0x520: {  	[tilespmem:v12+s3+$0x0] =	vst.idx.msk $0xffff, v5;
	v12 =	vld [tilespmem:$0x1FB10]  }
0x521: {  	v5 =	vld.idx.msk [tilespmem:v10+s28+$0x0], $0xffff  }
0x522: {  	v10 =	vld.idx.msk [tilespmem:v14+s2+$0x0], $0xffff;
	_ =	sdelay $0x3  }
0x523: {  	v12 =	vor.u32 s16, v12  }
0x524: {  	v5 =	vadd.f32 v10, v5;
	v10 =	vor.u32 v7, v2  }
0x525: {  	v14 =	vor.u32 v7, v0  }
0x526: {  	v5 =	vmul.f32 $5.000000000e-01, v5;
	_ =	sdelay $0x1  }
0x527: {  	[tilespmem:v12+s3+$0x0] =	vst.idx.msk $0xffff, v5;
	v12 =	vld [tilespmem:$0x1FB20]  }
0x528: {  	v5 =	vld.idx.msk [tilespmem:v10+s28+$0x0], $0xffff  }
0x529: {  	v10 =	vld.idx.msk [tilespmem:v14+s2+$0x0], $0xffff;
	_ =	sdelay $0x3  }
0x52a: {  	v12 =	vor.u32 s16, v12  }
0x52b: {  	v5 =	vadd.f32 v10, v5;
	v10 =	vor.u32 v54, v2  }
0x52c: {  	v14 =	vor.u32 v54, v0  }
0x52d: {  	v5 =	vmul.f32 $5.000000000e-01, v5;
	_ =	sdelay $0x1  }
0x52e: {  	[tilespmem:v12+s3+$0x0] =	vst.idx.msk $0xffff, v5;
	v12 =	vld [tilespmem:$0x1FB40]  }
0x52f: {  	v5 =	vld.idx.msk [tilespmem:v10+s28+$0x0], $0xffff  }
0x530: {  	v10 =	vld.idx.msk [tilespmem:v14+s2+$0x0], $0xffff;
	_ =	sdelay $0x3  }
0x531: {  	v12 =	vor.u32 s16, v12  }
0x532: {  	v5 =	vadd.f32 v10, v5;
	v10 =	vor.u32 v55, v2  }
0x533: {  	v14 =	vor.u32 v55, v0  }
0x534: {  	v5 =	vmul.f32 $5.000000000e-01, v5;
	_ =	sdelay $0x1  }
0x535: {  	[tilespmem:v12+s3+$0x0] =	vst.idx.msk $0xffff, v5;
	v12 =	vld [tilespmem:$0x1FB50]  }
0x536: {  	v5 =	vld.idx.msk [tilespmem:v10+s28+$0x0], $0xffff  }
0x537: {  	v10 =	vld.idx.msk [tilespmem:v14+s2+$0x0], $0xffff;
	_ =	sdelay $0x3  }
0x538: {  	v12 =	vor.u32 s16, v12  }
0x539: {  	v5 =	vadd.f32 v10, v5;
	v10 =	vor.u32 v56, v2  }
0x53a: {  	v14 =	vor.u32 v56, v0  }
0x53b: {  	v5 =	vmul.f32 $5.000000000e-01, v5;
	_ =	sdelay $0x1  }
0x53c: {  	[tilespmem:v12+s3+$0x0] =	vst.idx.msk $0xffff, v5;
	v12 =	vld [tilespmem:$0x1FB70]  }
0x53d: {  	v5 =	vld.idx.msk [tilespmem:v10+s28+$0x0], $0xffff  }
0x53e: {  	v10 =	vld.idx.msk [tilespmem:v14+s2+$0x0], $0xffff;
	_ =	sdelay $0x3  }
0x53f: {  	v12 =	vor.u32 s16, v12  }
0x540: {  	v5 =	vadd.f32 v10, v5;
	v10 =	vor.u32 v57, v2  }
0x541: {  	v14 =	vor.u32 v57, v0  }
0x542: {  	v5 =	vmul.f32 $5.000000000e-01, v5;
	_ =	sdelay $0x1  }
0x543: {  	[tilespmem:v12+s3+$0x0] =	vst.idx.msk $0xffff, v5;
	v12 =	vld [tilespmem:$0x1FB80]  }
0x544: {  	v5 =	vld.idx.msk [tilespmem:v10+s28+$0x0], $0xffff  }
0x545: {  	v10 =	vld.idx.msk [tilespmem:v14+s2+$0x0], $0xffff;
	_ =	sdelay $0x3  }
0x546: {  	v12 =	vor.u32 s16, v12  }
0x547: {  	v5 =	vadd.f32 v10, v5;
	v10 =	vor.u32 v58, v2  }
0x548: {  	v14 =	vor.u32 v58, v0  }
0x549: {  	v5 =	vmul.f32 $5.000000000e-01, v5;
	_ =	sdelay $0x1  }
0x54a: {  	[tilespmem:v12+s3+$0x0] =	vst.idx.msk $0xffff, v5;
	v12 =	vld [tilespmem:$0x1FBA0]  }
0x54b: {  	v5 =	vld.idx.msk [tilespmem:v10+s28+$0x0], $0xffff  }
0x54c: {  	v10 =	vld.idx.msk [tilespmem:v14+s2+$0x0], $0xffff;
	_ =	sdelay $0x3  }
0x54d: {  	v12 =	vor.u32 s16, v12  }
0x54e: {  	v5 =	vadd.f32 v10, v5;
	v10 =	vor.u32 v59, v2  }
0x54f: {  	v14 =	vor.u32 v59, v0  }
0x550: {  	v5 =	vmul.f32 $5.000000000e-01, v5;
	_ =	sdelay $0x1  }
0x551: {  	[tilespmem:v12+s3+$0x0] =	vst.idx.msk $0xffff, v5;
	v12 =	vld [tilespmem:$0x1FBC0]  }
0x552: {  	v5 =	vld.idx.msk [tilespmem:v10+s28+$0x0], $0xffff  }
0x553: {  	v10 =	vld.idx.msk [tilespmem:v14+s2+$0x0], $0xffff;
	_ =	sdelay $0x3  }
0x554: {  	v12 =	vor.u32 s16, v12  }
0x555: {  	v5 =	vadd.f32 v10, v5;
	v10 =	vor.u32 v60, v2  }
0x556: {  	v14 =	vor.u32 v60, v0  }
0x557: {  	v5 =	vmul.f32 $5.000000000e-01, v5;
	_ =	sdelay $0x1  }
0x558: {  	[tilespmem:v12+s3+$0x0] =	vst.idx.msk $0xffff, v5;
	v12 =	vld [tilespmem:$0x1FBE0]  }
0x559: {  	v5 =	vld.idx.msk [tilespmem:v10+s28+$0x0], $0xffff  }
0x55a: {  	v10 =	vld.idx.msk [tilespmem:v14+s2+$0x0], $0xffff;
	_ =	sdelay $0x3  }
0x55b: {  	v12 =	vor.u32 s16, v12  }
0x55c: {  	v5 =	vadd.f32 v10, v5;
	v10 =	vor.u32 v61, v2  }
0x55d: {  	v14 =	vor.u32 v61, v0  }
0x55e: {  	v5 =	vmul.f32 $5.000000000e-01, v5;
	_ =	sdelay $0x1  }
0x55f: {  	[tilespmem:v12+s3+$0x0] =	vst.idx.msk $0xffff, v5;
	v12 =	vld [tilespmem:$0x1F820]  }
0x560: {  	v5 =	vld.idx.msk [tilespmem:v10+s28+$0x0], $0xffff  }
0x561: {  	v10 =	vld.idx.msk [tilespmem:v14+s2+$0x0], $0xffff;
	_ =	sdelay $0x3  }
0x562: {  	v12 =	vor.u32 s16, v12  }
0x563: {  	v5 =	vadd.f32 v10, v5;
	v10 =	vor.u32 v63, v2  }
0x564: {  	v14 =	vor.u32 v63, v0  }
0x565: {  	v5 =	vmul.f32 $5.000000000e-01, v5;
	_ =	sdelay $0x1  }
0x566: {  	[tilespmem:v12+s3+$0x0] =	vst.idx.msk $0xffff, v5;
	v12 =	vld [tilespmem:$0x1FC00]  }
0x567: {  	v5 =	vld.idx.msk [tilespmem:v10+s28+$0x0], $0xffff  }
0x568: {  	v10 =	vld.idx.msk [tilespmem:v14+s2+$0x0], $0xffff;
	_ =	sdelay $0x3  }
0x569: {  	v12 =	vor.u32 s16, v12  }
0x56a: {  	v5 =	vadd.f32 v10, v5;
	v10 =	vor.u32 v30, v2  }
0x56b: {  	v14 =	vor.u32 v30, v0  }
0x56c: {  	v5 =	vmul.f32 $5.000000000e-01, v5;
	_ =	sdelay $0x1  }
0x56d: {  	[tilespmem:v12+s3+$0x0] =	vst.idx.msk $0xffff, v5;
	v12 =	vld [tilespmem:$0x1FC20]  }
0x56e: {  	v5 =	vld.idx.msk [tilespmem:v10+s28+$0x0], $0xffff  }
0x56f: {  	v10 =	vld.idx.msk [tilespmem:v14+s2+$0x0], $0xffff;
	_ =	sdelay $0x3  }
0x570: {  	v12 =	vor.u32 s16, v12  }
0x571: {  	v5 =	vadd.f32 v10, v5;
	v10 =	vor.u32 v31, v2  }
0x572: {  	v14 =	vor.u32 v31, v0  }
0x573: {  	v5 =	vmul.f32 $5.000000000e-01, v5;
	_ =	sdelay $0x1  }
0x574: {  	[tilespmem:v12+s3+$0x0] =	vst.idx.msk $0xffff, v5;
	v12 =	vld [tilespmem:$0x1FC40]  }
0x575: {  	v5 =	vld.idx.msk [tilespmem:v10+s28+$0x0], $0xffff  }
0x576: {  	v10 =	vld.idx.msk [tilespmem:v14+s2+$0x0], $0xffff;
	_ =	sdelay $0x3  }
0x577: {  	v12 =	vor.u32 s16, v12  }
0x578: {  	v5 =	vadd.f32 v10, v5;
	v10 =	vor.u32 v32, v2  }
0x579: {  	v14 =	vor.u32 v32, v0  }
0x57a: {  	v5 =	vmul.f32 $5.000000000e-01, v5;
	_ =	sdelay $0x1  }
0x57b: {  	[tilespmem:v12+s3+$0x0] =	vst.idx.msk $0xffff, v5;
	v12 =	vld [tilespmem:$0x1FC60]  }
0x57c: {  	v5 =	vld.idx.msk [tilespmem:v10+s28+$0x0], $0xffff  }
0x57d: {  	v10 =	vld.idx.msk [tilespmem:v14+s2+$0x0], $0xffff;
	_ =	sdelay $0x3  }
0x57e: {  	v12 =	vor.u32 s16, v12  }
0x57f: {  	v5 =	vadd.f32 v10, v5;
	v10 =	vor.u32 v33, v2  }
0x580: {  	v14 =	vor.u32 v33, v0  }
0x581: {  	v5 =	vmul.f32 $5.000000000e-01, v5;
	_ =	sdelay $0x1  }
0x582: {  	[tilespmem:v12+s3+$0x0] =	vst.idx.msk $0xffff, v5;
	v12 =	vld [tilespmem:$0x1FC80]  }
0x583: {  	v5 =	vld.idx.msk [tilespmem:v10+s28+$0x0], $0xffff  }
0x584: {  	v10 =	vld.idx.msk [tilespmem:v14+s2+$0x0], $0xffff;
	_ =	sdelay $0x3  }
0x585: {  	v12 =	vor.u32 s16, v12  }
0x586: {  	v5 =	vadd.f32 v10, v5;
	v10 =	vor.u32 v35, v2  }
0x587: {  	v14 =	vor.u32 v35, v0  }
0x588: {  	v5 =	vmul.f32 $5.000000000e-01, v5;
	_ =	sdelay $0x1  }
0x589: {  	[tilespmem:v12+s3+$0x0] =	vst.idx.msk $0xffff, v5;
	v12 =	vld [tilespmem:$0x1FCA0]  }
0x58a: {  	v5 =	vld.idx.msk [tilespmem:v10+s28+$0x0], $0xffff  }
0x58b: {  	v10 =	vld.idx.msk [tilespmem:v14+s2+$0x0], $0xffff;
	_ =	sdelay $0x3  }
0x58c: {  	v12 =	vor.u32 s16, v12  }
0x58d: {  	v5 =	vadd.f32 v10, v5;
	v10 =	vor.u32 v36, v2  }
0x58e: {  	v14 =	vor.u32 v36, v0  }
0x58f: {  	v5 =	vmul.f32 $5.000000000e-01, v5;
	_ =	sdelay $0x1  }
0x590: {  	[tilespmem:v12+s3+$0x0] =	vst.idx.msk $0xffff, v5;
	v12 =	vld [tilespmem:$0x1FCB0]  }
0x591: {  	v5 =	vld.idx.msk [tilespmem:v10+s28+$0x0], $0xffff  }
0x592: {  	v10 =	vld.idx.msk [tilespmem:v14+s2+$0x0], $0xffff;
	_ =	sdelay $0x3  }
0x593: {  	v12 =	vor.u32 s16, v12  }
0x594: {  	v5 =	vadd.f32 v10, v5;
	v10 =	vor.u32 v37, v2  }
0x595: {  	v14 =	vor.u32 v37, v0  }
0x596: {  	v5 =	vmul.f32 $5.000000000e-01, v5;
	_ =	sdelay $0x1  }
0x597: {  	[tilespmem:v12+s3+$0x0] =	vst.idx.msk $0xffff, v5;
	v12 =	vld [tilespmem:$0x1FCC0]  }
0x598: {  	v5 =	vld.idx.msk [tilespmem:v10+s28+$0x0], $0xffff  }
0x599: {  	v10 =	vld.idx.msk [tilespmem:v14+s2+$0x0], $0xffff;
	_ =	sdelay $0x3  }
0x59a: {  	v12 =	vor.u32 s16, v12  }
0x59b: {  	v5 =	vadd.f32 v10, v5;
	v10 =	vor.u32 v38, v2  }
0x59c: {  	v14 =	vor.u32 v38, v0  }
0x59d: {  	v5 =	vmul.f32 $5.000000000e-01, v5;
	_ =	sdelay $0x1  }
0x59e: {  	[tilespmem:v12+s3+$0x0] =	vst.idx.msk $0xffff, v5;
	v12 =	vld [tilespmem:$0x1FCD0]  }
0x59f: {  	v5 =	vld.idx.msk [tilespmem:v10+s28+$0x0], $0xffff  }
0x5a0: {  	v10 =	vld.idx.msk [tilespmem:v14+s2+$0x0], $0xffff;
	_ =	sdelay $0x3  }
0x5a1: {  	v12 =	vor.u32 s16, v12  }
0x5a2: {  	v5 =	vadd.f32 v10, v5;
	v10 =	vor.u32 v1, v2  }
0x5a3: {  	v14 =	vor.u32 v1, v0  }
0x5a4: {  	v5 =	vmul.f32 $5.000000000e-01, v5;
	_ =	sdelay $0x1  }
0x5a5: {  	[tilespmem:v12+s3+$0x0] =	vst.idx.msk $0xffff, v5;
	v12 =	vld [tilespmem:$0x1FCE0]  }
0x5a6: {  	v5 =	vld.idx.msk [tilespmem:v10+s28+$0x0], $0xffff  }
0x5a7: {  	v10 =	vld.idx.msk [tilespmem:v14+s2+$0x0], $0xffff;
	_ =	sdelay $0x3  }
0x5a8: {  	v12 =	vor.u32 s16, v12  }
0x5a9: {  	v5 =	vadd.f32 v10, v5;
	v10 =	vor.u32 v3, v2  }
0x5aa: {  	v14 =	vor.u32 v3, v0  }
0x5ab: {  	v5 =	vmul.f32 $5.000000000e-01, v5;
	_ =	sdelay $0x1  }
0x5ac: {  	[tilespmem:v12+s3+$0x0] =	vst.idx.msk $0xffff, v5;
	v12 =	vld [tilespmem:$0x1FD00]  }
0x5ad: {  	v5 =	vld.idx.msk [tilespmem:v10+s28+$0x0], $0xffff  }
0x5ae: {  	v10 =	vld.idx.msk [tilespmem:v14+s2+$0x0], $0xffff;
	_ =	sdelay $0x3  }
0x5af: {  	v12 =	vor.u32 s16, v12  }
0x5b0: {  	v5 =	vadd.f32 v10, v5;
	v10 =	vor.u32 v11, v2  }
0x5b1: {  	v14 =	vor.u32 v11, v0  }
0x5b2: {  	v5 =	vmul.f32 $5.000000000e-01, v5;
	_ =	sdelay $0x1  }
0x5b3: {  	[tilespmem:v12+s3+$0x0] =	vst.idx.msk $0xffff, v5;
	v12 =	vld [tilespmem:$0x1FD10]  }
0x5b4: {  	v5 =	vld.idx.msk [tilespmem:v10+s28+$0x0], $0xffff  }
0x5b5: {  	v10 =	vld.idx.msk [tilespmem:v14+s2+$0x0], $0xffff;
	_ =	sdelay $0x3  }
0x5b6: {  	v12 =	vor.u32 s16, v12  }
0x5b7: {  	v5 =	vadd.f32 v10, v5;
	v10 =	vor.u32 v4, v2  }
0x5b8: {  	v14 =	vor.u32 v4, v0  }
0x5b9: {  	v5 =	vmul.f32 $5.000000000e-01, v5;
	_ =	sdelay $0x1  }
0x5ba: {  	[tilespmem:v12+s3+$0x0] =	vst.idx.msk $0xffff, v5;
	v12 =	vld [tilespmem:$0x1FD20]  }
0x5bb: {  	v5 =	vld.idx.msk [tilespmem:v10+s28+$0x0], $0xffff  }
0x5bc: {  	v10 =	vld.idx.msk [tilespmem:v14+s2+$0x0], $0xffff;
	_ =	sdelay $0x3  }
0x5bd: {  	v12 =	vor.u32 s16, v12  }
0x5be: {  	v5 =	vadd.f32 v10, v5;
	v10 =	vor.u32 v6, v2  }
0x5bf: {  	v14 =	vor.u32 v6, v0  }
0x5c0: {  	v5 =	vmul.f32 $5.000000000e-01, v5;
	_ =	sdelay $0x1  }
0x5c1: {  	[tilespmem:v12+s3+$0x0] =	vst.idx.msk $0xffff, v5;
	v12 =	vld [tilespmem:$0x1FD30]  }
0x5c2: {  	v5 =	vld.idx.msk [tilespmem:v10+s28+$0x0], $0xffff  }
0x5c3: {  	v10 =	vld.idx.msk [tilespmem:v14+s2+$0x0], $0xffff;
	_ =	sdelay $0x3  }
0x5c4: {  	v12 =	vor.u32 s16, v12  }
0x5c5: {  	v2 =	vor.u32 v8, v2;
	v5 =	vadd.f32 v10, v5  }
0x5c6: {  	v0 =	vor.u32 v8, v0  }
0x5c7: {  	v5 =	vmul.f32 $5.000000000e-01, v5;
	_ =	sdelay $0x1  }
0x5c8: {  	[tilespmem:v12+s3+$0x0] =	vst.idx.msk $0xffff, v5;
	v12 =	vld [tilespmem:$0x1FFE0]  }
0x5c9: {  	v2 =	vld.idx.msk [tilespmem:v2+s28+$0x0], $0xffff  }
0x5ca: {  	v0 =	vld.idx.msk [tilespmem:v0+s2+$0x0], $0xffff;
	_ =	sdelay $0x3  }
0x5cb: {  	p1 =	sne.s32 s16, $0x70;
	v5 =	vor.u32 s16, v12  }
.Ltmp1:
0x5cc: {  	v0 =	vadd.f32 v0, v2;
	(pc) =	sbr.rel @p1 .LBB2_5-.Ltmp1, $3  }
0x5cd: {  	_ = 	snop  }
0x5ce: {  	v0 =	vmul.f32 $5.000000000e-01, v0;
	_ =	sdelay $0x1  }
0x5cf: {  	v14 =	vld [tilespmem:$0x1FFF0];
	s16 =	sadd.s32 $0x10, s16;
	[tilespmem:v5+s3+$0x0] =	vst.idx.msk $0xffff, v0;
	v5 =	vlaneseq.u32  }
0x5d0: {  	s8 =	sadd.s32 @!p0 s14, s12  }
0x5d1: {  	s8 =	sshrl.u32 @!p0 s8, $0x3  }
0x5d2: {  	s16 =	simm.s32 @!p0 $0x0;
	s17 =	simm.s32 @!p0 $0xFB00;
	s12 =	sadd.s32 @!p0 s4, s8  }
0x5d3: {  	[tilespmem:s17], [sflag:$0x2] =	stream.linear.gather @!p0 [hbm4b:s12+s16], $0x80, $0x38;
	[tilespmem:$0x1BC00] =	vst v63  }
0x5d4: {  	s10 =	sadd.s32 $0x1, s10;
	s8 =	sadd.s32 @!p0 s5, s8;
	s12 =	simm.s32 @!p0 $0xFB80  }
0x5d5: {  	[tilespmem:s12], [sflag:$0x2] =	stream.linear.gather @!p0 [hbm4b:s8+s16], $0x80, $0x38;
	[tilespmem:$0x1BC00] =	vst v63  }
0x5d6: {  	p0 =	sne.s32 s10, $0x64  }
.Ltmp2:
0x5d7: {  	_ = 	snop;
	(pc) =	sbr.rel @p0 .LBB2_2-.Ltmp2, $3  }
0x5d8: {  	_ =	sdelay $0x1  }
0x5d9: {  	s18 =	sadd.s32 s11, s15  }
0x5da: {  	[hbm4b:s18+s30] =	stream.strided.scatter [tilespmem:s3], [sflag:$0x6], $0x2000, s31, s30, $0x38;
	[tilespmem:$0x1BC00] =	vst v63  }
0x5db: {  	s8 =	simm.s32 $0x5  }
0x5dc: {  	_ =	swait.ge [sflag:s8], $0x2000  }
0x5dd: {  	[sflag:s8] =	ssyncset.done $0x0  }
0x5de: {  	s10 =	simm.s32 $0x6;
	[sflag:s8] =	ssyncadd.s32 $0xFFFFE000  }
0x5df: {  	_ =	swait.ge [sflag:s10], $0x2000  }
0x5e0: {  	s9 =	sadd.s32 $0x1, s9;
	s18 =	rddreg [dreg:$0x8]  }
0x5e1: {  	p0 =	sne.s32 s9, s18  }
.Ltmp3:
0x5e2: {  	_ = 	snop;
	(pc) =	sbr.rel @p0 .LBB2_1-.Ltmp3, $3  }
0x5e3: {  	_ =	sdelay $0x1  }
0x5e4: {  	[sflag:s10] =	ssyncset.done $0x0  }
0x5e5: {  	[sflag:s10] =	ssyncadd.s32 $0xFFFFE000  }
0x5e6: {  	_ =	sfence.sel $0x180000  }
0x5e7: {  	[bflag:$0x0] =	sbarrier.arrive $0xFFFF  }
0x5e8: {  	_ =	strace $0x90000047  }
0x5e9: {  	s0 =	stileid.u32;
	[bflag:$0x2] =	sbarrier.arrive $0xFFFF  }
0x5ea: {  	p0 =	sne.s32 s0, $0x0;
	s0 =	rddreg [dreg:$0x2]  }
0x5eb: {  	s0 =	sadd.s32 @!p0 $0x100000, s0  }
0x5ec: {  	[sflag:s0] =	ssyncadd.tile.s32 @!p0 $0x1;
	_ =	shalt  }
.Lfunc_end2:
_tile_overlayer_lowered:
.L_overlay_start_2:
0x5ed: {  	(tag) =	ssettag $0x2  }
0x5ee: {  	s0 =	rddreg [dreg:$0x0];
	s2 =	stileid.u32  }
0x5ef: {  	s1 =	rddreg [dreg:$0x1];
	p0 =	sne.s32 s2, $0x0  }
0x5f0: {  	s3 =	rddreg [dreg:$0x2];
	[bflag:$0x3] =	sbarrier.arrive $0xFFFF;
	s2 =	simm.s32 @!p0 $0x1C07  }
0x5f1: {  	[timem:s3], [sflag:s2] =	dma.local @!p0 [hbm:s0], s1  }
0x5f2: {  	s0 =	simm.s32 @!p0 $0x7  }
0x5f3: {  	_ =	swait.ge @!p0 [sflag:s0], s1  }
0x5f4: {  	s1 =	ssub.s32 @!p0 $0x0, s1;
	[sflag:s0] =	ssyncset.done @!p0 $0x0  }
0x5f5: {  	[sflag:s0] =	ssyncadd.s32 @!p0 s1  }
0x5f6: {  	[bflag:$0x3] =	sbarrier.arrive $0xFFFF  }
0x5f7: {  	_ =	shalt  }

</sc_bundles>
